<compile_context>
chip_gen: v7x
topology: tpu7x:2x2x1
jax: 0.10.2.dev20260603
libtpu: 0.0.44.dev20260713+nightly
codegen_flags: <defaults>
</compile_context>

<pallas_src>
import jax
import jax.numpy as jnp
from jax import lax
from jax.experimental import pallas as pl
from jax.experimental.pallas import tpu as pltpu
from jax.experimental.pallas import tpu_sc as plsc

B, S, D, E, K = 2, 2048, 1024, 8, 2
DFF = D * 2
N = B * S
GT = 1024
NGT = N // GT
FT = 256
NFT = N // FT
ZROW = N
YROWS = N + FT
NC, NS = 2, 16
TPW = N // NS
CPW = N // (NC * NS)
SL = D // 128


def _gate_tile(x_ref, wg_ref, bg_ref, wts_ref, cnt_ref):
    x = x_ref[...]
    logits = lax.dot_general(x, wg_ref[...], (((1,), (1,)), ((), ())),
                             preferred_element_type=jnp.float32)
    logits = logits + bg_ref[...]
    m = jnp.max(logits, axis=1, keepdims=True)
    unn = jnp.exp(logits - m)
    p = unn / jnp.sum(unn, axis=1, keepdims=True)

    best = p[:, 0:1]
    besti = jnp.zeros((GT, 1), jnp.int32)
    for j in range(1, E):
        pj = p[:, j:j + 1]
        gt = pj > best
        besti = jnp.where(gt, j, besti)
        best = jnp.where(gt, pj, best)
    sec = jnp.full((GT, 1), -1.0, jnp.float32)
    seci = jnp.zeros((GT, 1), jnp.int32)
    for j in range(E):
        pj = jnp.where(besti == j, -1.0, p[:, j:j + 1])
        gt = pj > sec
        seci = jnp.where(gt, j, seci)
        sec = jnp.where(gt, pj, sec)

    w0 = jnp.where(besti == 0, p[:, 0:1], 0.0)
    w1 = jnp.where(seci == 1, p[:, 1:2], 0.0)
    wts_ref[0, :] = w0[:, 0]
    wts_ref[1, :] = w1[:, 0]
    cnt = (jnp.sum((besti < K).astype(jnp.int32))
           + jnp.sum((seci < K).astype(jnp.int32)))
    cnt_ref[...] = cnt.reshape(1, 1, 1)


def _gating(x2d, Wg, bg2):
    return pl.pallas_call(
        _gate_tile,
        grid=(NGT,),
        in_specs=[
            pl.BlockSpec((GT, D), lambda t: (t, 0)),
            pl.BlockSpec((E, D), lambda t: (0, 0)),
            pl.BlockSpec((1, E), lambda t: (0, 0)),
        ],
        out_specs=[
            pl.BlockSpec((K, GT), lambda t: (0, t)),
            pl.BlockSpec((1, 1, 1), lambda t: (t, 0, 0)),
        ],
        out_shape=[
            jax.ShapeDtypeStruct((K, N), jnp.float32),
            jax.ShapeDtypeStruct((NGT, 1, 1), jnp.int32),
        ],
    )(x2d, Wg, bg2)


def _route_body(wts_hbm, xbf_hbm, xg_hbm, slot_hbm, wgc_hbm, cnt_hbm,
                wbuf, idxc, wgcb, slotb, rowbuf, tblv, crow, table, sem):
    c = lax.axis_index("c")
    s = lax.axis_index("s")
    base = s * TPW
    ebase = c * N
    pltpu.sync_copy(wts_hbm.at[pl.ds(pl.multiple_of(ebase + base, 256), TPW)], wbuf)

    zi = jnp.zeros((16,), jnp.int32)
    zf = jnp.zeros((16,), jnp.float32)
    for q in range(TPW // 16 + 1):
        idxc[pl.ds(q * 16, 16)] = zi
        wgcb[pl.ds(q * 16, 16)] = zf

    lcv = jnp.zeros((16,), jnp.int32)
    for v in range(TPW // 16):
        m = wbuf[pl.ds(v * 16, 16)] > 0.0
        lcv = lcv + plsc.all_reduce_population_count(m)
    crow[...] = lcv
    pltpu.sync_copy(crow, table.at[s + 8])
    plsc.subcore_barrier()

    pltpu.sync_copy(table.at[pl.ds(8, NS)], tblv)
    off = jnp.int32(0)
    total = jnp.int32(0)
    for w in range(NS):
        cw = tblv[w][0]
        pcw = ((cw + 15) // 16) * 16
        off = off + jnp.where(jnp.int32(w) < s, pcw, 0)
        total = total + pcw

    @pl.when(s == 0)
    def _():
        crow[...] = jnp.full((16,), total, jnp.int32)
        pltpu.sync_copy(crow, cnt_hbm.at[pl.ds(pl.multiple_of(c * 16, 16), 16)])

    iota = lax.iota(jnp.int32, 16)
    lc = jnp.int32(0)
    for v in range(TPW // 16):
        wv = wbuf[pl.ds(v * 16, 16)]
        m = wv > 0.0
        ids = base + v * 16 + iota
        plsc.store_compressed(idxc.at[pl.ds(lc, 16)], ids, mask=m)
        plsc.store_compressed(wgcb.at[pl.ds(lc, 16)], wv, mask=m)
        crow[...] = plsc.all_reduce_population_count(m)
        lc = lc + crow[pl.ds(0, 16)][0]

    zrow = jnp.full((16,), ZROW, jnp.int32)
    for v in range(TPW // 16):
        slotb[pl.ds(v * 16, 16)] = zrow
    lcv2 = lcv
    for j in range(TPW // 16):
        tl = idxc[pl.ds(j * 16, 16)] - base
        valid = (iota + j * 16) < lcv2
        tl = jnp.where(valid, tl, 0)
        plsc.store_scatter(slotb, [tl], off + j * 16 + iota, mask=valid)
    pltpu.sync_copy(slotb, slot_hbm.at[pl.ds(pl.multiple_of(ebase + base, 256), TPW)])

    nch = jnp.minimum((lc + 15) // 16, TPW // 16)

    def chunk(j, carry):
        idxs = idxc.at[pl.ds(j * 16, 16)]
        pltpu.async_copy(xbf_hbm.at[idxs], rowbuf, sem).wait()
        pltpu.sync_copy(rowbuf, xg_hbm.at[pl.ds(pl.multiple_of(ebase + off + j * 16, 16), 16)])
        pltpu.sync_copy(wgcb.at[pl.ds(j * 16, 16)],
                        wgc_hbm.at[pl.ds(pl.multiple_of(ebase + off + j * 16, 16), 16)])
        return carry

    lax.fori_loop(0, nch, chunk, 0)


def _route(wts, xbf3):
    mesh = plsc.VectorSubcoreMesh(core_axis_name="c", subcore_axis_name="s")
    f = pl.kernel(
        _route_body,
        out_type=[
            jax.ShapeDtypeStruct((K * N, SL, 128), jnp.float32),
            jax.ShapeDtypeStruct((K * N,), jnp.int32),
            jax.ShapeDtypeStruct((K * N,), jnp.float32),
            jax.ShapeDtypeStruct((K * 16,), jnp.int32),
        ],
        mesh=mesh,
        compiler_params=pltpu.CompilerParams(needs_layout_passes=False),
        scratch_types=[
            pltpu.VMEM((TPW,), jnp.float32),
            pltpu.VMEM((TPW + 16,), jnp.int32),
            pltpu.VMEM((TPW + 16,), jnp.float32),
            pltpu.VMEM((TPW,), jnp.int32),
            pltpu.VMEM((16, SL, 128), jnp.float32),
            pltpu.VMEM((NS, 16), jnp.int32),
            pltpu.VMEM((16,), jnp.int32),
            pltpu.VMEM_SHARED((NS + 8, 16), jnp.int32),
            pltpu.SemaphoreType.DMA,
        ],
    )
    return f(wts, xbf3)


def _ffn_tile(cnt_ref, xg_ref, w1_ref, b1_ref, w2_ref, b2_ref, wg_ref, y_ref):
    t = pl.program_id(0)

    for i in range(K):
        count = cnt_ref[i]
        active = (t < NFT) & (t * FT < count)

        @pl.when(active)
        def _(i=i):
            xb = xg_ref[i].astype(jnp.bfloat16)
            h = lax.dot_general(xb, w1_ref[i], (((1,), (1,)), ((), ())),
                                preferred_element_type=jnp.float32)
            h = h + b1_ref[i]
            h = 0.5 * h * (1.0 + lax.erf(h * 0.7071067811865476))
            y = lax.dot_general(h.astype(jnp.bfloat16), w2_ref[i],
                                (((1,), (1,)), ((), ())),
                                preferred_element_type=jnp.float32)
            y = (y + b2_ref[i]) * wg_ref[i, 0, 0].reshape(FT, 1)
            y_ref[i] = y

        @pl.when(jnp.logical_not(active))
        def _(i=i):
            y_ref[i] = jnp.zeros((FT, D), jnp.float32)


def _ffn(cnt2, xg2, W1b, b1r, W2b, b2r, wgc4):
    return pl.pallas_call(
        _ffn_tile,
        grid=(NFT + 1,),
        in_specs=[
            pl.BlockSpec(memory_space=pltpu.SMEM),
            pl.BlockSpec((K, FT, D), lambda t: (0, _mint(t), 0)),
            pl.BlockSpec((K, DFF, D), lambda t: (0, 0, 0)),
            pl.BlockSpec((K, 1, DFF), lambda t: (0, 0, 0)),
            pl.BlockSpec((K, D, DFF), lambda t: (0, 0, 0)),
            pl.BlockSpec((K, 1, D), lambda t: (0, 0, 0)),
            pl.BlockSpec((K, 1, 1, FT), lambda t: (0, _mint(t), 0, 0)),
        ],
        out_specs=pl.BlockSpec((K, FT, D), lambda t: (0, t, 0)),
        out_shape=jax.ShapeDtypeStruct((K, YROWS, D), jnp.float32),
    )(cnt2, xg2, W1b, b1r, W2b, b2r, wgc4)


def _mint(t):
    return jnp.minimum(t, NFT - 1)


def _combine_body(yflat_hbm, slot_hbm, out_hbm,
                  s0b, s1b, actb, c0b, c1b, obuf, zbuf, crow, gixb, sem):
    c = lax.axis_index("c")
    s = lax.axis_index("s")
    base = (s * NC + c) * CPW
    pltpu.sync_copy(slot_hbm.at[pl.ds(pl.multiple_of(base, CPW), CPW)], s0b)
    pltpu.sync_copy(slot_hbm.at[pl.ds(pl.multiple_of(N + base, CPW), CPW)], s1b)

    pltpu.sync_copy(yflat_hbm.at[pl.ds(N, 64)], zbuf)
    for q in range(CPW // 64):
        pltpu.sync_copy(zbuf, out_hbm.at[pl.ds(pl.multiple_of(base + q * 64, 64), 64)])

    iota = lax.iota(jnp.int32, 16)
    zr = jnp.full((16,), ZROW, jnp.int32)
    for q in range(CPW // 16 + 1):
        actb[pl.ds(q * 16, 16)] = jnp.zeros((16,), jnp.int32)
        c0b[pl.ds(q * 16, 16)] = zr
        c1b[pl.ds(q * 16, 16)] = zr + YROWS
    na = jnp.int32(0)
    nav = jnp.zeros((16,), jnp.int32)
    for v in range(CPW // 16):
        s0v = s0b[pl.ds(v * 16, 16)]
        s1v = s1b[pl.ds(v * 16, 16)]
        m = (s0v < ZROW) | (s1v < ZROW)
        lid = v * 16 + iota
        plsc.store_compressed(actb.at[pl.ds(na, 16)], lid, mask=m)
        plsc.store_compressed(c0b.at[pl.ds(na, 16)], s0v, mask=m)
        plsc.store_compressed(c1b.at[pl.ds(na, 16)], s1v + YROWS, mask=m)
        pc = plsc.all_reduce_population_count(m)
        nav = nav + pc
        crow[...] = pc
        na = na + crow[pl.ds(0, 16)][0]

    nch = jnp.minimum((na + 15) // 16, CPW // 16)

    def chunk(j, carry):
        pltpu.async_copy(yflat_hbm.at[c0b.at[pl.ds(j * 16, 16)]], obuf, sem).wait()
        pltpu.async_copy(yflat_hbm.at[c1b.at[pl.ds(j * 16, 16)]], obuf, sem,
                         add=True).wait()
        valid = (iota + j * 16) < nav
        gixb[...] = jnp.where(valid, base + actb[pl.ds(j * 16, 16)], N)
        pltpu.async_copy(obuf, out_hbm.at[gixb], sem).wait()
        return carry

    lax.fori_loop(0, nch, chunk, 0)


def _combine(yflat, slot):
    mesh = plsc.VectorSubcoreMesh(core_axis_name="c", subcore_axis_name="s")
    f = pl.kernel(
        _combine_body,
        out_type=jax.ShapeDtypeStruct((N + 16, SL, 128), jnp.float32),
        mesh=mesh,
        compiler_params=pltpu.CompilerParams(needs_layout_passes=False),
        scratch_types=[
            pltpu.VMEM((CPW,), jnp.int32),
            pltpu.VMEM((CPW,), jnp.int32),
            pltpu.VMEM((CPW + 16,), jnp.int32),
            pltpu.VMEM((CPW + 16,), jnp.int32),
            pltpu.VMEM((CPW + 16,), jnp.int32),
            pltpu.VMEM((16, SL, 128), jnp.float32),
            pltpu.VMEM((64, SL, 128), jnp.float32),
            pltpu.VMEM((16,), jnp.int32),
            pltpu.VMEM((16,), jnp.int32),
            pltpu.SemaphoreType.DMA,
        ],
    )
    return f(yflat, slot)


@jax.jit
def _moe(x2d, Wg, bg2, W1b, b1r, W2b, b2r):
    x3 = x2d.reshape(N, SL, 128)
    wts, cnts_tiles = _gating(x2d, Wg, bg2)
    xg, slot, wgc, counts = _route(wts.reshape(K * N), x3)
    y = _ffn(counts.reshape(K, 16)[:, 0], xg.reshape(K, N, D),
             W1b, b1r, W2b, b2r, wgc.reshape(K, NFT, 1, FT))
    out = _combine(y.reshape(K * YROWS, SL, 128), slot)[:N]
    total = cnts_tiles.sum()
    loss = jnp.where(total > 0, jnp.float32(0.0), jnp.float32(jnp.nan))
    return out.reshape(B, S, D), loss


def kernel(x, Wg, bg, W1, b1, W2, b2):
    return _moe(x.reshape(N, D), Wg, bg.reshape(1, E),
                W1.astype(jnp.bfloat16), b1.reshape(K, 1, DFF),
                W2.astype(jnp.bfloat16), b2.reshape(K, 1, D))

# --- scband reference (transcript-rebuilt; emitter-appended) ---
"""Pipeline reference for scband-mo-e-10582799417581 (READ-ONLY COPY).

The authoritative reference and input builder live on the scoring server;
editing this copy changes nothing except your own understanding.
"""

import jax, jax.numpy as jnp
import numpy as np

B, S, D, E, K = 2, 2048, 1024, 8, 2
DFF = D * 2


def setup_inputs(seed: int = 0) -> dict:
    key = jax.random.key(seed)
    ks = jax.random.split(key, 8)
    x = jax.random.normal(ks[0], (B, S, D), dtype=jnp.float32)
    Wg = jax.random.normal(ks[1], (E, D), dtype=jnp.float32) * 0.02
    bg = jnp.zeros((E,), dtype=jnp.float32)
    # Note: the torch module only ever runs experts[0..top_k-1] in forward,
    # so only those expert parameters affect the output. We materialize K experts.
    W1 = jax.random.normal(ks[2], (K, DFF, D), dtype=jnp.float32) * 0.02
    b1 = jnp.zeros((K, DFF), dtype=jnp.float32)
    W2 = jax.random.normal(ks[3], (K, D, DFF), dtype=jnp.float32) * 0.02
    b2 = jnp.zeros((K, D), dtype=jnp.float32)
    return {"x": x, "Wg": Wg, "bg": bg, "W1": W1, "b1": b1, "W2": W2, "b2": b2}


def reference(x, Wg, bg, W1, b1, W2, b2):
    # gate
    gate_logits = x @ Wg.T + bg
    gate_probs = jax.nn.softmax(gate_logits, axis=-1)
    top_k_gate_probs, top_k_indices = jax.lax.top_k(gate_probs, K)
    output = jnp.zeros_like(x)
    for i in range(K):
        expert_mask = (top_k_indices[..., i] == i)[..., None].astype(jnp.float32)
        # FeedForward: linear2(dropout(gelu(linear1(x)))), dropout is identity in eval
        h = jax.nn.gelu(x @ W1[i].T + b1[i], approximate=False)
        expert_output = h @ W2[i].T + b2[i]
        output = output + expert_mask * expert_output * top_k_gate_probs[..., i:i + 1]
    # load balancing loss (faithful to the buggy torch code: scalar sums are
    # broadcast-added to the whole usage vector, so std is 0 and loss is 0)
    flat = top_k_indices.reshape(-1)
    expert_usage = jnp.zeros((E,), dtype=jnp.float32)
    for i in range(K):
        expert_usage = expert_usage + (flat == i).astype(jnp.float32).sum()
    expert_usage = expert_usage / expert_usage.sum()
    mean_usage = expert_usage.mean()
    std_usage = jnp.std(expert_usage, ddof=1)  # torch default unbiased std
    load_balancing_loss = (std_usage / mean_usage) ** 2
    return (output, load_balancing_loss)

if __name__ == "__main__":
    import jax
    _d = setup_inputs()
    print(jax.jit(kernel)(*tuple(_d.values())))

</pallas_src>

<mosaic_0001>
#map = affine_map<(d0, d1) -> (0)>
#map1 = affine_map<(d0, d1) -> (0, 0, 0)>
module attributes {stable_mosaic.version = 14 : i64} {
  func.func @_route_body(%arg0: i32, %arg1: i32, %arg2: memref<8192xf32, #tpu.memory_space<hbm>>, %arg3: memref<4096x8x128xf32, #tpu.memory_space<hbm>>, %arg4: memref<8192x8x128xf32, #tpu.memory_space<hbm>>, %arg5: memref<8192xi32, #tpu.memory_space<hbm>>, %arg6: memref<8192xf32, #tpu.memory_space<hbm>>, %arg7: memref<32xi32, #tpu.memory_space<hbm>>, %arg8: memref<256xf32, #tpu.memory_space<vmem>>, %arg9: memref<272xi32, #tpu.memory_space<vmem>>, %arg10: memref<272xf32, #tpu.memory_space<vmem>>, %arg11: memref<256xi32, #tpu.memory_space<vmem>>, %arg12: memref<16x8x128xf32, #tpu.memory_space<vmem>>, %arg13: memref<16x16xi32, #tpu.memory_space<vmem>>, %arg14: memref<16xi32, #tpu.memory_space<vmem>>, %arg15: memref<24x16xi32, #tpu.memory_space<vmem_shared>>, %arg16: memref<!tpu.dma_semaphore, #tpu.memory_space<semaphore_mem>>) attributes {dimension_semantics = [#tpu.dimension_semantics<core_parallel>, #tpu.dimension_semantics<subcore_parallel>], iteration_bounds = array<i64: 2, 16>, scalar_prefetch = 0 : i64, scratch_operands = 9 : i64, tpu.core_type = #tpu.core_type<sc_vector_subcore>, window_params = [{transform_indices = #map}, {transform_indices = #map1}, {transform_indices = #map1}, {transform_indices = #map}, {transform_indices = #map}, {transform_indices = #map}]} {
    %mul3A = arith.constant 256 : i32
    %mul3A_0 = arith.muli %arg1, %mul3A : i32
    %mul3A_1 = arith.constant 4096 : i32
    %mul3A_2 = arith.muli %arg0, %mul3A_1 : i32
    %add3A = arith.addi %mul3A_2, %mul3A_0 : i32
    %multiple_of3A = tpu.assume_multiple %add3A, 256 : i32
    "tpu.region"() ({
      %run_scoped3A = tpu.sem_alloc : memref<!tpu.dma_semaphore, #tpu.memory_space<semaphore_mem>>
      %dma_start3A = tpu.memref_slice %arg2[%multiple_of3A] : memref<8192xf32, #tpu.memory_space<hbm>> -> memref<256xf32, #tpu.memory_space<hbm>>
      %dma_start3A_1472 = tpu.memref_slice %arg2[%multiple_of3A] : memref<8192xf32, #tpu.memory_space<hbm>> -> memref<256xf32, #tpu.memory_space<hbm>>
      tpu.enqueue_dma source(%dma_start3A_1472 : memref<256xf32, #tpu.memory_space<hbm>>) target(%arg8 : memref<256xf32, #tpu.memory_space<vmem>>) target_semaphore(%run_scoped3A : memref<!tpu.dma_semaphore, #tpu.memory_space<semaphore_mem>>)
      %dma_wait3A = tpu.memref_slice %arg2[%multiple_of3A] : memref<8192xf32, #tpu.memory_space<hbm>> -> memref<256xf32, #tpu.memory_space<hbm>>
      %dma_wait3A_1473 = tpu.memref_slice %arg2[%multiple_of3A] : memref<8192xf32, #tpu.memory_space<hbm>> -> memref<256xf32, #tpu.memory_space<hbm>>
      tpu.wait_dma2 semaphore(%run_scoped3A : memref<!tpu.dma_semaphore, #tpu.memory_space<semaphore_mem>>) src(%dma_wait3A_1473 : memref<256xf32, #tpu.memory_space<hbm>>) dst(%arg8 : memref<256xf32, #tpu.memory_space<vmem>>)
      tpu.yield
    }) : () -> ()
    %broadcast_in_dim3A = arith.constant 0 : i32
    %broadcast_in_dim3A_3 = vector.broadcast %broadcast_in_dim3A : i32 to vector<16xi32>
    %broadcast_in_dim3A_4 = arith.constant 0.000000e+00 : f32
    %broadcast_in_dim3A_5 = vector.broadcast %broadcast_in_dim3A_4 : f32 to vector<16xf32>
    %swap3A = arith.constant 0 : index
    %swap3A_6 = tpu.vector_load %arg9[%swap3A] {strides = array<i32>} : memref<272xi32, #tpu.memory_space<vmem>>, vector<16xi32>,
    tpu.vector_store %arg9[%swap3A], %broadcast_in_dim3A_3 {strides = array<i32>} : memref<272xi32, #tpu.memory_space<vmem>>, vector<16xi32>,
    %swap3A_7 = arith.constant 0 : index
    %swap3A_8 = tpu.vector_load %arg10[%swap3A_7] {strides = array<i32>} : memref<272xf32, #tpu.memory_space<vmem>>, vector<16xf32>,
    tpu.vector_store %arg10[%swap3A_7], %broadcast_in_dim3A_5 {strides = array<i32>} : memref<272xf32, #tpu.memory_space<vmem>>, vector<16xf32>,
    %swap3A_9 = arith.constant 16 : index
    %swap3A_10 = tpu.vector_load %arg9[%swap3A_9] {strides = array<i32>} : memref<272xi32, #tpu.memory_space<vmem>>, vector<16xi32>,
    tpu.vector_store %arg9[%swap3A_9], %broadcast_in_dim3A_3 {strides = array<i32>} : memref<272xi32, #tpu.memory_space<vmem>>, vector<16xi32>,
    %swap3A_11 = arith.constant 16 : index
    %swap3A_12 = tpu.vector_load %arg10[%swap3A_11] {strides = array<i32>} : memref<272xf32, #tpu.memory_space<vmem>>, vector<16xf32>,
    tpu.vector_store %arg10[%swap3A_11], %broadcast_in_dim3A_5 {strides = array<i32>} : memref<272xf32, #tpu.memory_space<vmem>>, vector<16xf32>,
    %swap3A_13 = arith.constant 32 : index
    %swap3A_14 = tpu.vector_load %arg9[%swap3A_13] {strides = array<i32>} : memref<272xi32, #tpu.memory_space<vmem>>, vector<16xi32>,
    tpu.vector_store %arg9[%swap3A_13], %broadcast_in_dim3A_3 {strides = array<i32>} : memref<272xi32, #tpu.memory_space<vmem>>, vector<16xi32>,
    %swap3A_15 = arith.constant 32 : index
    %swap3A_16 = tpu.vector_load %arg10[%swap3A_15] {strides = array<i32>} : memref<272xf32, #tpu.memory_space<vmem>>, vector<16xf32>,
    tpu.vector_store %arg10[%swap3A_15], %broadcast_in_dim3A_5 {strides = array<i32>} : memref<272xf32, #tpu.memory_space<vmem>>, vector<16xf32>,
    %swap3A_17 = arith.constant 48 : index
    %swap3A_18 = tpu.vector_load %arg9[%swap3A_17] {strides = array<i32>} : memref<272xi32, #tpu.memory_space<vmem>>, vector<16xi32>,
    tpu.vector_store %arg9[%swap3A_17], %broadcast_in_dim3A_3 {strides = array<i32>} : memref<272xi32, #tpu.memory_space<vmem>>, vector<16xi32>,
    %swap3A_19 = arith.constant 48 : index
    %swap3A_20 = tpu.vector_load %arg10[%swap3A_19] {strides = array<i32>} : memref<272xf32, #tpu.memory_space<vmem>>, vector<16xf32>,
    tpu.vector_store %arg10[%swap3A_19], %broadcast_in_dim3A_5 {strides = array<i32>} : memref<272xf32, #tpu.memory_space<vmem>>, vector<16xf32>,
    %swap3A_21 = arith.constant 64 : index
    %swap3A_22 = tpu.vector_load %arg9[%swap3A_21] {strides = array<i32>} : memref<272xi32, #tpu.memory_space<vmem>>, vector<16xi32>,
    tpu.vector_store %arg9[%swap3A_21], %broadcast_in_dim3A_3 {strides = array<i32>} : memref<272xi32, #tpu.memory_space<vmem>>, vector<16xi32>,
    %swap3A_23 = arith.constant 64 : index
    %swap3A_24 = tpu.vector_load %arg10[%swap3A_23] {strides = array<i32>} : memref<272xf32, #tpu.memory_space<vmem>>, vector<16xf32>,
    tpu.vector_store %arg10[%swap3A_23], %broadcast_in_dim3A_5 {strides = array<i32>} : memref<272xf32, #tpu.memory_space<vmem>>, vector<16xf32>,
    %swap3A_25 = arith.constant 80 : index
    %swap3A_26 = tpu.vector_load %arg9[%swap3A_25] {strides = array<i32>} : memref<272xi32, #tpu.memory_space<vmem>>, vector<16xi32>,
    tpu.vector_store %arg9[%swap3A_25], %broadcast_in_dim3A_3 {strides = array<i32>} : memref<272xi32, #tpu.memory_space<vmem>>, vector<16xi32>,
    %swap3A_27 = arith.constant 80 : index
    %swap3A_28 = tpu.vector_load %arg10[%swap3A_27] {strides = array<i32>} : memref<272xf32, #tpu.memory_space<vmem>>, vector<16xf32>,
    tpu.vector_store %arg10[%swap3A_27], %broadcast_in_dim3A_5 {strides = array<i32>} : memref<272xf32, #tpu.memory_space<vmem>>, vector<16xf32>,
    %swap3A_29 = arith.constant 96 : index
    %swap3A_30 = tpu.vector_load %arg9[%swap3A_29] {strides = array<i32>} : memref<272xi32, #tpu.memory_space<vmem>>, vector<16xi32>,
    tpu.vector_store %arg9[%swap3A_29], %broadcast_in_dim3A_3 {strides = array<i32>} : memref<272xi32, #tpu.memory_space<vmem>>, vector<16xi32>,
    %swap3A_31 = arith.constant 96 : index
    %swap3A_32 = tpu.vector_load %arg10[%swap3A_31] {strides = array<i32>} : memref<272xf32, #tpu.memory_space<vmem>>, vector<16xf32>,
    tpu.vector_store %arg10[%swap3A_31], %broadcast_in_dim3A_5 {strides = array<i32>} : memref<272xf32, #tpu.memory_space<vmem>>, vector<16xf32>,
    %swap3A_33 = arith.constant 112 : index
    %swap3A_34 = tpu.vector_load %arg9[%swap3A_33] {strides = array<i32>} : memref<272xi32, #tpu.memory_space<vmem>>, vector<16xi32>,
    tpu.vector_store %arg9[%swap3A_33], %broadcast_in_dim3A_3 {strides = array<i32>} : memref<272xi32, #tpu.memory_space<vmem>>, vector<16xi32>,
    %swap3A_35 = arith.constant 112 : index
    %swap3A_36 = tpu.vector_load %arg10[%swap3A_35] {strides = array<i32>} : memref<272xf32, #tpu.memory_space<vmem>>, vector<16xf32>,
    tpu.vector_store %arg10[%swap3A_35], %broadcast_in_dim3A_5 {strides = array<i32>} : memref<272xf32, #tpu.memory_space<vmem>>, vector<16xf32>,
    %swap3A_37 = arith.constant 128 : index
    %swap3A_38 = tpu.vector_load %arg9[%swap3A_37] {strides = array<i32>} : memref<272xi32, #tpu.memory_space<vmem>>, vector<16xi32>,
    tpu.vector_store %arg9[%swap3A_37], %broadcast_in_dim3A_3 {strides = array<i32>} : memref<272xi32, #tpu.memory_space<vmem>>, vector<16xi32>,
    %swap3A_39 = arith.constant 128 : index
    %swap3A_40 = tpu.vector_load %arg10[%swap3A_39] {strides = array<i32>} : memref<272xf32, #tpu.memory_space<vmem>>, vector<16xf32>,
    tpu.vector_store %arg10[%swap3A_39], %broadcast_in_dim3A_5 {strides = array<i32>} : memref<272xf32, #tpu.memory_space<vmem>>, vector<16xf32>,
    %swap3A_41 = arith.constant 144 : index
    %swap3A_42 = tpu.vector_load %arg9[%swap3A_41] {strides = array<i32>} : memref<272xi32, #tpu.memory_space<vmem>>, vector<16xi32>,
    tpu.vector_store %arg9[%swap3A_41], %broadcast_in_dim3A_3 {strides = array<i32>} : memref<272xi32, #tpu.memory_space<vmem>>, vector<16xi32>,
    %swap3A_43 = arith.constant 144 : index
    %swap3A_44 = tpu.vector_load %arg10[%swap3A_43] {strides = array<i32>} : memref<272xf32, #tpu.memory_space<vmem>>, vector<16xf32>,
    tpu.vector_store %arg10[%swap3A_43], %broadcast_in_dim3A_5 {strides = array<i32>} : memref<272xf32, #tpu.memory_space<vmem>>, vector<16xf32>,
    %swap3A_45 = arith.constant 160 : index
    %swap3A_46 = tpu.vector_load %arg9[%swap3A_45] {strides = array<i32>} : memref<272xi32, #tpu.memory_space<vmem>>, vector<16xi32>,
    tpu.vector_store %arg9[%swap3A_45], %broadcast_in_dim3A_3 {strides = array<i32>} : memref<272xi32, #tpu.memory_space<vmem>>, vector<16xi32>,
    %swap3A_47 = arith.constant 160 : index
    %swap3A_48 = tpu.vector_load %arg10[%swap3A_47] {strides = array<i32>} : memref<272xf32, #tpu.memory_space<vmem>>, vector<16xf32>,
    tpu.vector_store %arg10[%swap3A_47], %broadcast_in_dim3A_5 {strides = array<i32>} : memref<272xf32, #tpu.memory_space<vmem>>, vector<16xf32>,
    %swap3A_49 = arith.constant 176 : index
    %swap3A_50 = tpu.vector_load %arg9[%swap3A_49] {strides = array<i32>} : memref<272xi32, #tpu.memory_space<vmem>>, vector<16xi32>,
    tpu.vector_store %arg9[%swap3A_49], %broadcast_in_dim3A_3 {strides = array<i32>} : memref<272xi32, #tpu.memory_space<vmem>>, vector<16xi32>,
    %swap3A_51 = arith.constant 176 : index
    %swap3A_52 = tpu.vector_load %arg10[%swap3A_51] {strides = array<i32>} : memref<272xf32, #tpu.memory_space<vmem>>, vector<16xf32>,
    tpu.vector_store %arg10[%swap3A_51], %broadcast_in_dim3A_5 {strides = array<i32>} : memref<272xf32, #tpu.memory_space<vmem>>, vector<16xf32>,
    %swap3A_53 = arith.constant 192 : index
    %swap3A_54 = tpu.vector_load %arg9[%swap3A_53] {strides = array<i32>} : memref<272xi32, #tpu.memory_space<vmem>>, vector<16xi32>,
    tpu.vector_store %arg9[%swap3A_53], %broadcast_in_dim3A_3 {strides = array<i32>} : memref<272xi32, #tpu.memory_space<vmem>>, vector<16xi32>,
    %swap3A_55 = arith.constant 192 : index
    %swap3A_56 = tpu.vector_load %arg10[%swap3A_55] {strides = array<i32>} : memref<272xf32, #tpu.memory_space<vmem>>, vector<16xf32>,
    tpu.vector_store %arg10[%swap3A_55], %broadcast_in_dim3A_5 {strides = array<i32>} : memref<272xf32, #tpu.memory_space<vmem>>, vector<16xf32>,
    %swap3A_57 = arith.constant 208 : index
    %swap3A_58 = tpu.vector_load %arg9[%swap3A_57] {strides = array<i32>} : memref<272xi32, #tpu.memory_space<vmem>>, vector<16xi32>,
    tpu.vector_store %arg9[%swap3A_57], %broadcast_in_dim3A_3 {strides = array<i32>} : memref<272xi32, #tpu.memory_space<vmem>>, vector<16xi32>,
    %swap3A_59 = arith.constant 208 : index
    %swap3A_60 = tpu.vector_load %arg10[%swap3A_59] {strides = array<i32>} : memref<272xf32, #tpu.memory_space<vmem>>, vector<16xf32>,
    tpu.vector_store %arg10[%swap3A_59], %broadcast_in_dim3A_5 {strides = array<i32>} : memref<272xf32, #tpu.memory_space<vmem>>, vector<16xf32>,
    %swap3A_61 = arith.constant 224 : index
    %swap3A_62 = tpu.vector_load %arg9[%swap3A_61] {strides = array<i32>} : memref<272xi32, #tpu.memory_space<vmem>>, vector<16xi32>,
    tpu.vector_store %arg9[%swap3A_61], %broadcast_in_dim3A_3 {strides = array<i32>} : memref<272xi32, #tpu.memory_space<vmem>>, vector<16xi32>,
    %swap3A_63 = arith.constant 224 : index
    %swap3A_64 = tpu.vector_load %arg10[%swap3A_63] {strides = array<i32>} : memref<272xf32, #tpu.memory_space<vmem>>, vector<16xf32>,
    tpu.vector_store %arg10[%swap3A_63], %broadcast_in_dim3A_5 {strides = array<i32>} : memref<272xf32, #tpu.memory_space<vmem>>, vector<16xf32>,
    %swap3A_65 = arith.constant 240 : index
    %swap3A_66 = tpu.vector_load %arg9[%swap3A_65] {strides = array<i32>} : memref<272xi32, #tpu.memory_space<vmem>>, vector<16xi32>,
    tpu.vector_store %arg9[%swap3A_65], %broadcast_in_dim3A_3 {strides = array<i32>} : memref<272xi32, #tpu.memory_space<vmem>>, vector<16xi32>,
    %swap3A_67 = arith.constant 240 : index
    %swap3A_68 = tpu.vector_load %arg10[%swap3A_67] {strides = array<i32>} : memref<272xf32, #tpu.memory_space<vmem>>, vector<16xf32>,
    tpu.vector_store %arg10[%swap3A_67], %broadcast_in_dim3A_5 {strides = array<i32>} : memref<272xf32, #tpu.memory_space<vmem>>, vector<16xf32>,
    %swap3A_69 = arith.constant 256 : index
    %swap3A_70 = tpu.vector_load %arg9[%swap3A_69] {strides = array<i32>} : memref<272xi32, #tpu.memory_space<vmem>>, vector<16xi32>,
    tpu.vector_store %arg9[%swap3A_69], %broadcast_in_dim3A_3 {strides = array<i32>} : memref<272xi32, #tpu.memory_space<vmem>>, vector<16xi32>,
    %swap3A_71 = arith.constant 256 : index
    %swap3A_72 = tpu.vector_load %arg10[%swap3A_71] {strides = array<i32>} : memref<272xf32, #tpu.memory_space<vmem>>, vector<16xf32>,
    tpu.vector_store %arg10[%swap3A_71], %broadcast_in_dim3A_5 {strides = array<i32>} : memref<272xf32, #tpu.memory_space<vmem>>, vector<16xf32>,
    %broadcast_in_dim3A_73 = arith.constant 0 : i32
    %broadcast_in_dim3A_74 = vector.broadcast %broadcast_in_dim3A_73 : i32 to vector<16xi32>
    %get3A = arith.constant 0 : index
    %get3A_75 = tpu.vector_load %arg8[%get3A] {strides = array<i32>} : memref<256xf32, #tpu.memory_space<vmem>>, vector<16xf32>,
    %gt3A = arith.constant 0.000000e+00 : f32
    %gt3A_76 = vector.broadcast %gt3A : f32 to vector<16xf32>
    %gt3A_77 = arith.cmpf ogt, %get3A_75, %gt3A_76 : vector<16xf32>
    %all_reduce_population_count3A = tpu.all_reduce %gt3A_77 {dim = 0 : i64, kind = #tpu.reduction_kind<sum>} : vector<16xi1> -> vector<16xi32>
    %add3A_78 = arith.addi %broadcast_in_dim3A_74, %all_reduce_population_count3A : vector<16xi32>
    %get3A_79 = arith.constant 16 : index
    %get3A_80 = tpu.vector_load %arg8[%get3A_79] {strides = array<i32>} : memref<256xf32, #tpu.memory_space<vmem>>, vector<16xf32>,
    %gt3A_81 = arith.constant 0.000000e+00 : f32
    %gt3A_82 = vector.broadcast %gt3A_81 : f32 to vector<16xf32>
    %gt3A_83 = arith.cmpf ogt, %get3A_80, %gt3A_82 : vector<16xf32>
    %all_reduce_population_count3A_84 = tpu.all_reduce %gt3A_83 {dim = 0 : i64, kind = #tpu.reduction_kind<sum>} : vector<16xi1> -> vector<16xi32>
    %add3A_85 = arith.addi %add3A_78, %all_reduce_population_count3A_84 : vector<16xi32>
    %get3A_86 = arith.constant 32 : index
    %get3A_87 = tpu.vector_load %arg8[%get3A_86] {strides = array<i32>} : memref<256xf32, #tpu.memory_space<vmem>>, vector<16xf32>,
    %gt3A_88 = arith.constant 0.000000e+00 : f32
    %gt3A_89 = vector.broadcast %gt3A_88 : f32 to vector<16xf32>
    %gt3A_90 = arith.cmpf ogt, %get3A_87, %gt3A_89 : vector<16xf32>
    %all_reduce_population_count3A_91 = tpu.all_reduce %gt3A_90 {dim = 0 : i64, kind = #tpu.reduction_kind<sum>} : vector<16xi1> -> vector<16xi32>
    %add3A_92 = arith.addi %add3A_85, %all_reduce_population_count3A_91 : vector<16xi32>
    %get3A_93 = arith.constant 48 : index
    %get3A_94 = tpu.vector_load %arg8[%get3A_93] {strides = array<i32>} : memref<256xf32, #tpu.memory_space<vmem>>, vector<16xf32>,
    %gt3A_95 = arith.constant 0.000000e+00 : f32
    %gt3A_96 = vector.broadcast %gt3A_95 : f32 to vector<16xf32>
    %gt3A_97 = arith.cmpf ogt, %get3A_94, %gt3A_96 : vector<16xf32>
    %all_reduce_population_count3A_98 = tpu.all_reduce %gt3A_97 {dim = 0 : i64, kind = #tpu.reduction_kind<sum>} : vector<16xi1> -> vector<16xi32>
    %add3A_99 = arith.addi %add3A_92, %all_reduce_population_count3A_98 : vector<16xi32>
    %get3A_100 = arith.constant 64 : index
    %get3A_101 = tpu.vector_load %arg8[%get3A_100] {strides = array<i32>} : memref<256xf32, #tpu.memory_space<vmem>>, vector<16xf32>,
    %gt3A_102 = arith.constant 0.000000e+00 : f32
    %gt3A_103 = vector.broadcast %gt3A_102 : f32 to vector<16xf32>
    %gt3A_104 = arith.cmpf ogt, %get3A_101, %gt3A_103 : vector<16xf32>
    %all_reduce_population_count3A_105 = tpu.all_reduce %gt3A_104 {dim = 0 : i64, kind = #tpu.reduction_kind<sum>} : vector<16xi1> -> vector<16xi32>
    %add3A_106 = arith.addi %add3A_99, %all_reduce_population_count3A_105 : vector<16xi32>
    %get3A_107 = arith.constant 80 : index
    %get3A_108 = tpu.vector_load %arg8[%get3A_107] {strides = array<i32>} : memref<256xf32, #tpu.memory_space<vmem>>, vector<16xf32>,
    %gt3A_109 = arith.constant 0.000000e+00 : f32
    %gt3A_110 = vector.broadcast %gt3A_109 : f32 to vector<16xf32>
    %gt3A_111 = arith.cmpf ogt, %get3A_108, %gt3A_110 : vector<16xf32>
    %all_reduce_population_count3A_112 = tpu.all_reduce %gt3A_111 {dim = 0 : i64, kind = #tpu.reduction_kind<sum>} : vector<16xi1> -> vector<16xi32>
    %add3A_113 = arith.addi %add3A_106, %all_reduce_population_count3A_112 : vector<16xi32>
    %get3A_114 = arith.constant 96 : index
    %get3A_115 = tpu.vector_load %arg8[%get3A_114] {strides = array<i32>} : memref<256xf32, #tpu.memory_space<vmem>>, vector<16xf32>,
    %gt3A_116 = arith.constant 0.000000e+00 : f32
    %gt3A_117 = vector.broadcast %gt3A_116 : f32 to vector<16xf32>
    %gt3A_118 = arith.cmpf ogt, %get3A_115, %gt3A_117 : vector<16xf32>
    %all_reduce_population_count3A_119 = tpu.all_reduce %gt3A_118 {dim = 0 : i64, kind = #tpu.reduction_kind<sum>} : vector<16xi1> -> vector<16xi32>
    %add3A_120 = arith.addi %add3A_113, %all_reduce_population_count3A_119 : vector<16xi32>
    %get3A_121 = arith.constant 112 : index
    %get3A_122 = tpu.vector_load %arg8[%get3A_121] {strides = array<i32>} : memref<256xf32, #tpu.memory_space<vmem>>, vector<16xf32>,
    %gt3A_123 = arith.constant 0.000000e+00 : f32
    %gt3A_124 = vector.broadcast %gt3A_123 : f32 to vector<16xf32>
    %gt3A_125 = arith.cmpf ogt, %get3A_122, %gt3A_124 : vector<16xf32>
    %all_reduce_population_count3A_126 = tpu.all_reduce %gt3A_125 {dim = 0 : i64, kind = #tpu.reduction_kind<sum>} : vector<16xi1> -> vector<16xi32>
    %add3A_127 = arith.addi %add3A_120, %all_reduce_population_count3A_126 : vector<16xi32>
    %get3A_128 = arith.constant 128 : index
    %get3A_129 = tpu.vector_load %arg8[%get3A_128] {strides = array<i32>} : memref<256xf32, #tpu.memory_space<vmem>>, vector<16xf32>,
    %gt3A_130 = arith.constant 0.000000e+00 : f32
    %gt3A_131 = vector.broadcast %gt3A_130 : f32 to vector<16xf32>
    %gt3A_132 = arith.cmpf ogt, %get3A_129, %gt3A_131 : vector<16xf32>
    %all_reduce_population_count3A_133 = tpu.all_reduce %gt3A_132 {dim = 0 : i64, kind = #tpu.reduction_kind<sum>} : vector<16xi1> -> vector<16xi32>
    %add3A_134 = arith.addi %add3A_127, %all_reduce_population_count3A_133 : vector<16xi32>
    %get3A_135 = arith.constant 144 : index
    %get3A_136 = tpu.vector_load %arg8[%get3A_135] {strides = array<i32>} : memref<256xf32, #tpu.memory_space<vmem>>, vector<16xf32>,
    %gt3A_137 = arith.constant 0.000000e+00 : f32
    %gt3A_138 = vector.broadcast %gt3A_137 : f32 to vector<16xf32>
    %gt3A_139 = arith.cmpf ogt, %get3A_136, %gt3A_138 : vector<16xf32>
    %all_reduce_population_count3A_140 = tpu.all_reduce %gt3A_139 {dim = 0 : i64, kind = #tpu.reduction_kind<sum>} : vector<16xi1> -> vector<16xi32>
    %add3A_141 = arith.addi %add3A_134, %all_reduce_population_count3A_140 : vector<16xi32>
    %get3A_142 = arith.constant 160 : index
    %get3A_143 = tpu.vector_load %arg8[%get3A_142] {strides = array<i32>} : memref<256xf32, #tpu.memory_space<vmem>>, vector<16xf32>,
    %gt3A_144 = arith.constant 0.000000e+00 : f32
    %gt3A_145 = vector.broadcast %gt3A_144 : f32 to vector<16xf32>
    %gt3A_146 = arith.cmpf ogt, %get3A_143, %gt3A_145 : vector<16xf32>
    %all_reduce_population_count3A_147 = tpu.all_reduce %gt3A_146 {dim = 0 : i64, kind = #tpu.reduction_kind<sum>} : vector<16xi1> -> vector<16xi32>
    %add3A_148 = arith.addi %add3A_141, %all_reduce_population_count3A_147 : vector<16xi32>
    %get3A_149 = arith.constant 176 : index
    %get3A_150 = tpu.vector_load %arg8[%get3A_149] {strides = array<i32>} : memref<256xf32, #tpu.memory_space<vmem>>, vector<16xf32>,
    %gt3A_151 = arith.constant 0.000000e+00 : f32
    %gt3A_152 = vector.broadcast %gt3A_151 : f32 to vector<16xf32>
    %gt3A_153 = arith.cmpf ogt, %get3A_150, %gt3A_152 : vector<16xf32>
    %all_reduce_population_count3A_154 = tpu.all_reduce %gt3A_153 {dim = 0 : i64, kind = #tpu.reduction_kind<sum>} : vector<16xi1> -> vector<16xi32>
    %add3A_155 = arith.addi %add3A_148, %all_reduce_population_count3A_154 : vector<16xi32>
    %get3A_156 = arith.constant 192 : index
    %get3A_157 = tpu.vector_load %arg8[%get3A_156] {strides = array<i32>} : memref<256xf32, #tpu.memory_space<vmem>>, vector<16xf32>,
    %gt3A_158 = arith.constant 0.000000e+00 : f32
    %gt3A_159 = vector.broadcast %gt3A_158 : f32 to vector<16xf32>
    %gt3A_160 = arith.cmpf ogt, %get3A_157, %gt3A_159 : vector<16xf32>
    %all_reduce_population_count3A_161 = tpu.all_reduce %gt3A_160 {dim = 0 : i64, kind = #tpu.reduction_kind<sum>} : vector<16xi1> -> vector<16xi32>
    %add3A_162 = arith.addi %add3A_155, %all_reduce_population_count3A_161 : vector<16xi32>
    %get3A_163 = arith.constant 208 : index
    %get3A_164 = tpu.vector_load %arg8[%get3A_163] {strides = array<i32>} : memref<256xf32, #tpu.memory_space<vmem>>, vector<16xf32>,
    %gt3A_165 = arith.constant 0.000000e+00 : f32
    %gt3A_166 = vector.broadcast %gt3A_165 : f32 to vector<16xf32>
    %gt3A_167 = arith.cmpf ogt, %get3A_164, %gt3A_166 : vector<16xf32>
    %all_reduce_population_count3A_168 = tpu.all_reduce %gt3A_167 {dim = 0 : i64, kind = #tpu.reduction_kind<sum>} : vector<16xi1> -> vector<16xi32>
    %add3A_169 = arith.addi %add3A_162, %all_reduce_population_count3A_168 : vector<16xi32>
    %get3A_170 = arith.constant 224 : index
    %get3A_171 = tpu.vector_load %arg8[%get3A_170] {strides = array<i32>} : memref<256xf32, #tpu.memory_space<vmem>>, vector<16xf32>,
    %gt3A_172 = arith.constant 0.000000e+00 : f32
    %gt3A_173 = vector.broadcast %gt3A_172 : f32 to vector<16xf32>
    %gt3A_174 = arith.cmpf ogt, %get3A_171, %gt3A_173 : vector<16xf32>
    %all_reduce_population_count3A_175 = tpu.all_reduce %gt3A_174 {dim = 0 : i64, kind = #tpu.reduction_kind<sum>} : vector<16xi1> -> vector<16xi32>
    %add3A_176 = arith.addi %add3A_169, %all_reduce_population_count3A_175 : vector<16xi32>
    %get3A_177 = arith.constant 240 : index
    %get3A_178 = tpu.vector_load %arg8[%get3A_177] {strides = array<i32>} : memref<256xf32, #tpu.memory_space<vmem>>, vector<16xf32>,
    %gt3A_179 = arith.constant 0.000000e+00 : f32
    %gt3A_180 = vector.broadcast %gt3A_179 : f32 to vector<16xf32>
    %gt3A_181 = arith.cmpf ogt, %get3A_178, %gt3A_180 : vector<16xf32>
    %all_reduce_population_count3A_182 = tpu.all_reduce %gt3A_181 {dim = 0 : i64, kind = #tpu.reduction_kind<sum>} : vector<16xi1> -> vector<16xi32>
    %add3A_183 = arith.addi %add3A_176, %all_reduce_population_count3A_182 : vector<16xi32>
    %swap3A_184 = arith.constant 0 : index
    %swap3A_185 = tpu.vector_load %arg14[%swap3A_184] {strides = array<i32>} : memref<16xi32, #tpu.memory_space<vmem>>, vector<16xi32>,
    tpu.vector_store %arg14[%swap3A_184], %add3A_183 {strides = array<i32>} : memref<16xi32, #tpu.memory_space<vmem>>, vector<16xi32>,
    %add3A_186 = arith.constant 8 : i32
    %add3A_187 = arith.addi %arg1, %add3A_186 : i32
    "tpu.region"() ({
      %run_scoped3A = tpu.sem_alloc : memref<!tpu.dma_semaphore, #tpu.memory_space<semaphore_mem>>
      %dma_start3A = arith.constant 0 : i32
      %dma_start3A_1472 = tpu.memref_slice %arg15[%add3A_187, %dma_start3A] : memref<24x16xi32, #tpu.memory_space<vmem_shared>> -> memref<1x16xi32, #tpu.memory_space<vmem_shared>>
      %dma_start3A_1473 = tpu.memref_squeeze %dma_start3A_1472 : memref<1x16xi32, #tpu.memory_space<vmem_shared>> -> memref<16xi32, #tpu.memory_space<vmem_shared>>
      %dma_start3A_1474 = arith.constant 0 : i32
      %dma_start3A_1475 = tpu.memref_slice %arg15[%add3A_187, %dma_start3A_1474] : memref<24x16xi32, #tpu.memory_space<vmem_shared>> -> memref<1x16xi32, #tpu.memory_space<vmem_shared>>
      %dma_start3A_1476 = tpu.memref_squeeze %dma_start3A_1475 : memref<1x16xi32, #tpu.memory_space<vmem_shared>> -> memref<16xi32, #tpu.memory_space<vmem_shared>>
      tpu.enqueue_dma source(%arg14 : memref<16xi32, #tpu.memory_space<vmem>>) target(%dma_start3A_1476 : memref<16xi32, #tpu.memory_space<vmem_shared>>) target_semaphore(%run_scoped3A : memref<!tpu.dma_semaphore, #tpu.memory_space<semaphore_mem>>)
      %dma_wait3A = arith.constant 0 : i32
      %dma_wait3A_1477 = tpu.memref_slice %arg15[%add3A_187, %dma_wait3A] : memref<24x16xi32, #tpu.memory_space<vmem_shared>> -> memref<1x16xi32, #tpu.memory_space<vmem_shared>>
      %dma_wait3A_1478 = tpu.memref_squeeze %dma_wait3A_1477 : memref<1x16xi32, #tpu.memory_space<vmem_shared>> -> memref<16xi32, #tpu.memory_space<vmem_shared>>
      %dma_wait3A_1479 = arith.constant 0 : i32
      %dma_wait3A_1480 = tpu.memref_slice %arg15[%add3A_187, %dma_wait3A_1479] : memref<24x16xi32, #tpu.memory_space<vmem_shared>> -> memref<1x16xi32, #tpu.memory_space<vmem_shared>>
      %dma_wait3A_1481 = tpu.memref_squeeze %dma_wait3A_1480 : memref<1x16xi32, #tpu.memory_space<vmem_shared>> -> memref<16xi32, #tpu.memory_space<vmem_shared>>
      tpu.wait_dma2 semaphore(%run_scoped3A : memref<!tpu.dma_semaphore, #tpu.memory_space<semaphore_mem>>) src(%arg14 : memref<16xi32, #tpu.memory_space<vmem>>) dst(%dma_wait3A_1481 : memref<16xi32, #tpu.memory_space<vmem_shared>>)
      tpu.yield
    }) : () -> ()
    %barrier3A = arith.constant 0 : index
    tpu.barrier barrier_id(%barrier3A)
    "tpu.region"() ({
      %run_scoped3A = tpu.sem_alloc : memref<!tpu.dma_semaphore, #tpu.memory_space<semaphore_mem>>
      %dma_start3A = arith.constant 8 : i32
      %dma_start3A_1472 = arith.constant 0 : i32
      %dma_start3A_1473 = tpu.memref_slice %arg15[%dma_start3A, %dma_start3A_1472] : memref<24x16xi32, #tpu.memory_space<vmem_shared>> -> memref<16x16xi32, #tpu.memory_space<vmem_shared>>
      %dma_start3A_1474 = arith.constant 8 : i32
      %dma_start3A_1475 = arith.constant 0 : i32
      %dma_start3A_1476 = tpu.memref_slice %arg15[%dma_start3A_1474, %dma_start3A_1475] : memref<24x16xi32, #tpu.memory_space<vmem_shared>> -> memref<16x16xi32, #tpu.memory_space<vmem_shared>>
      tpu.enqueue_dma source(%dma_start3A_1476 : memref<16x16xi32, #tpu.memory_space<vmem_shared>>) target(%arg13 : memref<16x16xi32, #tpu.memory_space<vmem>>) target_semaphore(%run_scoped3A : memref<!tpu.dma_semaphore, #tpu.memory_space<semaphore_mem>>)
      %dma_wait3A = arith.constant 8 : i32
      %dma_wait3A_1477 = arith.constant 0 : i32
      %dma_wait3A_1478 = tpu.memref_slice %arg15[%dma_wait3A, %dma_wait3A_1477] : memref<24x16xi32, #tpu.memory_space<vmem_shared>> -> memref<16x16xi32, #tpu.memory_space<vmem_shared>>
      %dma_wait3A_1479 = arith.constant 8 : i32
      %dma_wait3A_1480 = arith.constant 0 : i32
      %dma_wait3A_1481 = tpu.memref_slice %arg15[%dma_wait3A_1479, %dma_wait3A_1480] : memref<24x16xi32, #tpu.memory_space<vmem_shared>> -> memref<16x16xi32, #tpu.memory_space<vmem_shared>>
      tpu.wait_dma2 semaphore(%run_scoped3A : memref<!tpu.dma_semaphore, #tpu.memory_space<semaphore_mem>>) src(%dma_wait3A_1481 : memref<16x16xi32, #tpu.memory_space<vmem_shared>>) dst(%arg13 : memref<16x16xi32, #tpu.memory_space<vmem>>)
      tpu.yield
    }) : () -> ()
    %get3A_188 = arith.constant 0 : i32
    %get3A_189 = arith.index_cast %get3A_188 : i32 to index
    %get3A_190 = arith.constant 0 : index
    %get3A_191 = tpu.vector_load %arg13[%get3A_189, %get3A_190] {strides = array<i32>} : memref<16x16xi32, #tpu.memory_space<vmem>>, vector<16xi32>,
    %slice3A = vector.extract_strided_slice %get3A_191 {offsets = [0], sizes = [1], strides = [1]} : vector<16xi32> to vector<1xi32>
    %squeeze3A = vector.extract %slice3A[0] : i32 from vector<1xi32>
    %add3A_192 = arith.constant 15 : i32
    %add3A_193 = arith.addi %squeeze3A, %add3A_192 : i32
    %jit3A = arith.constant 16 : i32
    %div3A = arith.divsi %add3A_193, %jit3A : i32
    %sign3A = arith.constant 0 : i32
    %sign3A_194 = arith.cmpi sgt, %add3A_193, %sign3A : i32
    %sign3A_195 = arith.extui %sign3A_194 : i1 to i32
    %sign3A_196 = arith.constant 0 : i32
    %sign3A_197 = arith.cmpi slt, %add3A_193, %sign3A_196 : i32
    %sign3A_198 = arith.extui %sign3A_197 : i1 to i32
    %sign3A_199 = arith.subi %sign3A_195, %sign3A_198 : i32
    %sign3A_200 = arith.constant 0 : i32
    %sign3A_201 = arith.cmpi sgt, %jit3A, %sign3A_200 : i32
    %sign3A_202 = arith.extui %sign3A_201 : i1 to i32
    %sign3A_203 = arith.constant 0 : i32
    %sign3A_204 = arith.cmpi slt, %jit3A, %sign3A_203 : i32
    %sign3A_205 = arith.extui %sign3A_204 : i1 to i32
    %sign3A_206 = arith.subi %sign3A_202, %sign3A_205 : i32
    %ne3A = arith.cmpi ne, %sign3A_199, %sign3A_206 : i32
    %rem3A = arith.remsi %add3A_193, %jit3A : i32
    %ne3A_207 = arith.constant 0 : i32
    %ne3A_208 = arith.cmpi ne, %rem3A, %ne3A_207 : i32
    %and3A = arith.andi %ne3A, %ne3A_208 : i1
    %sub3A = arith.constant 1 : i32
    %sub3A_209 = arith.subi %div3A, %sub3A : i32
    %select_n3A = arith.select %and3A, %sub3A_209, %div3A : i32
    %mul3A_210 = arith.constant 16 : i32
    %mul3A_211 = arith.muli %select_n3A, %mul3A_210 : i32
    %lt3A = arith.constant 0 : i32
    %lt3A_212 = arith.cmpi slt, %lt3A, %arg1 : i32
    %jit3A_213 = arith.constant 0 : i32
    %select_n3A_214 = arith.select %lt3A_212, %mul3A_211, %jit3A_213 : i32
    %add3A_215 = arith.constant 0 : i32
    %add3A_216 = arith.addi %add3A_215, %select_n3A_214 : i32
    %add3A_217 = arith.constant 0 : i32
    %add3A_218 = arith.addi %add3A_217, %mul3A_211 : i32
    %get3A_219 = arith.constant 1 : i32
    %get3A_220 = arith.index_cast %get3A_219 : i32 to index
    %get3A_221 = arith.constant 0 : index
    %get3A_222 = tpu.vector_load %arg13[%get3A_220, %get3A_221] {strides = array<i32>} : memref<16x16xi32, #tpu.memory_space<vmem>>, vector<16xi32>,
    %slice3A_223 = vector.extract_strided_slice %get3A_222 {offsets = [0], sizes = [1], strides = [1]} : vector<16xi32> to vector<1xi32>
    %squeeze3A_224 = vector.extract %slice3A_223[0] : i32 from vector<1xi32>
    %add3A_225 = arith.constant 15 : i32
    %add3A_226 = arith.addi %squeeze3A_224, %add3A_225 : i32
    %jit3A_227 = arith.constant 16 : i32
    %div3A_228 = arith.divsi %add3A_226, %jit3A_227 : i32
    %sign3A_229 = arith.constant 0 : i32
    %sign3A_230 = arith.cmpi sgt, %add3A_226, %sign3A_229 : i32
    %sign3A_231 = arith.extui %sign3A_230 : i1 to i32
    %sign3A_232 = arith.constant 0 : i32
    %sign3A_233 = arith.cmpi slt, %add3A_226, %sign3A_232 : i32
    %sign3A_234 = arith.extui %sign3A_233 : i1 to i32
    %sign3A_235 = arith.subi %sign3A_231, %sign3A_234 : i32
    %sign3A_236 = arith.constant 0 : i32
    %sign3A_237 = arith.cmpi sgt, %jit3A_227, %sign3A_236 : i32
    %sign3A_238 = arith.extui %sign3A_237 : i1 to i32
    %sign3A_239 = arith.constant 0 : i32
    %sign3A_240 = arith.cmpi slt, %jit3A_227, %sign3A_239 : i32
    %sign3A_241 = arith.extui %sign3A_240 : i1 to i32
    %sign3A_242 = arith.subi %sign3A_238, %sign3A_241 : i32
    %ne3A_243 = arith.cmpi ne, %sign3A_235, %sign3A_242 : i32
    %rem3A_244 = arith.remsi %add3A_226, %jit3A_227 : i32
    %ne3A_245 = arith.constant 0 : i32
    %ne3A_246 = arith.cmpi ne, %rem3A_244, %ne3A_245 : i32
    %and3A_247 = arith.andi %ne3A_243, %ne3A_246 : i1
    %sub3A_248 = arith.constant 1 : i32
    %sub3A_249 = arith.subi %div3A_228, %sub3A_248 : i32
    %select_n3A_250 = arith.select %and3A_247, %sub3A_249, %div3A_228 : i32
    %mul3A_251 = arith.constant 16 : i32
    %mul3A_252 = arith.muli %select_n3A_250, %mul3A_251 : i32
    %lt3A_253 = arith.constant 1 : i32
    %lt3A_254 = arith.cmpi slt, %lt3A_253, %arg1 : i32
    %jit3A_255 = arith.constant 0 : i32
    %select_n3A_256 = arith.select %lt3A_254, %mul3A_252, %jit3A_255 : i32
    %add3A_257 = arith.addi %add3A_216, %select_n3A_256 : i32
    %add3A_258 = arith.addi %add3A_218, %mul3A_252 : i32
    %get3A_259 = arith.constant 2 : i32
    %get3A_260 = arith.index_cast %get3A_259 : i32 to index
    %get3A_261 = arith.constant 0 : index
    %get3A_262 = tpu.vector_load %arg13[%get3A_260, %get3A_261] {strides = array<i32>} : memref<16x16xi32, #tpu.memory_space<vmem>>, vector<16xi32>,
    %slice3A_263 = vector.extract_strided_slice %get3A_262 {offsets = [0], sizes = [1], strides = [1]} : vector<16xi32> to vector<1xi32>
    %squeeze3A_264 = vector.extract %slice3A_263[0] : i32 from vector<1xi32>
    %add3A_265 = arith.constant 15 : i32
    %add3A_266 = arith.addi %squeeze3A_264, %add3A_265 : i32
    %jit3A_267 = arith.constant 16 : i32
    %div3A_268 = arith.divsi %add3A_266, %jit3A_267 : i32
    %sign3A_269 = arith.constant 0 : i32
    %sign3A_270 = arith.cmpi sgt, %add3A_266, %sign3A_269 : i32
    %sign3A_271 = arith.extui %sign3A_270 : i1 to i32
    %sign3A_272 = arith.constant 0 : i32
    %sign3A_273 = arith.cmpi slt, %add3A_266, %sign3A_272 : i32
    %sign3A_274 = arith.extui %sign3A_273 : i1 to i32
    %sign3A_275 = arith.subi %sign3A_271, %sign3A_274 : i32
    %sign3A_276 = arith.constant 0 : i32
    %sign3A_277 = arith.cmpi sgt, %jit3A_267, %sign3A_276 : i32
    %sign3A_278 = arith.extui %sign3A_277 : i1 to i32
    %sign3A_279 = arith.constant 0 : i32
    %sign3A_280 = arith.cmpi slt, %jit3A_267, %sign3A_279 : i32
    %sign3A_281 = arith.extui %sign3A_280 : i1 to i32
    %sign3A_282 = arith.subi %sign3A_278, %sign3A_281 : i32
    %ne3A_283 = arith.cmpi ne, %sign3A_275, %sign3A_282 : i32
    %rem3A_284 = arith.remsi %add3A_266, %jit3A_267 : i32
    %ne3A_285 = arith.constant 0 : i32
    %ne3A_286 = arith.cmpi ne, %rem3A_284, %ne3A_285 : i32
    %and3A_287 = arith.andi %ne3A_283, %ne3A_286 : i1
    %sub3A_288 = arith.constant 1 : i32
    %sub3A_289 = arith.subi %div3A_268, %sub3A_288 : i32
    %select_n3A_290 = arith.select %and3A_287, %sub3A_289, %div3A_268 : i32
    %mul3A_291 = arith.constant 16 : i32
    %mul3A_292 = arith.muli %select_n3A_290, %mul3A_291 : i32
    %lt3A_293 = arith.constant 2 : i32
    %lt3A_294 = arith.cmpi slt, %lt3A_293, %arg1 : i32
    %jit3A_295 = arith.constant 0 : i32
    %select_n3A_296 = arith.select %lt3A_294, %mul3A_292, %jit3A_295 : i32
    %add3A_297 = arith.addi %add3A_257, %select_n3A_296 : i32
    %add3A_298 = arith.addi %add3A_258, %mul3A_292 : i32
    %get3A_299 = arith.constant 3 : i32
    %get3A_300 = arith.index_cast %get3A_299 : i32 to index
    %get3A_301 = arith.constant 0 : index
    %get3A_302 = tpu.vector_load %arg13[%get3A_300, %get3A_301] {strides = array<i32>} : memref<16x16xi32, #tpu.memory_space<vmem>>, vector<16xi32>,
    %slice3A_303 = vector.extract_strided_slice %get3A_302 {offsets = [0], sizes = [1], strides = [1]} : vector<16xi32> to vector<1xi32>
    %squeeze3A_304 = vector.extract %slice3A_303[0] : i32 from vector<1xi32>
    %add3A_305 = arith.constant 15 : i32
    %add3A_306 = arith.addi %squeeze3A_304, %add3A_305 : i32
    %jit3A_307 = arith.constant 16 : i32
    %div3A_308 = arith.divsi %add3A_306, %jit3A_307 : i32
    %sign3A_309 = arith.constant 0 : i32
    %sign3A_310 = arith.cmpi sgt, %add3A_306, %sign3A_309 : i32
    %sign3A_311 = arith.extui %sign3A_310 : i1 to i32
    %sign3A_312 = arith.constant 0 : i32
    %sign3A_313 = arith.cmpi slt, %add3A_306, %sign3A_312 : i32
    %sign3A_314 = arith.extui %sign3A_313 : i1 to i32
    %sign3A_315 = arith.subi %sign3A_311, %sign3A_314 : i32
    %sign3A_316 = arith.constant 0 : i32
    %sign3A_317 = arith.cmpi sgt, %jit3A_307, %sign3A_316 : i32
    %sign3A_318 = arith.extui %sign3A_317 : i1 to i32
    %sign3A_319 = arith.constant 0 : i32
    %sign3A_320 = arith.cmpi slt, %jit3A_307, %sign3A_319 : i32
    %sign3A_321 = arith.extui %sign3A_320 : i1 to i32
    %sign3A_322 = arith.subi %sign3A_318, %sign3A_321 : i32
    %ne3A_323 = arith.cmpi ne, %sign3A_315, %sign3A_322 : i32
    %rem3A_324 = arith.remsi %add3A_306, %jit3A_307 : i32
    %ne3A_325 = arith.constant 0 : i32
    %ne3A_326 = arith.cmpi ne, %rem3A_324, %ne3A_325 : i32
    %and3A_327 = arith.andi %ne3A_323, %ne3A_326 : i1
    %sub3A_328 = arith.constant 1 : i32
    %sub3A_329 = arith.subi %div3A_308, %sub3A_328 : i32
    %select_n3A_330 = arith.select %and3A_327, %sub3A_329, %div3A_308 : i32
    %mul3A_331 = arith.constant 16 : i32
    %mul3A_332 = arith.muli %select_n3A_330, %mul3A_331 : i32
    %lt3A_333 = arith.constant 3 : i32
    %lt3A_334 = arith.cmpi slt, %lt3A_333, %arg1 : i32
    %jit3A_335 = arith.constant 0 : i32
    %select_n3A_336 = arith.select %lt3A_334, %mul3A_332, %jit3A_335 : i32
    %add3A_337 = arith.addi %add3A_297, %select_n3A_336 : i32
    %add3A_338 = arith.addi %add3A_298, %mul3A_332 : i32
    %get3A_339 = arith.constant 4 : i32
    %get3A_340 = arith.index_cast %get3A_339 : i32 to index
    %get3A_341 = arith.constant 0 : index
    %get3A_342 = tpu.vector_load %arg13[%get3A_340, %get3A_341] {strides = array<i32>} : memref<16x16xi32, #tpu.memory_space<vmem>>, vector<16xi32>,
    %slice3A_343 = vector.extract_strided_slice %get3A_342 {offsets = [0], sizes = [1], strides = [1]} : vector<16xi32> to vector<1xi32>
    %squeeze3A_344 = vector.extract %slice3A_343[0] : i32 from vector<1xi32>
    %add3A_345 = arith.constant 15 : i32
    %add3A_346 = arith.addi %squeeze3A_344, %add3A_345 : i32
    %jit3A_347 = arith.constant 16 : i32
    %div3A_348 = arith.divsi %add3A_346, %jit3A_347 : i32
    %sign3A_349 = arith.constant 0 : i32
    %sign3A_350 = arith.cmpi sgt, %add3A_346, %sign3A_349 : i32
    %sign3A_351 = arith.extui %sign3A_350 : i1 to i32
    %sign3A_352 = arith.constant 0 : i32
    %sign3A_353 = arith.cmpi slt, %add3A_346, %sign3A_352 : i32
    %sign3A_354 = arith.extui %sign3A_353 : i1 to i32
    %sign3A_355 = arith.subi %sign3A_351, %sign3A_354 : i32
    %sign3A_356 = arith.constant 0 : i32
    %sign3A_357 = arith.cmpi sgt, %jit3A_347, %sign3A_356 : i32
    %sign3A_358 = arith.extui %sign3A_357 : i1 to i32
    %sign3A_359 = arith.constant 0 : i32
    %sign3A_360 = arith.cmpi slt, %jit3A_347, %sign3A_359 : i32
    %sign3A_361 = arith.extui %sign3A_360 : i1 to i32
    %sign3A_362 = arith.subi %sign3A_358, %sign3A_361 : i32
    %ne3A_363 = arith.cmpi ne, %sign3A_355, %sign3A_362 : i32
    %rem3A_364 = arith.remsi %add3A_346, %jit3A_347 : i32
    %ne3A_365 = arith.constant 0 : i32
    %ne3A_366 = arith.cmpi ne, %rem3A_364, %ne3A_365 : i32
    %and3A_367 = arith.andi %ne3A_363, %ne3A_366 : i1
    %sub3A_368 = arith.constant 1 : i32
    %sub3A_369 = arith.subi %div3A_348, %sub3A_368 : i32
    %select_n3A_370 = arith.select %and3A_367, %sub3A_369, %div3A_348 : i32
    %mul3A_371 = arith.constant 16 : i32
    %mul3A_372 = arith.muli %select_n3A_370, %mul3A_371 : i32
    %lt3A_373 = arith.constant 4 : i32
    %lt3A_374 = arith.cmpi slt, %lt3A_373, %arg1 : i32
    %jit3A_375 = arith.constant 0 : i32
    %select_n3A_376 = arith.select %lt3A_374, %mul3A_372, %jit3A_375 : i32
    %add3A_377 = arith.addi %add3A_337, %select_n3A_376 : i32
    %add3A_378 = arith.addi %add3A_338, %mul3A_372 : i32
    %get3A_379 = arith.constant 5 : i32
    %get3A_380 = arith.index_cast %get3A_379 : i32 to index
    %get3A_381 = arith.constant 0 : index
    %get3A_382 = tpu.vector_load %arg13[%get3A_380, %get3A_381] {strides = array<i32>} : memref<16x16xi32, #tpu.memory_space<vmem>>, vector<16xi32>,
    %slice3A_383 = vector.extract_strided_slice %get3A_382 {offsets = [0], sizes = [1], strides = [1]} : vector<16xi32> to vector<1xi32>
    %squeeze3A_384 = vector.extract %slice3A_383[0] : i32 from vector<1xi32>
    %add3A_385 = arith.constant 15 : i32
    %add3A_386 = arith.addi %squeeze3A_384, %add3A_385 : i32
    %jit3A_387 = arith.constant 16 : i32
    %div3A_388 = arith.divsi %add3A_386, %jit3A_387 : i32
    %sign3A_389 = arith.constant 0 : i32
    %sign3A_390 = arith.cmpi sgt, %add3A_386, %sign3A_389 : i32
    %sign3A_391 = arith.extui %sign3A_390 : i1 to i32
    %sign3A_392 = arith.constant 0 : i32
    %sign3A_393 = arith.cmpi slt, %add3A_386, %sign3A_392 : i32
    %sign3A_394 = arith.extui %sign3A_393 : i1 to i32
    %sign3A_395 = arith.subi %sign3A_391, %sign3A_394 : i32
    %sign3A_396 = arith.constant 0 : i32
    %sign3A_397 = arith.cmpi sgt, %jit3A_387, %sign3A_396 : i32
    %sign3A_398 = arith.extui %sign3A_397 : i1 to i32
    %sign3A_399 = arith.constant 0 : i32
    %sign3A_400 = arith.cmpi slt, %jit3A_387, %sign3A_399 : i32
    %sign3A_401 = arith.extui %sign3A_400 : i1 to i32
    %sign3A_402 = arith.subi %sign3A_398, %sign3A_401 : i32
    %ne3A_403 = arith.cmpi ne, %sign3A_395, %sign3A_402 : i32
    %rem3A_404 = arith.remsi %add3A_386, %jit3A_387 : i32
    %ne3A_405 = arith.constant 0 : i32
    %ne3A_406 = arith.cmpi ne, %rem3A_404, %ne3A_405 : i32
    %and3A_407 = arith.andi %ne3A_403, %ne3A_406 : i1
    %sub3A_408 = arith.constant 1 : i32
    %sub3A_409 = arith.subi %div3A_388, %sub3A_408 : i32
    %select_n3A_410 = arith.select %and3A_407, %sub3A_409, %div3A_388 : i32
    %mul3A_411 = arith.constant 16 : i32
    %mul3A_412 = arith.muli %select_n3A_410, %mul3A_411 : i32
    %lt3A_413 = arith.constant 5 : i32
    %lt3A_414 = arith.cmpi slt, %lt3A_413, %arg1 : i32
    %jit3A_415 = arith.constant 0 : i32
    %select_n3A_416 = arith.select %lt3A_414, %mul3A_412, %jit3A_415 : i32
    %add3A_417 = arith.addi %add3A_377, %select_n3A_416 : i32
    %add3A_418 = arith.addi %add3A_378, %mul3A_412 : i32
    %get3A_419 = arith.constant 6 : i32
    %get3A_420 = arith.index_cast %get3A_419 : i32 to index
    %get3A_421 = arith.constant 0 : index
    %get3A_422 = tpu.vector_load %arg13[%get3A_420, %get3A_421] {strides = array<i32>} : memref<16x16xi32, #tpu.memory_space<vmem>>, vector<16xi32>,
    %slice3A_423 = vector.extract_strided_slice %get3A_422 {offsets = [0], sizes = [1], strides = [1]} : vector<16xi32> to vector<1xi32>
    %squeeze3A_424 = vector.extract %slice3A_423[0] : i32 from vector<1xi32>
    %add3A_425 = arith.constant 15 : i32
    %add3A_426 = arith.addi %squeeze3A_424, %add3A_425 : i32
    %jit3A_427 = arith.constant 16 : i32
    %div3A_428 = arith.divsi %add3A_426, %jit3A_427 : i32
    %sign3A_429 = arith.constant 0 : i32
    %sign3A_430 = arith.cmpi sgt, %add3A_426, %sign3A_429 : i32
    %sign3A_431 = arith.extui %sign3A_430 : i1 to i32
    %sign3A_432 = arith.constant 0 : i32
    %sign3A_433 = arith.cmpi slt, %add3A_426, %sign3A_432 : i32
    %sign3A_434 = arith.extui %sign3A_433 : i1 to i32
    %sign3A_435 = arith.subi %sign3A_431, %sign3A_434 : i32
    %sign3A_436 = arith.constant 0 : i32
    %sign3A_437 = arith.cmpi sgt, %jit3A_427, %sign3A_436 : i32
    %sign3A_438 = arith.extui %sign3A_437 : i1 to i32
    %sign3A_439 = arith.constant 0 : i32
    %sign3A_440 = arith.cmpi slt, %jit3A_427, %sign3A_439 : i32
    %sign3A_441 = arith.extui %sign3A_440 : i1 to i32
    %sign3A_442 = arith.subi %sign3A_438, %sign3A_441 : i32
    %ne3A_443 = arith.cmpi ne, %sign3A_435, %sign3A_442 : i32
    %rem3A_444 = arith.remsi %add3A_426, %jit3A_427 : i32
    %ne3A_445 = arith.constant 0 : i32
    %ne3A_446 = arith.cmpi ne, %rem3A_444, %ne3A_445 : i32
    %and3A_447 = arith.andi %ne3A_443, %ne3A_446 : i1
    %sub3A_448 = arith.constant 1 : i32
    %sub3A_449 = arith.subi %div3A_428, %sub3A_448 : i32
    %select_n3A_450 = arith.select %and3A_447, %sub3A_449, %div3A_428 : i32
    %mul3A_451 = arith.constant 16 : i32
    %mul3A_452 = arith.muli %select_n3A_450, %mul3A_451 : i32
    %lt3A_453 = arith.constant 6 : i32
    %lt3A_454 = arith.cmpi slt, %lt3A_453, %arg1 : i32
    %jit3A_455 = arith.constant 0 : i32
    %select_n3A_456 = arith.select %lt3A_454, %mul3A_452, %jit3A_455 : i32
    %add3A_457 = arith.addi %add3A_417, %select_n3A_456 : i32
    %add3A_458 = arith.addi %add3A_418, %mul3A_452 : i32
    %get3A_459 = arith.constant 7 : i32
    %get3A_460 = arith.index_cast %get3A_459 : i32 to index
    %get3A_461 = arith.constant 0 : index
    %get3A_462 = tpu.vector_load %arg13[%get3A_460, %get3A_461] {strides = array<i32>} : memref<16x16xi32, #tpu.memory_space<vmem>>, vector<16xi32>,
    %slice3A_463 = vector.extract_strided_slice %get3A_462 {offsets = [0], sizes = [1], strides = [1]} : vector<16xi32> to vector<1xi32>
    %squeeze3A_464 = vector.extract %slice3A_463[0] : i32 from vector<1xi32>
    %add3A_465 = arith.constant 15 : i32
    %add3A_466 = arith.addi %squeeze3A_464, %add3A_465 : i32
    %jit3A_467 = arith.constant 16 : i32
    %div3A_468 = arith.divsi %add3A_466, %jit3A_467 : i32
    %sign3A_469 = arith.constant 0 : i32
    %sign3A_470 = arith.cmpi sgt, %add3A_466, %sign3A_469 : i32
    %sign3A_471 = arith.extui %sign3A_470 : i1 to i32
    %sign3A_472 = arith.constant 0 : i32
    %sign3A_473 = arith.cmpi slt, %add3A_466, %sign3A_472 : i32
    %sign3A_474 = arith.extui %sign3A_473 : i1 to i32
    %sign3A_475 = arith.subi %sign3A_471, %sign3A_474 : i32
    %sign3A_476 = arith.constant 0 : i32
    %sign3A_477 = arith.cmpi sgt, %jit3A_467, %sign3A_476 : i32
    %sign3A_478 = arith.extui %sign3A_477 : i1 to i32
    %sign3A_479 = arith.constant 0 : i32
    %sign3A_480 = arith.cmpi slt, %jit3A_467, %sign3A_479 : i32
    %sign3A_481 = arith.extui %sign3A_480 : i1 to i32
    %sign3A_482 = arith.subi %sign3A_478, %sign3A_481 : i32
    %ne3A_483 = arith.cmpi ne, %sign3A_475, %sign3A_482 : i32
    %rem3A_484 = arith.remsi %add3A_466, %jit3A_467 : i32
    %ne3A_485 = arith.constant 0 : i32
    %ne3A_486 = arith.cmpi ne, %rem3A_484, %ne3A_485 : i32
    %and3A_487 = arith.andi %ne3A_483, %ne3A_486 : i1
    %sub3A_488 = arith.constant 1 : i32
    %sub3A_489 = arith.subi %div3A_468, %sub3A_488 : i32
    %select_n3A_490 = arith.select %and3A_487, %sub3A_489, %div3A_468 : i32
    %mul3A_491 = arith.constant 16 : i32
    %mul3A_492 = arith.muli %select_n3A_490, %mul3A_491 : i32
    %lt3A_493 = arith.constant 7 : i32
    %lt3A_494 = arith.cmpi slt, %lt3A_493, %arg1 : i32
    %jit3A_495 = arith.constant 0 : i32
    %select_n3A_496 = arith.select %lt3A_494, %mul3A_492, %jit3A_495 : i32
    %add3A_497 = arith.addi %add3A_457, %select_n3A_496 : i32
    %add3A_498 = arith.addi %add3A_458, %mul3A_492 : i32
    %get3A_499 = arith.constant 8 : i32
    %get3A_500 = arith.index_cast %get3A_499 : i32 to index
    %get3A_501 = arith.constant 0 : index
    %get3A_502 = tpu.vector_load %arg13[%get3A_500, %get3A_501] {strides = array<i32>} : memref<16x16xi32, #tpu.memory_space<vmem>>, vector<16xi32>,
    %slice3A_503 = vector.extract_strided_slice %get3A_502 {offsets = [0], sizes = [1], strides = [1]} : vector<16xi32> to vector<1xi32>
    %squeeze3A_504 = vector.extract %slice3A_503[0] : i32 from vector<1xi32>
    %add3A_505 = arith.constant 15 : i32
    %add3A_506 = arith.addi %squeeze3A_504, %add3A_505 : i32
    %jit3A_507 = arith.constant 16 : i32
    %div3A_508 = arith.divsi %add3A_506, %jit3A_507 : i32
    %sign3A_509 = arith.constant 0 : i32
    %sign3A_510 = arith.cmpi sgt, %add3A_506, %sign3A_509 : i32
    %sign3A_511 = arith.extui %sign3A_510 : i1 to i32
    %sign3A_512 = arith.constant 0 : i32
    %sign3A_513 = arith.cmpi slt, %add3A_506, %sign3A_512 : i32
    %sign3A_514 = arith.extui %sign3A_513 : i1 to i32
    %sign3A_515 = arith.subi %sign3A_511, %sign3A_514 : i32
    %sign3A_516 = arith.constant 0 : i32
    %sign3A_517 = arith.cmpi sgt, %jit3A_507, %sign3A_516 : i32
    %sign3A_518 = arith.extui %sign3A_517 : i1 to i32
    %sign3A_519 = arith.constant 0 : i32
    %sign3A_520 = arith.cmpi slt, %jit3A_507, %sign3A_519 : i32
    %sign3A_521 = arith.extui %sign3A_520 : i1 to i32
    %sign3A_522 = arith.subi %sign3A_518, %sign3A_521 : i32
    %ne3A_523 = arith.cmpi ne, %sign3A_515, %sign3A_522 : i32
    %rem3A_524 = arith.remsi %add3A_506, %jit3A_507 : i32
    %ne3A_525 = arith.constant 0 : i32
    %ne3A_526 = arith.cmpi ne, %rem3A_524, %ne3A_525 : i32
    %and3A_527 = arith.andi %ne3A_523, %ne3A_526 : i1
    %sub3A_528 = arith.constant 1 : i32
    %sub3A_529 = arith.subi %div3A_508, %sub3A_528 : i32
    %select_n3A_530 = arith.select %and3A_527, %sub3A_529, %div3A_508 : i32
    %mul3A_531 = arith.constant 16 : i32
    %mul3A_532 = arith.muli %select_n3A_530, %mul3A_531 : i32
    %lt3A_533 = arith.constant 8 : i32
    %lt3A_534 = arith.cmpi slt, %lt3A_533, %arg1 : i32
    %jit3A_535 = arith.constant 0 : i32
    %select_n3A_536 = arith.select %lt3A_534, %mul3A_532, %jit3A_535 : i32
    %add3A_537 = arith.addi %add3A_497, %select_n3A_536 : i32
    %add3A_538 = arith.addi %add3A_498, %mul3A_532 : i32
    %get3A_539 = arith.constant 9 : i32
    %get3A_540 = arith.index_cast %get3A_539 : i32 to index
    %get3A_541 = arith.constant 0 : index
    %get3A_542 = tpu.vector_load %arg13[%get3A_540, %get3A_541] {strides = array<i32>} : memref<16x16xi32, #tpu.memory_space<vmem>>, vector<16xi32>,
    %slice3A_543 = vector.extract_strided_slice %get3A_542 {offsets = [0], sizes = [1], strides = [1]} : vector<16xi32> to vector<1xi32>
    %squeeze3A_544 = vector.extract %slice3A_543[0] : i32 from vector<1xi32>
    %add3A_545 = arith.constant 15 : i32
    %add3A_546 = arith.addi %squeeze3A_544, %add3A_545 : i32
    %jit3A_547 = arith.constant 16 : i32
    %div3A_548 = arith.divsi %add3A_546, %jit3A_547 : i32
    %sign3A_549 = arith.constant 0 : i32
    %sign3A_550 = arith.cmpi sgt, %add3A_546, %sign3A_549 : i32
    %sign3A_551 = arith.extui %sign3A_550 : i1 to i32
    %sign3A_552 = arith.constant 0 : i32
    %sign3A_553 = arith.cmpi slt, %add3A_546, %sign3A_552 : i32
    %sign3A_554 = arith.extui %sign3A_553 : i1 to i32
    %sign3A_555 = arith.subi %sign3A_551, %sign3A_554 : i32
    %sign3A_556 = arith.constant 0 : i32
    %sign3A_557 = arith.cmpi sgt, %jit3A_547, %sign3A_556 : i32
    %sign3A_558 = arith.extui %sign3A_557 : i1 to i32
    %sign3A_559 = arith.constant 0 : i32
    %sign3A_560 = arith.cmpi slt, %jit3A_547, %sign3A_559 : i32
    %sign3A_561 = arith.extui %sign3A_560 : i1 to i32
    %sign3A_562 = arith.subi %sign3A_558, %sign3A_561 : i32
    %ne3A_563 = arith.cmpi ne, %sign3A_555, %sign3A_562 : i32
    %rem3A_564 = arith.remsi %add3A_546, %jit3A_547 : i32
    %ne3A_565 = arith.constant 0 : i32
    %ne3A_566 = arith.cmpi ne, %rem3A_564, %ne3A_565 : i32
    %and3A_567 = arith.andi %ne3A_563, %ne3A_566 : i1
    %sub3A_568 = arith.constant 1 : i32
    %sub3A_569 = arith.subi %div3A_548, %sub3A_568 : i32
    %select_n3A_570 = arith.select %and3A_567, %sub3A_569, %div3A_548 : i32
    %mul3A_571 = arith.constant 16 : i32
    %mul3A_572 = arith.muli %select_n3A_570, %mul3A_571 : i32
    %lt3A_573 = arith.constant 9 : i32
    %lt3A_574 = arith.cmpi slt, %lt3A_573, %arg1 : i32
    %jit3A_575 = arith.constant 0 : i32
    %select_n3A_576 = arith.select %lt3A_574, %mul3A_572, %jit3A_575 : i32
    %add3A_577 = arith.addi %add3A_537, %select_n3A_576 : i32
    %add3A_578 = arith.addi %add3A_538, %mul3A_572 : i32
    %get3A_579 = arith.constant 10 : i32
    %get3A_580 = arith.index_cast %get3A_579 : i32 to index
    %get3A_581 = arith.constant 0 : index
    %get3A_582 = tpu.vector_load %arg13[%get3A_580, %get3A_581] {strides = array<i32>} : memref<16x16xi32, #tpu.memory_space<vmem>>, vector<16xi32>,
    %slice3A_583 = vector.extract_strided_slice %get3A_582 {offsets = [0], sizes = [1], strides = [1]} : vector<16xi32> to vector<1xi32>
    %squeeze3A_584 = vector.extract %slice3A_583[0] : i32 from vector<1xi32>
    %add3A_585 = arith.constant 15 : i32
    %add3A_586 = arith.addi %squeeze3A_584, %add3A_585 : i32
    %jit3A_587 = arith.constant 16 : i32
    %div3A_588 = arith.divsi %add3A_586, %jit3A_587 : i32
    %sign3A_589 = arith.constant 0 : i32
    %sign3A_590 = arith.cmpi sgt, %add3A_586, %sign3A_589 : i32
    %sign3A_591 = arith.extui %sign3A_590 : i1 to i32
    %sign3A_592 = arith.constant 0 : i32
    %sign3A_593 = arith.cmpi slt, %add3A_586, %sign3A_592 : i32
    %sign3A_594 = arith.extui %sign3A_593 : i1 to i32
    %sign3A_595 = arith.subi %sign3A_591, %sign3A_594 : i32
    %sign3A_596 = arith.constant 0 : i32
    %sign3A_597 = arith.cmpi sgt, %jit3A_587, %sign3A_596 : i32
    %sign3A_598 = arith.extui %sign3A_597 : i1 to i32
    %sign3A_599 = arith.constant 0 : i32
    %sign3A_600 = arith.cmpi slt, %jit3A_587, %sign3A_599 : i32
    %sign3A_601 = arith.extui %sign3A_600 : i1 to i32
    %sign3A_602 = arith.subi %sign3A_598, %sign3A_601 : i32
    %ne3A_603 = arith.cmpi ne, %sign3A_595, %sign3A_602 : i32
    %rem3A_604 = arith.remsi %add3A_586, %jit3A_587 : i32
    %ne3A_605 = arith.constant 0 : i32
    %ne3A_606 = arith.cmpi ne, %rem3A_604, %ne3A_605 : i32
    %and3A_607 = arith.andi %ne3A_603, %ne3A_606 : i1
    %sub3A_608 = arith.constant 1 : i32
    %sub3A_609 = arith.subi %div3A_588, %sub3A_608 : i32
    %select_n3A_610 = arith.select %and3A_607, %sub3A_609, %div3A_588 : i32
    %mul3A_611 = arith.constant 16 : i32
    %mul3A_612 = arith.muli %select_n3A_610, %mul3A_611 : i32
    %lt3A_613 = arith.constant 10 : i32
    %lt3A_614 = arith.cmpi slt, %lt3A_613, %arg1 : i32
    %jit3A_615 = arith.constant 0 : i32
    %select_n3A_616 = arith.select %lt3A_614, %mul3A_612, %jit3A_615 : i32
    %add3A_617 = arith.addi %add3A_577, %select_n3A_616 : i32
    %add3A_618 = arith.addi %add3A_578, %mul3A_612 : i32
    %get3A_619 = arith.constant 11 : i32
    %get3A_620 = arith.index_cast %get3A_619 : i32 to index
    %get3A_621 = arith.constant 0 : index
    %get3A_622 = tpu.vector_load %arg13[%get3A_620, %get3A_621] {strides = array<i32>} : memref<16x16xi32, #tpu.memory_space<vmem>>, vector<16xi32>,
    %slice3A_623 = vector.extract_strided_slice %get3A_622 {offsets = [0], sizes = [1], strides = [1]} : vector<16xi32> to vector<1xi32>
    %squeeze3A_624 = vector.extract %slice3A_623[0] : i32 from vector<1xi32>
    %add3A_625 = arith.constant 15 : i32
    %add3A_626 = arith.addi %squeeze3A_624, %add3A_625 : i32
    %jit3A_627 = arith.constant 16 : i32
    %div3A_628 = arith.divsi %add3A_626, %jit3A_627 : i32
    %sign3A_629 = arith.constant 0 : i32
    %sign3A_630 = arith.cmpi sgt, %add3A_626, %sign3A_629 : i32
    %sign3A_631 = arith.extui %sign3A_630 : i1 to i32
    %sign3A_632 = arith.constant 0 : i32
    %sign3A_633 = arith.cmpi slt, %add3A_626, %sign3A_632 : i32
    %sign3A_634 = arith.extui %sign3A_633 : i1 to i32
    %sign3A_635 = arith.subi %sign3A_631, %sign3A_634 : i32
    %sign3A_636 = arith.constant 0 : i32
    %sign3A_637 = arith.cmpi sgt, %jit3A_627, %sign3A_636 : i32
    %sign3A_638 = arith.extui %sign3A_637 : i1 to i32
    %sign3A_639 = arith.constant 0 : i32
    %sign3A_640 = arith.cmpi slt, %jit3A_627, %sign3A_639 : i32
    %sign3A_641 = arith.extui %sign3A_640 : i1 to i32
    %sign3A_642 = arith.subi %sign3A_638, %sign3A_641 : i32
    %ne3A_643 = arith.cmpi ne, %sign3A_635, %sign3A_642 : i32
    %rem3A_644 = arith.remsi %add3A_626, %jit3A_627 : i32
    %ne3A_645 = arith.constant 0 : i32
    %ne3A_646 = arith.cmpi ne, %rem3A_644, %ne3A_645 : i32
    %and3A_647 = arith.andi %ne3A_643, %ne3A_646 : i1
    %sub3A_648 = arith.constant 1 : i32
    %sub3A_649 = arith.subi %div3A_628, %sub3A_648 : i32
    %select_n3A_650 = arith.select %and3A_647, %sub3A_649, %div3A_628 : i32
    %mul3A_651 = arith.constant 16 : i32
    %mul3A_652 = arith.muli %select_n3A_650, %mul3A_651 : i32
    %lt3A_653 = arith.constant 11 : i32
    %lt3A_654 = arith.cmpi slt, %lt3A_653, %arg1 : i32
    %jit3A_655 = arith.constant 0 : i32
    %select_n3A_656 = arith.select %lt3A_654, %mul3A_652, %jit3A_655 : i32
    %add3A_657 = arith.addi %add3A_617, %select_n3A_656 : i32
    %add3A_658 = arith.addi %add3A_618, %mul3A_652 : i32
    %get3A_659 = arith.constant 12 : i32
    %get3A_660 = arith.index_cast %get3A_659 : i32 to index
    %get3A_661 = arith.constant 0 : index
    %get3A_662 = tpu.vector_load %arg13[%get3A_660, %get3A_661] {strides = array<i32>} : memref<16x16xi32, #tpu.memory_space<vmem>>, vector<16xi32>,
    %slice3A_663 = vector.extract_strided_slice %get3A_662 {offsets = [0], sizes = [1], strides = [1]} : vector<16xi32> to vector<1xi32>
    %squeeze3A_664 = vector.extract %slice3A_663[0] : i32 from vector<1xi32>
    %add3A_665 = arith.constant 15 : i32
    %add3A_666 = arith.addi %squeeze3A_664, %add3A_665 : i32
    %jit3A_667 = arith.constant 16 : i32
    %div3A_668 = arith.divsi %add3A_666, %jit3A_667 : i32
    %sign3A_669 = arith.constant 0 : i32
    %sign3A_670 = arith.cmpi sgt, %add3A_666, %sign3A_669 : i32
    %sign3A_671 = arith.extui %sign3A_670 : i1 to i32
    %sign3A_672 = arith.constant 0 : i32
    %sign3A_673 = arith.cmpi slt, %add3A_666, %sign3A_672 : i32
    %sign3A_674 = arith.extui %sign3A_673 : i1 to i32
    %sign3A_675 = arith.subi %sign3A_671, %sign3A_674 : i32
    %sign3A_676 = arith.constant 0 : i32
    %sign3A_677 = arith.cmpi sgt, %jit3A_667, %sign3A_676 : i32
    %sign3A_678 = arith.extui %sign3A_677 : i1 to i32
    %sign3A_679 = arith.constant 0 : i32
    %sign3A_680 = arith.cmpi slt, %jit3A_667, %sign3A_679 : i32
    %sign3A_681 = arith.extui %sign3A_680 : i1 to i32
    %sign3A_682 = arith.subi %sign3A_678, %sign3A_681 : i32
    %ne3A_683 = arith.cmpi ne, %sign3A_675, %sign3A_682 : i32
    %rem3A_684 = arith.remsi %add3A_666, %jit3A_667 : i32
    %ne3A_685 = arith.constant 0 : i32
    %ne3A_686 = arith.cmpi ne, %rem3A_684, %ne3A_685 : i32
    %and3A_687 = arith.andi %ne3A_683, %ne3A_686 : i1
    %sub3A_688 = arith.constant 1 : i32
    %sub3A_689 = arith.subi %div3A_668, %sub3A_688 : i32
    %select_n3A_690 = arith.select %and3A_687, %sub3A_689, %div3A_668 : i32
    %mul3A_691 = arith.constant 16 : i32
    %mul3A_692 = arith.muli %select_n3A_690, %mul3A_691 : i32
    %lt3A_693 = arith.constant 12 : i32
    %lt3A_694 = arith.cmpi slt, %lt3A_693, %arg1 : i32
    %jit3A_695 = arith.constant 0 : i32
    %select_n3A_696 = arith.select %lt3A_694, %mul3A_692, %jit3A_695 : i32
    %add3A_697 = arith.addi %add3A_657, %select_n3A_696 : i32
    %add3A_698 = arith.addi %add3A_658, %mul3A_692 : i32
    %get3A_699 = arith.constant 13 : i32
    %get3A_700 = arith.index_cast %get3A_699 : i32 to index
    %get3A_701 = arith.constant 0 : index
    %get3A_702 = tpu.vector_load %arg13[%get3A_700, %get3A_701] {strides = array<i32>} : memref<16x16xi32, #tpu.memory_space<vmem>>, vector<16xi32>,
    %slice3A_703 = vector.extract_strided_slice %get3A_702 {offsets = [0], sizes = [1], strides = [1]} : vector<16xi32> to vector<1xi32>
    %squeeze3A_704 = vector.extract %slice3A_703[0] : i32 from vector<1xi32>
    %add3A_705 = arith.constant 15 : i32
    %add3A_706 = arith.addi %squeeze3A_704, %add3A_705 : i32
    %jit3A_707 = arith.constant 16 : i32
    %div3A_708 = arith.divsi %add3A_706, %jit3A_707 : i32
    %sign3A_709 = arith.constant 0 : i32
    %sign3A_710 = arith.cmpi sgt, %add3A_706, %sign3A_709 : i32
    %sign3A_711 = arith.extui %sign3A_710 : i1 to i32
    %sign3A_712 = arith.constant 0 : i32
    %sign3A_713 = arith.cmpi slt, %add3A_706, %sign3A_712 : i32
    %sign3A_714 = arith.extui %sign3A_713 : i1 to i32
    %sign3A_715 = arith.subi %sign3A_711, %sign3A_714 : i32
    %sign3A_716 = arith.constant 0 : i32
    %sign3A_717 = arith.cmpi sgt, %jit3A_707, %sign3A_716 : i32
    %sign3A_718 = arith.extui %sign3A_717 : i1 to i32
    %sign3A_719 = arith.constant 0 : i32
    %sign3A_720 = arith.cmpi slt, %jit3A_707, %sign3A_719 : i32
    %sign3A_721 = arith.extui %sign3A_720 : i1 to i32
    %sign3A_722 = arith.subi %sign3A_718, %sign3A_721 : i32
    %ne3A_723 = arith.cmpi ne, %sign3A_715, %sign3A_722 : i32
    %rem3A_724 = arith.remsi %add3A_706, %jit3A_707 : i32
    %ne3A_725 = arith.constant 0 : i32
    %ne3A_726 = arith.cmpi ne, %rem3A_724, %ne3A_725 : i32
    %and3A_727 = arith.andi %ne3A_723, %ne3A_726 : i1
    %sub3A_728 = arith.constant 1 : i32
    %sub3A_729 = arith.subi %div3A_708, %sub3A_728 : i32
    %select_n3A_730 = arith.select %and3A_727, %sub3A_729, %div3A_708 : i32
    %mul3A_731 = arith.constant 16 : i32
    %mul3A_732 = arith.muli %select_n3A_730, %mul3A_731 : i32
    %lt3A_733 = arith.constant 13 : i32
    %lt3A_734 = arith.cmpi slt, %lt3A_733, %arg1 : i32
    %jit3A_735 = arith.constant 0 : i32
    %select_n3A_736 = arith.select %lt3A_734, %mul3A_732, %jit3A_735 : i32
    %add3A_737 = arith.addi %add3A_697, %select_n3A_736 : i32
    %add3A_738 = arith.addi %add3A_698, %mul3A_732 : i32
    %get3A_739 = arith.constant 14 : i32
    %get3A_740 = arith.index_cast %get3A_739 : i32 to index
    %get3A_741 = arith.constant 0 : index
    %get3A_742 = tpu.vector_load %arg13[%get3A_740, %get3A_741] {strides = array<i32>} : memref<16x16xi32, #tpu.memory_space<vmem>>, vector<16xi32>,
    %slice3A_743 = vector.extract_strided_slice %get3A_742 {offsets = [0], sizes = [1], strides = [1]} : vector<16xi32> to vector<1xi32>
    %squeeze3A_744 = vector.extract %slice3A_743[0] : i32 from vector<1xi32>
    %add3A_745 = arith.constant 15 : i32
    %add3A_746 = arith.addi %squeeze3A_744, %add3A_745 : i32
    %jit3A_747 = arith.constant 16 : i32
    %div3A_748 = arith.divsi %add3A_746, %jit3A_747 : i32
    %sign3A_749 = arith.constant 0 : i32
    %sign3A_750 = arith.cmpi sgt, %add3A_746, %sign3A_749 : i32
    %sign3A_751 = arith.extui %sign3A_750 : i1 to i32
    %sign3A_752 = arith.constant 0 : i32
    %sign3A_753 = arith.cmpi slt, %add3A_746, %sign3A_752 : i32
    %sign3A_754 = arith.extui %sign3A_753 : i1 to i32
    %sign3A_755 = arith.subi %sign3A_751, %sign3A_754 : i32
    %sign3A_756 = arith.constant 0 : i32
    %sign3A_757 = arith.cmpi sgt, %jit3A_747, %sign3A_756 : i32
    %sign3A_758 = arith.extui %sign3A_757 : i1 to i32
    %sign3A_759 = arith.constant 0 : i32
    %sign3A_760 = arith.cmpi slt, %jit3A_747, %sign3A_759 : i32
    %sign3A_761 = arith.extui %sign3A_760 : i1 to i32
    %sign3A_762 = arith.subi %sign3A_758, %sign3A_761 : i32
    %ne3A_763 = arith.cmpi ne, %sign3A_755, %sign3A_762 : i32
    %rem3A_764 = arith.remsi %add3A_746, %jit3A_747 : i32
    %ne3A_765 = arith.constant 0 : i32
    %ne3A_766 = arith.cmpi ne, %rem3A_764, %ne3A_765 : i32
    %and3A_767 = arith.andi %ne3A_763, %ne3A_766 : i1
    %sub3A_768 = arith.constant 1 : i32
    %sub3A_769 = arith.subi %div3A_748, %sub3A_768 : i32
    %select_n3A_770 = arith.select %and3A_767, %sub3A_769, %div3A_748 : i32
    %mul3A_771 = arith.constant 16 : i32
    %mul3A_772 = arith.muli %select_n3A_770, %mul3A_771 : i32
    %lt3A_773 = arith.constant 14 : i32
    %lt3A_774 = arith.cmpi slt, %lt3A_773, %arg1 : i32
    %jit3A_775 = arith.constant 0 : i32
    %select_n3A_776 = arith.select %lt3A_774, %mul3A_772, %jit3A_775 : i32
    %add3A_777 = arith.addi %add3A_737, %select_n3A_776 : i32
    %add3A_778 = arith.addi %add3A_738, %mul3A_772 : i32
    %get3A_779 = arith.constant 15 : i32
    %get3A_780 = arith.index_cast %get3A_779 : i32 to index
    %get3A_781 = arith.constant 0 : index
    %get3A_782 = tpu.vector_load %arg13[%get3A_780, %get3A_781] {strides = array<i32>} : memref<16x16xi32, #tpu.memory_space<vmem>>, vector<16xi32>,
    %slice3A_783 = vector.extract_strided_slice %get3A_782 {offsets = [0], sizes = [1], strides = [1]} : vector<16xi32> to vector<1xi32>
    %squeeze3A_784 = vector.extract %slice3A_783[0] : i32 from vector<1xi32>
    %add3A_785 = arith.constant 15 : i32
    %add3A_786 = arith.addi %squeeze3A_784, %add3A_785 : i32
    %jit3A_787 = arith.constant 16 : i32
    %div3A_788 = arith.divsi %add3A_786, %jit3A_787 : i32
    %sign3A_789 = arith.constant 0 : i32
    %sign3A_790 = arith.cmpi sgt, %add3A_786, %sign3A_789 : i32
    %sign3A_791 = arith.extui %sign3A_790 : i1 to i32
    %sign3A_792 = arith.constant 0 : i32
    %sign3A_793 = arith.cmpi slt, %add3A_786, %sign3A_792 : i32
    %sign3A_794 = arith.extui %sign3A_793 : i1 to i32
    %sign3A_795 = arith.subi %sign3A_791, %sign3A_794 : i32
    %sign3A_796 = arith.constant 0 : i32
    %sign3A_797 = arith.cmpi sgt, %jit3A_787, %sign3A_796 : i32
    %sign3A_798 = arith.extui %sign3A_797 : i1 to i32
    %sign3A_799 = arith.constant 0 : i32
    %sign3A_800 = arith.cmpi slt, %jit3A_787, %sign3A_799 : i32
    %sign3A_801 = arith.extui %sign3A_800 : i1 to i32
    %sign3A_802 = arith.subi %sign3A_798, %sign3A_801 : i32
    %ne3A_803 = arith.cmpi ne, %sign3A_795, %sign3A_802 : i32
    %rem3A_804 = arith.remsi %add3A_786, %jit3A_787 : i32
    %ne3A_805 = arith.constant 0 : i32
    %ne3A_806 = arith.cmpi ne, %rem3A_804, %ne3A_805 : i32
    %and3A_807 = arith.andi %ne3A_803, %ne3A_806 : i1
    %sub3A_808 = arith.constant 1 : i32
    %sub3A_809 = arith.subi %div3A_788, %sub3A_808 : i32
    %select_n3A_810 = arith.select %and3A_807, %sub3A_809, %div3A_788 : i32
    %mul3A_811 = arith.constant 16 : i32
    %mul3A_812 = arith.muli %select_n3A_810, %mul3A_811 : i32
    %lt3A_813 = arith.constant 15 : i32
    %lt3A_814 = arith.cmpi slt, %lt3A_813, %arg1 : i32
    %jit3A_815 = arith.constant 0 : i32
    %select_n3A_816 = arith.select %lt3A_814, %mul3A_812, %jit3A_815 : i32
    %add3A_817 = arith.addi %add3A_777, %select_n3A_816 : i32
    %add3A_818 = arith.addi %add3A_778, %mul3A_812 : i32
    %eq3A = arith.constant 0 : i32
    %eq3A_819 = arith.cmpi eq, %arg1, %eq3A : i32
    %convert_element_type3A = arith.extui %eq3A_819 : i1 to i32
    %cond3A = arith.constant 0 : i32
    %cond3A_820 = arith.cmpi ne, %convert_element_type3A, %cond3A : i32
    scf.if %cond3A_820 {
      %broadcast_in_dim3A_1472 = vector.broadcast %add3A_818 : i32 to vector<16xi32>
      %swap3A_1473 = arith.constant 0 : index
      %swap3A_1474 = tpu.vector_load %arg14[%swap3A_1473] {strides = array<i32>} : memref<16xi32, #tpu.memory_space<vmem>>, vector<16xi32>,
      tpu.vector_store %arg14[%swap3A_1473], %broadcast_in_dim3A_1472 {strides = array<i32>} : memref<16xi32, #tpu.memory_space<vmem>>, vector<16xi32>,
      %mul3A_1475 = arith.constant 16 : i32
      %mul3A_1476 = arith.muli %arg0, %mul3A_1475 : i32
      %multiple_of3A_1477 = tpu.assume_multiple %mul3A_1476, 16 : i32
      "tpu.region"() ({
        %run_scoped3A = tpu.sem_alloc : memref<!tpu.dma_semaphore, #tpu.memory_space<semaphore_mem>>
        %dma_start3A = tpu.memref_slice %arg7[%multiple_of3A_1477] : memref<32xi32, #tpu.memory_space<hbm>> -> memref<16xi32, #tpu.memory_space<hbm>>
        %dma_start3A_1478 = tpu.memref_slice %arg7[%multiple_of3A_1477] : memref<32xi32, #tpu.memory_space<hbm>> -> memref<16xi32, #tpu.memory_space<hbm>>
        tpu.enqueue_dma source(%arg14 : memref<16xi32, #tpu.memory_space<vmem>>) target(%dma_start3A_1478 : memref<16xi32, #tpu.memory_space<hbm>>) target_semaphore(%run_scoped3A : memref<!tpu.dma_semaphore, #tpu.memory_space<semaphore_mem>>)
        %dma_wait3A = tpu.memref_slice %arg7[%multiple_of3A_1477] : memref<32xi32, #tpu.memory_space<hbm>> -> memref<16xi32, #tpu.memory_space<hbm>>
        %dma_wait3A_1479 = tpu.memref_slice %arg7[%multiple_of3A_1477] : memref<32xi32, #tpu.memory_space<hbm>> -> memref<16xi32, #tpu.memory_space<hbm>>
        tpu.wait_dma2 semaphore(%run_scoped3A : memref<!tpu.dma_semaphore, #tpu.memory_space<semaphore_mem>>) src(%arg14 : memref<16xi32, #tpu.memory_space<vmem>>) dst(%dma_wait3A_1479 : memref<16xi32, #tpu.memory_space<hbm>>)
        tpu.yield
      }) : () -> ()
    } else {
    }
    %iota3A = tpu.iota {dimensions = array<i32: 0>} : vector<16xi32>
    %get3A_821 = arith.constant 0 : index
    %get3A_822 = tpu.vector_load %arg8[%get3A_821] {strides = array<i32>} : memref<256xf32, #tpu.memory_space<vmem>>, vector<16xf32>,
    %gt3A_823 = arith.constant 0.000000e+00 : f32
    %gt3A_824 = vector.broadcast %gt3A_823 : f32 to vector<16xf32>
    %gt3A_825 = arith.cmpf ogt, %get3A_822, %gt3A_824 : vector<16xf32>
    %add3A_826 = arith.constant 0 : i32
    %add3A_827 = arith.addi %mul3A_0, %add3A_826 : i32
    %add3A_828 = vector.broadcast %add3A_827 : i32 to vector<16xi32>
    %add3A_829 = arith.addi %add3A_828, %iota3A : vector<16xi32>
    %swap3A_830 = arith.constant 0 : i32
    %swap3A_831 = arith.index_cast %swap3A_830 : i32 to index
    %swap3A_832 = tpu.vector_load %arg9[%swap3A_831] masked %gt3A_825 {strides = array<i32>} : memref<272xi32, #tpu.memory_space<vmem>>, vector<16xi32>, vector<16xi1>
    tpu.vector_store %arg9[%swap3A_831], %add3A_829 masked %gt3A_825 {strides = array<i32>} : memref<272xi32, #tpu.memory_space<vmem>>, vector<16xi32>, vector<16xi1>
    %swap3A_833 = arith.constant 0 : i32
    %swap3A_834 = arith.index_cast %swap3A_833 : i32 to index
    %swap3A_835 = tpu.vector_load %arg10[%swap3A_834] masked %gt3A_825 {strides = array<i32>} : memref<272xf32, #tpu.memory_space<vmem>>, vector<16xf32>, vector<16xi1>
    tpu.vector_store %arg10[%swap3A_834], %get3A_822 masked %gt3A_825 {strides = array<i32>} : memref<272xf32, #tpu.memory_space<vmem>>, vector<16xf32>, vector<16xi1>
    %all_reduce_population_count3A_836 = tpu.all_reduce %gt3A_825 {dim = 0 : i64, kind = #tpu.reduction_kind<sum>} : vector<16xi1> -> vector<16xi32>
    %swap3A_837 = arith.constant 0 : index
    %swap3A_838 = tpu.vector_load %arg14[%swap3A_837] {strides = array<i32>} : memref<16xi32, #tpu.memory_space<vmem>>, vector<16xi32>,
    tpu.vector_store %arg14[%swap3A_837], %all_reduce_population_count3A_836 {strides = array<i32>} : memref<16xi32, #tpu.memory_space<vmem>>, vector<16xi32>,
    %get3A_839 = arith.constant 0 : index
    %get3A_840 = tpu.vector_load %arg14[%get3A_839] {strides = array<i32>} : memref<16xi32, #tpu.memory_space<vmem>>, vector<16xi32>,
    %slice3A_841 = vector.extract_strided_slice %get3A_840 {offsets = [0], sizes = [1], strides = [1]} : vector<16xi32> to vector<1xi32>
    %squeeze3A_842 = vector.extract %slice3A_841[0] : i32 from vector<1xi32>
    %add3A_843 = arith.constant 0 : i32
    %add3A_844 = arith.addi %add3A_843, %squeeze3A_842 : i32
    %get3A_845 = arith.constant 16 : index
    %get3A_846 = tpu.vector_load %arg8[%get3A_845] {strides = array<i32>} : memref<256xf32, #tpu.memory_space<vmem>>, vector<16xf32>,
    %gt3A_847 = arith.constant 0.000000e+00 : f32
    %gt3A_848 = vector.broadcast %gt3A_847 : f32 to vector<16xf32>
    %gt3A_849 = arith.cmpf ogt, %get3A_846, %gt3A_848 : vector<16xf32>
    %add3A_850 = arith.constant 16 : i32
    %add3A_851 = arith.addi %mul3A_0, %add3A_850 : i32
    %add3A_852 = vector.broadcast %add3A_851 : i32 to vector<16xi32>
    %add3A_853 = arith.addi %add3A_852, %iota3A : vector<16xi32>
    %swap3A_854 = arith.index_cast %add3A_844 : i32 to index
    %swap3A_855 = tpu.vector_load %arg9[%swap3A_854] masked %gt3A_849 {strides = array<i32>} : memref<272xi32, #tpu.memory_space<vmem>>, vector<16xi32>, vector<16xi1>
    tpu.vector_store %arg9[%swap3A_854], %add3A_853 masked %gt3A_849 {strides = array<i32>} : memref<272xi32, #tpu.memory_space<vmem>>, vector<16xi32>, vector<16xi1>
    %swap3A_856 = arith.index_cast %add3A_844 : i32 to index
    %swap3A_857 = tpu.vector_load %arg10[%swap3A_856] masked %gt3A_849 {strides = array<i32>} : memref<272xf32, #tpu.memory_space<vmem>>, vector<16xf32>, vector<16xi1>
    tpu.vector_store %arg10[%swap3A_856], %get3A_846 masked %gt3A_849 {strides = array<i32>} : memref<272xf32, #tpu.memory_space<vmem>>, vector<16xf32>, vector<16xi1>
    %all_reduce_population_count3A_858 = tpu.all_reduce %gt3A_849 {dim = 0 : i64, kind = #tpu.reduction_kind<sum>} : vector<16xi1> -> vector<16xi32>
    %swap3A_859 = arith.constant 0 : index
    %swap3A_860 = tpu.vector_load %arg14[%swap3A_859] {strides = array<i32>} : memref<16xi32, #tpu.memory_space<vmem>>, vector<16xi32>,
    tpu.vector_store %arg14[%swap3A_859], %all_reduce_population_count3A_858 {strides = array<i32>} : memref<16xi32, #tpu.memory_space<vmem>>, vector<16xi32>,
    %get3A_861 = arith.constant 0 : index
    %get3A_862 = tpu.vector_load %arg14[%get3A_861] {strides = array<i32>} : memref<16xi32, #tpu.memory_space<vmem>>, vector<16xi32>,
    %slice3A_863 = vector.extract_strided_slice %get3A_862 {offsets = [0], sizes = [1], strides = [1]} : vector<16xi32> to vector<1xi32>
    %squeeze3A_864 = vector.extract %slice3A_863[0] : i32 from vector<1xi32>
    %add3A_865 = arith.addi %add3A_844, %squeeze3A_864 : i32
    %get3A_866 = arith.constant 32 : index
    %get3A_867 = tpu.vector_load %arg8[%get3A_866] {strides = array<i32>} : memref<256xf32, #tpu.memory_space<vmem>>, vector<16xf32>,
    %gt3A_868 = arith.constant 0.000000e+00 : f32
    %gt3A_869 = vector.broadcast %gt3A_868 : f32 to vector<16xf32>
    %gt3A_870 = arith.cmpf ogt, %get3A_867, %gt3A_869 : vector<16xf32>
    %add3A_871 = arith.constant 32 : i32
    %add3A_872 = arith.addi %mul3A_0, %add3A_871 : i32
    %add3A_873 = vector.broadcast %add3A_872 : i32 to vector<16xi32>
    %add3A_874 = arith.addi %add3A_873, %iota3A : vector<16xi32>
    %swap3A_875 = arith.index_cast %add3A_865 : i32 to index
    %swap3A_876 = tpu.vector_load %arg9[%swap3A_875] masked %gt3A_870 {strides = array<i32>} : memref<272xi32, #tpu.memory_space<vmem>>, vector<16xi32>, vector<16xi1>
    tpu.vector_store %arg9[%swap3A_875], %add3A_874 masked %gt3A_870 {strides = array<i32>} : memref<272xi32, #tpu.memory_space<vmem>>, vector<16xi32>, vector<16xi1>
    %swap3A_877 = arith.index_cast %add3A_865 : i32 to index
    %swap3A_878 = tpu.vector_load %arg10[%swap3A_877] masked %gt3A_870 {strides = array<i32>} : memref<272xf32, #tpu.memory_space<vmem>>, vector<16xf32>, vector<16xi1>
    tpu.vector_store %arg10[%swap3A_877], %get3A_867 masked %gt3A_870 {strides = array<i32>} : memref<272xf32, #tpu.memory_space<vmem>>, vector<16xf32>, vector<16xi1>
    %all_reduce_population_count3A_879 = tpu.all_reduce %gt3A_870 {dim = 0 : i64, kind = #tpu.reduction_kind<sum>} : vector<16xi1> -> vector<16xi32>
    %swap3A_880 = arith.constant 0 : index
    %swap3A_881 = tpu.vector_load %arg14[%swap3A_880] {strides = array<i32>} : memref<16xi32, #tpu.memory_space<vmem>>, vector<16xi32>,
    tpu.vector_store %arg14[%swap3A_880], %all_reduce_population_count3A_879 {strides = array<i32>} : memref<16xi32, #tpu.memory_space<vmem>>, vector<16xi32>,
    %get3A_882 = arith.constant 0 : index
    %get3A_883 = tpu.vector_load %arg14[%get3A_882] {strides = array<i32>} : memref<16xi32, #tpu.memory_space<vmem>>, vector<16xi32>,
    %slice3A_884 = vector.extract_strided_slice %get3A_883 {offsets = [0], sizes = [1], strides = [1]} : vector<16xi32> to vector<1xi32>
    %squeeze3A_885 = vector.extract %slice3A_884[0] : i32 from vector<1xi32>
    %add3A_886 = arith.addi %add3A_865, %squeeze3A_885 : i32
    %get3A_887 = arith.constant 48 : index
    %get3A_888 = tpu.vector_load %arg8[%get3A_887] {strides = array<i32>} : memref<256xf32, #tpu.memory_space<vmem>>, vector<16xf32>,
    %gt3A_889 = arith.constant 0.000000e+00 : f32
    %gt3A_890 = vector.broadcast %gt3A_889 : f32 to vector<16xf32>
    %gt3A_891 = arith.cmpf ogt, %get3A_888, %gt3A_890 : vector<16xf32>
    %add3A_892 = arith.constant 48 : i32
    %add3A_893 = arith.addi %mul3A_0, %add3A_892 : i32
    %add3A_894 = vector.broadcast %add3A_893 : i32 to vector<16xi32>
    %add3A_895 = arith.addi %add3A_894, %iota3A : vector<16xi32>
    %swap3A_896 = arith.index_cast %add3A_886 : i32 to index
    %swap3A_897 = tpu.vector_load %arg9[%swap3A_896] masked %gt3A_891 {strides = array<i32>} : memref<272xi32, #tpu.memory_space<vmem>>, vector<16xi32>, vector<16xi1>
    tpu.vector_store %arg9[%swap3A_896], %add3A_895 masked %gt3A_891 {strides = array<i32>} : memref<272xi32, #tpu.memory_space<vmem>>, vector<16xi32>, vector<16xi1>
    %swap3A_898 = arith.index_cast %add3A_886 : i32 to index
    %swap3A_899 = tpu.vector_load %arg10[%swap3A_898] masked %gt3A_891 {strides = array<i32>} : memref<272xf32, #tpu.memory_space<vmem>>, vector<16xf32>, vector<16xi1>
    tpu.vector_store %arg10[%swap3A_898], %get3A_888 masked %gt3A_891 {strides = array<i32>} : memref<272xf32, #tpu.memory_space<vmem>>, vector<16xf32>, vector<16xi1>
    %all_reduce_population_count3A_900 = tpu.all_reduce %gt3A_891 {dim = 0 : i64, kind = #tpu.reduction_kind<sum>} : vector<16xi1> -> vector<16xi32>
    %swap3A_901 = arith.constant 0 : index
    %swap3A_902 = tpu.vector_load %arg14[%swap3A_901] {strides = array<i32>} : memref<16xi32, #tpu.memory_space<vmem>>, vector<16xi32>,
    tpu.vector_store %arg14[%swap3A_901], %all_reduce_population_count3A_900 {strides = array<i32>} : memref<16xi32, #tpu.memory_space<vmem>>, vector<16xi32>,
    %get3A_903 = arith.constant 0 : index
    %get3A_904 = tpu.vector_load %arg14[%get3A_903] {strides = array<i32>} : memref<16xi32, #tpu.memory_space<vmem>>, vector<16xi32>,
    %slice3A_905 = vector.extract_strided_slice %get3A_904 {offsets = [0], sizes = [1], strides = [1]} : vector<16xi32> to vector<1xi32>
    %squeeze3A_906 = vector.extract %slice3A_905[0] : i32 from vector<1xi32>
    %add3A_907 = arith.addi %add3A_886, %squeeze3A_906 : i32
    %get3A_908 = arith.constant 64 : index
    %get3A_909 = tpu.vector_load %arg8[%get3A_908] {strides = array<i32>} : memref<256xf32, #tpu.memory_space<vmem>>, vector<16xf32>,
    %gt3A_910 = arith.constant 0.000000e+00 : f32
    %gt3A_911 = vector.broadcast %gt3A_910 : f32 to vector<16xf32>
    %gt3A_912 = arith.cmpf ogt, %get3A_909, %gt3A_911 : vector<16xf32>
    %add3A_913 = arith.constant 64 : i32
    %add3A_914 = arith.addi %mul3A_0, %add3A_913 : i32
    %add3A_915 = vector.broadcast %add3A_914 : i32 to vector<16xi32>
    %add3A_916 = arith.addi %add3A_915, %iota3A : vector<16xi32>
    %swap3A_917 = arith.index_cast %add3A_907 : i32 to index
    %swap3A_918 = tpu.vector_load %arg9[%swap3A_917] masked %gt3A_912 {strides = array<i32>} : memref<272xi32, #tpu.memory_space<vmem>>, vector<16xi32>, vector<16xi1>
    tpu.vector_store %arg9[%swap3A_917], %add3A_916 masked %gt3A_912 {strides = array<i32>} : memref<272xi32, #tpu.memory_space<vmem>>, vector<16xi32>, vector<16xi1>
    %swap3A_919 = arith.index_cast %add3A_907 : i32 to index
    %swap3A_920 = tpu.vector_load %arg10[%swap3A_919] masked %gt3A_912 {strides = array<i32>} : memref<272xf32, #tpu.memory_space<vmem>>, vector<16xf32>, vector<16xi1>
    tpu.vector_store %arg10[%swap3A_919], %get3A_909 masked %gt3A_912 {strides = array<i32>} : memref<272xf32, #tpu.memory_space<vmem>>, vector<16xf32>, vector<16xi1>
    %all_reduce_population_count3A_921 = tpu.all_reduce %gt3A_912 {dim = 0 : i64, kind = #tpu.reduction_kind<sum>} : vector<16xi1> -> vector<16xi32>
    %swap3A_922 = arith.constant 0 : index
    %swap3A_923 = tpu.vector_load %arg14[%swap3A_922] {strides = array<i32>} : memref<16xi32, #tpu.memory_space<vmem>>, vector<16xi32>,
    tpu.vector_store %arg14[%swap3A_922], %all_reduce_population_count3A_921 {strides = array<i32>} : memref<16xi32, #tpu.memory_space<vmem>>, vector<16xi32>,
    %get3A_924 = arith.constant 0 : index
    %get3A_925 = tpu.vector_load %arg14[%get3A_924] {strides = array<i32>} : memref<16xi32, #tpu.memory_space<vmem>>, vector<16xi32>,
    %slice3A_926 = vector.extract_strided_slice %get3A_925 {offsets = [0], sizes = [1], strides = [1]} : vector<16xi32> to vector<1xi32>
    %squeeze3A_927 = vector.extract %slice3A_926[0] : i32 from vector<1xi32>
    %add3A_928 = arith.addi %add3A_907, %squeeze3A_927 : i32
    %get3A_929 = arith.constant 80 : index
    %get3A_930 = tpu.vector_load %arg8[%get3A_929] {strides = array<i32>} : memref<256xf32, #tpu.memory_space<vmem>>, vector<16xf32>,
    %gt3A_931 = arith.constant 0.000000e+00 : f32
    %gt3A_932 = vector.broadcast %gt3A_931 : f32 to vector<16xf32>
    %gt3A_933 = arith.cmpf ogt, %get3A_930, %gt3A_932 : vector<16xf32>
    %add3A_934 = arith.constant 80 : i32
    %add3A_935 = arith.addi %mul3A_0, %add3A_934 : i32
    %add3A_936 = vector.broadcast %add3A_935 : i32 to vector<16xi32>
    %add3A_937 = arith.addi %add3A_936, %iota3A : vector<16xi32>
    %swap3A_938 = arith.index_cast %add3A_928 : i32 to index
    %swap3A_939 = tpu.vector_load %arg9[%swap3A_938] masked %gt3A_933 {strides = array<i32>} : memref<272xi32, #tpu.memory_space<vmem>>, vector<16xi32>, vector<16xi1>
    tpu.vector_store %arg9[%swap3A_938], %add3A_937 masked %gt3A_933 {strides = array<i32>} : memref<272xi32, #tpu.memory_space<vmem>>, vector<16xi32>, vector<16xi1>
    %swap3A_940 = arith.index_cast %add3A_928 : i32 to index
    %swap3A_941 = tpu.vector_load %arg10[%swap3A_940] masked %gt3A_933 {strides = array<i32>} : memref<272xf32, #tpu.memory_space<vmem>>, vector<16xf32>, vector<16xi1>
    tpu.vector_store %arg10[%swap3A_940], %get3A_930 masked %gt3A_933 {strides = array<i32>} : memref<272xf32, #tpu.memory_space<vmem>>, vector<16xf32>, vector<16xi1>
    %all_reduce_population_count3A_942 = tpu.all_reduce %gt3A_933 {dim = 0 : i64, kind = #tpu.reduction_kind<sum>} : vector<16xi1> -> vector<16xi32>
    %swap3A_943 = arith.constant 0 : index
    %swap3A_944 = tpu.vector_load %arg14[%swap3A_943] {strides = array<i32>} : memref<16xi32, #tpu.memory_space<vmem>>, vector<16xi32>,
    tpu.vector_store %arg14[%swap3A_943], %all_reduce_population_count3A_942 {strides = array<i32>} : memref<16xi32, #tpu.memory_space<vmem>>, vector<16xi32>,
    %get3A_945 = arith.constant 0 : index
    %get3A_946 = tpu.vector_load %arg14[%get3A_945] {strides = array<i32>} : memref<16xi32, #tpu.memory_space<vmem>>, vector<16xi32>,
    %slice3A_947 = vector.extract_strided_slice %get3A_946 {offsets = [0], sizes = [1], strides = [1]} : vector<16xi32> to vector<1xi32>
    %squeeze3A_948 = vector.extract %slice3A_947[0] : i32 from vector<1xi32>
    %add3A_949 = arith.addi %add3A_928, %squeeze3A_948 : i32
    %get3A_950 = arith.constant 96 : index
    %get3A_951 = tpu.vector_load %arg8[%get3A_950] {strides = array<i32>} : memref<256xf32, #tpu.memory_space<vmem>>, vector<16xf32>,
    %gt3A_952 = arith.constant 0.000000e+00 : f32
    %gt3A_953 = vector.broadcast %gt3A_952 : f32 to vector<16xf32>
    %gt3A_954 = arith.cmpf ogt, %get3A_951, %gt3A_953 : vector<16xf32>
    %add3A_955 = arith.constant 96 : i32
    %add3A_956 = arith.addi %mul3A_0, %add3A_955 : i32
    %add3A_957 = vector.broadcast %add3A_956 : i32 to vector<16xi32>
    %add3A_958 = arith.addi %add3A_957, %iota3A : vector<16xi32>
    %swap3A_959 = arith.index_cast %add3A_949 : i32 to index
    %swap3A_960 = tpu.vector_load %arg9[%swap3A_959] masked %gt3A_954 {strides = array<i32>} : memref<272xi32, #tpu.memory_space<vmem>>, vector<16xi32>, vector<16xi1>
    tpu.vector_store %arg9[%swap3A_959], %add3A_958 masked %gt3A_954 {strides = array<i32>} : memref<272xi32, #tpu.memory_space<vmem>>, vector<16xi32>, vector<16xi1>
    %swap3A_961 = arith.index_cast %add3A_949 : i32 to index
    %swap3A_962 = tpu.vector_load %arg10[%swap3A_961] masked %gt3A_954 {strides = array<i32>} : memref<272xf32, #tpu.memory_space<vmem>>, vector<16xf32>, vector<16xi1>
    tpu.vector_store %arg10[%swap3A_961], %get3A_951 masked %gt3A_954 {strides = array<i32>} : memref<272xf32, #tpu.memory_space<vmem>>, vector<16xf32>, vector<16xi1>
    %all_reduce_population_count3A_963 = tpu.all_reduce %gt3A_954 {dim = 0 : i64, kind = #tpu.reduction_kind<sum>} : vector<16xi1> -> vector<16xi32>
    %swap3A_964 = arith.constant 0 : index
    %swap3A_965 = tpu.vector_load %arg14[%swap3A_964] {strides = array<i32>} : memref<16xi32, #tpu.memory_space<vmem>>, vector<16xi32>,
    tpu.vector_store %arg14[%swap3A_964], %all_reduce_population_count3A_963 {strides = array<i32>} : memref<16xi32, #tpu.memory_space<vmem>>, vector<16xi32>,
    %get3A_966 = arith.constant 0 : index
    %get3A_967 = tpu.vector_load %arg14[%get3A_966] {strides = array<i32>} : memref<16xi32, #tpu.memory_space<vmem>>, vector<16xi32>,
    %slice3A_968 = vector.extract_strided_slice %get3A_967 {offsets = [0], sizes = [1], strides = [1]} : vector<16xi32> to vector<1xi32>
    %squeeze3A_969 = vector.extract %slice3A_968[0] : i32 from vector<1xi32>
    %add3A_970 = arith.addi %add3A_949, %squeeze3A_969 : i32
    %get3A_971 = arith.constant 112 : index
    %get3A_972 = tpu.vector_load %arg8[%get3A_971] {strides = array<i32>} : memref<256xf32, #tpu.memory_space<vmem>>, vector<16xf32>,
    %gt3A_973 = arith.constant 0.000000e+00 : f32
    %gt3A_974 = vector.broadcast %gt3A_973 : f32 to vector<16xf32>
    %gt3A_975 = arith.cmpf ogt, %get3A_972, %gt3A_974 : vector<16xf32>
    %add3A_976 = arith.constant 112 : i32
    %add3A_977 = arith.addi %mul3A_0, %add3A_976 : i32
    %add3A_978 = vector.broadcast %add3A_977 : i32 to vector<16xi32>
    %add3A_979 = arith.addi %add3A_978, %iota3A : vector<16xi32>
    %swap3A_980 = arith.index_cast %add3A_970 : i32 to index
    %swap3A_981 = tpu.vector_load %arg9[%swap3A_980] masked %gt3A_975 {strides = array<i32>} : memref<272xi32, #tpu.memory_space<vmem>>, vector<16xi32>, vector<16xi1>
    tpu.vector_store %arg9[%swap3A_980], %add3A_979 masked %gt3A_975 {strides = array<i32>} : memref<272xi32, #tpu.memory_space<vmem>>, vector<16xi32>, vector<16xi1>
    %swap3A_982 = arith.index_cast %add3A_970 : i32 to index
    %swap3A_983 = tpu.vector_load %arg10[%swap3A_982] masked %gt3A_975 {strides = array<i32>} : memref<272xf32, #tpu.memory_space<vmem>>, vector<16xf32>, vector<16xi1>
    tpu.vector_store %arg10[%swap3A_982], %get3A_972 masked %gt3A_975 {strides = array<i32>} : memref<272xf32, #tpu.memory_space<vmem>>, vector<16xf32>, vector<16xi1>
    %all_reduce_population_count3A_984 = tpu.all_reduce %gt3A_975 {dim = 0 : i64, kind = #tpu.reduction_kind<sum>} : vector<16xi1> -> vector<16xi32>
    %swap3A_985 = arith.constant 0 : index
    %swap3A_986 = tpu.vector_load %arg14[%swap3A_985] {strides = array<i32>} : memref<16xi32, #tpu.memory_space<vmem>>, vector<16xi32>,
    tpu.vector_store %arg14[%swap3A_985], %all_reduce_population_count3A_984 {strides = array<i32>} : memref<16xi32, #tpu.memory_space<vmem>>, vector<16xi32>,
    %get3A_987 = arith.constant 0 : index
    %get3A_988 = tpu.vector_load %arg14[%get3A_987] {strides = array<i32>} : memref<16xi32, #tpu.memory_space<vmem>>, vector<16xi32>,
    %slice3A_989 = vector.extract_strided_slice %get3A_988 {offsets = [0], sizes = [1], strides = [1]} : vector<16xi32> to vector<1xi32>
    %squeeze3A_990 = vector.extract %slice3A_989[0] : i32 from vector<1xi32>
    %add3A_991 = arith.addi %add3A_970, %squeeze3A_990 : i32
    %get3A_992 = arith.constant 128 : index
    %get3A_993 = tpu.vector_load %arg8[%get3A_992] {strides = array<i32>} : memref<256xf32, #tpu.memory_space<vmem>>, vector<16xf32>,
    %gt3A_994 = arith.constant 0.000000e+00 : f32
    %gt3A_995 = vector.broadcast %gt3A_994 : f32 to vector<16xf32>
    %gt3A_996 = arith.cmpf ogt, %get3A_993, %gt3A_995 : vector<16xf32>
    %add3A_997 = arith.constant 128 : i32
    %add3A_998 = arith.addi %mul3A_0, %add3A_997 : i32
    %add3A_999 = vector.broadcast %add3A_998 : i32 to vector<16xi32>
    %add3A_1000 = arith.addi %add3A_999, %iota3A : vector<16xi32>
    %swap3A_1001 = arith.index_cast %add3A_991 : i32 to index
    %swap3A_1002 = tpu.vector_load %arg9[%swap3A_1001] masked %gt3A_996 {strides = array<i32>} : memref<272xi32, #tpu.memory_space<vmem>>, vector<16xi32>, vector<16xi1>
    tpu.vector_store %arg9[%swap3A_1001], %add3A_1000 masked %gt3A_996 {strides = array<i32>} : memref<272xi32, #tpu.memory_space<vmem>>, vector<16xi32>, vector<16xi1>
    %swap3A_1003 = arith.index_cast %add3A_991 : i32 to index
    %swap3A_1004 = tpu.vector_load %arg10[%swap3A_1003] masked %gt3A_996 {strides = array<i32>} : memref<272xf32, #tpu.memory_space<vmem>>, vector<16xf32>, vector<16xi1>
    tpu.vector_store %arg10[%swap3A_1003], %get3A_993 masked %gt3A_996 {strides = array<i32>} : memref<272xf32, #tpu.memory_space<vmem>>, vector<16xf32>, vector<16xi1>
    %all_reduce_population_count3A_1005 = tpu.all_reduce %gt3A_996 {dim = 0 : i64, kind = #tpu.reduction_kind<sum>} : vector<16xi1> -> vector<16xi32>
    %swap3A_1006 = arith.constant 0 : index
    %swap3A_1007 = tpu.vector_load %arg14[%swap3A_1006] {strides = array<i32>} : memref<16xi32, #tpu.memory_space<vmem>>, vector<16xi32>,
    tpu.vector_store %arg14[%swap3A_1006], %all_reduce_population_count3A_1005 {strides = array<i32>} : memref<16xi32, #tpu.memory_space<vmem>>, vector<16xi32>,
    %get3A_1008 = arith.constant 0 : index
    %get3A_1009 = tpu.vector_load %arg14[%get3A_1008] {strides = array<i32>} : memref<16xi32, #tpu.memory_space<vmem>>, vector<16xi32>,
    %slice3A_1010 = vector.extract_strided_slice %get3A_1009 {offsets = [0], sizes = [1], strides = [1]} : vector<16xi32> to vector<1xi32>
    %squeeze3A_1011 = vector.extract %slice3A_1010[0] : i32 from vector<1xi32>
    %add3A_1012 = arith.addi %add3A_991, %squeeze3A_1011 : i32
    %get3A_1013 = arith.constant 144 : index
    %get3A_1014 = tpu.vector_load %arg8[%get3A_1013] {strides = array<i32>} : memref<256xf32, #tpu.memory_space<vmem>>, vector<16xf32>,
    %gt3A_1015 = arith.constant 0.000000e+00 : f32
    %gt3A_1016 = vector.broadcast %gt3A_1015 : f32 to vector<16xf32>
    %gt3A_1017 = arith.cmpf ogt, %get3A_1014, %gt3A_1016 : vector<16xf32>
    %add3A_1018 = arith.constant 144 : i32
    %add3A_1019 = arith.addi %mul3A_0, %add3A_1018 : i32
    %add3A_1020 = vector.broadcast %add3A_1019 : i32 to vector<16xi32>
    %add3A_1021 = arith.addi %add3A_1020, %iota3A : vector<16xi32>
    %swap3A_1022 = arith.index_cast %add3A_1012 : i32 to index
    %swap3A_1023 = tpu.vector_load %arg9[%swap3A_1022] masked %gt3A_1017 {strides = array<i32>} : memref<272xi32, #tpu.memory_space<vmem>>, vector<16xi32>, vector<16xi1>
    tpu.vector_store %arg9[%swap3A_1022], %add3A_1021 masked %gt3A_1017 {strides = array<i32>} : memref<272xi32, #tpu.memory_space<vmem>>, vector<16xi32>, vector<16xi1>
    %swap3A_1024 = arith.index_cast %add3A_1012 : i32 to index
    %swap3A_1025 = tpu.vector_load %arg10[%swap3A_1024] masked %gt3A_1017 {strides = array<i32>} : memref<272xf32, #tpu.memory_space<vmem>>, vector<16xf32>, vector<16xi1>
    tpu.vector_store %arg10[%swap3A_1024], %get3A_1014 masked %gt3A_1017 {strides = array<i32>} : memref<272xf32, #tpu.memory_space<vmem>>, vector<16xf32>, vector<16xi1>
    %all_reduce_population_count3A_1026 = tpu.all_reduce %gt3A_1017 {dim = 0 : i64, kind = #tpu.reduction_kind<sum>} : vector<16xi1> -> vector<16xi32>
    %swap3A_1027 = arith.constant 0 : index
    %swap3A_1028 = tpu.vector_load %arg14[%swap3A_1027] {strides = array<i32>} : memref<16xi32, #tpu.memory_space<vmem>>, vector<16xi32>,
    tpu.vector_store %arg14[%swap3A_1027], %all_reduce_population_count3A_1026 {strides = array<i32>} : memref<16xi32, #tpu.memory_space<vmem>>, vector<16xi32>,
    %get3A_1029 = arith.constant 0 : index
    %get3A_1030 = tpu.vector_load %arg14[%get3A_1029] {strides = array<i32>} : memref<16xi32, #tpu.memory_space<vmem>>, vector<16xi32>,
    %slice3A_1031 = vector.extract_strided_slice %get3A_1030 {offsets = [0], sizes = [1], strides = [1]} : vector<16xi32> to vector<1xi32>
    %squeeze3A_1032 = vector.extract %slice3A_1031[0] : i32 from vector<1xi32>
    %add3A_1033 = arith.addi %add3A_1012, %squeeze3A_1032 : i32
    %get3A_1034 = arith.constant 160 : index
    %get3A_1035 = tpu.vector_load %arg8[%get3A_1034] {strides = array<i32>} : memref<256xf32, #tpu.memory_space<vmem>>, vector<16xf32>,
    %gt3A_1036 = arith.constant 0.000000e+00 : f32
    %gt3A_1037 = vector.broadcast %gt3A_1036 : f32 to vector<16xf32>
    %gt3A_1038 = arith.cmpf ogt, %get3A_1035, %gt3A_1037 : vector<16xf32>
    %add3A_1039 = arith.constant 160 : i32
    %add3A_1040 = arith.addi %mul3A_0, %add3A_1039 : i32
    %add3A_1041 = vector.broadcast %add3A_1040 : i32 to vector<16xi32>
    %add3A_1042 = arith.addi %add3A_1041, %iota3A : vector<16xi32>
    %swap3A_1043 = arith.index_cast %add3A_1033 : i32 to index
    %swap3A_1044 = tpu.vector_load %arg9[%swap3A_1043] masked %gt3A_1038 {strides = array<i32>} : memref<272xi32, #tpu.memory_space<vmem>>, vector<16xi32>, vector<16xi1>
    tpu.vector_store %arg9[%swap3A_1043], %add3A_1042 masked %gt3A_1038 {strides = array<i32>} : memref<272xi32, #tpu.memory_space<vmem>>, vector<16xi32>, vector<16xi1>
    %swap3A_1045 = arith.index_cast %add3A_1033 : i32 to index
    %swap3A_1046 = tpu.vector_load %arg10[%swap3A_1045] masked %gt3A_1038 {strides = array<i32>} : memref<272xf32, #tpu.memory_space<vmem>>, vector<16xf32>, vector<16xi1>
    tpu.vector_store %arg10[%swap3A_1045], %get3A_1035 masked %gt3A_1038 {strides = array<i32>} : memref<272xf32, #tpu.memory_space<vmem>>, vector<16xf32>, vector<16xi1>
    %all_reduce_population_count3A_1047 = tpu.all_reduce %gt3A_1038 {dim = 0 : i64, kind = #tpu.reduction_kind<sum>} : vector<16xi1> -> vector<16xi32>
    %swap3A_1048 = arith.constant 0 : index
    %swap3A_1049 = tpu.vector_load %arg14[%swap3A_1048] {strides = array<i32>} : memref<16xi32, #tpu.memory_space<vmem>>, vector<16xi32>,
    tpu.vector_store %arg14[%swap3A_1048], %all_reduce_population_count3A_1047 {strides = array<i32>} : memref<16xi32, #tpu.memory_space<vmem>>, vector<16xi32>,
    %get3A_1050 = arith.constant 0 : index
    %get3A_1051 = tpu.vector_load %arg14[%get3A_1050] {strides = array<i32>} : memref<16xi32, #tpu.memory_space<vmem>>, vector<16xi32>,
    %slice3A_1052 = vector.extract_strided_slice %get3A_1051 {offsets = [0], sizes = [1], strides = [1]} : vector<16xi32> to vector<1xi32>
    %squeeze3A_1053 = vector.extract %slice3A_1052[0] : i32 from vector<1xi32>
    %add3A_1054 = arith.addi %add3A_1033, %squeeze3A_1053 : i32
    %get3A_1055 = arith.constant 176 : index
    %get3A_1056 = tpu.vector_load %arg8[%get3A_1055] {strides = array<i32>} : memref<256xf32, #tpu.memory_space<vmem>>, vector<16xf32>,
    %gt3A_1057 = arith.constant 0.000000e+00 : f32
    %gt3A_1058 = vector.broadcast %gt3A_1057 : f32 to vector<16xf32>
    %gt3A_1059 = arith.cmpf ogt, %get3A_1056, %gt3A_1058 : vector<16xf32>
    %add3A_1060 = arith.constant 176 : i32
    %add3A_1061 = arith.addi %mul3A_0, %add3A_1060 : i32
    %add3A_1062 = vector.broadcast %add3A_1061 : i32 to vector<16xi32>
    %add3A_1063 = arith.addi %add3A_1062, %iota3A : vector<16xi32>
    %swap3A_1064 = arith.index_cast %add3A_1054 : i32 to index
    %swap3A_1065 = tpu.vector_load %arg9[%swap3A_1064] masked %gt3A_1059 {strides = array<i32>} : memref<272xi32, #tpu.memory_space<vmem>>, vector<16xi32>, vector<16xi1>
    tpu.vector_store %arg9[%swap3A_1064], %add3A_1063 masked %gt3A_1059 {strides = array<i32>} : memref<272xi32, #tpu.memory_space<vmem>>, vector<16xi32>, vector<16xi1>
    %swap3A_1066 = arith.index_cast %add3A_1054 : i32 to index
    %swap3A_1067 = tpu.vector_load %arg10[%swap3A_1066] masked %gt3A_1059 {strides = array<i32>} : memref<272xf32, #tpu.memory_space<vmem>>, vector<16xf32>, vector<16xi1>
    tpu.vector_store %arg10[%swap3A_1066], %get3A_1056 masked %gt3A_1059 {strides = array<i32>} : memref<272xf32, #tpu.memory_space<vmem>>, vector<16xf32>, vector<16xi1>
    %all_reduce_population_count3A_1068 = tpu.all_reduce %gt3A_1059 {dim = 0 : i64, kind = #tpu.reduction_kind<sum>} : vector<16xi1> -> vector<16xi32>
    %swap3A_1069 = arith.constant 0 : index
    %swap3A_1070 = tpu.vector_load %arg14[%swap3A_1069] {strides = array<i32>} : memref<16xi32, #tpu.memory_space<vmem>>, vector<16xi32>,
    tpu.vector_store %arg14[%swap3A_1069], %all_reduce_population_count3A_1068 {strides = array<i32>} : memref<16xi32, #tpu.memory_space<vmem>>, vector<16xi32>,
    %get3A_1071 = arith.constant 0 : index
    %get3A_1072 = tpu.vector_load %arg14[%get3A_1071] {strides = array<i32>} : memref<16xi32, #tpu.memory_space<vmem>>, vector<16xi32>,
    %slice3A_1073 = vector.extract_strided_slice %get3A_1072 {offsets = [0], sizes = [1], strides = [1]} : vector<16xi32> to vector<1xi32>
    %squeeze3A_1074 = vector.extract %slice3A_1073[0] : i32 from vector<1xi32>
    %add3A_1075 = arith.addi %add3A_1054, %squeeze3A_1074 : i32
    %get3A_1076 = arith.constant 192 : index
    %get3A_1077 = tpu.vector_load %arg8[%get3A_1076] {strides = array<i32>} : memref<256xf32, #tpu.memory_space<vmem>>, vector<16xf32>,
    %gt3A_1078 = arith.constant 0.000000e+00 : f32
    %gt3A_1079 = vector.broadcast %gt3A_1078 : f32 to vector<16xf32>
    %gt3A_1080 = arith.cmpf ogt, %get3A_1077, %gt3A_1079 : vector<16xf32>
    %add3A_1081 = arith.constant 192 : i32
    %add3A_1082 = arith.addi %mul3A_0, %add3A_1081 : i32
    %add3A_1083 = vector.broadcast %add3A_1082 : i32 to vector<16xi32>
    %add3A_1084 = arith.addi %add3A_1083, %iota3A : vector<16xi32>
    %swap3A_1085 = arith.index_cast %add3A_1075 : i32 to index
    %swap3A_1086 = tpu.vector_load %arg9[%swap3A_1085] masked %gt3A_1080 {strides = array<i32>} : memref<272xi32, #tpu.memory_space<vmem>>, vector<16xi32>, vector<16xi1>
    tpu.vector_store %arg9[%swap3A_1085], %add3A_1084 masked %gt3A_1080 {strides = array<i32>} : memref<272xi32, #tpu.memory_space<vmem>>, vector<16xi32>, vector<16xi1>
    %swap3A_1087 = arith.index_cast %add3A_1075 : i32 to index
    %swap3A_1088 = tpu.vector_load %arg10[%swap3A_1087] masked %gt3A_1080 {strides = array<i32>} : memref<272xf32, #tpu.memory_space<vmem>>, vector<16xf32>, vector<16xi1>
    tpu.vector_store %arg10[%swap3A_1087], %get3A_1077 masked %gt3A_1080 {strides = array<i32>} : memref<272xf32, #tpu.memory_space<vmem>>, vector<16xf32>, vector<16xi1>
    %all_reduce_population_count3A_1089 = tpu.all_reduce %gt3A_1080 {dim = 0 : i64, kind = #tpu.reduction_kind<sum>} : vector<16xi1> -> vector<16xi32>
    %swap3A_1090 = arith.constant 0 : index
    %swap3A_1091 = tpu.vector_load %arg14[%swap3A_1090] {strides = array<i32>} : memref<16xi32, #tpu.memory_space<vmem>>, vector<16xi32>,
    tpu.vector_store %arg14[%swap3A_1090], %all_reduce_population_count3A_1089 {strides = array<i32>} : memref<16xi32, #tpu.memory_space<vmem>>, vector<16xi32>,
    %get3A_1092 = arith.constant 0 : index
    %get3A_1093 = tpu.vector_load %arg14[%get3A_1092] {strides = array<i32>} : memref<16xi32, #tpu.memory_space<vmem>>, vector<16xi32>,
    %slice3A_1094 = vector.extract_strided_slice %get3A_1093 {offsets = [0], sizes = [1], strides = [1]} : vector<16xi32> to vector<1xi32>
    %squeeze3A_1095 = vector.extract %slice3A_1094[0] : i32 from vector<1xi32>
    %add3A_1096 = arith.addi %add3A_1075, %squeeze3A_1095 : i32
    %get3A_1097 = arith.constant 208 : index
    %get3A_1098 = tpu.vector_load %arg8[%get3A_1097] {strides = array<i32>} : memref<256xf32, #tpu.memory_space<vmem>>, vector<16xf32>,
    %gt3A_1099 = arith.constant 0.000000e+00 : f32
    %gt3A_1100 = vector.broadcast %gt3A_1099 : f32 to vector<16xf32>
    %gt3A_1101 = arith.cmpf ogt, %get3A_1098, %gt3A_1100 : vector<16xf32>
    %add3A_1102 = arith.constant 208 : i32
    %add3A_1103 = arith.addi %mul3A_0, %add3A_1102 : i32
    %add3A_1104 = vector.broadcast %add3A_1103 : i32 to vector<16xi32>
    %add3A_1105 = arith.addi %add3A_1104, %iota3A : vector<16xi32>
    %swap3A_1106 = arith.index_cast %add3A_1096 : i32 to index
    %swap3A_1107 = tpu.vector_load %arg9[%swap3A_1106] masked %gt3A_1101 {strides = array<i32>} : memref<272xi32, #tpu.memory_space<vmem>>, vector<16xi32>, vector<16xi1>
    tpu.vector_store %arg9[%swap3A_1106], %add3A_1105 masked %gt3A_1101 {strides = array<i32>} : memref<272xi32, #tpu.memory_space<vmem>>, vector<16xi32>, vector<16xi1>
    %swap3A_1108 = arith.index_cast %add3A_1096 : i32 to index
    %swap3A_1109 = tpu.vector_load %arg10[%swap3A_1108] masked %gt3A_1101 {strides = array<i32>} : memref<272xf32, #tpu.memory_space<vmem>>, vector<16xf32>, vector<16xi1>
    tpu.vector_store %arg10[%swap3A_1108], %get3A_1098 masked %gt3A_1101 {strides = array<i32>} : memref<272xf32, #tpu.memory_space<vmem>>, vector<16xf32>, vector<16xi1>
    %all_reduce_population_count3A_1110 = tpu.all_reduce %gt3A_1101 {dim = 0 : i64, kind = #tpu.reduction_kind<sum>} : vector<16xi1> -> vector<16xi32>
    %swap3A_1111 = arith.constant 0 : index
    %swap3A_1112 = tpu.vector_load %arg14[%swap3A_1111] {strides = array<i32>} : memref<16xi32, #tpu.memory_space<vmem>>, vector<16xi32>,
    tpu.vector_store %arg14[%swap3A_1111], %all_reduce_population_count3A_1110 {strides = array<i32>} : memref<16xi32, #tpu.memory_space<vmem>>, vector<16xi32>,
    %get3A_1113 = arith.constant 0 : index
    %get3A_1114 = tpu.vector_load %arg14[%get3A_1113] {strides = array<i32>} : memref<16xi32, #tpu.memory_space<vmem>>, vector<16xi32>,
    %slice3A_1115 = vector.extract_strided_slice %get3A_1114 {offsets = [0], sizes = [1], strides = [1]} : vector<16xi32> to vector<1xi32>
    %squeeze3A_1116 = vector.extract %slice3A_1115[0] : i32 from vector<1xi32>
    %add3A_1117 = arith.addi %add3A_1096, %squeeze3A_1116 : i32
    %get3A_1118 = arith.constant 224 : index
    %get3A_1119 = tpu.vector_load %arg8[%get3A_1118] {strides = array<i32>} : memref<256xf32, #tpu.memory_space<vmem>>, vector<16xf32>,
    %gt3A_1120 = arith.constant 0.000000e+00 : f32
    %gt3A_1121 = vector.broadcast %gt3A_1120 : f32 to vector<16xf32>
    %gt3A_1122 = arith.cmpf ogt, %get3A_1119, %gt3A_1121 : vector<16xf32>
    %add3A_1123 = arith.constant 224 : i32
    %add3A_1124 = arith.addi %mul3A_0, %add3A_1123 : i32
    %add3A_1125 = vector.broadcast %add3A_1124 : i32 to vector<16xi32>
    %add3A_1126 = arith.addi %add3A_1125, %iota3A : vector<16xi32>
    %swap3A_1127 = arith.index_cast %add3A_1117 : i32 to index
    %swap3A_1128 = tpu.vector_load %arg9[%swap3A_1127] masked %gt3A_1122 {strides = array<i32>} : memref<272xi32, #tpu.memory_space<vmem>>, vector<16xi32>, vector<16xi1>
    tpu.vector_store %arg9[%swap3A_1127], %add3A_1126 masked %gt3A_1122 {strides = array<i32>} : memref<272xi32, #tpu.memory_space<vmem>>, vector<16xi32>, vector<16xi1>
    %swap3A_1129 = arith.index_cast %add3A_1117 : i32 to index
    %swap3A_1130 = tpu.vector_load %arg10[%swap3A_1129] masked %gt3A_1122 {strides = array<i32>} : memref<272xf32, #tpu.memory_space<vmem>>, vector<16xf32>, vector<16xi1>
    tpu.vector_store %arg10[%swap3A_1129], %get3A_1119 masked %gt3A_1122 {strides = array<i32>} : memref<272xf32, #tpu.memory_space<vmem>>, vector<16xf32>, vector<16xi1>
    %all_reduce_population_count3A_1131 = tpu.all_reduce %gt3A_1122 {dim = 0 : i64, kind = #tpu.reduction_kind<sum>} : vector<16xi1> -> vector<16xi32>
    %swap3A_1132 = arith.constant 0 : index
    %swap3A_1133 = tpu.vector_load %arg14[%swap3A_1132] {strides = array<i32>} : memref<16xi32, #tpu.memory_space<vmem>>, vector<16xi32>,
    tpu.vector_store %arg14[%swap3A_1132], %all_reduce_population_count3A_1131 {strides = array<i32>} : memref<16xi32, #tpu.memory_space<vmem>>, vector<16xi32>,
    %get3A_1134 = arith.constant 0 : index
    %get3A_1135 = tpu.vector_load %arg14[%get3A_1134] {strides = array<i32>} : memref<16xi32, #tpu.memory_space<vmem>>, vector<16xi32>,
    %slice3A_1136 = vector.extract_strided_slice %get3A_1135 {offsets = [0], sizes = [1], strides = [1]} : vector<16xi32> to vector<1xi32>
    %squeeze3A_1137 = vector.extract %slice3A_1136[0] : i32 from vector<1xi32>
    %add3A_1138 = arith.addi %add3A_1117, %squeeze3A_1137 : i32
    %get3A_1139 = arith.constant 240 : index
    %get3A_1140 = tpu.vector_load %arg8[%get3A_1139] {strides = array<i32>} : memref<256xf32, #tpu.memory_space<vmem>>, vector<16xf32>,
    %gt3A_1141 = arith.constant 0.000000e+00 : f32
    %gt3A_1142 = vector.broadcast %gt3A_1141 : f32 to vector<16xf32>
    %gt3A_1143 = arith.cmpf ogt, %get3A_1140, %gt3A_1142 : vector<16xf32>
    %add3A_1144 = arith.constant 240 : i32
    %add3A_1145 = arith.addi %mul3A_0, %add3A_1144 : i32
    %add3A_1146 = vector.broadcast %add3A_1145 : i32 to vector<16xi32>
    %add3A_1147 = arith.addi %add3A_1146, %iota3A : vector<16xi32>
    %swap3A_1148 = arith.index_cast %add3A_1138 : i32 to index
    %swap3A_1149 = tpu.vector_load %arg9[%swap3A_1148] masked %gt3A_1143 {strides = array<i32>} : memref<272xi32, #tpu.memory_space<vmem>>, vector<16xi32>, vector<16xi1>
    tpu.vector_store %arg9[%swap3A_1148], %add3A_1147 masked %gt3A_1143 {strides = array<i32>} : memref<272xi32, #tpu.memory_space<vmem>>, vector<16xi32>, vector<16xi1>
    %swap3A_1150 = arith.index_cast %add3A_1138 : i32 to index
    %swap3A_1151 = tpu.vector_load %arg10[%swap3A_1150] masked %gt3A_1143 {strides = array<i32>} : memref<272xf32, #tpu.memory_space<vmem>>, vector<16xf32>, vector<16xi1>
    tpu.vector_store %arg10[%swap3A_1150], %get3A_1140 masked %gt3A_1143 {strides = array<i32>} : memref<272xf32, #tpu.memory_space<vmem>>, vector<16xf32>, vector<16xi1>
    %all_reduce_population_count3A_1152 = tpu.all_reduce %gt3A_1143 {dim = 0 : i64, kind = #tpu.reduction_kind<sum>} : vector<16xi1> -> vector<16xi32>
    %swap3A_1153 = arith.constant 0 : index
    %swap3A_1154 = tpu.vector_load %arg14[%swap3A_1153] {strides = array<i32>} : memref<16xi32, #tpu.memory_space<vmem>>, vector<16xi32>,
    tpu.vector_store %arg14[%swap3A_1153], %all_reduce_population_count3A_1152 {strides = array<i32>} : memref<16xi32, #tpu.memory_space<vmem>>, vector<16xi32>,
    %get3A_1155 = arith.constant 0 : index
    %get3A_1156 = tpu.vector_load %arg14[%get3A_1155] {strides = array<i32>} : memref<16xi32, #tpu.memory_space<vmem>>, vector<16xi32>,
    %slice3A_1157 = vector.extract_strided_slice %get3A_1156 {offsets = [0], sizes = [1], strides = [1]} : vector<16xi32> to vector<1xi32>
    %squeeze3A_1158 = vector.extract %slice3A_1157[0] : i32 from vector<1xi32>
    %add3A_1159 = arith.addi %add3A_1138, %squeeze3A_1158 : i32
    %broadcast_in_dim3A_1160 = arith.constant 4096 : i32
    %broadcast_in_dim3A_1161 = vector.broadcast %broadcast_in_dim3A_1160 : i32 to vector<16xi32>
    %swap3A_1162 = arith.constant 0 : index
    %swap3A_1163 = tpu.vector_load %arg11[%swap3A_1162] {strides = array<i32>} : memref<256xi32, #tpu.memory_space<vmem>>, vector<16xi32>,
    tpu.vector_store %arg11[%swap3A_1162], %broadcast_in_dim3A_1161 {strides = array<i32>} : memref<256xi32, #tpu.memory_space<vmem>>, vector<16xi32>,
    %swap3A_1164 = arith.constant 16 : index
    %swap3A_1165 = tpu.vector_load %arg11[%swap3A_1164] {strides = array<i32>} : memref<256xi32, #tpu.memory_space<vmem>>, vector<16xi32>,
    tpu.vector_store %arg11[%swap3A_1164], %broadcast_in_dim3A_1161 {strides = array<i32>} : memref<256xi32, #tpu.memory_space<vmem>>, vector<16xi32>,
    %swap3A_1166 = arith.constant 32 : index
    %swap3A_1167 = tpu.vector_load %arg11[%swap3A_1166] {strides = array<i32>} : memref<256xi32, #tpu.memory_space<vmem>>, vector<16xi32>,
    tpu.vector_store %arg11[%swap3A_1166], %broadcast_in_dim3A_1161 {strides = array<i32>} : memref<256xi32, #tpu.memory_space<vmem>>, vector<16xi32>,
    %swap3A_1168 = arith.constant 48 : index
    %swap3A_1169 = tpu.vector_load %arg11[%swap3A_1168] {strides = array<i32>} : memref<256xi32, #tpu.memory_space<vmem>>, vector<16xi32>,
    tpu.vector_store %arg11[%swap3A_1168], %broadcast_in_dim3A_1161 {strides = array<i32>} : memref<256xi32, #tpu.memory_space<vmem>>, vector<16xi32>,
    %swap3A_1170 = arith.constant 64 : index
    %swap3A_1171 = tpu.vector_load %arg11[%swap3A_1170] {strides = array<i32>} : memref<256xi32, #tpu.memory_space<vmem>>, vector<16xi32>,
    tpu.vector_store %arg11[%swap3A_1170], %broadcast_in_dim3A_1161 {strides = array<i32>} : memref<256xi32, #tpu.memory_space<vmem>>, vector<16xi32>,
    %swap3A_1172 = arith.constant 80 : index
    %swap3A_1173 = tpu.vector_load %arg11[%swap3A_1172] {strides = array<i32>} : memref<256xi32, #tpu.memory_space<vmem>>, vector<16xi32>,
    tpu.vector_store %arg11[%swap3A_1172], %broadcast_in_dim3A_1161 {strides = array<i32>} : memref<256xi32, #tpu.memory_space<vmem>>, vector<16xi32>,
    %swap3A_1174 = arith.constant 96 : index
    %swap3A_1175 = tpu.vector_load %arg11[%swap3A_1174] {strides = array<i32>} : memref<256xi32, #tpu.memory_space<vmem>>, vector<16xi32>,
    tpu.vector_store %arg11[%swap3A_1174], %broadcast_in_dim3A_1161 {strides = array<i32>} : memref<256xi32, #tpu.memory_space<vmem>>, vector<16xi32>,
    %swap3A_1176 = arith.constant 112 : index
    %swap3A_1177 = tpu.vector_load %arg11[%swap3A_1176] {strides = array<i32>} : memref<256xi32, #tpu.memory_space<vmem>>, vector<16xi32>,
    tpu.vector_store %arg11[%swap3A_1176], %broadcast_in_dim3A_1161 {strides = array<i32>} : memref<256xi32, #tpu.memory_space<vmem>>, vector<16xi32>,
    %swap3A_1178 = arith.constant 128 : index
    %swap3A_1179 = tpu.vector_load %arg11[%swap3A_1178] {strides = array<i32>} : memref<256xi32, #tpu.memory_space<vmem>>, vector<16xi32>,
    tpu.vector_store %arg11[%swap3A_1178], %broadcast_in_dim3A_1161 {strides = array<i32>} : memref<256xi32, #tpu.memory_space<vmem>>, vector<16xi32>,
    %swap3A_1180 = arith.constant 144 : index
    %swap3A_1181 = tpu.vector_load %arg11[%swap3A_1180] {strides = array<i32>} : memref<256xi32, #tpu.memory_space<vmem>>, vector<16xi32>,
    tpu.vector_store %arg11[%swap3A_1180], %broadcast_in_dim3A_1161 {strides = array<i32>} : memref<256xi32, #tpu.memory_space<vmem>>, vector<16xi32>,
    %swap3A_1182 = arith.constant 160 : index
    %swap3A_1183 = tpu.vector_load %arg11[%swap3A_1182] {strides = array<i32>} : memref<256xi32, #tpu.memory_space<vmem>>, vector<16xi32>,
    tpu.vector_store %arg11[%swap3A_1182], %broadcast_in_dim3A_1161 {strides = array<i32>} : memref<256xi32, #tpu.memory_space<vmem>>, vector<16xi32>,
    %swap3A_1184 = arith.constant 176 : index
    %swap3A_1185 = tpu.vector_load %arg11[%swap3A_1184] {strides = array<i32>} : memref<256xi32, #tpu.memory_space<vmem>>, vector<16xi32>,
    tpu.vector_store %arg11[%swap3A_1184], %broadcast_in_dim3A_1161 {strides = array<i32>} : memref<256xi32, #tpu.memory_space<vmem>>, vector<16xi32>,
    %swap3A_1186 = arith.constant 192 : index
    %swap3A_1187 = tpu.vector_load %arg11[%swap3A_1186] {strides = array<i32>} : memref<256xi32, #tpu.memory_space<vmem>>, vector<16xi32>,
    tpu.vector_store %arg11[%swap3A_1186], %broadcast_in_dim3A_1161 {strides = array<i32>} : memref<256xi32, #tpu.memory_space<vmem>>, vector<16xi32>,
    %swap3A_1188 = arith.constant 208 : index
    %swap3A_1189 = tpu.vector_load %arg11[%swap3A_1188] {strides = array<i32>} : memref<256xi32, #tpu.memory_space<vmem>>, vector<16xi32>,
    tpu.vector_store %arg11[%swap3A_1188], %broadcast_in_dim3A_1161 {strides = array<i32>} : memref<256xi32, #tpu.memory_space<vmem>>, vector<16xi32>,
    %swap3A_1190 = arith.constant 224 : index
    %swap3A_1191 = tpu.vector_load %arg11[%swap3A_1190] {strides = array<i32>} : memref<256xi32, #tpu.memory_space<vmem>>, vector<16xi32>,
    tpu.vector_store %arg11[%swap3A_1190], %broadcast_in_dim3A_1161 {strides = array<i32>} : memref<256xi32, #tpu.memory_space<vmem>>, vector<16xi32>,
    %swap3A_1192 = arith.constant 240 : index
    %swap3A_1193 = tpu.vector_load %arg11[%swap3A_1192] {strides = array<i32>} : memref<256xi32, #tpu.memory_space<vmem>>, vector<16xi32>,
    tpu.vector_store %arg11[%swap3A_1192], %broadcast_in_dim3A_1161 {strides = array<i32>} : memref<256xi32, #tpu.memory_space<vmem>>, vector<16xi32>,
    %get3A_1194 = arith.constant 0 : index
    %get3A_1195 = tpu.vector_load %arg9[%get3A_1194] {strides = array<i32>} : memref<272xi32, #tpu.memory_space<vmem>>, vector<16xi32>,
    %sub3A_1196 = vector.broadcast %mul3A_0 : i32 to vector<16xi32>
    %sub3A_1197 = arith.subi %get3A_1195, %sub3A_1196 : vector<16xi32>
    %add3A_1198 = arith.constant 0 : i32
    %add3A_1199 = vector.broadcast %add3A_1198 : i32 to vector<16xi32>
    %add3A_1200 = arith.addi %iota3A, %add3A_1199 : vector<16xi32>
    %lt3A_1201 = arith.cmpi slt, %add3A_1200, %add3A_183 : vector<16xi32>
    %jit3A_1202 = arith.constant 0 : i32
    %broadcast_in_dim3A_1203 = vector.broadcast %jit3A_1202 : i32 to vector<16xi32>
    %select_n3A_1204 = arith.select %lt3A_1201, %sub3A_1197, %broadcast_in_dim3A_1203 : vector<16xi1>, vector<16xi32>
    %add3A_1205 = arith.constant 0 : i32
    %add3A_1206 = arith.addi %add3A_817, %add3A_1205 : i32
    %add3A_1207 = vector.broadcast %add3A_1206 : i32 to vector<16xi32>
    %add3A_1208 = arith.addi %add3A_1207, %iota3A : vector<16xi32>
    tpu.vector_store_idx %arg11[%select_n3A_1204], %add3A_1208 masked %lt3A_1201 : memref<256xi32, #tpu.memory_space<vmem>>[vector<16xi32>], vector<16xi32>, vector<16xi1>
    %get3A_1209 = arith.constant 16 : index
    %get3A_1210 = tpu.vector_load %arg9[%get3A_1209] {strides = array<i32>} : memref<272xi32, #tpu.memory_space<vmem>>, vector<16xi32>,
    %sub3A_1211 = vector.broadcast %mul3A_0 : i32 to vector<16xi32>
    %sub3A_1212 = arith.subi %get3A_1210, %sub3A_1211 : vector<16xi32>
    %add3A_1213 = arith.constant 16 : i32
    %add3A_1214 = vector.broadcast %add3A_1213 : i32 to vector<16xi32>
    %add3A_1215 = arith.addi %iota3A, %add3A_1214 : vector<16xi32>
    %lt3A_1216 = arith.cmpi slt, %add3A_1215, %add3A_183 : vector<16xi32>
    %jit3A_1217 = arith.constant 0 : i32
    %broadcast_in_dim3A_1218 = vector.broadcast %jit3A_1217 : i32 to vector<16xi32>
    %select_n3A_1219 = arith.select %lt3A_1216, %sub3A_1212, %broadcast_in_dim3A_1218 : vector<16xi1>, vector<16xi32>
    %add3A_1220 = arith.constant 16 : i32
    %add3A_1221 = arith.addi %add3A_817, %add3A_1220 : i32
    %add3A_1222 = vector.broadcast %add3A_1221 : i32 to vector<16xi32>
    %add3A_1223 = arith.addi %add3A_1222, %iota3A : vector<16xi32>
    tpu.vector_store_idx %arg11[%select_n3A_1219], %add3A_1223 masked %lt3A_1216 : memref<256xi32, #tpu.memory_space<vmem>>[vector<16xi32>], vector<16xi32>, vector<16xi1>
    %get3A_1224 = arith.constant 32 : index
    %get3A_1225 = tpu.vector_load %arg9[%get3A_1224] {strides = array<i32>} : memref<272xi32, #tpu.memory_space<vmem>>, vector<16xi32>,
    %sub3A_1226 = vector.broadcast %mul3A_0 : i32 to vector<16xi32>
    %sub3A_1227 = arith.subi %get3A_1225, %sub3A_1226 : vector<16xi32>
    %add3A_1228 = arith.constant 32 : i32
    %add3A_1229 = vector.broadcast %add3A_1228 : i32 to vector<16xi32>
    %add3A_1230 = arith.addi %iota3A, %add3A_1229 : vector<16xi32>
    %lt3A_1231 = arith.cmpi slt, %add3A_1230, %add3A_183 : vector<16xi32>
    %jit3A_1232 = arith.constant 0 : i32
    %broadcast_in_dim3A_1233 = vector.broadcast %jit3A_1232 : i32 to vector<16xi32>
    %select_n3A_1234 = arith.select %lt3A_1231, %sub3A_1227, %broadcast_in_dim3A_1233 : vector<16xi1>, vector<16xi32>
    %add3A_1235 = arith.constant 32 : i32
    %add3A_1236 = arith.addi %add3A_817, %add3A_1235 : i32
    %add3A_1237 = vector.broadcast %add3A_1236 : i32 to vector<16xi32>
    %add3A_1238 = arith.addi %add3A_1237, %iota3A : vector<16xi32>
    tpu.vector_store_idx %arg11[%select_n3A_1234], %add3A_1238 masked %lt3A_1231 : memref<256xi32, #tpu.memory_space<vmem>>[vector<16xi32>], vector<16xi32>, vector<16xi1>
    %get3A_1239 = arith.constant 48 : index
    %get3A_1240 = tpu.vector_load %arg9[%get3A_1239] {strides = array<i32>} : memref<272xi32, #tpu.memory_space<vmem>>, vector<16xi32>,
    %sub3A_1241 = vector.broadcast %mul3A_0 : i32 to vector<16xi32>
    %sub3A_1242 = arith.subi %get3A_1240, %sub3A_1241 : vector<16xi32>
    %add3A_1243 = arith.constant 48 : i32
    %add3A_1244 = vector.broadcast %add3A_1243 : i32 to vector<16xi32>
    %add3A_1245 = arith.addi %iota3A, %add3A_1244 : vector<16xi32>
    %lt3A_1246 = arith.cmpi slt, %add3A_1245, %add3A_183 : vector<16xi32>
    %jit3A_1247 = arith.constant 0 : i32
    %broadcast_in_dim3A_1248 = vector.broadcast %jit3A_1247 : i32 to vector<16xi32>
    %select_n3A_1249 = arith.select %lt3A_1246, %sub3A_1242, %broadcast_in_dim3A_1248 : vector<16xi1>, vector<16xi32>
    %add3A_1250 = arith.constant 48 : i32
    %add3A_1251 = arith.addi %add3A_817, %add3A_1250 : i32
    %add3A_1252 = vector.broadcast %add3A_1251 : i32 to vector<16xi32>
    %add3A_1253 = arith.addi %add3A_1252, %iota3A : vector<16xi32>
    tpu.vector_store_idx %arg11[%select_n3A_1249], %add3A_1253 masked %lt3A_1246 : memref<256xi32, #tpu.memory_space<vmem>>[vector<16xi32>], vector<16xi32>, vector<16xi1>
    %get3A_1254 = arith.constant 64 : index
    %get3A_1255 = tpu.vector_load %arg9[%get3A_1254] {strides = array<i32>} : memref<272xi32, #tpu.memory_space<vmem>>, vector<16xi32>,
    %sub3A_1256 = vector.broadcast %mul3A_0 : i32 to vector<16xi32>
    %sub3A_1257 = arith.subi %get3A_1255, %sub3A_1256 : vector<16xi32>
    %add3A_1258 = arith.constant 64 : i32
    %add3A_1259 = vector.broadcast %add3A_1258 : i32 to vector<16xi32>
    %add3A_1260 = arith.addi %iota3A, %add3A_1259 : vector<16xi32>
    %lt3A_1261 = arith.cmpi slt, %add3A_1260, %add3A_183 : vector<16xi32>
    %jit3A_1262 = arith.constant 0 : i32
    %broadcast_in_dim3A_1263 = vector.broadcast %jit3A_1262 : i32 to vector<16xi32>
    %select_n3A_1264 = arith.select %lt3A_1261, %sub3A_1257, %broadcast_in_dim3A_1263 : vector<16xi1>, vector<16xi32>
    %add3A_1265 = arith.constant 64 : i32
    %add3A_1266 = arith.addi %add3A_817, %add3A_1265 : i32
    %add3A_1267 = vector.broadcast %add3A_1266 : i32 to vector<16xi32>
    %add3A_1268 = arith.addi %add3A_1267, %iota3A : vector<16xi32>
    tpu.vector_store_idx %arg11[%select_n3A_1264], %add3A_1268 masked %lt3A_1261 : memref<256xi32, #tpu.memory_space<vmem>>[vector<16xi32>], vector<16xi32>, vector<16xi1>
    %get3A_1269 = arith.constant 80 : index
    %get3A_1270 = tpu.vector_load %arg9[%get3A_1269] {strides = array<i32>} : memref<272xi32, #tpu.memory_space<vmem>>, vector<16xi32>,
    %sub3A_1271 = vector.broadcast %mul3A_0 : i32 to vector<16xi32>
    %sub3A_1272 = arith.subi %get3A_1270, %sub3A_1271 : vector<16xi32>
    %add3A_1273 = arith.constant 80 : i32
    %add3A_1274 = vector.broadcast %add3A_1273 : i32 to vector<16xi32>
    %add3A_1275 = arith.addi %iota3A, %add3A_1274 : vector<16xi32>
    %lt3A_1276 = arith.cmpi slt, %add3A_1275, %add3A_183 : vector<16xi32>
    %jit3A_1277 = arith.constant 0 : i32
    %broadcast_in_dim3A_1278 = vector.broadcast %jit3A_1277 : i32 to vector<16xi32>
    %select_n3A_1279 = arith.select %lt3A_1276, %sub3A_1272, %broadcast_in_dim3A_1278 : vector<16xi1>, vector<16xi32>
    %add3A_1280 = arith.constant 80 : i32
    %add3A_1281 = arith.addi %add3A_817, %add3A_1280 : i32
    %add3A_1282 = vector.broadcast %add3A_1281 : i32 to vector<16xi32>
    %add3A_1283 = arith.addi %add3A_1282, %iota3A : vector<16xi32>
    tpu.vector_store_idx %arg11[%select_n3A_1279], %add3A_1283 masked %lt3A_1276 : memref<256xi32, #tpu.memory_space<vmem>>[vector<16xi32>], vector<16xi32>, vector<16xi1>
    %get3A_1284 = arith.constant 96 : index
    %get3A_1285 = tpu.vector_load %arg9[%get3A_1284] {strides = array<i32>} : memref<272xi32, #tpu.memory_space<vmem>>, vector<16xi32>,
    %sub3A_1286 = vector.broadcast %mul3A_0 : i32 to vector<16xi32>
    %sub3A_1287 = arith.subi %get3A_1285, %sub3A_1286 : vector<16xi32>
    %add3A_1288 = arith.constant 96 : i32
    %add3A_1289 = vector.broadcast %add3A_1288 : i32 to vector<16xi32>
    %add3A_1290 = arith.addi %iota3A, %add3A_1289 : vector<16xi32>
    %lt3A_1291 = arith.cmpi slt, %add3A_1290, %add3A_183 : vector<16xi32>
    %jit3A_1292 = arith.constant 0 : i32
    %broadcast_in_dim3A_1293 = vector.broadcast %jit3A_1292 : i32 to vector<16xi32>
    %select_n3A_1294 = arith.select %lt3A_1291, %sub3A_1287, %broadcast_in_dim3A_1293 : vector<16xi1>, vector<16xi32>
    %add3A_1295 = arith.constant 96 : i32
    %add3A_1296 = arith.addi %add3A_817, %add3A_1295 : i32
    %add3A_1297 = vector.broadcast %add3A_1296 : i32 to vector<16xi32>
    %add3A_1298 = arith.addi %add3A_1297, %iota3A : vector<16xi32>
    tpu.vector_store_idx %arg11[%select_n3A_1294], %add3A_1298 masked %lt3A_1291 : memref<256xi32, #tpu.memory_space<vmem>>[vector<16xi32>], vector<16xi32>, vector<16xi1>
    %get3A_1299 = arith.constant 112 : index
    %get3A_1300 = tpu.vector_load %arg9[%get3A_1299] {strides = array<i32>} : memref<272xi32, #tpu.memory_space<vmem>>, vector<16xi32>,
    %sub3A_1301 = vector.broadcast %mul3A_0 : i32 to vector<16xi32>
    %sub3A_1302 = arith.subi %get3A_1300, %sub3A_1301 : vector<16xi32>
    %add3A_1303 = arith.constant 112 : i32
    %add3A_1304 = vector.broadcast %add3A_1303 : i32 to vector<16xi32>
    %add3A_1305 = arith.addi %iota3A, %add3A_1304 : vector<16xi32>
    %lt3A_1306 = arith.cmpi slt, %add3A_1305, %add3A_183 : vector<16xi32>
    %jit3A_1307 = arith.constant 0 : i32
    %broadcast_in_dim3A_1308 = vector.broadcast %jit3A_1307 : i32 to vector<16xi32>
    %select_n3A_1309 = arith.select %lt3A_1306, %sub3A_1302, %broadcast_in_dim3A_1308 : vector<16xi1>, vector<16xi32>
    %add3A_1310 = arith.constant 112 : i32
    %add3A_1311 = arith.addi %add3A_817, %add3A_1310 : i32
    %add3A_1312 = vector.broadcast %add3A_1311 : i32 to vector<16xi32>
    %add3A_1313 = arith.addi %add3A_1312, %iota3A : vector<16xi32>
    tpu.vector_store_idx %arg11[%select_n3A_1309], %add3A_1313 masked %lt3A_1306 : memref<256xi32, #tpu.memory_space<vmem>>[vector<16xi32>], vector<16xi32>, vector<16xi1>
    %get3A_1314 = arith.constant 128 : index
    %get3A_1315 = tpu.vector_load %arg9[%get3A_1314] {strides = array<i32>} : memref<272xi32, #tpu.memory_space<vmem>>, vector<16xi32>,
    %sub3A_1316 = vector.broadcast %mul3A_0 : i32 to vector<16xi32>
    %sub3A_1317 = arith.subi %get3A_1315, %sub3A_1316 : vector<16xi32>
    %add3A_1318 = arith.constant 128 : i32
    %add3A_1319 = vector.broadcast %add3A_1318 : i32 to vector<16xi32>
    %add3A_1320 = arith.addi %iota3A, %add3A_1319 : vector<16xi32>
    %lt3A_1321 = arith.cmpi slt, %add3A_1320, %add3A_183 : vector<16xi32>
    %jit3A_1322 = arith.constant 0 : i32
    %broadcast_in_dim3A_1323 = vector.broadcast %jit3A_1322 : i32 to vector<16xi32>
    %select_n3A_1324 = arith.select %lt3A_1321, %sub3A_1317, %broadcast_in_dim3A_1323 : vector<16xi1>, vector<16xi32>
    %add3A_1325 = arith.constant 128 : i32
    %add3A_1326 = arith.addi %add3A_817, %add3A_1325 : i32
    %add3A_1327 = vector.broadcast %add3A_1326 : i32 to vector<16xi32>
    %add3A_1328 = arith.addi %add3A_1327, %iota3A : vector<16xi32>
    tpu.vector_store_idx %arg11[%select_n3A_1324], %add3A_1328 masked %lt3A_1321 : memref<256xi32, #tpu.memory_space<vmem>>[vector<16xi32>], vector<16xi32>, vector<16xi1>
    %get3A_1329 = arith.constant 144 : index
    %get3A_1330 = tpu.vector_load %arg9[%get3A_1329] {strides = array<i32>} : memref<272xi32, #tpu.memory_space<vmem>>, vector<16xi32>,
    %sub3A_1331 = vector.broadcast %mul3A_0 : i32 to vector<16xi32>
    %sub3A_1332 = arith.subi %get3A_1330, %sub3A_1331 : vector<16xi32>
    %add3A_1333 = arith.constant 144 : i32
    %add3A_1334 = vector.broadcast %add3A_1333 : i32 to vector<16xi32>
    %add3A_1335 = arith.addi %iota3A, %add3A_1334 : vector<16xi32>
    %lt3A_1336 = arith.cmpi slt, %add3A_1335, %add3A_183 : vector<16xi32>
    %jit3A_1337 = arith.constant 0 : i32
    %broadcast_in_dim3A_1338 = vector.broadcast %jit3A_1337 : i32 to vector<16xi32>
    %select_n3A_1339 = arith.select %lt3A_1336, %sub3A_1332, %broadcast_in_dim3A_1338 : vector<16xi1>, vector<16xi32>
    %add3A_1340 = arith.constant 144 : i32
    %add3A_1341 = arith.addi %add3A_817, %add3A_1340 : i32
    %add3A_1342 = vector.broadcast %add3A_1341 : i32 to vector<16xi32>
    %add3A_1343 = arith.addi %add3A_1342, %iota3A : vector<16xi32>
    tpu.vector_store_idx %arg11[%select_n3A_1339], %add3A_1343 masked %lt3A_1336 : memref<256xi32, #tpu.memory_space<vmem>>[vector<16xi32>], vector<16xi32>, vector<16xi1>
    %get3A_1344 = arith.constant 160 : index
    %get3A_1345 = tpu.vector_load %arg9[%get3A_1344] {strides = array<i32>} : memref<272xi32, #tpu.memory_space<vmem>>, vector<16xi32>,
    %sub3A_1346 = vector.broadcast %mul3A_0 : i32 to vector<16xi32>
    %sub3A_1347 = arith.subi %get3A_1345, %sub3A_1346 : vector<16xi32>
    %add3A_1348 = arith.constant 160 : i32
    %add3A_1349 = vector.broadcast %add3A_1348 : i32 to vector<16xi32>
    %add3A_1350 = arith.addi %iota3A, %add3A_1349 : vector<16xi32>
    %lt3A_1351 = arith.cmpi slt, %add3A_1350, %add3A_183 : vector<16xi32>
    %jit3A_1352 = arith.constant 0 : i32
    %broadcast_in_dim3A_1353 = vector.broadcast %jit3A_1352 : i32 to vector<16xi32>
    %select_n3A_1354 = arith.select %lt3A_1351, %sub3A_1347, %broadcast_in_dim3A_1353 : vector<16xi1>, vector<16xi32>
    %add3A_1355 = arith.constant 160 : i32
    %add3A_1356 = arith.addi %add3A_817, %add3A_1355 : i32
    %add3A_1357 = vector.broadcast %add3A_1356 : i32 to vector<16xi32>
    %add3A_1358 = arith.addi %add3A_1357, %iota3A : vector<16xi32>
    tpu.vector_store_idx %arg11[%select_n3A_1354], %add3A_1358 masked %lt3A_1351 : memref<256xi32, #tpu.memory_space<vmem>>[vector<16xi32>], vector<16xi32>, vector<16xi1>
    %get3A_1359 = arith.constant 176 : index
    %get3A_1360 = tpu.vector_load %arg9[%get3A_1359] {strides = array<i32>} : memref<272xi32, #tpu.memory_space<vmem>>, vector<16xi32>,
    %sub3A_1361 = vector.broadcast %mul3A_0 : i32 to vector<16xi32>
    %sub3A_1362 = arith.subi %get3A_1360, %sub3A_1361 : vector<16xi32>
    %add3A_1363 = arith.constant 176 : i32
    %add3A_1364 = vector.broadcast %add3A_1363 : i32 to vector<16xi32>
    %add3A_1365 = arith.addi %iota3A, %add3A_1364 : vector<16xi32>
    %lt3A_1366 = arith.cmpi slt, %add3A_1365, %add3A_183 : vector<16xi32>
    %jit3A_1367 = arith.constant 0 : i32
    %broadcast_in_dim3A_1368 = vector.broadcast %jit3A_1367 : i32 to vector<16xi32>
    %select_n3A_1369 = arith.select %lt3A_1366, %sub3A_1362, %broadcast_in_dim3A_1368 : vector<16xi1>, vector<16xi32>
    %add3A_1370 = arith.constant 176 : i32
    %add3A_1371 = arith.addi %add3A_817, %add3A_1370 : i32
    %add3A_1372 = vector.broadcast %add3A_1371 : i32 to vector<16xi32>
    %add3A_1373 = arith.addi %add3A_1372, %iota3A : vector<16xi32>
    tpu.vector_store_idx %arg11[%select_n3A_1369], %add3A_1373 masked %lt3A_1366 : memref<256xi32, #tpu.memory_space<vmem>>[vector<16xi32>], vector<16xi32>, vector<16xi1>
    %get3A_1374 = arith.constant 192 : index
    %get3A_1375 = tpu.vector_load %arg9[%get3A_1374] {strides = array<i32>} : memref<272xi32, #tpu.memory_space<vmem>>, vector<16xi32>,
    %sub3A_1376 = vector.broadcast %mul3A_0 : i32 to vector<16xi32>
    %sub3A_1377 = arith.subi %get3A_1375, %sub3A_1376 : vector<16xi32>
    %add3A_1378 = arith.constant 192 : i32
    %add3A_1379 = vector.broadcast %add3A_1378 : i32 to vector<16xi32>
    %add3A_1380 = arith.addi %iota3A, %add3A_1379 : vector<16xi32>
    %lt3A_1381 = arith.cmpi slt, %add3A_1380, %add3A_183 : vector<16xi32>
    %jit3A_1382 = arith.constant 0 : i32
    %broadcast_in_dim3A_1383 = vector.broadcast %jit3A_1382 : i32 to vector<16xi32>
    %select_n3A_1384 = arith.select %lt3A_1381, %sub3A_1377, %broadcast_in_dim3A_1383 : vector<16xi1>, vector<16xi32>
    %add3A_1385 = arith.constant 192 : i32
    %add3A_1386 = arith.addi %add3A_817, %add3A_1385 : i32
    %add3A_1387 = vector.broadcast %add3A_1386 : i32 to vector<16xi32>
    %add3A_1388 = arith.addi %add3A_1387, %iota3A : vector<16xi32>
    tpu.vector_store_idx %arg11[%select_n3A_1384], %add3A_1388 masked %lt3A_1381 : memref<256xi32, #tpu.memory_space<vmem>>[vector<16xi32>], vector<16xi32>, vector<16xi1>
    %get3A_1389 = arith.constant 208 : index
    %get3A_1390 = tpu.vector_load %arg9[%get3A_1389] {strides = array<i32>} : memref<272xi32, #tpu.memory_space<vmem>>, vector<16xi32>,
    %sub3A_1391 = vector.broadcast %mul3A_0 : i32 to vector<16xi32>
    %sub3A_1392 = arith.subi %get3A_1390, %sub3A_1391 : vector<16xi32>
    %add3A_1393 = arith.constant 208 : i32
    %add3A_1394 = vector.broadcast %add3A_1393 : i32 to vector<16xi32>
    %add3A_1395 = arith.addi %iota3A, %add3A_1394 : vector<16xi32>
    %lt3A_1396 = arith.cmpi slt, %add3A_1395, %add3A_183 : vector<16xi32>
    %jit3A_1397 = arith.constant 0 : i32
    %broadcast_in_dim3A_1398 = vector.broadcast %jit3A_1397 : i32 to vector<16xi32>
    %select_n3A_1399 = arith.select %lt3A_1396, %sub3A_1392, %broadcast_in_dim3A_1398 : vector<16xi1>, vector<16xi32>
    %add3A_1400 = arith.constant 208 : i32
    %add3A_1401 = arith.addi %add3A_817, %add3A_1400 : i32
    %add3A_1402 = vector.broadcast %add3A_1401 : i32 to vector<16xi32>
    %add3A_1403 = arith.addi %add3A_1402, %iota3A : vector<16xi32>
    tpu.vector_store_idx %arg11[%select_n3A_1399], %add3A_1403 masked %lt3A_1396 : memref<256xi32, #tpu.memory_space<vmem>>[vector<16xi32>], vector<16xi32>, vector<16xi1>
    %get3A_1404 = arith.constant 224 : index
    %get3A_1405 = tpu.vector_load %arg9[%get3A_1404] {strides = array<i32>} : memref<272xi32, #tpu.memory_space<vmem>>, vector<16xi32>,
    %sub3A_1406 = vector.broadcast %mul3A_0 : i32 to vector<16xi32>
    %sub3A_1407 = arith.subi %get3A_1405, %sub3A_1406 : vector<16xi32>
    %add3A_1408 = arith.constant 224 : i32
    %add3A_1409 = vector.broadcast %add3A_1408 : i32 to vector<16xi32>
    %add3A_1410 = arith.addi %iota3A, %add3A_1409 : vector<16xi32>
    %lt3A_1411 = arith.cmpi slt, %add3A_1410, %add3A_183 : vector<16xi32>
    %jit3A_1412 = arith.constant 0 : i32
    %broadcast_in_dim3A_1413 = vector.broadcast %jit3A_1412 : i32 to vector<16xi32>
    %select_n3A_1414 = arith.select %lt3A_1411, %sub3A_1407, %broadcast_in_dim3A_1413 : vector<16xi1>, vector<16xi32>
    %add3A_1415 = arith.constant 224 : i32
    %add3A_1416 = arith.addi %add3A_817, %add3A_1415 : i32
    %add3A_1417 = vector.broadcast %add3A_1416 : i32 to vector<16xi32>
    %add3A_1418 = arith.addi %add3A_1417, %iota3A : vector<16xi32>
    tpu.vector_store_idx %arg11[%select_n3A_1414], %add3A_1418 masked %lt3A_1411 : memref<256xi32, #tpu.memory_space<vmem>>[vector<16xi32>], vector<16xi32>, vector<16xi1>
    %get3A_1419 = arith.constant 240 : index
    %get3A_1420 = tpu.vector_load %arg9[%get3A_1419] {strides = array<i32>} : memref<272xi32, #tpu.memory_space<vmem>>, vector<16xi32>,
    %sub3A_1421 = vector.broadcast %mul3A_0 : i32 to vector<16xi32>
    %sub3A_1422 = arith.subi %get3A_1420, %sub3A_1421 : vector<16xi32>
    %add3A_1423 = arith.constant 240 : i32
    %add3A_1424 = vector.broadcast %add3A_1423 : i32 to vector<16xi32>
    %add3A_1425 = arith.addi %iota3A, %add3A_1424 : vector<16xi32>
    %lt3A_1426 = arith.cmpi slt, %add3A_1425, %add3A_183 : vector<16xi32>
    %jit3A_1427 = arith.constant 0 : i32
    %broadcast_in_dim3A_1428 = vector.broadcast %jit3A_1427 : i32 to vector<16xi32>
    %select_n3A_1429 = arith.select %lt3A_1426, %sub3A_1422, %broadcast_in_dim3A_1428 : vector<16xi1>, vector<16xi32>
    %add3A_1430 = arith.constant 240 : i32
    %add3A_1431 = arith.addi %add3A_817, %add3A_1430 : i32
    %add3A_1432 = vector.broadcast %add3A_1431 : i32 to vector<16xi32>
    %add3A_1433 = arith.addi %add3A_1432, %iota3A : vector<16xi32>
    tpu.vector_store_idx %arg11[%select_n3A_1429], %add3A_1433 masked %lt3A_1426 : memref<256xi32, #tpu.memory_space<vmem>>[vector<16xi32>], vector<16xi32>, vector<16xi1>
    %add3A_1434 = arith.addi %mul3A_2, %mul3A_0 : i32
    %multiple_of3A_1435 = tpu.assume_multiple %add3A_1434, 256 : i32
    "tpu.region"() ({
      %run_scoped3A = tpu.sem_alloc : memref<!tpu.dma_semaphore, #tpu.memory_space<semaphore_mem>>
      %dma_start3A = tpu.memref_slice %arg5[%multiple_of3A_1435] : memref<8192xi32, #tpu.memory_space<hbm>> -> memref<256xi32, #tpu.memory_space<hbm>>
      %dma_start3A_1472 = tpu.memref_slice %arg5[%multiple_of3A_1435] : memref<8192xi32, #tpu.memory_space<hbm>> -> memref<256xi32, #tpu.memory_space<hbm>>
      tpu.enqueue_dma source(%arg11 : memref<256xi32, #tpu.memory_space<vmem>>) target(%dma_start3A_1472 : memref<256xi32, #tpu.memory_space<hbm>>) target_semaphore(%run_scoped3A : memref<!tpu.dma_semaphore, #tpu.memory_space<semaphore_mem>>)
      %dma_wait3A = tpu.memref_slice %arg5[%multiple_of3A_1435] : memref<8192xi32, #tpu.memory_space<hbm>> -> memref<256xi32, #tpu.memory_space<hbm>>
      %dma_wait3A_1473 = tpu.memref_slice %arg5[%multiple_of3A_1435] : memref<8192xi32, #tpu.memory_space<hbm>> -> memref<256xi32, #tpu.memory_space<hbm>>
      tpu.wait_dma2 semaphore(%run_scoped3A : memref<!tpu.dma_semaphore, #tpu.memory_space<semaphore_mem>>) src(%arg11 : memref<256xi32, #tpu.memory_space<vmem>>) dst(%dma_wait3A_1473 : memref<256xi32, #tpu.memory_space<hbm>>)
      tpu.yield
    }) : () -> ()
    %add3A_1436 = arith.constant 15 : i32
    %add3A_1437 = arith.addi %add3A_1159, %add3A_1436 : i32
    %jit3A_1438 = arith.constant 16 : i32
    %div3A_1439 = arith.divsi %add3A_1437, %jit3A_1438 : i32
    %sign3A_1440 = arith.constant 0 : i32
    %sign3A_1441 = arith.cmpi sgt, %add3A_1437, %sign3A_1440 : i32
    %sign3A_1442 = arith.extui %sign3A_1441 : i1 to i32
    %sign3A_1443 = arith.constant 0 : i32
    %sign3A_1444 = arith.cmpi slt, %add3A_1437, %sign3A_1443 : i32
    %sign3A_1445 = arith.extui %sign3A_1444 : i1 to i32
    %sign3A_1446 = arith.subi %sign3A_1442, %sign3A_1445 : i32
    %sign3A_1447 = arith.constant 0 : i32
    %sign3A_1448 = arith.cmpi sgt, %jit3A_1438, %sign3A_1447 : i32
    %sign3A_1449 = arith.extui %sign3A_1448 : i1 to i32
    %sign3A_1450 = arith.constant 0 : i32
    %sign3A_1451 = arith.cmpi slt, %jit3A_1438, %sign3A_1450 : i32
    %sign3A_1452 = arith.extui %sign3A_1451 : i1 to i32
    %sign3A_1453 = arith.subi %sign3A_1449, %sign3A_1452 : i32
    %ne3A_1454 = arith.cmpi ne, %sign3A_1446, %sign3A_1453 : i32
    %rem3A_1455 = arith.remsi %add3A_1437, %jit3A_1438 : i32
    %ne3A_1456 = arith.constant 0 : i32
    %ne3A_1457 = arith.cmpi ne, %rem3A_1455, %ne3A_1456 : i32
    %and3A_1458 = arith.andi %ne3A_1454, %ne3A_1457 : i1
    %sub3A_1459 = arith.constant 1 : i32
    %sub3A_1460 = arith.subi %div3A_1439, %sub3A_1459 : i32
    %select_n3A_1461 = arith.select %and3A_1458, %sub3A_1460, %div3A_1439 : i32
    %min3A = arith.constant 16 : i32
    %min3A_1462 = arith.minsi %select_n3A_1461, %min3A : i32
    %while3A = arith.constant 0 : i32
    %while3A_1463 = arith.constant 0 : i32
    %while3A_1464 = arith.subi %min3A_1462, %while3A_1463 : i32
    %while3A_1465 = arith.addi %while3A_1463, %while3A_1464 : i32
    %while3A_1466 = arith.constant 1 : i32
    %while3A_1467 = arith.divsi %while3A_1464, %while3A_1466 : i32
    %while3A_1468 = arith.muli %while3A_1467, %while3A_1466 : i32
    %while3A_1469 = arith.addi %while3A_1463, %while3A_1468 : i32
    %while3A_1470 = arith.constant 1 : i32
    scf.for %while3A_1472 = %while3A_1463 to %while3A_1469 step %while3A_1470  : i32 {
      %mul3A_1473 = arith.constant 16 : i32
      %mul3A_1474 = arith.muli %while3A_1472, %mul3A_1473 : i32
      %dma_start3A = tpu.memref_slice %arg9[%mul3A_1474] : memref<272xi32, #tpu.memory_space<vmem>> -> memref<16xi32, #tpu.memory_space<vmem>>
      %dma_start3A_1475 = arith.constant 0 : i32
      %dma_start3A_1476 = arith.constant 0 : i32
      %dma_start3A_1477 = arith.constant 0 : i32
      %dma_start3A_1478 = tpu.memref_slice %arg3[%dma_start3A_1475, %dma_start3A_1476, %dma_start3A_1477] : memref<4096x8x128xf32, #tpu.memory_space<hbm>> -> memref<4096x8x128xf32, #tpu.memory_space<hbm>>
      tpu.enqueue_indirect_dma source(%dma_start3A_1478 : memref<4096x8x128xf32, #tpu.memory_space<hbm>>) target(%arg12 : memref<16x8x128xf32, #tpu.memory_space<vmem>>) offsets(%dma_start3A : memref<16xi32, #tpu.memory_space<vmem>>) semaphore(%arg16 : memref<!tpu.dma_semaphore, #tpu.memory_space<semaphore_mem>>)
      %dma_wait3A = tpu.memref_slice %arg9[%mul3A_1474] : memref<272xi32, #tpu.memory_space<vmem>> -> memref<16xi32, #tpu.memory_space<vmem>>
      %dma_wait3A_1479 = arith.constant 0 : i32
      %dma_wait3A_1480 = arith.constant 0 : i32
      %dma_wait3A_1481 = arith.constant 0 : i32
      %dma_wait3A_1482 = tpu.memref_slice %arg3[%dma_wait3A_1479, %dma_wait3A_1480, %dma_wait3A_1481] : memref<4096x8x128xf32, #tpu.memory_space<hbm>> -> memref<4096x8x128xf32, #tpu.memory_space<hbm>>
      tpu.wait_indirect_dma semaphore(%arg16 : memref<!tpu.dma_semaphore, #tpu.memory_space<semaphore_mem>>) src(%dma_wait3A_1482 : memref<4096x8x128xf32, #tpu.memory_space<hbm>>) dst(%arg12 : memref<16x8x128xf32, #tpu.memory_space<vmem>>)
      %add3A_1483 = arith.addi %mul3A_2, %add3A_817 : i32
      %mul3A_1484 = arith.constant 16 : i32
      %mul3A_1485 = arith.muli %while3A_1472, %mul3A_1484 : i32
      %add3A_1486 = arith.addi %add3A_1483, %mul3A_1485 : i32
      %multiple_of3A_1487 = tpu.assume_multiple %add3A_1486, 16 : i32
      "tpu.region"() ({
        %run_scoped3A = tpu.sem_alloc : memref<!tpu.dma_semaphore, #tpu.memory_space<semaphore_mem>>
        %dma_start3A_1495 = arith.constant 0 : i32
        %dma_start3A_1496 = arith.constant 0 : i32
        %dma_start3A_1497 = tpu.memref_slice %arg4[%multiple_of3A_1487, %dma_start3A_1495, %dma_start3A_1496] : memref<8192x8x128xf32, #tpu.memory_space<hbm>> -> memref<16x8x128xf32, #tpu.memory_space<hbm>>
        %dma_start3A_1498 = arith.constant 0 : i32
        %dma_start3A_1499 = arith.constant 0 : i32
        %dma_start3A_1500 = tpu.memref_slice %arg4[%multiple_of3A_1487, %dma_start3A_1498, %dma_start3A_1499] : memref<8192x8x128xf32, #tpu.memory_space<hbm>> -> memref<16x8x128xf32, #tpu.memory_space<hbm>>
        tpu.enqueue_dma source(%arg12 : memref<16x8x128xf32, #tpu.memory_space<vmem>>) target(%dma_start3A_1500 : memref<16x8x128xf32, #tpu.memory_space<hbm>>) target_semaphore(%run_scoped3A : memref<!tpu.dma_semaphore, #tpu.memory_space<semaphore_mem>>)
        %dma_wait3A_1501 = arith.constant 0 : i32
        %dma_wait3A_1502 = arith.constant 0 : i32
        %dma_wait3A_1503 = tpu.memref_slice %arg4[%multiple_of3A_1487, %dma_wait3A_1501, %dma_wait3A_1502] : memref<8192x8x128xf32, #tpu.memory_space<hbm>> -> memref<16x8x128xf32, #tpu.memory_space<hbm>>
        %dma_wait3A_1504 = arith.constant 0 : i32
        %dma_wait3A_1505 = arith.constant 0 : i32
        %dma_wait3A_1506 = tpu.memref_slice %arg4[%multiple_of3A_1487, %dma_wait3A_1504, %dma_wait3A_1505] : memref<8192x8x128xf32, #tpu.memory_space<hbm>> -> memref<16x8x128xf32, #tpu.memory_space<hbm>>
        tpu.wait_dma2 semaphore(%run_scoped3A : memref<!tpu.dma_semaphore, #tpu.memory_space<semaphore_mem>>) src(%arg12 : memref<16x8x128xf32, #tpu.memory_space<vmem>>) dst(%dma_wait3A_1506 : memref<16x8x128xf32, #tpu.memory_space<hbm>>)
        tpu.yield
      }) : () -> ()
      %mul3A_1488 = arith.constant 16 : i32
      %mul3A_1489 = arith.muli %while3A_1472, %mul3A_1488 : i32
      %add3A_1490 = arith.addi %mul3A_2, %add3A_817 : i32
      %mul3A_1491 = arith.constant 16 : i32
      %mul3A_1492 = arith.muli %while3A_1472, %mul3A_1491 : i32
      %add3A_1493 = arith.addi %add3A_1490, %mul3A_1492 : i32
      %multiple_of3A_1494 = tpu.assume_multiple %add3A_1493, 16 : i32
      "tpu.region"() ({
        %run_scoped3A = tpu.sem_alloc : memref<!tpu.dma_semaphore, #tpu.memory_space<semaphore_mem>>
        %dma_start3A_1495 = tpu.memref_slice %arg10[%mul3A_1489] : memref<272xf32, #tpu.memory_space<vmem>> -> memref<16xf32, #tpu.memory_space<vmem>>
        %dma_start3A_1496 = tpu.memref_slice %arg6[%multiple_of3A_1494] : memref<8192xf32, #tpu.memory_space<hbm>> -> memref<16xf32, #tpu.memory_space<hbm>>
        %dma_start3A_1497 = tpu.memref_slice %arg6[%multiple_of3A_1494] : memref<8192xf32, #tpu.memory_space<hbm>> -> memref<16xf32, #tpu.memory_space<hbm>>
        %dma_start3A_1498 = tpu.memref_slice %arg10[%mul3A_1489] : memref<272xf32, #tpu.memory_space<vmem>> -> memref<16xf32, #tpu.memory_space<vmem>>
        tpu.enqueue_dma source(%dma_start3A_1498 : memref<16xf32, #tpu.memory_space<vmem>>) target(%dma_start3A_1497 : memref<16xf32, #tpu.memory_space<hbm>>) target_semaphore(%run_scoped3A : memref<!tpu.dma_semaphore, #tpu.memory_space<semaphore_mem>>)
        %dma_wait3A_1499 = tpu.memref_slice %arg10[%mul3A_1489] : memref<272xf32, #tpu.memory_space<vmem>> -> memref<16xf32, #tpu.memory_space<vmem>>
        %dma_wait3A_1500 = tpu.memref_slice %arg6[%multiple_of3A_1494] : memref<8192xf32, #tpu.memory_space<hbm>> -> memref<16xf32, #tpu.memory_space<hbm>>
        %dma_wait3A_1501 = tpu.memref_slice %arg6[%multiple_of3A_1494] : memref<8192xf32, #tpu.memory_space<hbm>> -> memref<16xf32, #tpu.memory_space<hbm>>
        %dma_wait3A_1502 = tpu.memref_slice %arg10[%mul3A_1489] : memref<272xf32, #tpu.memory_space<vmem>> -> memref<16xf32, #tpu.memory_space<vmem>>
        tpu.wait_dma2 semaphore(%run_scoped3A : memref<!tpu.dma_semaphore, #tpu.memory_space<semaphore_mem>>) src(%dma_wait3A_1502 : memref<16xf32, #tpu.memory_space<vmem>>) dst(%dma_wait3A_1501 : memref<16xf32, #tpu.memory_space<hbm>>)
        tpu.yield
      }) : () -> ()
    }
    %while3A_1471 = arith.constant 1 : i32
    scf.for %while3A_1472 = %while3A_1469 to %while3A_1465 step %while3A_1471  : i32 {
      %mul3A_1473 = arith.constant 16 : i32
      %mul3A_1474 = arith.muli %while3A_1472, %mul3A_1473 : i32
      %dma_start3A = tpu.memref_slice %arg9[%mul3A_1474] : memref<272xi32, #tpu.memory_space<vmem>> -> memref<16xi32, #tpu.memory_space<vmem>>
      %dma_start3A_1475 = arith.constant 0 : i32
      %dma_start3A_1476 = arith.constant 0 : i32
      %dma_start3A_1477 = arith.constant 0 : i32
      %dma_start3A_1478 = tpu.memref_slice %arg3[%dma_start3A_1475, %dma_start3A_1476, %dma_start3A_1477] : memref<4096x8x128xf32, #tpu.memory_space<hbm>> -> memref<4096x8x128xf32, #tpu.memory_space<hbm>>
      tpu.enqueue_indirect_dma source(%dma_start3A_1478 : memref<4096x8x128xf32, #tpu.memory_space<hbm>>) target(%arg12 : memref<16x8x128xf32, #tpu.memory_space<vmem>>) offsets(%dma_start3A : memref<16xi32, #tpu.memory_space<vmem>>) semaphore(%arg16 : memref<!tpu.dma_semaphore, #tpu.memory_space<semaphore_mem>>)
      %dma_wait3A = tpu.memref_slice %arg9[%mul3A_1474] : memref<272xi32, #tpu.memory_space<vmem>> -> memref<16xi32, #tpu.memory_space<vmem>>
      %dma_wait3A_1479 = arith.constant 0 : i32
      %dma_wait3A_1480 = arith.constant 0 : i32
      %dma_wait3A_1481 = arith.constant 0 : i32
      %dma_wait3A_1482 = tpu.memref_slice %arg3[%dma_wait3A_1479, %dma_wait3A_1480, %dma_wait3A_1481] : memref<4096x8x128xf32, #tpu.memory_space<hbm>> -> memref<4096x8x128xf32, #tpu.memory_space<hbm>>
      tpu.wait_indirect_dma semaphore(%arg16 : memref<!tpu.dma_semaphore, #tpu.memory_space<semaphore_mem>>) src(%dma_wait3A_1482 : memref<4096x8x128xf32, #tpu.memory_space<hbm>>) dst(%arg12 : memref<16x8x128xf32, #tpu.memory_space<vmem>>)
      %add3A_1483 = arith.addi %mul3A_2, %add3A_817 : i32
      %mul3A_1484 = arith.constant 16 : i32
      %mul3A_1485 = arith.muli %while3A_1472, %mul3A_1484 : i32
      %add3A_1486 = arith.addi %add3A_1483, %mul3A_1485 : i32
      %multiple_of3A_1487 = tpu.assume_multiple %add3A_1486, 16 : i32
      "tpu.region"() ({
        %run_scoped3A = tpu.sem_alloc : memref<!tpu.dma_semaphore, #tpu.memory_space<semaphore_mem>>
        %dma_start3A_1495 = arith.constant 0 : i32
        %dma_start3A_1496 = arith.constant 0 : i32
        %dma_start3A_1497 = tpu.memref_slice %arg4[%multiple_of3A_1487, %dma_start3A_1495, %dma_start3A_1496] : memref<8192x8x128xf32, #tpu.memory_space<hbm>> -> memref<16x8x128xf32, #tpu.memory_space<hbm>>
        %dma_start3A_1498 = arith.constant 0 : i32
        %dma_start3A_1499 = arith.constant 0 : i32
        %dma_start3A_1500 = tpu.memref_slice %arg4[%multiple_of3A_1487, %dma_start3A_1498, %dma_start3A_1499] : memref<8192x8x128xf32, #tpu.memory_space<hbm>> -> memref<16x8x128xf32, #tpu.memory_space<hbm>>
        tpu.enqueue_dma source(%arg12 : memref<16x8x128xf32, #tpu.memory_space<vmem>>) target(%dma_start3A_1500 : memref<16x8x128xf32, #tpu.memory_space<hbm>>) target_semaphore(%run_scoped3A : memref<!tpu.dma_semaphore, #tpu.memory_space<semaphore_mem>>)
        %dma_wait3A_1501 = arith.constant 0 : i32
        %dma_wait3A_1502 = arith.constant 0 : i32
        %dma_wait3A_1503 = tpu.memref_slice %arg4[%multiple_of3A_1487, %dma_wait3A_1501, %dma_wait3A_1502] : memref<8192x8x128xf32, #tpu.memory_space<hbm>> -> memref<16x8x128xf32, #tpu.memory_space<hbm>>
        %dma_wait3A_1504 = arith.constant 0 : i32
        %dma_wait3A_1505 = arith.constant 0 : i32
        %dma_wait3A_1506 = tpu.memref_slice %arg4[%multiple_of3A_1487, %dma_wait3A_1504, %dma_wait3A_1505] : memref<8192x8x128xf32, #tpu.memory_space<hbm>> -> memref<16x8x128xf32, #tpu.memory_space<hbm>>
        tpu.wait_dma2 semaphore(%run_scoped3A : memref<!tpu.dma_semaphore, #tpu.memory_space<semaphore_mem>>) src(%arg12 : memref<16x8x128xf32, #tpu.memory_space<vmem>>) dst(%dma_wait3A_1506 : memref<16x8x128xf32, #tpu.memory_space<hbm>>)
        tpu.yield
      }) : () -> ()
      %mul3A_1488 = arith.constant 16 : i32
      %mul3A_1489 = arith.muli %while3A_1472, %mul3A_1488 : i32
      %add3A_1490 = arith.addi %mul3A_2, %add3A_817 : i32
      %mul3A_1491 = arith.constant 16 : i32
      %mul3A_1492 = arith.muli %while3A_1472, %mul3A_1491 : i32
      %add3A_1493 = arith.addi %add3A_1490, %mul3A_1492 : i32
      %multiple_of3A_1494 = tpu.assume_multiple %add3A_1493, 16 : i32
      "tpu.region"() ({
        %run_scoped3A = tpu.sem_alloc : memref<!tpu.dma_semaphore, #tpu.memory_space<semaphore_mem>>
        %dma_start3A_1495 = tpu.memref_slice %arg10[%mul3A_1489] : memref<272xf32, #tpu.memory_space<vmem>> -> memref<16xf32, #tpu.memory_space<vmem>>
        %dma_start3A_1496 = tpu.memref_slice %arg6[%multiple_of3A_1494] : memref<8192xf32, #tpu.memory_space<hbm>> -> memref<16xf32, #tpu.memory_space<hbm>>
        %dma_start3A_1497 = tpu.memref_slice %arg6[%multiple_of3A_1494] : memref<8192xf32, #tpu.memory_space<hbm>> -> memref<16xf32, #tpu.memory_space<hbm>>
        %dma_start3A_1498 = tpu.memref_slice %arg10[%mul3A_1489] : memref<272xf32, #tpu.memory_space<vmem>> -> memref<16xf32, #tpu.memory_space<vmem>>
        tpu.enqueue_dma source(%dma_start3A_1498 : memref<16xf32, #tpu.memory_space<vmem>>) target(%dma_start3A_1497 : memref<16xf32, #tpu.memory_space<hbm>>) target_semaphore(%run_scoped3A : memref<!tpu.dma_semaphore, #tpu.memory_space<semaphore_mem>>)
        %dma_wait3A_1499 = tpu.memref_slice %arg10[%mul3A_1489] : memref<272xf32, #tpu.memory_space<vmem>> -> memref<16xf32, #tpu.memory_space<vmem>>
        %dma_wait3A_1500 = tpu.memref_slice %arg6[%multiple_of3A_1494] : memref<8192xf32, #tpu.memory_space<hbm>> -> memref<16xf32, #tpu.memory_space<hbm>>
        %dma_wait3A_1501 = tpu.memref_slice %arg6[%multiple_of3A_1494] : memref<8192xf32, #tpu.memory_space<hbm>> -> memref<16xf32, #tpu.memory_space<hbm>>
        %dma_wait3A_1502 = tpu.memref_slice %arg10[%mul3A_1489] : memref<272xf32, #tpu.memory_space<vmem>> -> memref<16xf32, #tpu.memory_space<vmem>>
        tpu.wait_dma2 semaphore(%run_scoped3A : memref<!tpu.dma_semaphore, #tpu.memory_space<semaphore_mem>>) src(%dma_wait3A_1502 : memref<16xf32, #tpu.memory_space<vmem>>) dst(%dma_wait3A_1501 : memref<16xf32, #tpu.memory_space<hbm>>)
        tpu.yield
      }) : () -> ()
    }
    return
  }
}

#map = affine_map<(d0, d1) -> (0, 0, 0)>
#map1 = affine_map<(d0, d1) -> (0)>
module attributes {stable_mosaic.version = 14 : i64} {
  func.func @_combine_body(%arg0: i32, %arg1: i32, %arg2: memref<8704x8x128xf32, #tpu.memory_space<hbm>>, %arg3: memref<8192xi32, #tpu.memory_space<hbm>>, %arg4: memref<4112x8x128xf32, #tpu.memory_space<hbm>>, %arg5: memref<128xi32, #tpu.memory_space<vmem>>, %arg6: memref<128xi32, #tpu.memory_space<vmem>>, %arg7: memref<144xi32, #tpu.memory_space<vmem>>, %arg8: memref<144xi32, #tpu.memory_space<vmem>>, %arg9: memref<144xi32, #tpu.memory_space<vmem>>, %arg10: memref<16x8x128xf32, #tpu.memory_space<vmem>>, %arg11: memref<64x8x128xf32, #tpu.memory_space<vmem>>, %arg12: memref<16xi32, #tpu.memory_space<vmem>>, %arg13: memref<16xi32, #tpu.memory_space<vmem>>, %arg14: memref<!tpu.dma_semaphore, #tpu.memory_space<semaphore_mem>>) attributes {dimension_semantics = [#tpu.dimension_semantics<core_parallel>, #tpu.dimension_semantics<subcore_parallel>], iteration_bounds = array<i64: 2, 16>, scalar_prefetch = 0 : i64, scratch_operands = 10 : i64, tpu.core_type = #tpu.core_type<sc_vector_subcore>, window_params = [{transform_indices = #map}, {transform_indices = #map1}, {transform_indices = #map}]} {
    %mul3A = arith.constant 2 : i32
    %mul3A_0 = arith.muli %arg1, %mul3A : i32
    %add3A = arith.addi %mul3A_0, %arg0 : i32
    %mul3A_1 = arith.constant 128 : i32
    %mul3A_2 = arith.muli %add3A, %mul3A_1 : i32
    %multiple_of3A = tpu.assume_multiple %mul3A_2, 128 : i32
    "tpu.region"() ({
      %run_scoped3A = tpu.sem_alloc : memref<!tpu.dma_semaphore, #tpu.memory_space<semaphore_mem>>
      %dma_start3A = tpu.memref_slice %arg3[%multiple_of3A] : memref<8192xi32, #tpu.memory_space<hbm>> -> memref<128xi32, #tpu.memory_space<hbm>>
      %dma_start3A_395 = tpu.memref_slice %arg3[%multiple_of3A] : memref<8192xi32, #tpu.memory_space<hbm>> -> memref<128xi32, #tpu.memory_space<hbm>>
      tpu.enqueue_dma source(%dma_start3A_395 : memref<128xi32, #tpu.memory_space<hbm>>) target(%arg5 : memref<128xi32, #tpu.memory_space<vmem>>) target_semaphore(%run_scoped3A : memref<!tpu.dma_semaphore, #tpu.memory_space<semaphore_mem>>)
      %dma_wait3A = tpu.memref_slice %arg3[%multiple_of3A] : memref<8192xi32, #tpu.memory_space<hbm>> -> memref<128xi32, #tpu.memory_space<hbm>>
      %dma_wait3A_396 = tpu.memref_slice %arg3[%multiple_of3A] : memref<8192xi32, #tpu.memory_space<hbm>> -> memref<128xi32, #tpu.memory_space<hbm>>
      tpu.wait_dma2 semaphore(%run_scoped3A : memref<!tpu.dma_semaphore, #tpu.memory_space<semaphore_mem>>) src(%dma_wait3A_396 : memref<128xi32, #tpu.memory_space<hbm>>) dst(%arg5 : memref<128xi32, #tpu.memory_space<vmem>>)
      tpu.yield
    }) : () -> ()
    %add3A_3 = arith.constant 4096 : i32
    %add3A_4 = arith.addi %add3A_3, %mul3A_2 : i32
    %multiple_of3A_5 = tpu.assume_multiple %add3A_4, 128 : i32
    "tpu.region"() ({
      %run_scoped3A = tpu.sem_alloc : memref<!tpu.dma_semaphore, #tpu.memory_space<semaphore_mem>>
      %dma_start3A = tpu.memref_slice %arg3[%multiple_of3A_5] : memref<8192xi32, #tpu.memory_space<hbm>> -> memref<128xi32, #tpu.memory_space<hbm>>
      %dma_start3A_395 = tpu.memref_slice %arg3[%multiple_of3A_5] : memref<8192xi32, #tpu.memory_space<hbm>> -> memref<128xi32, #tpu.memory_space<hbm>>
      tpu.enqueue_dma source(%dma_start3A_395 : memref<128xi32, #tpu.memory_space<hbm>>) target(%arg6 : memref<128xi32, #tpu.memory_space<vmem>>) target_semaphore(%run_scoped3A : memref<!tpu.dma_semaphore, #tpu.memory_space<semaphore_mem>>)
      %dma_wait3A = tpu.memref_slice %arg3[%multiple_of3A_5] : memref<8192xi32, #tpu.memory_space<hbm>> -> memref<128xi32, #tpu.memory_space<hbm>>
      %dma_wait3A_396 = tpu.memref_slice %arg3[%multiple_of3A_5] : memref<8192xi32, #tpu.memory_space<hbm>> -> memref<128xi32, #tpu.memory_space<hbm>>
      tpu.wait_dma2 semaphore(%run_scoped3A : memref<!tpu.dma_semaphore, #tpu.memory_space<semaphore_mem>>) src(%dma_wait3A_396 : memref<128xi32, #tpu.memory_space<hbm>>) dst(%arg6 : memref<128xi32, #tpu.memory_space<vmem>>)
      tpu.yield
    }) : () -> ()
    "tpu.region"() ({
      %run_scoped3A = tpu.sem_alloc : memref<!tpu.dma_semaphore, #tpu.memory_space<semaphore_mem>>
      %dma_start3A = arith.constant 4096 : i32
      %dma_start3A_395 = arith.constant 0 : i32
      %dma_start3A_396 = arith.constant 0 : i32
      %dma_start3A_397 = tpu.memref_slice %arg2[%dma_start3A, %dma_start3A_395, %dma_start3A_396] : memref<8704x8x128xf32, #tpu.memory_space<hbm>> -> memref<64x8x128xf32, #tpu.memory_space<hbm>>
      %dma_start3A_398 = arith.constant 4096 : i32
      %dma_start3A_399 = arith.constant 0 : i32
      %dma_start3A_400 = arith.constant 0 : i32
      %dma_start3A_401 = tpu.memref_slice %arg2[%dma_start3A_398, %dma_start3A_399, %dma_start3A_400] : memref<8704x8x128xf32, #tpu.memory_space<hbm>> -> memref<64x8x128xf32, #tpu.memory_space<hbm>>
      tpu.enqueue_dma source(%dma_start3A_401 : memref<64x8x128xf32, #tpu.memory_space<hbm>>) target(%arg11 : memref<64x8x128xf32, #tpu.memory_space<vmem>>) target_semaphore(%run_scoped3A : memref<!tpu.dma_semaphore, #tpu.memory_space<semaphore_mem>>)
      %dma_wait3A = arith.constant 4096 : i32
      %dma_wait3A_402 = arith.constant 0 : i32
      %dma_wait3A_403 = arith.constant 0 : i32
      %dma_wait3A_404 = tpu.memref_slice %arg2[%dma_wait3A, %dma_wait3A_402, %dma_wait3A_403] : memref<8704x8x128xf32, #tpu.memory_space<hbm>> -> memref<64x8x128xf32, #tpu.memory_space<hbm>>
      %dma_wait3A_405 = arith.constant 4096 : i32
      %dma_wait3A_406 = arith.constant 0 : i32
      %dma_wait3A_407 = arith.constant 0 : i32
      %dma_wait3A_408 = tpu.memref_slice %arg2[%dma_wait3A_405, %dma_wait3A_406, %dma_wait3A_407] : memref<8704x8x128xf32, #tpu.memory_space<hbm>> -> memref<64x8x128xf32, #tpu.memory_space<hbm>>
      tpu.wait_dma2 semaphore(%run_scoped3A : memref<!tpu.dma_semaphore, #tpu.memory_space<semaphore_mem>>) src(%dma_wait3A_408 : memref<64x8x128xf32, #tpu.memory_space<hbm>>) dst(%arg11 : memref<64x8x128xf32, #tpu.memory_space<vmem>>)
      tpu.yield
    }) : () -> ()
    %add3A_6 = arith.constant 0 : i32
    %add3A_7 = arith.addi %mul3A_2, %add3A_6 : i32
    %multiple_of3A_8 = tpu.assume_multiple %add3A_7, 64 : i32
    "tpu.region"() ({
      %run_scoped3A = tpu.sem_alloc : memref<!tpu.dma_semaphore, #tpu.memory_space<semaphore_mem>>
      %dma_start3A = arith.constant 0 : i32
      %dma_start3A_395 = arith.constant 0 : i32
      %dma_start3A_396 = tpu.memref_slice %arg4[%multiple_of3A_8, %dma_start3A, %dma_start3A_395] : memref<4112x8x128xf32, #tpu.memory_space<hbm>> -> memref<64x8x128xf32, #tpu.memory_space<hbm>>
      %dma_start3A_397 = arith.constant 0 : i32
      %dma_start3A_398 = arith.constant 0 : i32
      %dma_start3A_399 = tpu.memref_slice %arg4[%multiple_of3A_8, %dma_start3A_397, %dma_start3A_398] : memref<4112x8x128xf32, #tpu.memory_space<hbm>> -> memref<64x8x128xf32, #tpu.memory_space<hbm>>
      tpu.enqueue_dma source(%arg11 : memref<64x8x128xf32, #tpu.memory_space<vmem>>) target(%dma_start3A_399 : memref<64x8x128xf32, #tpu.memory_space<hbm>>) target_semaphore(%run_scoped3A : memref<!tpu.dma_semaphore, #tpu.memory_space<semaphore_mem>>)
      %dma_wait3A = arith.constant 0 : i32
      %dma_wait3A_400 = arith.constant 0 : i32
      %dma_wait3A_401 = tpu.memref_slice %arg4[%multiple_of3A_8, %dma_wait3A, %dma_wait3A_400] : memref<4112x8x128xf32, #tpu.memory_space<hbm>> -> memref<64x8x128xf32, #tpu.memory_space<hbm>>
      %dma_wait3A_402 = arith.constant 0 : i32
      %dma_wait3A_403 = arith.constant 0 : i32
      %dma_wait3A_404 = tpu.memref_slice %arg4[%multiple_of3A_8, %dma_wait3A_402, %dma_wait3A_403] : memref<4112x8x128xf32, #tpu.memory_space<hbm>> -> memref<64x8x128xf32, #tpu.memory_space<hbm>>
      tpu.wait_dma2 semaphore(%run_scoped3A : memref<!tpu.dma_semaphore, #tpu.memory_space<semaphore_mem>>) src(%arg11 : memref<64x8x128xf32, #tpu.memory_space<vmem>>) dst(%dma_wait3A_404 : memref<64x8x128xf32, #tpu.memory_space<hbm>>)
      tpu.yield
    }) : () -> ()
    %add3A_9 = arith.constant 64 : i32
    %add3A_10 = arith.addi %mul3A_2, %add3A_9 : i32
    %multiple_of3A_11 = tpu.assume_multiple %add3A_10, 64 : i32
    "tpu.region"() ({
      %run_scoped3A = tpu.sem_alloc : memref<!tpu.dma_semaphore, #tpu.memory_space<semaphore_mem>>
      %dma_start3A = arith.constant 0 : i32
      %dma_start3A_395 = arith.constant 0 : i32
      %dma_start3A_396 = tpu.memref_slice %arg4[%multiple_of3A_11, %dma_start3A, %dma_start3A_395] : memref<4112x8x128xf32, #tpu.memory_space<hbm>> -> memref<64x8x128xf32, #tpu.memory_space<hbm>>
      %dma_start3A_397 = arith.constant 0 : i32
      %dma_start3A_398 = arith.constant 0 : i32
      %dma_start3A_399 = tpu.memref_slice %arg4[%multiple_of3A_11, %dma_start3A_397, %dma_start3A_398] : memref<4112x8x128xf32, #tpu.memory_space<hbm>> -> memref<64x8x128xf32, #tpu.memory_space<hbm>>
      tpu.enqueue_dma source(%arg11 : memref<64x8x128xf32, #tpu.memory_space<vmem>>) target(%dma_start3A_399 : memref<64x8x128xf32, #tpu.memory_space<hbm>>) target_semaphore(%run_scoped3A : memref<!tpu.dma_semaphore, #tpu.memory_space<semaphore_mem>>)
      %dma_wait3A = arith.constant 0 : i32
      %dma_wait3A_400 = arith.constant 0 : i32
      %dma_wait3A_401 = tpu.memref_slice %arg4[%multiple_of3A_11, %dma_wait3A, %dma_wait3A_400] : memref<4112x8x128xf32, #tpu.memory_space<hbm>> -> memref<64x8x128xf32, #tpu.memory_space<hbm>>
      %dma_wait3A_402 = arith.constant 0 : i32
      %dma_wait3A_403 = arith.constant 0 : i32
      %dma_wait3A_404 = tpu.memref_slice %arg4[%multiple_of3A_11, %dma_wait3A_402, %dma_wait3A_403] : memref<4112x8x128xf32, #tpu.memory_space<hbm>> -> memref<64x8x128xf32, #tpu.memory_space<hbm>>
      tpu.wait_dma2 semaphore(%run_scoped3A : memref<!tpu.dma_semaphore, #tpu.memory_space<semaphore_mem>>) src(%arg11 : memref<64x8x128xf32, #tpu.memory_space<vmem>>) dst(%dma_wait3A_404 : memref<64x8x128xf32, #tpu.memory_space<hbm>>)
      tpu.yield
    }) : () -> ()
    %iota3A = tpu.iota {dimensions = array<i32: 0>} : vector<16xi32>
    %broadcast_in_dim3A = arith.constant 4096 : i32
    %broadcast_in_dim3A_12 = vector.broadcast %broadcast_in_dim3A : i32 to vector<16xi32>
    %broadcast_in_dim3A_13 = arith.constant 0 : i32
    %broadcast_in_dim3A_14 = vector.broadcast %broadcast_in_dim3A_13 : i32 to vector<16xi32>
    %swap3A = arith.constant 0 : index
    %swap3A_15 = tpu.vector_load %arg7[%swap3A] {strides = array<i32>} : memref<144xi32, #tpu.memory_space<vmem>>, vector<16xi32>,
    tpu.vector_store %arg7[%swap3A], %broadcast_in_dim3A_14 {strides = array<i32>} : memref<144xi32, #tpu.memory_space<vmem>>, vector<16xi32>,
    %swap3A_16 = arith.constant 0 : index
    %swap3A_17 = tpu.vector_load %arg8[%swap3A_16] {strides = array<i32>} : memref<144xi32, #tpu.memory_space<vmem>>, vector<16xi32>,
    tpu.vector_store %arg8[%swap3A_16], %broadcast_in_dim3A_12 {strides = array<i32>} : memref<144xi32, #tpu.memory_space<vmem>>, vector<16xi32>,
    %add3A_18 = arith.constant 4352 : i32
    %add3A_19 = vector.broadcast %add3A_18 : i32 to vector<16xi32>
    %add3A_20 = arith.addi %broadcast_in_dim3A_12, %add3A_19 : vector<16xi32>
    %swap3A_21 = arith.constant 0 : index
    %swap3A_22 = tpu.vector_load %arg9[%swap3A_21] {strides = array<i32>} : memref<144xi32, #tpu.memory_space<vmem>>, vector<16xi32>,
    tpu.vector_store %arg9[%swap3A_21], %add3A_20 {strides = array<i32>} : memref<144xi32, #tpu.memory_space<vmem>>, vector<16xi32>,
    %broadcast_in_dim3A_23 = arith.constant 0 : i32
    %broadcast_in_dim3A_24 = vector.broadcast %broadcast_in_dim3A_23 : i32 to vector<16xi32>
    %swap3A_25 = arith.constant 16 : index
    %swap3A_26 = tpu.vector_load %arg7[%swap3A_25] {strides = array<i32>} : memref<144xi32, #tpu.memory_space<vmem>>, vector<16xi32>,
    tpu.vector_store %arg7[%swap3A_25], %broadcast_in_dim3A_24 {strides = array<i32>} : memref<144xi32, #tpu.memory_space<vmem>>, vector<16xi32>,
    %swap3A_27 = arith.constant 16 : index
    %swap3A_28 = tpu.vector_load %arg8[%swap3A_27] {strides = array<i32>} : memref<144xi32, #tpu.memory_space<vmem>>, vector<16xi32>,
    tpu.vector_store %arg8[%swap3A_27], %broadcast_in_dim3A_12 {strides = array<i32>} : memref<144xi32, #tpu.memory_space<vmem>>, vector<16xi32>,
    %add3A_29 = arith.constant 4352 : i32
    %add3A_30 = vector.broadcast %add3A_29 : i32 to vector<16xi32>
    %add3A_31 = arith.addi %broadcast_in_dim3A_12, %add3A_30 : vector<16xi32>
    %swap3A_32 = arith.constant 16 : index
    %swap3A_33 = tpu.vector_load %arg9[%swap3A_32] {strides = array<i32>} : memref<144xi32, #tpu.memory_space<vmem>>, vector<16xi32>,
    tpu.vector_store %arg9[%swap3A_32], %add3A_31 {strides = array<i32>} : memref<144xi32, #tpu.memory_space<vmem>>, vector<16xi32>,
    %broadcast_in_dim3A_34 = arith.constant 0 : i32
    %broadcast_in_dim3A_35 = vector.broadcast %broadcast_in_dim3A_34 : i32 to vector<16xi32>
    %swap3A_36 = arith.constant 32 : index
    %swap3A_37 = tpu.vector_load %arg7[%swap3A_36] {strides = array<i32>} : memref<144xi32, #tpu.memory_space<vmem>>, vector<16xi32>,
    tpu.vector_store %arg7[%swap3A_36], %broadcast_in_dim3A_35 {strides = array<i32>} : memref<144xi32, #tpu.memory_space<vmem>>, vector<16xi32>,
    %swap3A_38 = arith.constant 32 : index
    %swap3A_39 = tpu.vector_load %arg8[%swap3A_38] {strides = array<i32>} : memref<144xi32, #tpu.memory_space<vmem>>, vector<16xi32>,
    tpu.vector_store %arg8[%swap3A_38], %broadcast_in_dim3A_12 {strides = array<i32>} : memref<144xi32, #tpu.memory_space<vmem>>, vector<16xi32>,
    %add3A_40 = arith.constant 4352 : i32
    %add3A_41 = vector.broadcast %add3A_40 : i32 to vector<16xi32>
    %add3A_42 = arith.addi %broadcast_in_dim3A_12, %add3A_41 : vector<16xi32>
    %swap3A_43 = arith.constant 32 : index
    %swap3A_44 = tpu.vector_load %arg9[%swap3A_43] {strides = array<i32>} : memref<144xi32, #tpu.memory_space<vmem>>, vector<16xi32>,
    tpu.vector_store %arg9[%swap3A_43], %add3A_42 {strides = array<i32>} : memref<144xi32, #tpu.memory_space<vmem>>, vector<16xi32>,
    %broadcast_in_dim3A_45 = arith.constant 0 : i32
    %broadcast_in_dim3A_46 = vector.broadcast %broadcast_in_dim3A_45 : i32 to vector<16xi32>
    %swap3A_47 = arith.constant 48 : index
    %swap3A_48 = tpu.vector_load %arg7[%swap3A_47] {strides = array<i32>} : memref<144xi32, #tpu.memory_space<vmem>>, vector<16xi32>,
    tpu.vector_store %arg7[%swap3A_47], %broadcast_in_dim3A_46 {strides = array<i32>} : memref<144xi32, #tpu.memory_space<vmem>>, vector<16xi32>,
    %swap3A_49 = arith.constant 48 : index
    %swap3A_50 = tpu.vector_load %arg8[%swap3A_49] {strides = array<i32>} : memref<144xi32, #tpu.memory_space<vmem>>, vector<16xi32>,
    tpu.vector_store %arg8[%swap3A_49], %broadcast_in_dim3A_12 {strides = array<i32>} : memref<144xi32, #tpu.memory_space<vmem>>, vector<16xi32>,
    %add3A_51 = arith.constant 4352 : i32
    %add3A_52 = vector.broadcast %add3A_51 : i32 to vector<16xi32>
    %add3A_53 = arith.addi %broadcast_in_dim3A_12, %add3A_52 : vector<16xi32>
    %swap3A_54 = arith.constant 48 : index
    %swap3A_55 = tpu.vector_load %arg9[%swap3A_54] {strides = array<i32>} : memref<144xi32, #tpu.memory_space<vmem>>, vector<16xi32>,
    tpu.vector_store %arg9[%swap3A_54], %add3A_53 {strides = array<i32>} : memref<144xi32, #tpu.memory_space<vmem>>, vector<16xi32>,
    %broadcast_in_dim3A_56 = arith.constant 0 : i32
    %broadcast_in_dim3A_57 = vector.broadcast %broadcast_in_dim3A_56 : i32 to vector<16xi32>
    %swap3A_58 = arith.constant 64 : index
    %swap3A_59 = tpu.vector_load %arg7[%swap3A_58] {strides = array<i32>} : memref<144xi32, #tpu.memory_space<vmem>>, vector<16xi32>,
    tpu.vector_store %arg7[%swap3A_58], %broadcast_in_dim3A_57 {strides = array<i32>} : memref<144xi32, #tpu.memory_space<vmem>>, vector<16xi32>,
    %swap3A_60 = arith.constant 64 : index
    %swap3A_61 = tpu.vector_load %arg8[%swap3A_60] {strides = array<i32>} : memref<144xi32, #tpu.memory_space<vmem>>, vector<16xi32>,
    tpu.vector_store %arg8[%swap3A_60], %broadcast_in_dim3A_12 {strides = array<i32>} : memref<144xi32, #tpu.memory_space<vmem>>, vector<16xi32>,
    %add3A_62 = arith.constant 4352 : i32
    %add3A_63 = vector.broadcast %add3A_62 : i32 to vector<16xi32>
    %add3A_64 = arith.addi %broadcast_in_dim3A_12, %add3A_63 : vector<16xi32>
    %swap3A_65 = arith.constant 64 : index
    %swap3A_66 = tpu.vector_load %arg9[%swap3A_65] {strides = array<i32>} : memref<144xi32, #tpu.memory_space<vmem>>, vector<16xi32>,
    tpu.vector_store %arg9[%swap3A_65], %add3A_64 {strides = array<i32>} : memref<144xi32, #tpu.memory_space<vmem>>, vector<16xi32>,
    %broadcast_in_dim3A_67 = arith.constant 0 : i32
    %broadcast_in_dim3A_68 = vector.broadcast %broadcast_in_dim3A_67 : i32 to vector<16xi32>
    %swap3A_69 = arith.constant 80 : index
    %swap3A_70 = tpu.vector_load %arg7[%swap3A_69] {strides = array<i32>} : memref<144xi32, #tpu.memory_space<vmem>>, vector<16xi32>,
    tpu.vector_store %arg7[%swap3A_69], %broadcast_in_dim3A_68 {strides = array<i32>} : memref<144xi32, #tpu.memory_space<vmem>>, vector<16xi32>,
    %swap3A_71 = arith.constant 80 : index
    %swap3A_72 = tpu.vector_load %arg8[%swap3A_71] {strides = array<i32>} : memref<144xi32, #tpu.memory_space<vmem>>, vector<16xi32>,
    tpu.vector_store %arg8[%swap3A_71], %broadcast_in_dim3A_12 {strides = array<i32>} : memref<144xi32, #tpu.memory_space<vmem>>, vector<16xi32>,
    %add3A_73 = arith.constant 4352 : i32
    %add3A_74 = vector.broadcast %add3A_73 : i32 to vector<16xi32>
    %add3A_75 = arith.addi %broadcast_in_dim3A_12, %add3A_74 : vector<16xi32>
    %swap3A_76 = arith.constant 80 : index
    %swap3A_77 = tpu.vector_load %arg9[%swap3A_76] {strides = array<i32>} : memref<144xi32, #tpu.memory_space<vmem>>, vector<16xi32>,
    tpu.vector_store %arg9[%swap3A_76], %add3A_75 {strides = array<i32>} : memref<144xi32, #tpu.memory_space<vmem>>, vector<16xi32>,
    %broadcast_in_dim3A_78 = arith.constant 0 : i32
    %broadcast_in_dim3A_79 = vector.broadcast %broadcast_in_dim3A_78 : i32 to vector<16xi32>
    %swap3A_80 = arith.constant 96 : index
    %swap3A_81 = tpu.vector_load %arg7[%swap3A_80] {strides = array<i32>} : memref<144xi32, #tpu.memory_space<vmem>>, vector<16xi32>,
    tpu.vector_store %arg7[%swap3A_80], %broadcast_in_dim3A_79 {strides = array<i32>} : memref<144xi32, #tpu.memory_space<vmem>>, vector<16xi32>,
    %swap3A_82 = arith.constant 96 : index
    %swap3A_83 = tpu.vector_load %arg8[%swap3A_82] {strides = array<i32>} : memref<144xi32, #tpu.memory_space<vmem>>, vector<16xi32>,
    tpu.vector_store %arg8[%swap3A_82], %broadcast_in_dim3A_12 {strides = array<i32>} : memref<144xi32, #tpu.memory_space<vmem>>, vector<16xi32>,
    %add3A_84 = arith.constant 4352 : i32
    %add3A_85 = vector.broadcast %add3A_84 : i32 to vector<16xi32>
    %add3A_86 = arith.addi %broadcast_in_dim3A_12, %add3A_85 : vector<16xi32>
    %swap3A_87 = arith.constant 96 : index
    %swap3A_88 = tpu.vector_load %arg9[%swap3A_87] {strides = array<i32>} : memref<144xi32, #tpu.memory_space<vmem>>, vector<16xi32>,
    tpu.vector_store %arg9[%swap3A_87], %add3A_86 {strides = array<i32>} : memref<144xi32, #tpu.memory_space<vmem>>, vector<16xi32>,
    %broadcast_in_dim3A_89 = arith.constant 0 : i32
    %broadcast_in_dim3A_90 = vector.broadcast %broadcast_in_dim3A_89 : i32 to vector<16xi32>
    %swap3A_91 = arith.constant 112 : index
    %swap3A_92 = tpu.vector_load %arg7[%swap3A_91] {strides = array<i32>} : memref<144xi32, #tpu.memory_space<vmem>>, vector<16xi32>,
    tpu.vector_store %arg7[%swap3A_91], %broadcast_in_dim3A_90 {strides = array<i32>} : memref<144xi32, #tpu.memory_space<vmem>>, vector<16xi32>,
    %swap3A_93 = arith.constant 112 : index
    %swap3A_94 = tpu.vector_load %arg8[%swap3A_93] {strides = array<i32>} : memref<144xi32, #tpu.memory_space<vmem>>, vector<16xi32>,
    tpu.vector_store %arg8[%swap3A_93], %broadcast_in_dim3A_12 {strides = array<i32>} : memref<144xi32, #tpu.memory_space<vmem>>, vector<16xi32>,
    %add3A_95 = arith.constant 4352 : i32
    %add3A_96 = vector.broadcast %add3A_95 : i32 to vector<16xi32>
    %add3A_97 = arith.addi %broadcast_in_dim3A_12, %add3A_96 : vector<16xi32>
    %swap3A_98 = arith.constant 112 : index
    %swap3A_99 = tpu.vector_load %arg9[%swap3A_98] {strides = array<i32>} : memref<144xi32, #tpu.memory_space<vmem>>, vector<16xi32>,
    tpu.vector_store %arg9[%swap3A_98], %add3A_97 {strides = array<i32>} : memref<144xi32, #tpu.memory_space<vmem>>, vector<16xi32>,
    %broadcast_in_dim3A_100 = arith.constant 0 : i32
    %broadcast_in_dim3A_101 = vector.broadcast %broadcast_in_dim3A_100 : i32 to vector<16xi32>
    %swap3A_102 = arith.constant 128 : index
    %swap3A_103 = tpu.vector_load %arg7[%swap3A_102] {strides = array<i32>} : memref<144xi32, #tpu.memory_space<vmem>>, vector<16xi32>,
    tpu.vector_store %arg7[%swap3A_102], %broadcast_in_dim3A_101 {strides = array<i32>} : memref<144xi32, #tpu.memory_space<vmem>>, vector<16xi32>,
    %swap3A_104 = arith.constant 128 : index
    %swap3A_105 = tpu.vector_load %arg8[%swap3A_104] {strides = array<i32>} : memref<144xi32, #tpu.memory_space<vmem>>, vector<16xi32>,
    tpu.vector_store %arg8[%swap3A_104], %broadcast_in_dim3A_12 {strides = array<i32>} : memref<144xi32, #tpu.memory_space<vmem>>, vector<16xi32>,
    %add3A_106 = arith.constant 4352 : i32
    %add3A_107 = vector.broadcast %add3A_106 : i32 to vector<16xi32>
    %add3A_108 = arith.addi %broadcast_in_dim3A_12, %add3A_107 : vector<16xi32>
    %swap3A_109 = arith.constant 128 : index
    %swap3A_110 = tpu.vector_load %arg9[%swap3A_109] {strides = array<i32>} : memref<144xi32, #tpu.memory_space<vmem>>, vector<16xi32>,
    tpu.vector_store %arg9[%swap3A_109], %add3A_108 {strides = array<i32>} : memref<144xi32, #tpu.memory_space<vmem>>, vector<16xi32>,
    %broadcast_in_dim3A_111 = arith.constant 0 : i32
    %broadcast_in_dim3A_112 = vector.broadcast %broadcast_in_dim3A_111 : i32 to vector<16xi32>
    %get3A = arith.constant 0 : index
    %get3A_113 = tpu.vector_load %arg5[%get3A] {strides = array<i32>} : memref<128xi32, #tpu.memory_space<vmem>>, vector<16xi32>,
    %get3A_114 = arith.constant 0 : index
    %get3A_115 = tpu.vector_load %arg6[%get3A_114] {strides = array<i32>} : memref<128xi32, #tpu.memory_space<vmem>>, vector<16xi32>,
    %lt3A = arith.constant 4096 : i32
    %lt3A_116 = vector.broadcast %lt3A : i32 to vector<16xi32>
    %lt3A_117 = arith.cmpi slt, %get3A_113, %lt3A_116 : vector<16xi32>
    %lt3A_118 = arith.constant 4096 : i32
    %lt3A_119 = vector.broadcast %lt3A_118 : i32 to vector<16xi32>
    %lt3A_120 = arith.cmpi slt, %get3A_115, %lt3A_119 : vector<16xi32>
    %or3A = arith.ori %lt3A_117, %lt3A_120 : vector<16xi1>
    %add3A_121 = arith.constant 0 : i32
    %add3A_122 = vector.broadcast %add3A_121 : i32 to vector<16xi32>
    %add3A_123 = arith.addi %add3A_122, %iota3A : vector<16xi32>
    %swap3A_124 = arith.constant 0 : i32
    %swap3A_125 = arith.index_cast %swap3A_124 : i32 to index
    %swap3A_126 = tpu.vector_load %arg7[%swap3A_125] masked %or3A {strides = array<i32>} : memref<144xi32, #tpu.memory_space<vmem>>, vector<16xi32>, vector<16xi1>
    tpu.vector_store %arg7[%swap3A_125], %add3A_123 masked %or3A {strides = array<i32>} : memref<144xi32, #tpu.memory_space<vmem>>, vector<16xi32>, vector<16xi1>
    %swap3A_127 = arith.constant 0 : i32
    %swap3A_128 = arith.index_cast %swap3A_127 : i32 to index
    %swap3A_129 = tpu.vector_load %arg8[%swap3A_128] masked %or3A {strides = array<i32>} : memref<144xi32, #tpu.memory_space<vmem>>, vector<16xi32>, vector<16xi1>
    tpu.vector_store %arg8[%swap3A_128], %get3A_113 masked %or3A {strides = array<i32>} : memref<144xi32, #tpu.memory_space<vmem>>, vector<16xi32>, vector<16xi1>
    %add3A_130 = arith.constant 4352 : i32
    %add3A_131 = vector.broadcast %add3A_130 : i32 to vector<16xi32>
    %add3A_132 = arith.addi %get3A_115, %add3A_131 : vector<16xi32>
    %swap3A_133 = arith.constant 0 : i32
    %swap3A_134 = arith.index_cast %swap3A_133 : i32 to index
    %swap3A_135 = tpu.vector_load %arg9[%swap3A_134] masked %or3A {strides = array<i32>} : memref<144xi32, #tpu.memory_space<vmem>>, vector<16xi32>, vector<16xi1>
    tpu.vector_store %arg9[%swap3A_134], %add3A_132 masked %or3A {strides = array<i32>} : memref<144xi32, #tpu.memory_space<vmem>>, vector<16xi32>, vector<16xi1>
    %all_reduce_population_count3A = tpu.all_reduce %or3A {dim = 0 : i64, kind = #tpu.reduction_kind<sum>} : vector<16xi1> -> vector<16xi32>
    %add3A_136 = arith.addi %broadcast_in_dim3A_112, %all_reduce_population_count3A : vector<16xi32>
    %swap3A_137 = arith.constant 0 : index
    %swap3A_138 = tpu.vector_load %arg12[%swap3A_137] {strides = array<i32>} : memref<16xi32, #tpu.memory_space<vmem>>, vector<16xi32>,
    tpu.vector_store %arg12[%swap3A_137], %all_reduce_population_count3A {strides = array<i32>} : memref<16xi32, #tpu.memory_space<vmem>>, vector<16xi32>,
    %get3A_139 = arith.constant 0 : index
    %get3A_140 = tpu.vector_load %arg12[%get3A_139] {strides = array<i32>} : memref<16xi32, #tpu.memory_space<vmem>>, vector<16xi32>,
    %slice3A = vector.extract_strided_slice %get3A_140 {offsets = [0], sizes = [1], strides = [1]} : vector<16xi32> to vector<1xi32>
    %squeeze3A = vector.extract %slice3A[0] : i32 from vector<1xi32>
    %add3A_141 = arith.constant 0 : i32
    %add3A_142 = arith.addi %add3A_141, %squeeze3A : i32
    %get3A_143 = arith.constant 16 : index
    %get3A_144 = tpu.vector_load %arg5[%get3A_143] {strides = array<i32>} : memref<128xi32, #tpu.memory_space<vmem>>, vector<16xi32>,
    %get3A_145 = arith.constant 16 : index
    %get3A_146 = tpu.vector_load %arg6[%get3A_145] {strides = array<i32>} : memref<128xi32, #tpu.memory_space<vmem>>, vector<16xi32>,
    %lt3A_147 = arith.constant 4096 : i32
    %lt3A_148 = vector.broadcast %lt3A_147 : i32 to vector<16xi32>
    %lt3A_149 = arith.cmpi slt, %get3A_144, %lt3A_148 : vector<16xi32>
    %lt3A_150 = arith.constant 4096 : i32
    %lt3A_151 = vector.broadcast %lt3A_150 : i32 to vector<16xi32>
    %lt3A_152 = arith.cmpi slt, %get3A_146, %lt3A_151 : vector<16xi32>
    %or3A_153 = arith.ori %lt3A_149, %lt3A_152 : vector<16xi1>
    %add3A_154 = arith.constant 16 : i32
    %add3A_155 = vector.broadcast %add3A_154 : i32 to vector<16xi32>
    %add3A_156 = arith.addi %add3A_155, %iota3A : vector<16xi32>
    %swap3A_157 = arith.index_cast %add3A_142 : i32 to index
    %swap3A_158 = tpu.vector_load %arg7[%swap3A_157] masked %or3A_153 {strides = array<i32>} : memref<144xi32, #tpu.memory_space<vmem>>, vector<16xi32>, vector<16xi1>
    tpu.vector_store %arg7[%swap3A_157], %add3A_156 masked %or3A_153 {strides = array<i32>} : memref<144xi32, #tpu.memory_space<vmem>>, vector<16xi32>, vector<16xi1>
    %swap3A_159 = arith.index_cast %add3A_142 : i32 to index
    %swap3A_160 = tpu.vector_load %arg8[%swap3A_159] masked %or3A_153 {strides = array<i32>} : memref<144xi32, #tpu.memory_space<vmem>>, vector<16xi32>, vector<16xi1>
    tpu.vector_store %arg8[%swap3A_159], %get3A_144 masked %or3A_153 {strides = array<i32>} : memref<144xi32, #tpu.memory_space<vmem>>, vector<16xi32>, vector<16xi1>
    %add3A_161 = arith.constant 4352 : i32
    %add3A_162 = vector.broadcast %add3A_161 : i32 to vector<16xi32>
    %add3A_163 = arith.addi %get3A_146, %add3A_162 : vector<16xi32>
    %swap3A_164 = arith.index_cast %add3A_142 : i32 to index
    %swap3A_165 = tpu.vector_load %arg9[%swap3A_164] masked %or3A_153 {strides = array<i32>} : memref<144xi32, #tpu.memory_space<vmem>>, vector<16xi32>, vector<16xi1>
    tpu.vector_store %arg9[%swap3A_164], %add3A_163 masked %or3A_153 {strides = array<i32>} : memref<144xi32, #tpu.memory_space<vmem>>, vector<16xi32>, vector<16xi1>
    %all_reduce_population_count3A_166 = tpu.all_reduce %or3A_153 {dim = 0 : i64, kind = #tpu.reduction_kind<sum>} : vector<16xi1> -> vector<16xi32>
    %add3A_167 = arith.addi %add3A_136, %all_reduce_population_count3A_166 : vector<16xi32>
    %swap3A_168 = arith.constant 0 : index
    %swap3A_169 = tpu.vector_load %arg12[%swap3A_168] {strides = array<i32>} : memref<16xi32, #tpu.memory_space<vmem>>, vector<16xi32>,
    tpu.vector_store %arg12[%swap3A_168], %all_reduce_population_count3A_166 {strides = array<i32>} : memref<16xi32, #tpu.memory_space<vmem>>, vector<16xi32>,
    %get3A_170 = arith.constant 0 : index
    %get3A_171 = tpu.vector_load %arg12[%get3A_170] {strides = array<i32>} : memref<16xi32, #tpu.memory_space<vmem>>, vector<16xi32>,
    %slice3A_172 = vector.extract_strided_slice %get3A_171 {offsets = [0], sizes = [1], strides = [1]} : vector<16xi32> to vector<1xi32>
    %squeeze3A_173 = vector.extract %slice3A_172[0] : i32 from vector<1xi32>
    %add3A_174 = arith.addi %add3A_142, %squeeze3A_173 : i32
    %get3A_175 = arith.constant 32 : index
    %get3A_176 = tpu.vector_load %arg5[%get3A_175] {strides = array<i32>} : memref<128xi32, #tpu.memory_space<vmem>>, vector<16xi32>,
    %get3A_177 = arith.constant 32 : index
    %get3A_178 = tpu.vector_load %arg6[%get3A_177] {strides = array<i32>} : memref<128xi32, #tpu.memory_space<vmem>>, vector<16xi32>,
    %lt3A_179 = arith.constant 4096 : i32
    %lt3A_180 = vector.broadcast %lt3A_179 : i32 to vector<16xi32>
    %lt3A_181 = arith.cmpi slt, %get3A_176, %lt3A_180 : vector<16xi32>
    %lt3A_182 = arith.constant 4096 : i32
    %lt3A_183 = vector.broadcast %lt3A_182 : i32 to vector<16xi32>
    %lt3A_184 = arith.cmpi slt, %get3A_178, %lt3A_183 : vector<16xi32>
    %or3A_185 = arith.ori %lt3A_181, %lt3A_184 : vector<16xi1>
    %add3A_186 = arith.constant 32 : i32
    %add3A_187 = vector.broadcast %add3A_186 : i32 to vector<16xi32>
    %add3A_188 = arith.addi %add3A_187, %iota3A : vector<16xi32>
    %swap3A_189 = arith.index_cast %add3A_174 : i32 to index
    %swap3A_190 = tpu.vector_load %arg7[%swap3A_189] masked %or3A_185 {strides = array<i32>} : memref<144xi32, #tpu.memory_space<vmem>>, vector<16xi32>, vector<16xi1>
    tpu.vector_store %arg7[%swap3A_189], %add3A_188 masked %or3A_185 {strides = array<i32>} : memref<144xi32, #tpu.memory_space<vmem>>, vector<16xi32>, vector<16xi1>
    %swap3A_191 = arith.index_cast %add3A_174 : i32 to index
    %swap3A_192 = tpu.vector_load %arg8[%swap3A_191] masked %or3A_185 {strides = array<i32>} : memref<144xi32, #tpu.memory_space<vmem>>, vector<16xi32>, vector<16xi1>
    tpu.vector_store %arg8[%swap3A_191], %get3A_176 masked %or3A_185 {strides = array<i32>} : memref<144xi32, #tpu.memory_space<vmem>>, vector<16xi32>, vector<16xi1>
    %add3A_193 = arith.constant 4352 : i32
    %add3A_194 = vector.broadcast %add3A_193 : i32 to vector<16xi32>
    %add3A_195 = arith.addi %get3A_178, %add3A_194 : vector<16xi32>
    %swap3A_196 = arith.index_cast %add3A_174 : i32 to index
    %swap3A_197 = tpu.vector_load %arg9[%swap3A_196] masked %or3A_185 {strides = array<i32>} : memref<144xi32, #tpu.memory_space<vmem>>, vector<16xi32>, vector<16xi1>
    tpu.vector_store %arg9[%swap3A_196], %add3A_195 masked %or3A_185 {strides = array<i32>} : memref<144xi32, #tpu.memory_space<vmem>>, vector<16xi32>, vector<16xi1>
    %all_reduce_population_count3A_198 = tpu.all_reduce %or3A_185 {dim = 0 : i64, kind = #tpu.reduction_kind<sum>} : vector<16xi1> -> vector<16xi32>
    %add3A_199 = arith.addi %add3A_167, %all_reduce_population_count3A_198 : vector<16xi32>
    %swap3A_200 = arith.constant 0 : index
    %swap3A_201 = tpu.vector_load %arg12[%swap3A_200] {strides = array<i32>} : memref<16xi32, #tpu.memory_space<vmem>>, vector<16xi32>,
    tpu.vector_store %arg12[%swap3A_200], %all_reduce_population_count3A_198 {strides = array<i32>} : memref<16xi32, #tpu.memory_space<vmem>>, vector<16xi32>,
    %get3A_202 = arith.constant 0 : index
    %get3A_203 = tpu.vector_load %arg12[%get3A_202] {strides = array<i32>} : memref<16xi32, #tpu.memory_space<vmem>>, vector<16xi32>,
    %slice3A_204 = vector.extract_strided_slice %get3A_203 {offsets = [0], sizes = [1], strides = [1]} : vector<16xi32> to vector<1xi32>
    %squeeze3A_205 = vector.extract %slice3A_204[0] : i32 from vector<1xi32>
    %add3A_206 = arith.addi %add3A_174, %squeeze3A_205 : i32
    %get3A_207 = arith.constant 48 : index
    %get3A_208 = tpu.vector_load %arg5[%get3A_207] {strides = array<i32>} : memref<128xi32, #tpu.memory_space<vmem>>, vector<16xi32>,
    %get3A_209 = arith.constant 48 : index
    %get3A_210 = tpu.vector_load %arg6[%get3A_209] {strides = array<i32>} : memref<128xi32, #tpu.memory_space<vmem>>, vector<16xi32>,
    %lt3A_211 = arith.constant 4096 : i32
    %lt3A_212 = vector.broadcast %lt3A_211 : i32 to vector<16xi32>
    %lt3A_213 = arith.cmpi slt, %get3A_208, %lt3A_212 : vector<16xi32>
    %lt3A_214 = arith.constant 4096 : i32
    %lt3A_215 = vector.broadcast %lt3A_214 : i32 to vector<16xi32>
    %lt3A_216 = arith.cmpi slt, %get3A_210, %lt3A_215 : vector<16xi32>
    %or3A_217 = arith.ori %lt3A_213, %lt3A_216 : vector<16xi1>
    %add3A_218 = arith.constant 48 : i32
    %add3A_219 = vector.broadcast %add3A_218 : i32 to vector<16xi32>
    %add3A_220 = arith.addi %add3A_219, %iota3A : vector<16xi32>
    %swap3A_221 = arith.index_cast %add3A_206 : i32 to index
    %swap3A_222 = tpu.vector_load %arg7[%swap3A_221] masked %or3A_217 {strides = array<i32>} : memref<144xi32, #tpu.memory_space<vmem>>, vector<16xi32>, vector<16xi1>
    tpu.vector_store %arg7[%swap3A_221], %add3A_220 masked %or3A_217 {strides = array<i32>} : memref<144xi32, #tpu.memory_space<vmem>>, vector<16xi32>, vector<16xi1>
    %swap3A_223 = arith.index_cast %add3A_206 : i32 to index
    %swap3A_224 = tpu.vector_load %arg8[%swap3A_223] masked %or3A_217 {strides = array<i32>} : memref<144xi32, #tpu.memory_space<vmem>>, vector<16xi32>, vector<16xi1>
    tpu.vector_store %arg8[%swap3A_223], %get3A_208 masked %or3A_217 {strides = array<i32>} : memref<144xi32, #tpu.memory_space<vmem>>, vector<16xi32>, vector<16xi1>
    %add3A_225 = arith.constant 4352 : i32
    %add3A_226 = vector.broadcast %add3A_225 : i32 to vector<16xi32>
    %add3A_227 = arith.addi %get3A_210, %add3A_226 : vector<16xi32>
    %swap3A_228 = arith.index_cast %add3A_206 : i32 to index
    %swap3A_229 = tpu.vector_load %arg9[%swap3A_228] masked %or3A_217 {strides = array<i32>} : memref<144xi32, #tpu.memory_space<vmem>>, vector<16xi32>, vector<16xi1>
    tpu.vector_store %arg9[%swap3A_228], %add3A_227 masked %or3A_217 {strides = array<i32>} : memref<144xi32, #tpu.memory_space<vmem>>, vector<16xi32>, vector<16xi1>
    %all_reduce_population_count3A_230 = tpu.all_reduce %or3A_217 {dim = 0 : i64, kind = #tpu.reduction_kind<sum>} : vector<16xi1> -> vector<16xi32>
    %add3A_231 = arith.addi %add3A_199, %all_reduce_population_count3A_230 : vector<16xi32>
    %swap3A_232 = arith.constant 0 : index
    %swap3A_233 = tpu.vector_load %arg12[%swap3A_232] {strides = array<i32>} : memref<16xi32, #tpu.memory_space<vmem>>, vector<16xi32>,
    tpu.vector_store %arg12[%swap3A_232], %all_reduce_population_count3A_230 {strides = array<i32>} : memref<16xi32, #tpu.memory_space<vmem>>, vector<16xi32>,
    %get3A_234 = arith.constant 0 : index
    %get3A_235 = tpu.vector_load %arg12[%get3A_234] {strides = array<i32>} : memref<16xi32, #tpu.memory_space<vmem>>, vector<16xi32>,
    %slice3A_236 = vector.extract_strided_slice %get3A_235 {offsets = [0], sizes = [1], strides = [1]} : vector<16xi32> to vector<1xi32>
    %squeeze3A_237 = vector.extract %slice3A_236[0] : i32 from vector<1xi32>
    %add3A_238 = arith.addi %add3A_206, %squeeze3A_237 : i32
    %get3A_239 = arith.constant 64 : index
    %get3A_240 = tpu.vector_load %arg5[%get3A_239] {strides = array<i32>} : memref<128xi32, #tpu.memory_space<vmem>>, vector<16xi32>,
    %get3A_241 = arith.constant 64 : index
    %get3A_242 = tpu.vector_load %arg6[%get3A_241] {strides = array<i32>} : memref<128xi32, #tpu.memory_space<vmem>>, vector<16xi32>,
    %lt3A_243 = arith.constant 4096 : i32
    %lt3A_244 = vector.broadcast %lt3A_243 : i32 to vector<16xi32>
    %lt3A_245 = arith.cmpi slt, %get3A_240, %lt3A_244 : vector<16xi32>
    %lt3A_246 = arith.constant 4096 : i32
    %lt3A_247 = vector.broadcast %lt3A_246 : i32 to vector<16xi32>
    %lt3A_248 = arith.cmpi slt, %get3A_242, %lt3A_247 : vector<16xi32>
    %or3A_249 = arith.ori %lt3A_245, %lt3A_248 : vector<16xi1>
    %add3A_250 = arith.constant 64 : i32
    %add3A_251 = vector.broadcast %add3A_250 : i32 to vector<16xi32>
    %add3A_252 = arith.addi %add3A_251, %iota3A : vector<16xi32>
    %swap3A_253 = arith.index_cast %add3A_238 : i32 to index
    %swap3A_254 = tpu.vector_load %arg7[%swap3A_253] masked %or3A_249 {strides = array<i32>} : memref<144xi32, #tpu.memory_space<vmem>>, vector<16xi32>, vector<16xi1>
    tpu.vector_store %arg7[%swap3A_253], %add3A_252 masked %or3A_249 {strides = array<i32>} : memref<144xi32, #tpu.memory_space<vmem>>, vector<16xi32>, vector<16xi1>
    %swap3A_255 = arith.index_cast %add3A_238 : i32 to index
    %swap3A_256 = tpu.vector_load %arg8[%swap3A_255] masked %or3A_249 {strides = array<i32>} : memref<144xi32, #tpu.memory_space<vmem>>, vector<16xi32>, vector<16xi1>
    tpu.vector_store %arg8[%swap3A_255], %get3A_240 masked %or3A_249 {strides = array<i32>} : memref<144xi32, #tpu.memory_space<vmem>>, vector<16xi32>, vector<16xi1>
    %add3A_257 = arith.constant 4352 : i32
    %add3A_258 = vector.broadcast %add3A_257 : i32 to vector<16xi32>
    %add3A_259 = arith.addi %get3A_242, %add3A_258 : vector<16xi32>
    %swap3A_260 = arith.index_cast %add3A_238 : i32 to index
    %swap3A_261 = tpu.vector_load %arg9[%swap3A_260] masked %or3A_249 {strides = array<i32>} : memref<144xi32, #tpu.memory_space<vmem>>, vector<16xi32>, vector<16xi1>
    tpu.vector_store %arg9[%swap3A_260], %add3A_259 masked %or3A_249 {strides = array<i32>} : memref<144xi32, #tpu.memory_space<vmem>>, vector<16xi32>, vector<16xi1>
    %all_reduce_population_count3A_262 = tpu.all_reduce %or3A_249 {dim = 0 : i64, kind = #tpu.reduction_kind<sum>} : vector<16xi1> -> vector<16xi32>
    %add3A_263 = arith.addi %add3A_231, %all_reduce_population_count3A_262 : vector<16xi32>
    %swap3A_264 = arith.constant 0 : index
    %swap3A_265 = tpu.vector_load %arg12[%swap3A_264] {strides = array<i32>} : memref<16xi32, #tpu.memory_space<vmem>>, vector<16xi32>,
    tpu.vector_store %arg12[%swap3A_264], %all_reduce_population_count3A_262 {strides = array<i32>} : memref<16xi32, #tpu.memory_space<vmem>>, vector<16xi32>,
    %get3A_266 = arith.constant 0 : index
    %get3A_267 = tpu.vector_load %arg12[%get3A_266] {strides = array<i32>} : memref<16xi32, #tpu.memory_space<vmem>>, vector<16xi32>,
    %slice3A_268 = vector.extract_strided_slice %get3A_267 {offsets = [0], sizes = [1], strides = [1]} : vector<16xi32> to vector<1xi32>
    %squeeze3A_269 = vector.extract %slice3A_268[0] : i32 from vector<1xi32>
    %add3A_270 = arith.addi %add3A_238, %squeeze3A_269 : i32
    %get3A_271 = arith.constant 80 : index
    %get3A_272 = tpu.vector_load %arg5[%get3A_271] {strides = array<i32>} : memref<128xi32, #tpu.memory_space<vmem>>, vector<16xi32>,
    %get3A_273 = arith.constant 80 : index
    %get3A_274 = tpu.vector_load %arg6[%get3A_273] {strides = array<i32>} : memref<128xi32, #tpu.memory_space<vmem>>, vector<16xi32>,
    %lt3A_275 = arith.constant 4096 : i32
    %lt3A_276 = vector.broadcast %lt3A_275 : i32 to vector<16xi32>
    %lt3A_277 = arith.cmpi slt, %get3A_272, %lt3A_276 : vector<16xi32>
    %lt3A_278 = arith.constant 4096 : i32
    %lt3A_279 = vector.broadcast %lt3A_278 : i32 to vector<16xi32>
    %lt3A_280 = arith.cmpi slt, %get3A_274, %lt3A_279 : vector<16xi32>
    %or3A_281 = arith.ori %lt3A_277, %lt3A_280 : vector<16xi1>
    %add3A_282 = arith.constant 80 : i32
    %add3A_283 = vector.broadcast %add3A_282 : i32 to vector<16xi32>
    %add3A_284 = arith.addi %add3A_283, %iota3A : vector<16xi32>
    %swap3A_285 = arith.index_cast %add3A_270 : i32 to index
    %swap3A_286 = tpu.vector_load %arg7[%swap3A_285] masked %or3A_281 {strides = array<i32>} : memref<144xi32, #tpu.memory_space<vmem>>, vector<16xi32>, vector<16xi1>
    tpu.vector_store %arg7[%swap3A_285], %add3A_284 masked %or3A_281 {strides = array<i32>} : memref<144xi32, #tpu.memory_space<vmem>>, vector<16xi32>, vector<16xi1>
    %swap3A_287 = arith.index_cast %add3A_270 : i32 to index
    %swap3A_288 = tpu.vector_load %arg8[%swap3A_287] masked %or3A_281 {strides = array<i32>} : memref<144xi32, #tpu.memory_space<vmem>>, vector<16xi32>, vector<16xi1>
    tpu.vector_store %arg8[%swap3A_287], %get3A_272 masked %or3A_281 {strides = array<i32>} : memref<144xi32, #tpu.memory_space<vmem>>, vector<16xi32>, vector<16xi1>
    %add3A_289 = arith.constant 4352 : i32
    %add3A_290 = vector.broadcast %add3A_289 : i32 to vector<16xi32>
    %add3A_291 = arith.addi %get3A_274, %add3A_290 : vector<16xi32>
    %swap3A_292 = arith.index_cast %add3A_270 : i32 to index
    %swap3A_293 = tpu.vector_load %arg9[%swap3A_292] masked %or3A_281 {strides = array<i32>} : memref<144xi32, #tpu.memory_space<vmem>>, vector<16xi32>, vector<16xi1>
    tpu.vector_store %arg9[%swap3A_292], %add3A_291 masked %or3A_281 {strides = array<i32>} : memref<144xi32, #tpu.memory_space<vmem>>, vector<16xi32>, vector<16xi1>
    %all_reduce_population_count3A_294 = tpu.all_reduce %or3A_281 {dim = 0 : i64, kind = #tpu.reduction_kind<sum>} : vector<16xi1> -> vector<16xi32>
    %add3A_295 = arith.addi %add3A_263, %all_reduce_population_count3A_294 : vector<16xi32>
    %swap3A_296 = arith.constant 0 : index
    %swap3A_297 = tpu.vector_load %arg12[%swap3A_296] {strides = array<i32>} : memref<16xi32, #tpu.memory_space<vmem>>, vector<16xi32>,
    tpu.vector_store %arg12[%swap3A_296], %all_reduce_population_count3A_294 {strides = array<i32>} : memref<16xi32, #tpu.memory_space<vmem>>, vector<16xi32>,
    %get3A_298 = arith.constant 0 : index
    %get3A_299 = tpu.vector_load %arg12[%get3A_298] {strides = array<i32>} : memref<16xi32, #tpu.memory_space<vmem>>, vector<16xi32>,
    %slice3A_300 = vector.extract_strided_slice %get3A_299 {offsets = [0], sizes = [1], strides = [1]} : vector<16xi32> to vector<1xi32>
    %squeeze3A_301 = vector.extract %slice3A_300[0] : i32 from vector<1xi32>
    %add3A_302 = arith.addi %add3A_270, %squeeze3A_301 : i32
    %get3A_303 = arith.constant 96 : index
    %get3A_304 = tpu.vector_load %arg5[%get3A_303] {strides = array<i32>} : memref<128xi32, #tpu.memory_space<vmem>>, vector<16xi32>,
    %get3A_305 = arith.constant 96 : index
    %get3A_306 = tpu.vector_load %arg6[%get3A_305] {strides = array<i32>} : memref<128xi32, #tpu.memory_space<vmem>>, vector<16xi32>,
    %lt3A_307 = arith.constant 4096 : i32
    %lt3A_308 = vector.broadcast %lt3A_307 : i32 to vector<16xi32>
    %lt3A_309 = arith.cmpi slt, %get3A_304, %lt3A_308 : vector<16xi32>
    %lt3A_310 = arith.constant 4096 : i32
    %lt3A_311 = vector.broadcast %lt3A_310 : i32 to vector<16xi32>
    %lt3A_312 = arith.cmpi slt, %get3A_306, %lt3A_311 : vector<16xi32>
    %or3A_313 = arith.ori %lt3A_309, %lt3A_312 : vector<16xi1>
    %add3A_314 = arith.constant 96 : i32
    %add3A_315 = vector.broadcast %add3A_314 : i32 to vector<16xi32>
    %add3A_316 = arith.addi %add3A_315, %iota3A : vector<16xi32>
    %swap3A_317 = arith.index_cast %add3A_302 : i32 to index
    %swap3A_318 = tpu.vector_load %arg7[%swap3A_317] masked %or3A_313 {strides = array<i32>} : memref<144xi32, #tpu.memory_space<vmem>>, vector<16xi32>, vector<16xi1>
    tpu.vector_store %arg7[%swap3A_317], %add3A_316 masked %or3A_313 {strides = array<i32>} : memref<144xi32, #tpu.memory_space<vmem>>, vector<16xi32>, vector<16xi1>
    %swap3A_319 = arith.index_cast %add3A_302 : i32 to index
    %swap3A_320 = tpu.vector_load %arg8[%swap3A_319] masked %or3A_313 {strides = array<i32>} : memref<144xi32, #tpu.memory_space<vmem>>, vector<16xi32>, vector<16xi1>
    tpu.vector_store %arg8[%swap3A_319], %get3A_304 masked %or3A_313 {strides = array<i32>} : memref<144xi32, #tpu.memory_space<vmem>>, vector<16xi32>, vector<16xi1>
    %add3A_321 = arith.constant 4352 : i32
    %add3A_322 = vector.broadcast %add3A_321 : i32 to vector<16xi32>
    %add3A_323 = arith.addi %get3A_306, %add3A_322 : vector<16xi32>
    %swap3A_324 = arith.index_cast %add3A_302 : i32 to index
    %swap3A_325 = tpu.vector_load %arg9[%swap3A_324] masked %or3A_313 {strides = array<i32>} : memref<144xi32, #tpu.memory_space<vmem>>, vector<16xi32>, vector<16xi1>
    tpu.vector_store %arg9[%swap3A_324], %add3A_323 masked %or3A_313 {strides = array<i32>} : memref<144xi32, #tpu.memory_space<vmem>>, vector<16xi32>, vector<16xi1>
    %all_reduce_population_count3A_326 = tpu.all_reduce %or3A_313 {dim = 0 : i64, kind = #tpu.reduction_kind<sum>} : vector<16xi1> -> vector<16xi32>
    %add3A_327 = arith.addi %add3A_295, %all_reduce_population_count3A_326 : vector<16xi32>
    %swap3A_328 = arith.constant 0 : index
    %swap3A_329 = tpu.vector_load %arg12[%swap3A_328] {strides = array<i32>} : memref<16xi32, #tpu.memory_space<vmem>>, vector<16xi32>,
    tpu.vector_store %arg12[%swap3A_328], %all_reduce_population_count3A_326 {strides = array<i32>} : memref<16xi32, #tpu.memory_space<vmem>>, vector<16xi32>,
    %get3A_330 = arith.constant 0 : index
    %get3A_331 = tpu.vector_load %arg12[%get3A_330] {strides = array<i32>} : memref<16xi32, #tpu.memory_space<vmem>>, vector<16xi32>,
    %slice3A_332 = vector.extract_strided_slice %get3A_331 {offsets = [0], sizes = [1], strides = [1]} : vector<16xi32> to vector<1xi32>
    %squeeze3A_333 = vector.extract %slice3A_332[0] : i32 from vector<1xi32>
    %add3A_334 = arith.addi %add3A_302, %squeeze3A_333 : i32
    %get3A_335 = arith.constant 112 : index
    %get3A_336 = tpu.vector_load %arg5[%get3A_335] {strides = array<i32>} : memref<128xi32, #tpu.memory_space<vmem>>, vector<16xi32>,
    %get3A_337 = arith.constant 112 : index
    %get3A_338 = tpu.vector_load %arg6[%get3A_337] {strides = array<i32>} : memref<128xi32, #tpu.memory_space<vmem>>, vector<16xi32>,
    %lt3A_339 = arith.constant 4096 : i32
    %lt3A_340 = vector.broadcast %lt3A_339 : i32 to vector<16xi32>
    %lt3A_341 = arith.cmpi slt, %get3A_336, %lt3A_340 : vector<16xi32>
    %lt3A_342 = arith.constant 4096 : i32
    %lt3A_343 = vector.broadcast %lt3A_342 : i32 to vector<16xi32>
    %lt3A_344 = arith.cmpi slt, %get3A_338, %lt3A_343 : vector<16xi32>
    %or3A_345 = arith.ori %lt3A_341, %lt3A_344 : vector<16xi1>
    %add3A_346 = arith.constant 112 : i32
    %add3A_347 = vector.broadcast %add3A_346 : i32 to vector<16xi32>
    %add3A_348 = arith.addi %add3A_347, %iota3A : vector<16xi32>
    %swap3A_349 = arith.index_cast %add3A_334 : i32 to index
    %swap3A_350 = tpu.vector_load %arg7[%swap3A_349] masked %or3A_345 {strides = array<i32>} : memref<144xi32, #tpu.memory_space<vmem>>, vector<16xi32>, vector<16xi1>
    tpu.vector_store %arg7[%swap3A_349], %add3A_348 masked %or3A_345 {strides = array<i32>} : memref<144xi32, #tpu.memory_space<vmem>>, vector<16xi32>, vector<16xi1>
    %swap3A_351 = arith.index_cast %add3A_334 : i32 to index
    %swap3A_352 = tpu.vector_load %arg8[%swap3A_351] masked %or3A_345 {strides = array<i32>} : memref<144xi32, #tpu.memory_space<vmem>>, vector<16xi32>, vector<16xi1>
    tpu.vector_store %arg8[%swap3A_351], %get3A_336 masked %or3A_345 {strides = array<i32>} : memref<144xi32, #tpu.memory_space<vmem>>, vector<16xi32>, vector<16xi1>
    %add3A_353 = arith.constant 4352 : i32
    %add3A_354 = vector.broadcast %add3A_353 : i32 to vector<16xi32>
    %add3A_355 = arith.addi %get3A_338, %add3A_354 : vector<16xi32>
    %swap3A_356 = arith.index_cast %add3A_334 : i32 to index
    %swap3A_357 = tpu.vector_load %arg9[%swap3A_356] masked %or3A_345 {strides = array<i32>} : memref<144xi32, #tpu.memory_space<vmem>>, vector<16xi32>, vector<16xi1>
    tpu.vector_store %arg9[%swap3A_356], %add3A_355 masked %or3A_345 {strides = array<i32>} : memref<144xi32, #tpu.memory_space<vmem>>, vector<16xi32>, vector<16xi1>
    %all_reduce_population_count3A_358 = tpu.all_reduce %or3A_345 {dim = 0 : i64, kind = #tpu.reduction_kind<sum>} : vector<16xi1> -> vector<16xi32>
    %add3A_359 = arith.addi %add3A_327, %all_reduce_population_count3A_358 : vector<16xi32>
    %swap3A_360 = arith.constant 0 : index
    %swap3A_361 = tpu.vector_load %arg12[%swap3A_360] {strides = array<i32>} : memref<16xi32, #tpu.memory_space<vmem>>, vector<16xi32>,
    tpu.vector_store %arg12[%swap3A_360], %all_reduce_population_count3A_358 {strides = array<i32>} : memref<16xi32, #tpu.memory_space<vmem>>, vector<16xi32>,
    %get3A_362 = arith.constant 0 : index
    %get3A_363 = tpu.vector_load %arg12[%get3A_362] {strides = array<i32>} : memref<16xi32, #tpu.memory_space<vmem>>, vector<16xi32>,
    %slice3A_364 = vector.extract_strided_slice %get3A_363 {offsets = [0], sizes = [1], strides = [1]} : vector<16xi32> to vector<1xi32>
    %squeeze3A_365 = vector.extract %slice3A_364[0] : i32 from vector<1xi32>
    %add3A_366 = arith.addi %add3A_334, %squeeze3A_365 : i32
    %add3A_367 = arith.constant 15 : i32
    %add3A_368 = arith.addi %add3A_366, %add3A_367 : i32
    %jit3A = arith.constant 16 : i32
    %div3A = arith.divsi %add3A_368, %jit3A : i32
    %sign3A = arith.constant 0 : i32
    %sign3A_369 = arith.cmpi sgt, %add3A_368, %sign3A : i32
    %sign3A_370 = arith.extui %sign3A_369 : i1 to i32
    %sign3A_371 = arith.constant 0 : i32
    %sign3A_372 = arith.cmpi slt, %add3A_368, %sign3A_371 : i32
    %sign3A_373 = arith.extui %sign3A_372 : i1 to i32
    %sign3A_374 = arith.subi %sign3A_370, %sign3A_373 : i32
    %sign3A_375 = arith.constant 0 : i32
    %sign3A_376 = arith.cmpi sgt, %jit3A, %sign3A_375 : i32
    %sign3A_377 = arith.extui %sign3A_376 : i1 to i32
    %sign3A_378 = arith.constant 0 : i32
    %sign3A_379 = arith.cmpi slt, %jit3A, %sign3A_378 : i32
    %sign3A_380 = arith.extui %sign3A_379 : i1 to i32
    %sign3A_381 = arith.subi %sign3A_377, %sign3A_380 : i32
    %ne3A = arith.cmpi ne, %sign3A_374, %sign3A_381 : i32
    %rem3A = arith.remsi %add3A_368, %jit3A : i32
    %ne3A_382 = arith.constant 0 : i32
    %ne3A_383 = arith.cmpi ne, %rem3A, %ne3A_382 : i32
    %and3A = arith.andi %ne3A, %ne3A_383 : i1
    %sub3A = arith.constant 1 : i32
    %sub3A_384 = arith.subi %div3A, %sub3A : i32
    %select_n3A = arith.select %and3A, %sub3A_384, %div3A : i32
    %min3A = arith.constant 8 : i32
    %min3A_385 = arith.minsi %select_n3A, %min3A : i32
    %while3A = arith.constant 0 : i32
    %while3A_386 = arith.constant 0 : i32
    %while3A_387 = arith.subi %min3A_385, %while3A_386 : i32
    %while3A_388 = arith.addi %while3A_386, %while3A_387 : i32
    %while3A_389 = arith.constant 1 : i32
    %while3A_390 = arith.divsi %while3A_387, %while3A_389 : i32
    %while3A_391 = arith.muli %while3A_390, %while3A_389 : i32
    %while3A_392 = arith.addi %while3A_386, %while3A_391 : i32
    %while3A_393 = arith.constant 1 : i32
    scf.for %while3A_395 = %while3A_386 to %while3A_392 step %while3A_393  : i32 {
      %mul3A_396 = arith.constant 16 : i32
      %mul3A_397 = arith.muli %while3A_395, %mul3A_396 : i32
      %dma_start3A = tpu.memref_slice %arg8[%mul3A_397] : memref<144xi32, #tpu.memory_space<vmem>> -> memref<16xi32, #tpu.memory_space<vmem>>
      %dma_start3A_398 = arith.constant 0 : i32
      %dma_start3A_399 = arith.constant 0 : i32
      %dma_start3A_400 = arith.constant 0 : i32
      %dma_start3A_401 = tpu.memref_slice %arg2[%dma_start3A_398, %dma_start3A_399, %dma_start3A_400] : memref<8704x8x128xf32, #tpu.memory_space<hbm>> -> memref<8704x8x128xf32, #tpu.memory_space<hbm>>
      tpu.enqueue_indirect_dma source(%dma_start3A_401 : memref<8704x8x128xf32, #tpu.memory_space<hbm>>) target(%arg10 : memref<16x8x128xf32, #tpu.memory_space<vmem>>) offsets(%dma_start3A : memref<16xi32, #tpu.memory_space<vmem>>) semaphore(%arg14 : memref<!tpu.dma_semaphore, #tpu.memory_space<semaphore_mem>>)
      %dma_wait3A = tpu.memref_slice %arg8[%mul3A_397] : memref<144xi32, #tpu.memory_space<vmem>> -> memref<16xi32, #tpu.memory_space<vmem>>
      %dma_wait3A_402 = arith.constant 0 : i32
      %dma_wait3A_403 = arith.constant 0 : i32
      %dma_wait3A_404 = arith.constant 0 : i32
      %dma_wait3A_405 = tpu.memref_slice %arg2[%dma_wait3A_402, %dma_wait3A_403, %dma_wait3A_404] : memref<8704x8x128xf32, #tpu.memory_space<hbm>> -> memref<8704x8x128xf32, #tpu.memory_space<hbm>>
      tpu.wait_indirect_dma semaphore(%arg14 : memref<!tpu.dma_semaphore, #tpu.memory_space<semaphore_mem>>) src(%dma_wait3A_405 : memref<8704x8x128xf32, #tpu.memory_space<hbm>>) dst(%arg10 : memref<16x8x128xf32, #tpu.memory_space<vmem>>)
      %mul3A_406 = arith.constant 16 : i32
      %mul3A_407 = arith.muli %while3A_395, %mul3A_406 : i32
      %dma_start3A_408 = tpu.memref_slice %arg9[%mul3A_407] : memref<144xi32, #tpu.memory_space<vmem>> -> memref<16xi32, #tpu.memory_space<vmem>>
      %dma_start3A_409 = arith.constant 0 : i32
      %dma_start3A_410 = arith.constant 0 : i32
      %dma_start3A_411 = arith.constant 0 : i32
      %dma_start3A_412 = tpu.memref_slice %arg2[%dma_start3A_409, %dma_start3A_410, %dma_start3A_411] : memref<8704x8x128xf32, #tpu.memory_space<hbm>> -> memref<8704x8x128xf32, #tpu.memory_space<hbm>>
      tpu.enqueue_indirect_dma source(%dma_start3A_412 : memref<8704x8x128xf32, #tpu.memory_space<hbm>>) target(%arg10 : memref<16x8x128xf32, #tpu.memory_space<vmem>>) offsets(%dma_start3A_408 : memref<16xi32, #tpu.memory_space<vmem>>) semaphore(%arg14 : memref<!tpu.dma_semaphore, #tpu.memory_space<semaphore_mem>>) {add = true}
      %dma_wait3A_413 = tpu.memref_slice %arg9[%mul3A_407] : memref<144xi32, #tpu.memory_space<vmem>> -> memref<16xi32, #tpu.memory_space<vmem>>
      %dma_wait3A_414 = arith.constant 0 : i32
      %dma_wait3A_415 = arith.constant 0 : i32
      %dma_wait3A_416 = arith.constant 0 : i32
      %dma_wait3A_417 = tpu.memref_slice %arg2[%dma_wait3A_414, %dma_wait3A_415, %dma_wait3A_416] : memref<8704x8x128xf32, #tpu.memory_space<hbm>> -> memref<8704x8x128xf32, #tpu.memory_space<hbm>>
      tpu.wait_indirect_dma semaphore(%arg14 : memref<!tpu.dma_semaphore, #tpu.memory_space<semaphore_mem>>) src(%dma_wait3A_417 : memref<8704x8x128xf32, #tpu.memory_space<hbm>>) dst(%arg10 : memref<16x8x128xf32, #tpu.memory_space<vmem>>)
      %mul3A_418 = arith.constant 16 : i32
      %mul3A_419 = arith.muli %while3A_395, %mul3A_418 : i32
      %add3A_420 = vector.broadcast %mul3A_419 : i32 to vector<16xi32>
      %add3A_421 = arith.addi %iota3A, %add3A_420 : vector<16xi32>
      %lt3A_422 = arith.cmpi slt, %add3A_421, %add3A_359 : vector<16xi32>
      %mul3A_423 = arith.constant 16 : i32
      %mul3A_424 = arith.muli %while3A_395, %mul3A_423 : i32
      %get3A_425 = arith.index_cast %mul3A_424 : i32 to index
      %get3A_426 = tpu.vector_load %arg7[%get3A_425] {strides = array<i32>} : memref<144xi32, #tpu.memory_space<vmem>>, vector<16xi32>,
      %add3A_427 = vector.broadcast %mul3A_2 : i32 to vector<16xi32>
      %add3A_428 = arith.addi %add3A_427, %get3A_426 : vector<16xi32>
      %jit3A_429 = arith.constant 4096 : i32
      %broadcast_in_dim3A_430 = vector.broadcast %jit3A_429 : i32 to vector<16xi32>
      %select_n3A_431 = arith.select %lt3A_422, %add3A_428, %broadcast_in_dim3A_430 : vector<16xi1>, vector<16xi32>
      %swap3A_432 = arith.constant 0 : index
      %swap3A_433 = tpu.vector_load %arg13[%swap3A_432] {strides = array<i32>} : memref<16xi32, #tpu.memory_space<vmem>>, vector<16xi32>,
      tpu.vector_store %arg13[%swap3A_432], %select_n3A_431 {strides = array<i32>} : memref<16xi32, #tpu.memory_space<vmem>>, vector<16xi32>,
      %dma_start3A_434 = arith.constant 0 : i32
      %dma_start3A_435 = arith.constant 0 : i32
      %dma_start3A_436 = arith.constant 0 : i32
      %dma_start3A_437 = tpu.memref_slice %arg4[%dma_start3A_434, %dma_start3A_435, %dma_start3A_436] : memref<4112x8x128xf32, #tpu.memory_space<hbm>> -> memref<4112x8x128xf32, #tpu.memory_space<hbm>>
      tpu.enqueue_indirect_dma source(%arg10 : memref<16x8x128xf32, #tpu.memory_space<vmem>>) target(%dma_start3A_437 : memref<4112x8x128xf32, #tpu.memory_space<hbm>>) offsets(%arg13 : memref<16xi32, #tpu.memory_space<vmem>>) semaphore(%arg14 : memref<!tpu.dma_semaphore, #tpu.memory_space<semaphore_mem>>)
      %dma_wait3A_438 = arith.constant 0 : i32
      %dma_wait3A_439 = arith.constant 0 : i32
      %dma_wait3A_440 = arith.constant 0 : i32
      %dma_wait3A_441 = tpu.memref_slice %arg4[%dma_wait3A_438, %dma_wait3A_439, %dma_wait3A_440] : memref<4112x8x128xf32, #tpu.memory_space<hbm>> -> memref<4112x8x128xf32, #tpu.memory_space<hbm>>
      tpu.wait_indirect_dma semaphore(%arg14 : memref<!tpu.dma_semaphore, #tpu.memory_space<semaphore_mem>>) src(%arg10 : memref<16x8x128xf32, #tpu.memory_space<vmem>>) dst(%dma_wait3A_441 : memref<4112x8x128xf32, #tpu.memory_space<hbm>>)
    }
    %while3A_394 = arith.constant 1 : i32
    scf.for %while3A_395 = %while3A_392 to %while3A_388 step %while3A_394  : i32 {
      %mul3A_396 = arith.constant 16 : i32
      %mul3A_397 = arith.muli %while3A_395, %mul3A_396 : i32
      %dma_start3A = tpu.memref_slice %arg8[%mul3A_397] : memref<144xi32, #tpu.memory_space<vmem>> -> memref<16xi32, #tpu.memory_space<vmem>>
      %dma_start3A_398 = arith.constant 0 : i32
      %dma_start3A_399 = arith.constant 0 : i32
      %dma_start3A_400 = arith.constant 0 : i32
      %dma_start3A_401 = tpu.memref_slice %arg2[%dma_start3A_398, %dma_start3A_399, %dma_start3A_400] : memref<8704x8x128xf32, #tpu.memory_space<hbm>> -> memref<8704x8x128xf32, #tpu.memory_space<hbm>>
      tpu.enqueue_indirect_dma source(%dma_start3A_401 : memref<8704x8x128xf32, #tpu.memory_space<hbm>>) target(%arg10 : memref<16x8x128xf32, #tpu.memory_space<vmem>>) offsets(%dma_start3A : memref<16xi32, #tpu.memory_space<vmem>>) semaphore(%arg14 : memref<!tpu.dma_semaphore, #tpu.memory_space<semaphore_mem>>)
      %dma_wait3A = tpu.memref_slice %arg8[%mul3A_397] : memref<144xi32, #tpu.memory_space<vmem>> -> memref<16xi32, #tpu.memory_space<vmem>>
      %dma_wait3A_402 = arith.constant 0 : i32
      %dma_wait3A_403 = arith.constant 0 : i32
      %dma_wait3A_404 = arith.constant 0 : i32
      %dma_wait3A_405 = tpu.memref_slice %arg2[%dma_wait3A_402, %dma_wait3A_403, %dma_wait3A_404] : memref<8704x8x128xf32, #tpu.memory_space<hbm>> -> memref<8704x8x128xf32, #tpu.memory_space<hbm>>
      tpu.wait_indirect_dma semaphore(%arg14 : memref<!tpu.dma_semaphore, #tpu.memory_space<semaphore_mem>>) src(%dma_wait3A_405 : memref<8704x8x128xf32, #tpu.memory_space<hbm>>) dst(%arg10 : memref<16x8x128xf32, #tpu.memory_space<vmem>>)
      %mul3A_406 = arith.constant 16 : i32
      %mul3A_407 = arith.muli %while3A_395, %mul3A_406 : i32
      %dma_start3A_408 = tpu.memref_slice %arg9[%mul3A_407] : memref<144xi32, #tpu.memory_space<vmem>> -> memref<16xi32, #tpu.memory_space<vmem>>
      %dma_start3A_409 = arith.constant 0 : i32
      %dma_start3A_410 = arith.constant 0 : i32
      %dma_start3A_411 = arith.constant 0 : i32
      %dma_start3A_412 = tpu.memref_slice %arg2[%dma_start3A_409, %dma_start3A_410, %dma_start3A_411] : memref<8704x8x128xf32, #tpu.memory_space<hbm>> -> memref<8704x8x128xf32, #tpu.memory_space<hbm>>
      tpu.enqueue_indirect_dma source(%dma_start3A_412 : memref<8704x8x128xf32, #tpu.memory_space<hbm>>) target(%arg10 : memref<16x8x128xf32, #tpu.memory_space<vmem>>) offsets(%dma_start3A_408 : memref<16xi32, #tpu.memory_space<vmem>>) semaphore(%arg14 : memref<!tpu.dma_semaphore, #tpu.memory_space<semaphore_mem>>) {add = true}
      %dma_wait3A_413 = tpu.memref_slice %arg9[%mul3A_407] : memref<144xi32, #tpu.memory_space<vmem>> -> memref<16xi32, #tpu.memory_space<vmem>>
      %dma_wait3A_414 = arith.constant 0 : i32
      %dma_wait3A_415 = arith.constant 0 : i32
      %dma_wait3A_416 = arith.constant 0 : i32
      %dma_wait3A_417 = tpu.memref_slice %arg2[%dma_wait3A_414, %dma_wait3A_415, %dma_wait3A_416] : memref<8704x8x128xf32, #tpu.memory_space<hbm>> -> memref<8704x8x128xf32, #tpu.memory_space<hbm>>
      tpu.wait_indirect_dma semaphore(%arg14 : memref<!tpu.dma_semaphore, #tpu.memory_space<semaphore_mem>>) src(%dma_wait3A_417 : memref<8704x8x128xf32, #tpu.memory_space<hbm>>) dst(%arg10 : memref<16x8x128xf32, #tpu.memory_space<vmem>>)
      %mul3A_418 = arith.constant 16 : i32
      %mul3A_419 = arith.muli %while3A_395, %mul3A_418 : i32
      %add3A_420 = vector.broadcast %mul3A_419 : i32 to vector<16xi32>
      %add3A_421 = arith.addi %iota3A, %add3A_420 : vector<16xi32>
      %lt3A_422 = arith.cmpi slt, %add3A_421, %add3A_359 : vector<16xi32>
      %mul3A_423 = arith.constant 16 : i32
      %mul3A_424 = arith.muli %while3A_395, %mul3A_423 : i32
      %get3A_425 = arith.index_cast %mul3A_424 : i32 to index
      %get3A_426 = tpu.vector_load %arg7[%get3A_425] {strides = array<i32>} : memref<144xi32, #tpu.memory_space<vmem>>, vector<16xi32>,
      %add3A_427 = vector.broadcast %mul3A_2 : i32 to vector<16xi32>
      %add3A_428 = arith.addi %add3A_427, %get3A_426 : vector<16xi32>
      %jit3A_429 = arith.constant 4096 : i32
      %broadcast_in_dim3A_430 = vector.broadcast %jit3A_429 : i32 to vector<16xi32>
      %select_n3A_431 = arith.select %lt3A_422, %add3A_428, %broadcast_in_dim3A_430 : vector<16xi1>, vector<16xi32>
      %swap3A_432 = arith.constant 0 : index
      %swap3A_433 = tpu.vector_load %arg13[%swap3A_432] {strides = array<i32>} : memref<16xi32, #tpu.memory_space<vmem>>, vector<16xi32>,
      tpu.vector_store %arg13[%swap3A_432], %select_n3A_431 {strides = array<i32>} : memref<16xi32, #tpu.memory_space<vmem>>, vector<16xi32>,
      %dma_start3A_434 = arith.constant 0 : i32
      %dma_start3A_435 = arith.constant 0 : i32
      %dma_start3A_436 = arith.constant 0 : i32
      %dma_start3A_437 = tpu.memref_slice %arg4[%dma_start3A_434, %dma_start3A_435, %dma_start3A_436] : memref<4112x8x128xf32, #tpu.memory_space<hbm>> -> memref<4112x8x128xf32, #tpu.memory_space<hbm>>
      tpu.enqueue_indirect_dma source(%arg10 : memref<16x8x128xf32, #tpu.memory_space<vmem>>) target(%dma_start3A_437 : memref<4112x8x128xf32, #tpu.memory_space<hbm>>) offsets(%arg13 : memref<16xi32, #tpu.memory_space<vmem>>) semaphore(%arg14 : memref<!tpu.dma_semaphore, #tpu.memory_space<semaphore_mem>>)
      %dma_wait3A_438 = arith.constant 0 : i32
      %dma_wait3A_439 = arith.constant 0 : i32
      %dma_wait3A_440 = arith.constant 0 : i32
      %dma_wait3A_441 = tpu.memref_slice %arg4[%dma_wait3A_438, %dma_wait3A_439, %dma_wait3A_440] : memref<4112x8x128xf32, #tpu.memory_space<hbm>> -> memref<4112x8x128xf32, #tpu.memory_space<hbm>>
      tpu.wait_indirect_dma semaphore(%arg14 : memref<!tpu.dma_semaphore, #tpu.memory_space<semaphore_mem>>) src(%arg10 : memref<16x8x128xf32, #tpu.memory_space<vmem>>) dst(%dma_wait3A_441 : memref<4112x8x128xf32, #tpu.memory_space<hbm>>)
    }
    return
  }
}

module attributes {stable_mosaic.version = 14 : i64} {
  func.func @_ffn_tile(%arg0: i32, %arg1: memref<2xi32, #tpu.memory_space<smem>>, %arg2: memref<2x256x1024xf32, #tpu.memory_space<vmem>>, %arg3: memref<2x2048x1024xbf16, #tpu.memory_space<vmem>>, %arg4: memref<2x1x2048xf32, #tpu.memory_space<vmem>>, %arg5: memref<2x1024x2048xbf16, #tpu.memory_space<vmem>>, %arg6: memref<2x1x1024xf32, #tpu.memory_space<vmem>>, %arg7: memref<2x1x1x256xf32, #tpu.memory_space<vmem>>, %arg8: memref<2x256x1024xf32, #tpu.memory_space<vmem>>) attributes {dimension_semantics = [#tpu.dimension_semantics<arbitrary>], iteration_bounds = array<i64: 17>, scalar_prefetch = 0 : i64, scratch_operands = 0 : i64, tpu.core_type = #tpu.core_type<tc>, window_params = [{transform_indices = @transform_0, window_bounds = array<i64: 2>}, {transform_indices = @transform_1, window_bounds = array<i64: 2, 256, 1024>}, {pipeline_mode = #tpu.pipeline_mode<synchronous>, transform_indices = @transform_2, window_bounds = array<i64: 2, 2048, 1024>}, {pipeline_mode = #tpu.pipeline_mode<synchronous>, transform_indices = @transform_3, window_bounds = array<i64: 2, 1, 2048>}, {pipeline_mode = #tpu.pipeline_mode<synchronous>, transform_indices = @transform_4, window_bounds = array<i64: 2, 1024, 2048>}, {pipeline_mode = #tpu.pipeline_mode<synchronous>, transform_indices = @transform_5, window_bounds = array<i64: 2, 1, 1024>}, {transform_indices = @transform_6, window_bounds = array<i64: 2, 1, 1, 256>}, {transform_indices = @transform_7, window_bounds = array<i64: 2, 256, 1024>}]} {
    %get3A = arith.constant 0 : index
    %get3A_0 = memref.load %arg1[%get3A] : memref<2xi32, #tpu.memory_space<smem>>
    %lt3A = arith.constant 16 : i32
    %lt3A_1 = arith.cmpi slt, %arg0, %lt3A : i32
    %mul3A = arith.constant 256 : i32
    %mul3A_2 = arith.muli %arg0, %mul3A : i32
    %lt3A_3 = arith.cmpi slt, %mul3A_2, %get3A_0 : i32
    %and3A = arith.andi %lt3A_1, %lt3A_3 : i1
    %convert_element_type3A = arith.extui %and3A : i1 to i32
    %cond3A = arith.constant 0 : i32
    %cond3A_4 = arith.cmpi ne, %convert_element_type3A, %cond3A : i32
    scf.if %cond3A_4 {
      %get3A_25 = arith.constant 0 : index
      %get3A_26 = arith.constant 0 : index
      %get3A_27 = arith.constant 0 : index
      %get3A_28 = vector.load %arg2[%get3A_25, %get3A_26, %get3A_27] : memref<2x256x1024xf32, #tpu.memory_space<vmem>>, vector<1x256x1024xf32>
      %get3A_29 = vector.shape_cast %get3A_28 : vector<1x256x1024xf32> to vector<256x1024xf32>
      %convert_element_type3A_30 = arith.truncf %get3A_29 : vector<256x1024xf32> to vector<256x1024xbf16>
      %get3A_31 = arith.constant 0 : index
      %get3A_32 = arith.constant 0 : index
      %get3A_33 = arith.constant 0 : index
      %get3A_34 = vector.load %arg3[%get3A_31, %get3A_32, %get3A_33] : memref<2x2048x1024xbf16, #tpu.memory_space<vmem>>, vector<1x2048x1024xbf16>
      %get3A_35 = vector.shape_cast %get3A_34 : vector<1x2048x1024xbf16> to vector<2048x1024xbf16>
      %dot_general3A = arith.constant dense<0.000000e+00> : vector<256x2048xf32>
      %dot_general3A_36 = tpu.matmul %convert_element_type3A_30, %get3A_35, %dot_general3A {dimension_numbers = #tpu.dot_dimension_numbers<[1], [1], [0], [0], [0, 0, 1, 0], [], []>, transpose_lhs_hint = false} : vector<256x1024xbf16>, vector<2048x1024xbf16>, vector<256x2048xf32> -> vector<256x2048xf32>
      %get3A_37 = arith.constant 0 : index
      %get3A_38 = arith.constant 0 : index
      %get3A_39 = arith.constant 0 : index
      %get3A_40 = vector.load %arg4[%get3A_37, %get3A_38, %get3A_39] : memref<2x1x2048xf32, #tpu.memory_space<vmem>>, vector<1x1x2048xf32>
      %get3A_41 = vector.shape_cast %get3A_40 : vector<1x1x2048xf32> to vector<1x2048xf32>
      %add3A = vector.broadcast %get3A_41 : vector<1x2048xf32> to vector<256x2048xf32>
      %add3A_42 = arith.addf %dot_general3A_36, %add3A : vector<256x2048xf32>
      %mul3A_43 = arith.constant 5.000000e-01 : f32
      %mul3A_44 = vector.broadcast %mul3A_43 : f32 to vector<256x2048xf32>
      %mul3A_45 = arith.mulf %mul3A_44, %add3A_42 : vector<256x2048xf32>
      %mul3A_46 = arith.constant 0.707106769 : f32
      %mul3A_47 = vector.broadcast %mul3A_46 : f32 to vector<256x2048xf32>
      %mul3A_48 = arith.mulf %add3A_42, %mul3A_47 : vector<256x2048xf32>
      %erf3A = math.erf %mul3A_48 : vector<256x2048xf32>
      %add3A_49 = arith.constant 1.000000e+00 : f32
      %add3A_50 = vector.broadcast %add3A_49 : f32 to vector<256x2048xf32>
      %add3A_51 = arith.addf %add3A_50, %erf3A : vector<256x2048xf32>
      %mul3A_52 = arith.mulf %mul3A_45, %add3A_51 : vector<256x2048xf32>
      %convert_element_type3A_53 = arith.truncf %mul3A_52 : vector<256x2048xf32> to vector<256x2048xbf16>
      %get3A_54 = arith.constant 0 : index
      %get3A_55 = arith.constant 0 : index
      %get3A_56 = arith.constant 0 : index
      %get3A_57 = vector.load %arg5[%get3A_54, %get3A_55, %get3A_56] : memref<2x1024x2048xbf16, #tpu.memory_space<vmem>>, vector<1x1024x2048xbf16>
      %get3A_58 = vector.shape_cast %get3A_57 : vector<1x1024x2048xbf16> to vector<1024x2048xbf16>
      %dot_general3A_59 = arith.constant dense<0.000000e+00> : vector<256x1024xf32>
      %dot_general3A_60 = tpu.matmul %convert_element_type3A_53, %get3A_58, %dot_general3A_59 {dimension_numbers = #tpu.dot_dimension_numbers<[1], [1], [0], [0], [0, 0, 1, 0], [], []>, transpose_lhs_hint = false} : vector<256x2048xbf16>, vector<1024x2048xbf16>, vector<256x1024xf32> -> vector<256x1024xf32>
      %get3A_61 = arith.constant 0 : index
      %get3A_62 = arith.constant 0 : index
      %get3A_63 = arith.constant 0 : index
      %get3A_64 = vector.load %arg6[%get3A_61, %get3A_62, %get3A_63] : memref<2x1x1024xf32, #tpu.memory_space<vmem>>, vector<1x1x1024xf32>
      %get3A_65 = vector.shape_cast %get3A_64 : vector<1x1x1024xf32> to vector<1x1024xf32>
      %add3A_66 = vector.broadcast %get3A_65 : vector<1x1024xf32> to vector<256x1024xf32>
      %add3A_67 = arith.addf %dot_general3A_60, %add3A_66 : vector<256x1024xf32>
      %get3A_68 = arith.constant 0 : index
      %get3A_69 = arith.constant 0 : index
      %get3A_70 = arith.constant 0 : index
      %get3A_71 = arith.constant 0 : index
      %get3A_72 = vector.load %arg7[%get3A_68, %get3A_69, %get3A_70, %get3A_71] : memref<2x1x1x256xf32, #tpu.memory_space<vmem>>, vector<1x1x1x256xf32>
      %get3A_73 = vector.shape_cast %get3A_72 : vector<1x1x1x256xf32> to vector<256xf32>
      %reshape3A = vector.shape_cast %get3A_73 : vector<256xf32> to vector<256x1xf32>
      %mul3A_74 = vector.broadcast %reshape3A : vector<256x1xf32> to vector<256x1024xf32>
      %mul3A_75 = arith.mulf %add3A_67, %mul3A_74 : vector<256x1024xf32>
      %swap3A = arith.constant 0 : index
      %swap3A_76 = arith.constant 0 : index
      %swap3A_77 = arith.constant 0 : index
      %swap3A_78 = vector.load %arg8[%swap3A, %swap3A_76, %swap3A_77] : memref<2x256x1024xf32, #tpu.memory_space<vmem>>, vector<1x256x1024xf32>
      %swap3A_79 = vector.shape_cast %swap3A_78 : vector<1x256x1024xf32> to vector<256x1024xf32>
      %swap3A_80 = vector.shape_cast %mul3A_75 : vector<256x1024xf32> to vector<1x256x1024xf32>
      tpu.vector_store %arg8[%swap3A, %swap3A_76, %swap3A_77], %swap3A_80 {strides = array<i32>} : memref<2x256x1024xf32, #tpu.memory_space<vmem>>, vector<1x256x1024xf32>,
    } else {
    }
    %not3A = arith.constant true
    %not3A_5 = arith.xori %and3A, %not3A : i1
    %convert_element_type3A_6 = arith.extui %not3A_5 : i1 to i32
    %cond3A_7 = arith.constant 0 : i32
    %cond3A_8 = arith.cmpi ne, %convert_element_type3A_6, %cond3A_7 : i32
    scf.if %cond3A_8 {
      %broadcast_in_dim3A = arith.constant 0.000000e+00 : f32
      %broadcast_in_dim3A_25 = vector.broadcast %broadcast_in_dim3A : f32 to vector<256x1024xf32>
      %swap3A = arith.constant 0 : index
      %swap3A_26 = arith.constant 0 : index
      %swap3A_27 = arith.constant 0 : index
      %swap3A_28 = vector.load %arg8[%swap3A, %swap3A_26, %swap3A_27] : memref<2x256x1024xf32, #tpu.memory_space<vmem>>, vector<1x256x1024xf32>
      %swap3A_29 = vector.shape_cast %swap3A_28 : vector<1x256x1024xf32> to vector<256x1024xf32>
      %swap3A_30 = vector.shape_cast %broadcast_in_dim3A_25 : vector<256x1024xf32> to vector<1x256x1024xf32>
      tpu.vector_store %arg8[%swap3A, %swap3A_26, %swap3A_27], %swap3A_30 {strides = array<i32>} : memref<2x256x1024xf32, #tpu.memory_space<vmem>>, vector<1x256x1024xf32>,
    } else {
    }
    %get3A_9 = arith.constant 1 : index
    %get3A_10 = memref.load %arg1[%get3A_9] : memref<2xi32, #tpu.memory_space<smem>>
    %lt3A_11 = arith.constant 16 : i32
    %lt3A_12 = arith.cmpi slt, %arg0, %lt3A_11 : i32
    %mul3A_13 = arith.constant 256 : i32
    %mul3A_14 = arith.muli %arg0, %mul3A_13 : i32
    %lt3A_15 = arith.cmpi slt, %mul3A_14, %get3A_10 : i32
    %and3A_16 = arith.andi %lt3A_12, %lt3A_15 : i1
    %convert_element_type3A_17 = arith.extui %and3A_16 : i1 to i32
    %cond3A_18 = arith.constant 0 : i32
    %cond3A_19 = arith.cmpi ne, %convert_element_type3A_17, %cond3A_18 : i32
    scf.if %cond3A_19 {
      %get3A_25 = arith.constant 1 : index
      %get3A_26 = arith.constant 0 : index
      %get3A_27 = arith.constant 0 : index
      %get3A_28 = vector.load %arg2[%get3A_25, %get3A_26, %get3A_27] : memref<2x256x1024xf32, #tpu.memory_space<vmem>>, vector<1x256x1024xf32>
      %get3A_29 = vector.shape_cast %get3A_28 : vector<1x256x1024xf32> to vector<256x1024xf32>
      %convert_element_type3A_30 = arith.truncf %get3A_29 : vector<256x1024xf32> to vector<256x1024xbf16>
      %get3A_31 = arith.constant 1 : index
      %get3A_32 = arith.constant 0 : index
      %get3A_33 = arith.constant 0 : index
      %get3A_34 = vector.load %arg3[%get3A_31, %get3A_32, %get3A_33] : memref<2x2048x1024xbf16, #tpu.memory_space<vmem>>, vector<1x2048x1024xbf16>
      %get3A_35 = vector.shape_cast %get3A_34 : vector<1x2048x1024xbf16> to vector<2048x1024xbf16>
      %dot_general3A = arith.constant dense<0.000000e+00> : vector<256x2048xf32>
      %dot_general3A_36 = tpu.matmul %convert_element_type3A_30, %get3A_35, %dot_general3A {dimension_numbers = #tpu.dot_dimension_numbers<[1], [1], [0], [0], [0, 0, 1, 0], [], []>, transpose_lhs_hint = false} : vector<256x1024xbf16>, vector<2048x1024xbf16>, vector<256x2048xf32> -> vector<256x2048xf32>
      %get3A_37 = arith.constant 1 : index
      %get3A_38 = arith.constant 0 : index
      %get3A_39 = arith.constant 0 : index
      %get3A_40 = vector.load %arg4[%get3A_37, %get3A_38, %get3A_39] : memref<2x1x2048xf32, #tpu.memory_space<vmem>>, vector<1x1x2048xf32>
      %get3A_41 = vector.shape_cast %get3A_40 : vector<1x1x2048xf32> to vector<1x2048xf32>
      %add3A = vector.broadcast %get3A_41 : vector<1x2048xf32> to vector<256x2048xf32>
      %add3A_42 = arith.addf %dot_general3A_36, %add3A : vector<256x2048xf32>
      %mul3A_43 = arith.constant 5.000000e-01 : f32
      %mul3A_44 = vector.broadcast %mul3A_43 : f32 to vector<256x2048xf32>
      %mul3A_45 = arith.mulf %mul3A_44, %add3A_42 : vector<256x2048xf32>
      %mul3A_46 = arith.constant 0.707106769 : f32
      %mul3A_47 = vector.broadcast %mul3A_46 : f32 to vector<256x2048xf32>
      %mul3A_48 = arith.mulf %add3A_42, %mul3A_47 : vector<256x2048xf32>
      %erf3A = math.erf %mul3A_48 : vector<256x2048xf32>
      %add3A_49 = arith.constant 1.000000e+00 : f32
      %add3A_50 = vector.broadcast %add3A_49 : f32 to vector<256x2048xf32>
      %add3A_51 = arith.addf %add3A_50, %erf3A : vector<256x2048xf32>
      %mul3A_52 = arith.mulf %mul3A_45, %add3A_51 : vector<256x2048xf32>
      %convert_element_type3A_53 = arith.truncf %mul3A_52 : vector<256x2048xf32> to vector<256x2048xbf16>
      %get3A_54 = arith.constant 1 : index
      %get3A_55 = arith.constant 0 : index
      %get3A_56 = arith.constant 0 : index
      %get3A_57 = vector.load %arg5[%get3A_54, %get3A_55, %get3A_56] : memref<2x1024x2048xbf16, #tpu.memory_space<vmem>>, vector<1x1024x2048xbf16>
      %get3A_58 = vector.shape_cast %get3A_57 : vector<1x1024x2048xbf16> to vector<1024x2048xbf16>
      %dot_general3A_59 = arith.constant dense<0.000000e+00> : vector<256x1024xf32>
      %dot_general3A_60 = tpu.matmul %convert_element_type3A_53, %get3A_58, %dot_general3A_59 {dimension_numbers = #tpu.dot_dimension_numbers<[1], [1], [0], [0], [0, 0, 1, 0], [], []>, transpose_lhs_hint = false} : vector<256x2048xbf16>, vector<1024x2048xbf16>, vector<256x1024xf32> -> vector<256x1024xf32>
      %get3A_61 = arith.constant 1 : index
      %get3A_62 = arith.constant 0 : index
      %get3A_63 = arith.constant 0 : index
      %get3A_64 = vector.load %arg6[%get3A_61, %get3A_62, %get3A_63] : memref<2x1x1024xf32, #tpu.memory_space<vmem>>, vector<1x1x1024xf32>
      %get3A_65 = vector.shape_cast %get3A_64 : vector<1x1x1024xf32> to vector<1x1024xf32>
      %add3A_66 = vector.broadcast %get3A_65 : vector<1x1024xf32> to vector<256x1024xf32>
      %add3A_67 = arith.addf %dot_general3A_60, %add3A_66 : vector<256x1024xf32>
      %get3A_68 = arith.constant 1 : index
      %get3A_69 = arith.constant 0 : index
      %get3A_70 = arith.constant 0 : index
      %get3A_71 = arith.constant 0 : index
      %get3A_72 = vector.load %arg7[%get3A_68, %get3A_69, %get3A_70, %get3A_71] : memref<2x1x1x256xf32, #tpu.memory_space<vmem>>, vector<1x1x1x256xf32>
      %get3A_73 = vector.shape_cast %get3A_72 : vector<1x1x1x256xf32> to vector<256xf32>
      %reshape3A = vector.shape_cast %get3A_73 : vector<256xf32> to vector<256x1xf32>
      %mul3A_74 = vector.broadcast %reshape3A : vector<256x1xf32> to vector<256x1024xf32>
      %mul3A_75 = arith.mulf %add3A_67, %mul3A_74 : vector<256x1024xf32>
      %swap3A = arith.constant 1 : index
      %swap3A_76 = arith.constant 0 : index
      %swap3A_77 = arith.constant 0 : index
      %swap3A_78 = vector.load %arg8[%swap3A, %swap3A_76, %swap3A_77] : memref<2x256x1024xf32, #tpu.memory_space<vmem>>, vector<1x256x1024xf32>
      %swap3A_79 = vector.shape_cast %swap3A_78 : vector<1x256x1024xf32> to vector<256x1024xf32>
      %swap3A_80 = vector.shape_cast %mul3A_75 : vector<256x1024xf32> to vector<1x256x1024xf32>
      tpu.vector_store %arg8[%swap3A, %swap3A_76, %swap3A_77], %swap3A_80 {strides = array<i32>} : memref<2x256x1024xf32, #tpu.memory_space<vmem>>, vector<1x256x1024xf32>,
    } else {
    }
    %not3A_20 = arith.constant true
    %not3A_21 = arith.xori %and3A_16, %not3A_20 : i1
    %convert_element_type3A_22 = arith.extui %not3A_21 : i1 to i32
    %cond3A_23 = arith.constant 0 : i32
    %cond3A_24 = arith.cmpi ne, %convert_element_type3A_22, %cond3A_23 : i32
    scf.if %cond3A_24 {
      %broadcast_in_dim3A = arith.constant 0.000000e+00 : f32
      %broadcast_in_dim3A_25 = vector.broadcast %broadcast_in_dim3A : f32 to vector<256x1024xf32>
      %swap3A = arith.constant 1 : index
      %swap3A_26 = arith.constant 0 : index
      %swap3A_27 = arith.constant 0 : index
      %swap3A_28 = vector.load %arg8[%swap3A, %swap3A_26, %swap3A_27] : memref<2x256x1024xf32, #tpu.memory_space<vmem>>, vector<1x256x1024xf32>
      %swap3A_29 = vector.shape_cast %swap3A_28 : vector<1x256x1024xf32> to vector<256x1024xf32>
      %swap3A_30 = vector.shape_cast %broadcast_in_dim3A_25 : vector<256x1024xf32> to vector<1x256x1024xf32>
      tpu.vector_store %arg8[%swap3A, %swap3A_26, %swap3A_27], %swap3A_30 {strides = array<i32>} : memref<2x256x1024xf32, #tpu.memory_space<vmem>>, vector<1x256x1024xf32>,
    } else {
    }
    return
  }
  func.func @transform_0(%arg0: i32) -> i32 {
    %c0_i32 = arith.constant 0 : i32
    %c0_i32_0 = arith.constant 0 : i32
    return %c0_i32 : i32
  }
  func.func @transform_1(%arg0: i32) -> (i32, i32, i32) {
    %min3A = arith.constant 15 : i32
    %min3A_0 = arith.minsi %arg0, %min3A : i32
    %c0_i32 = arith.constant 0 : i32
    %c0_i32_1 = arith.constant 0 : i32
    %c0_i32_2 = arith.constant 0 : i32
    return %c0_i32, %min3A_0, %c0_i32_1 : i32, i32, i32
  }
  func.func @transform_2(%arg0: i32) -> (i32, i32, i32) {
    %c0_i32 = arith.constant 0 : i32
    %c0_i32_0 = arith.constant 0 : i32
    %c0_i32_1 = arith.constant 0 : i32
    %c0_i32_2 = arith.constant 0 : i32
    return %c0_i32, %c0_i32_0, %c0_i32_1 : i32, i32, i32
  }
  func.func @transform_3(%arg0: i32) -> (i32, i32, i32) {
    %c0_i32 = arith.constant 0 : i32
    %c0_i32_0 = arith.constant 0 : i32
    %c0_i32_1 = arith.constant 0 : i32
    %c0_i32_2 = arith.constant 0 : i32
    return %c0_i32, %c0_i32_0, %c0_i32_1 : i32, i32, i32
  }
  func.func @transform_4(%arg0: i32) -> (i32, i32, i32) {
    %c0_i32 = arith.constant 0 : i32
    %c0_i32_0 = arith.constant 0 : i32
    %c0_i32_1 = arith.constant 0 : i32
    %c0_i32_2 = arith.constant 0 : i32
    return %c0_i32, %c0_i32_0, %c0_i32_1 : i32, i32, i32
  }
  func.func @transform_5(%arg0: i32) -> (i32, i32, i32) {
    %c0_i32 = arith.constant 0 : i32
    %c0_i32_0 = arith.constant 0 : i32
    %c0_i32_1 = arith.constant 0 : i32
    %c0_i32_2 = arith.constant 0 : i32
    return %c0_i32, %c0_i32_0, %c0_i32_1 : i32, i32, i32
  }
  func.func @transform_6(%arg0: i32) -> (i32, i32, i32, i32) {
    %min3A = arith.constant 15 : i32
    %min3A_0 = arith.minsi %arg0, %min3A : i32
    %c0_i32 = arith.constant 0 : i32
    %c0_i32_1 = arith.constant 0 : i32
    %c0_i32_2 = arith.constant 0 : i32
    %c0_i32_3 = arith.constant 0 : i32
    return %c0_i32, %min3A_0, %c0_i32_1, %c0_i32_2 : i32, i32, i32, i32
  }
  func.func @transform_7(%arg0: i32) -> (i32, i32, i32) {
    %c0_i32 = arith.constant 0 : i32
    %c0_i32_0 = arith.constant 0 : i32
    %c0_i32_1 = arith.constant 0 : i32
    return %c0_i32, %arg0, %c0_i32_0 : i32, i32, i32
  }
}

module attributes {stable_mosaic.version = 14 : i64} {
  func.func @_gate_tile(%arg0: i32, %arg1: memref<1024x1024xf32, #tpu.memory_space<vmem>>, %arg2: memref<8x1024xf32, #tpu.memory_space<vmem>>, %arg3: memref<1x8xf32, #tpu.memory_space<vmem>>, %arg4: memref<2x1024xf32, #tpu.memory_space<vmem>>, %arg5: memref<1x1x1xi32, #tpu.memory_space<vmem>>) attributes {dimension_semantics = [#tpu.dimension_semantics<arbitrary>], iteration_bounds = array<i64: 4>, scalar_prefetch = 0 : i64, scratch_operands = 0 : i64, tpu.core_type = #tpu.core_type<tc>, window_params = [{transform_indices = @transform_0, window_bounds = array<i64: 1024, 1024>}, {pipeline_mode = #tpu.pipeline_mode<synchronous>, transform_indices = @transform_1, window_bounds = array<i64: 8, 1024>}, {pipeline_mode = #tpu.pipeline_mode<synchronous>, transform_indices = @transform_2, window_bounds = array<i64: 1, 8>}, {transform_indices = @transform_3, window_bounds = array<i64: 2, 1024>}, {transform_indices = @transform_4, window_bounds = array<i64: 1, 1, 1>}]} {
    %get3A = arith.constant 0 : index
    %get3A_0 = arith.constant 0 : index
    %get3A_1 = vector.load %arg1[%get3A, %get3A_0] : memref<1024x1024xf32, #tpu.memory_space<vmem>>, vector<1024x1024xf32>
    %get3A_2 = arith.constant 0 : index
    %get3A_3 = arith.constant 0 : index
    %get3A_4 = vector.load %arg2[%get3A_2, %get3A_3] : memref<8x1024xf32, #tpu.memory_space<vmem>>, vector<8x1024xf32>
    %dot_general3A = arith.constant dense<0.000000e+00> : vector<1024x8xf32>
    %dot_general3A_5 = tpu.matmul %get3A_1, %get3A_4, %dot_general3A {dimension_numbers = #tpu.dot_dimension_numbers<[1], [1], [0], [0], [0, 0, 1, 0], [], []>, transpose_lhs_hint = false} : vector<1024x1024xf32>, vector<8x1024xf32>, vector<1024x8xf32> -> vector<1024x8xf32>
    %get3A_6 = arith.constant 0 : index
    %get3A_7 = arith.constant 0 : index
    %get3A_8 = vector.load %arg3[%get3A_6, %get3A_7] : memref<1x8xf32, #tpu.memory_space<vmem>>, vector<1x8xf32>
    %add3A = vector.broadcast %get3A_8 : vector<1x8xf32> to vector<1024x8xf32>
    %add3A_9 = arith.addf %dot_general3A_5, %add3A : vector<1024x8xf32>
    %reduce_max3A = arith.constant dense<0xFF800000> : vector<1024xf32>
    %reduce_max3A_10 = vector.multi_reduction <maximumf>, %add3A_9, %reduce_max3A [1] : vector<1024x8xf32> to vector<1024xf32>
    %broadcast_in_dim3A = vector.shape_cast %reduce_max3A_10 : vector<1024xf32> to vector<1024x1xf32>
    %sub3A = vector.broadcast %broadcast_in_dim3A : vector<1024x1xf32> to vector<1024x8xf32>
    %sub3A_11 = arith.subf %add3A_9, %sub3A : vector<1024x8xf32>
    %exp3A = math.exp %sub3A_11 : vector<1024x8xf32>
    %reduce_sum3A = arith.constant dense<0.000000e+00> : vector<1024xf32>
    %reduce_sum3A_12 = vector.multi_reduction <add>, %exp3A, %reduce_sum3A [1] : vector<1024x8xf32> to vector<1024xf32>
    %broadcast_in_dim3A_13 = vector.shape_cast %reduce_sum3A_12 : vector<1024xf32> to vector<1024x1xf32>
    %div3A = vector.broadcast %broadcast_in_dim3A_13 : vector<1024x1xf32> to vector<1024x8xf32>
    %div3A_14 = arith.divf %exp3A, %div3A : vector<1024x8xf32>
    %slice3A = vector.extract_strided_slice %div3A_14 {offsets = [0, 0], sizes = [1024, 1], strides = [1, 1]} : vector<1024x8xf32> to vector<1024x1xf32>
    %broadcast_in_dim3A_15 = arith.constant 0 : i32
    %broadcast_in_dim3A_16 = vector.broadcast %broadcast_in_dim3A_15 : i32 to vector<1024x1xi32>
    %slice3A_17 = vector.extract_strided_slice %div3A_14 {offsets = [0, 1], sizes = [1024, 1], strides = [1, 1]} : vector<1024x8xf32> to vector<1024x1xf32>
    %gt3A = arith.cmpf ogt, %slice3A_17, %slice3A : vector<1024x1xf32>
    %jit3A = arith.constant 1 : i32
    %broadcast_in_dim3A_18 = vector.broadcast %jit3A : i32 to vector<1024x1xi32>
    %select_n3A = arith.select %gt3A, %broadcast_in_dim3A_18, %broadcast_in_dim3A_16 : vector<1024x1xi1>, vector<1024x1xi32>
    %select_n3A_19 = arith.select %gt3A, %slice3A_17, %slice3A : vector<1024x1xi1>, vector<1024x1xf32>
    %slice3A_20 = vector.extract_strided_slice %div3A_14 {offsets = [0, 2], sizes = [1024, 1], strides = [1, 1]} : vector<1024x8xf32> to vector<1024x1xf32>
    %gt3A_21 = arith.cmpf ogt, %slice3A_20, %select_n3A_19 : vector<1024x1xf32>
    %jit3A_22 = arith.constant 2 : i32
    %broadcast_in_dim3A_23 = vector.broadcast %jit3A_22 : i32 to vector<1024x1xi32>
    %select_n3A_24 = arith.select %gt3A_21, %broadcast_in_dim3A_23, %select_n3A : vector<1024x1xi1>, vector<1024x1xi32>
    %select_n3A_25 = arith.select %gt3A_21, %slice3A_20, %select_n3A_19 : vector<1024x1xi1>, vector<1024x1xf32>
    %slice3A_26 = vector.extract_strided_slice %div3A_14 {offsets = [0, 3], sizes = [1024, 1], strides = [1, 1]} : vector<1024x8xf32> to vector<1024x1xf32>
    %gt3A_27 = arith.cmpf ogt, %slice3A_26, %select_n3A_25 : vector<1024x1xf32>
    %jit3A_28 = arith.constant 3 : i32
    %broadcast_in_dim3A_29 = vector.broadcast %jit3A_28 : i32 to vector<1024x1xi32>
    %select_n3A_30 = arith.select %gt3A_27, %broadcast_in_dim3A_29, %select_n3A_24 : vector<1024x1xi1>, vector<1024x1xi32>
    %select_n3A_31 = arith.select %gt3A_27, %slice3A_26, %select_n3A_25 : vector<1024x1xi1>, vector<1024x1xf32>
    %slice3A_32 = vector.extract_strided_slice %div3A_14 {offsets = [0, 4], sizes = [1024, 1], strides = [1, 1]} : vector<1024x8xf32> to vector<1024x1xf32>
    %gt3A_33 = arith.cmpf ogt, %slice3A_32, %select_n3A_31 : vector<1024x1xf32>
    %jit3A_34 = arith.constant 4 : i32
    %broadcast_in_dim3A_35 = vector.broadcast %jit3A_34 : i32 to vector<1024x1xi32>
    %select_n3A_36 = arith.select %gt3A_33, %broadcast_in_dim3A_35, %select_n3A_30 : vector<1024x1xi1>, vector<1024x1xi32>
    %select_n3A_37 = arith.select %gt3A_33, %slice3A_32, %select_n3A_31 : vector<1024x1xi1>, vector<1024x1xf32>
    %slice3A_38 = vector.extract_strided_slice %div3A_14 {offsets = [0, 5], sizes = [1024, 1], strides = [1, 1]} : vector<1024x8xf32> to vector<1024x1xf32>
    %gt3A_39 = arith.cmpf ogt, %slice3A_38, %select_n3A_37 : vector<1024x1xf32>
    %jit3A_40 = arith.constant 5 : i32
    %broadcast_in_dim3A_41 = vector.broadcast %jit3A_40 : i32 to vector<1024x1xi32>
    %select_n3A_42 = arith.select %gt3A_39, %broadcast_in_dim3A_41, %select_n3A_36 : vector<1024x1xi1>, vector<1024x1xi32>
    %select_n3A_43 = arith.select %gt3A_39, %slice3A_38, %select_n3A_37 : vector<1024x1xi1>, vector<1024x1xf32>
    %slice3A_44 = vector.extract_strided_slice %div3A_14 {offsets = [0, 6], sizes = [1024, 1], strides = [1, 1]} : vector<1024x8xf32> to vector<1024x1xf32>
    %gt3A_45 = arith.cmpf ogt, %slice3A_44, %select_n3A_43 : vector<1024x1xf32>
    %jit3A_46 = arith.constant 6 : i32
    %broadcast_in_dim3A_47 = vector.broadcast %jit3A_46 : i32 to vector<1024x1xi32>
    %select_n3A_48 = arith.select %gt3A_45, %broadcast_in_dim3A_47, %select_n3A_42 : vector<1024x1xi1>, vector<1024x1xi32>
    %select_n3A_49 = arith.select %gt3A_45, %slice3A_44, %select_n3A_43 : vector<1024x1xi1>, vector<1024x1xf32>
    %slice3A_50 = vector.extract_strided_slice %div3A_14 {offsets = [0, 7], sizes = [1024, 1], strides = [1, 1]} : vector<1024x8xf32> to vector<1024x1xf32>
    %gt3A_51 = arith.cmpf ogt, %slice3A_50, %select_n3A_49 : vector<1024x1xf32>
    %jit3A_52 = arith.constant 7 : i32
    %broadcast_in_dim3A_53 = vector.broadcast %jit3A_52 : i32 to vector<1024x1xi32>
    %select_n3A_54 = arith.select %gt3A_51, %broadcast_in_dim3A_53, %select_n3A_48 : vector<1024x1xi1>, vector<1024x1xi32>
    %broadcast_in_dim3A_55 = arith.constant -1.000000e+00 : f32
    %broadcast_in_dim3A_56 = vector.broadcast %broadcast_in_dim3A_55 : f32 to vector<1024x1xf32>
    %broadcast_in_dim3A_57 = arith.constant 0 : i32
    %broadcast_in_dim3A_58 = vector.broadcast %broadcast_in_dim3A_57 : i32 to vector<1024x1xi32>
    %eq3A = arith.constant 0 : i32
    %eq3A_59 = vector.broadcast %eq3A : i32 to vector<1024x1xi32>
    %eq3A_60 = arith.cmpi eq, %select_n3A_54, %eq3A_59 : vector<1024x1xi32>
    %slice3A_61 = vector.extract_strided_slice %div3A_14 {offsets = [0, 0], sizes = [1024, 1], strides = [1, 1]} : vector<1024x8xf32> to vector<1024x1xf32>
    %jit3A_62 = arith.constant -1.000000e+00 : f32
    %broadcast_in_dim3A_63 = vector.broadcast %jit3A_62 : f32 to vector<1024x1xf32>
    %select_n3A_64 = arith.select %eq3A_60, %broadcast_in_dim3A_63, %slice3A_61 : vector<1024x1xi1>, vector<1024x1xf32>
    %gt3A_65 = arith.cmpf ogt, %select_n3A_64, %broadcast_in_dim3A_56 : vector<1024x1xf32>
    %jit3A_66 = arith.constant 0 : i32
    %broadcast_in_dim3A_67 = vector.broadcast %jit3A_66 : i32 to vector<1024x1xi32>
    %select_n3A_68 = arith.select %gt3A_65, %broadcast_in_dim3A_67, %broadcast_in_dim3A_58 : vector<1024x1xi1>, vector<1024x1xi32>
    %select_n3A_69 = arith.select %gt3A_65, %select_n3A_64, %broadcast_in_dim3A_56 : vector<1024x1xi1>, vector<1024x1xf32>
    %eq3A_70 = arith.constant 1 : i32
    %eq3A_71 = vector.broadcast %eq3A_70 : i32 to vector<1024x1xi32>
    %eq3A_72 = arith.cmpi eq, %select_n3A_54, %eq3A_71 : vector<1024x1xi32>
    %slice3A_73 = vector.extract_strided_slice %div3A_14 {offsets = [0, 1], sizes = [1024, 1], strides = [1, 1]} : vector<1024x8xf32> to vector<1024x1xf32>
    %jit3A_74 = arith.constant -1.000000e+00 : f32
    %broadcast_in_dim3A_75 = vector.broadcast %jit3A_74 : f32 to vector<1024x1xf32>
    %select_n3A_76 = arith.select %eq3A_72, %broadcast_in_dim3A_75, %slice3A_73 : vector<1024x1xi1>, vector<1024x1xf32>
    %gt3A_77 = arith.cmpf ogt, %select_n3A_76, %select_n3A_69 : vector<1024x1xf32>
    %jit3A_78 = arith.constant 1 : i32
    %broadcast_in_dim3A_79 = vector.broadcast %jit3A_78 : i32 to vector<1024x1xi32>
    %select_n3A_80 = arith.select %gt3A_77, %broadcast_in_dim3A_79, %select_n3A_68 : vector<1024x1xi1>, vector<1024x1xi32>
    %select_n3A_81 = arith.select %gt3A_77, %select_n3A_76, %select_n3A_69 : vector<1024x1xi1>, vector<1024x1xf32>
    %eq3A_82 = arith.constant 2 : i32
    %eq3A_83 = vector.broadcast %eq3A_82 : i32 to vector<1024x1xi32>
    %eq3A_84 = arith.cmpi eq, %select_n3A_54, %eq3A_83 : vector<1024x1xi32>
    %slice3A_85 = vector.extract_strided_slice %div3A_14 {offsets = [0, 2], sizes = [1024, 1], strides = [1, 1]} : vector<1024x8xf32> to vector<1024x1xf32>
    %jit3A_86 = arith.constant -1.000000e+00 : f32
    %broadcast_in_dim3A_87 = vector.broadcast %jit3A_86 : f32 to vector<1024x1xf32>
    %select_n3A_88 = arith.select %eq3A_84, %broadcast_in_dim3A_87, %slice3A_85 : vector<1024x1xi1>, vector<1024x1xf32>
    %gt3A_89 = arith.cmpf ogt, %select_n3A_88, %select_n3A_81 : vector<1024x1xf32>
    %jit3A_90 = arith.constant 2 : i32
    %broadcast_in_dim3A_91 = vector.broadcast %jit3A_90 : i32 to vector<1024x1xi32>
    %select_n3A_92 = arith.select %gt3A_89, %broadcast_in_dim3A_91, %select_n3A_80 : vector<1024x1xi1>, vector<1024x1xi32>
    %select_n3A_93 = arith.select %gt3A_89, %select_n3A_88, %select_n3A_81 : vector<1024x1xi1>, vector<1024x1xf32>
    %eq3A_94 = arith.constant 3 : i32
    %eq3A_95 = vector.broadcast %eq3A_94 : i32 to vector<1024x1xi32>
    %eq3A_96 = arith.cmpi eq, %select_n3A_54, %eq3A_95 : vector<1024x1xi32>
    %slice3A_97 = vector.extract_strided_slice %div3A_14 {offsets = [0, 3], sizes = [1024, 1], strides = [1, 1]} : vector<1024x8xf32> to vector<1024x1xf32>
    %jit3A_98 = arith.constant -1.000000e+00 : f32
    %broadcast_in_dim3A_99 = vector.broadcast %jit3A_98 : f32 to vector<1024x1xf32>
    %select_n3A_100 = arith.select %eq3A_96, %broadcast_in_dim3A_99, %slice3A_97 : vector<1024x1xi1>, vector<1024x1xf32>
    %gt3A_101 = arith.cmpf ogt, %select_n3A_100, %select_n3A_93 : vector<1024x1xf32>
    %jit3A_102 = arith.constant 3 : i32
    %broadcast_in_dim3A_103 = vector.broadcast %jit3A_102 : i32 to vector<1024x1xi32>
    %select_n3A_104 = arith.select %gt3A_101, %broadcast_in_dim3A_103, %select_n3A_92 : vector<1024x1xi1>, vector<1024x1xi32>
    %select_n3A_105 = arith.select %gt3A_101, %select_n3A_100, %select_n3A_93 : vector<1024x1xi1>, vector<1024x1xf32>
    %eq3A_106 = arith.constant 4 : i32
    %eq3A_107 = vector.broadcast %eq3A_106 : i32 to vector<1024x1xi32>
    %eq3A_108 = arith.cmpi eq, %select_n3A_54, %eq3A_107 : vector<1024x1xi32>
    %slice3A_109 = vector.extract_strided_slice %div3A_14 {offsets = [0, 4], sizes = [1024, 1], strides = [1, 1]} : vector<1024x8xf32> to vector<1024x1xf32>
    %jit3A_110 = arith.constant -1.000000e+00 : f32
    %broadcast_in_dim3A_111 = vector.broadcast %jit3A_110 : f32 to vector<1024x1xf32>
    %select_n3A_112 = arith.select %eq3A_108, %broadcast_in_dim3A_111, %slice3A_109 : vector<1024x1xi1>, vector<1024x1xf32>
    %gt3A_113 = arith.cmpf ogt, %select_n3A_112, %select_n3A_105 : vector<1024x1xf32>
    %jit3A_114 = arith.constant 4 : i32
    %broadcast_in_dim3A_115 = vector.broadcast %jit3A_114 : i32 to vector<1024x1xi32>
    %select_n3A_116 = arith.select %gt3A_113, %broadcast_in_dim3A_115, %select_n3A_104 : vector<1024x1xi1>, vector<1024x1xi32>
    %select_n3A_117 = arith.select %gt3A_113, %select_n3A_112, %select_n3A_105 : vector<1024x1xi1>, vector<1024x1xf32>
    %eq3A_118 = arith.constant 5 : i32
    %eq3A_119 = vector.broadcast %eq3A_118 : i32 to vector<1024x1xi32>
    %eq3A_120 = arith.cmpi eq, %select_n3A_54, %eq3A_119 : vector<1024x1xi32>
    %slice3A_121 = vector.extract_strided_slice %div3A_14 {offsets = [0, 5], sizes = [1024, 1], strides = [1, 1]} : vector<1024x8xf32> to vector<1024x1xf32>
    %jit3A_122 = arith.constant -1.000000e+00 : f32
    %broadcast_in_dim3A_123 = vector.broadcast %jit3A_122 : f32 to vector<1024x1xf32>
    %select_n3A_124 = arith.select %eq3A_120, %broadcast_in_dim3A_123, %slice3A_121 : vector<1024x1xi1>, vector<1024x1xf32>
    %gt3A_125 = arith.cmpf ogt, %select_n3A_124, %select_n3A_117 : vector<1024x1xf32>
    %jit3A_126 = arith.constant 5 : i32
    %broadcast_in_dim3A_127 = vector.broadcast %jit3A_126 : i32 to vector<1024x1xi32>
    %select_n3A_128 = arith.select %gt3A_125, %broadcast_in_dim3A_127, %select_n3A_116 : vector<1024x1xi1>, vector<1024x1xi32>
    %select_n3A_129 = arith.select %gt3A_125, %select_n3A_124, %select_n3A_117 : vector<1024x1xi1>, vector<1024x1xf32>
    %eq3A_130 = arith.constant 6 : i32
    %eq3A_131 = vector.broadcast %eq3A_130 : i32 to vector<1024x1xi32>
    %eq3A_132 = arith.cmpi eq, %select_n3A_54, %eq3A_131 : vector<1024x1xi32>
    %slice3A_133 = vector.extract_strided_slice %div3A_14 {offsets = [0, 6], sizes = [1024, 1], strides = [1, 1]} : vector<1024x8xf32> to vector<1024x1xf32>
    %jit3A_134 = arith.constant -1.000000e+00 : f32
    %broadcast_in_dim3A_135 = vector.broadcast %jit3A_134 : f32 to vector<1024x1xf32>
    %select_n3A_136 = arith.select %eq3A_132, %broadcast_in_dim3A_135, %slice3A_133 : vector<1024x1xi1>, vector<1024x1xf32>
    %gt3A_137 = arith.cmpf ogt, %select_n3A_136, %select_n3A_129 : vector<1024x1xf32>
    %jit3A_138 = arith.constant 6 : i32
    %broadcast_in_dim3A_139 = vector.broadcast %jit3A_138 : i32 to vector<1024x1xi32>
    %select_n3A_140 = arith.select %gt3A_137, %broadcast_in_dim3A_139, %select_n3A_128 : vector<1024x1xi1>, vector<1024x1xi32>
    %select_n3A_141 = arith.select %gt3A_137, %select_n3A_136, %select_n3A_129 : vector<1024x1xi1>, vector<1024x1xf32>
    %eq3A_142 = arith.constant 7 : i32
    %eq3A_143 = vector.broadcast %eq3A_142 : i32 to vector<1024x1xi32>
    %eq3A_144 = arith.cmpi eq, %select_n3A_54, %eq3A_143 : vector<1024x1xi32>
    %slice3A_145 = vector.extract_strided_slice %div3A_14 {offsets = [0, 7], sizes = [1024, 1], strides = [1, 1]} : vector<1024x8xf32> to vector<1024x1xf32>
    %jit3A_146 = arith.constant -1.000000e+00 : f32
    %broadcast_in_dim3A_147 = vector.broadcast %jit3A_146 : f32 to vector<1024x1xf32>
    %select_n3A_148 = arith.select %eq3A_144, %broadcast_in_dim3A_147, %slice3A_145 : vector<1024x1xi1>, vector<1024x1xf32>
    %gt3A_149 = arith.cmpf ogt, %select_n3A_148, %select_n3A_141 : vector<1024x1xf32>
    %jit3A_150 = arith.constant 7 : i32
    %broadcast_in_dim3A_151 = vector.broadcast %jit3A_150 : i32 to vector<1024x1xi32>
    %select_n3A_152 = arith.select %gt3A_149, %broadcast_in_dim3A_151, %select_n3A_140 : vector<1024x1xi1>, vector<1024x1xi32>
    %eq3A_153 = arith.constant 0 : i32
    %eq3A_154 = vector.broadcast %eq3A_153 : i32 to vector<1024x1xi32>
    %eq3A_155 = arith.cmpi eq, %select_n3A_54, %eq3A_154 : vector<1024x1xi32>
    %slice3A_156 = vector.extract_strided_slice %div3A_14 {offsets = [0, 0], sizes = [1024, 1], strides = [1, 1]} : vector<1024x8xf32> to vector<1024x1xf32>
    %jit3A_157 = arith.constant 0.000000e+00 : f32
    %broadcast_in_dim3A_158 = vector.broadcast %jit3A_157 : f32 to vector<1024x1xf32>
    %select_n3A_159 = arith.select %eq3A_155, %slice3A_156, %broadcast_in_dim3A_158 : vector<1024x1xi1>, vector<1024x1xf32>
    %eq3A_160 = arith.constant 1 : i32
    %eq3A_161 = vector.broadcast %eq3A_160 : i32 to vector<1024x1xi32>
    %eq3A_162 = arith.cmpi eq, %select_n3A_152, %eq3A_161 : vector<1024x1xi32>
    %slice3A_163 = vector.extract_strided_slice %div3A_14 {offsets = [0, 1], sizes = [1024, 1], strides = [1, 1]} : vector<1024x8xf32> to vector<1024x1xf32>
    %jit3A_164 = arith.constant 0.000000e+00 : f32
    %broadcast_in_dim3A_165 = vector.broadcast %jit3A_164 : f32 to vector<1024x1xf32>
    %select_n3A_166 = arith.select %eq3A_162, %slice3A_163, %broadcast_in_dim3A_165 : vector<1024x1xi1>, vector<1024x1xf32>
    %squeeze3A = vector.shape_cast %select_n3A_159 : vector<1024x1xf32> to vector<1024xf32>
    %swap3A = arith.constant 0 : index
    %swap3A_167 = arith.constant 0 : index
    %swap3A_168 = vector.load %arg4[%swap3A, %swap3A_167] : memref<2x1024xf32, #tpu.memory_space<vmem>>, vector<1x1024xf32>
    %swap3A_169 = vector.shape_cast %swap3A_168 : vector<1x1024xf32> to vector<1024xf32>
    %swap3A_170 = vector.shape_cast %squeeze3A : vector<1024xf32> to vector<1x1024xf32>
    tpu.vector_store %arg4[%swap3A, %swap3A_167], %swap3A_170 {strides = array<i32>} : memref<2x1024xf32, #tpu.memory_space<vmem>>, vector<1x1024xf32>,
    %squeeze3A_171 = vector.shape_cast %select_n3A_166 : vector<1024x1xf32> to vector<1024xf32>
    %swap3A_172 = arith.constant 1 : index
    %swap3A_173 = arith.constant 0 : index
    %swap3A_174 = vector.load %arg4[%swap3A_172, %swap3A_173] : memref<2x1024xf32, #tpu.memory_space<vmem>>, vector<1x1024xf32>
    %swap3A_175 = vector.shape_cast %swap3A_174 : vector<1x1024xf32> to vector<1024xf32>
    %swap3A_176 = vector.shape_cast %squeeze3A_171 : vector<1024xf32> to vector<1x1024xf32>
    tpu.vector_store %arg4[%swap3A_172, %swap3A_173], %swap3A_176 {strides = array<i32>} : memref<2x1024xf32, #tpu.memory_space<vmem>>, vector<1x1024xf32>,
    %lt3A = arith.constant 2 : i32
    %lt3A_177 = vector.broadcast %lt3A : i32 to vector<1024x1xi32>
    %lt3A_178 = arith.cmpi slt, %select_n3A_54, %lt3A_177 : vector<1024x1xi32>
    %convert_element_type3A = arith.extui %lt3A_178 : vector<1024x1xi1> to vector<1024x1xi32>
    %reduce_sum3A_179 = vector.shape_cast %convert_element_type3A : vector<1024x1xi32> to vector<1x1024x1xi32>
    %reduce_sum3A_180 = arith.constant dense<0> : vector<1xi32>
    %reduce_sum3A_181 = vector.multi_reduction <add>, %reduce_sum3A_179, %reduce_sum3A_180 [1, 2] : vector<1x1024x1xi32> to vector<1xi32>
    %reduce_sum3A_182 = vector.shape_cast %reduce_sum3A_181 : vector<1xi32> to vector<1x1x1xi32>
    %reduce_sum3A_183 = vector.extract %reduce_sum3A_182[0, 0, 0] : i32 from vector<1x1x1xi32>
    %lt3A_184 = arith.constant 2 : i32
    %lt3A_185 = vector.broadcast %lt3A_184 : i32 to vector<1024x1xi32>
    %lt3A_186 = arith.cmpi slt, %select_n3A_152, %lt3A_185 : vector<1024x1xi32>
    %convert_element_type3A_187 = arith.extui %lt3A_186 : vector<1024x1xi1> to vector<1024x1xi32>
    %reduce_sum3A_188 = vector.shape_cast %convert_element_type3A_187 : vector<1024x1xi32> to vector<1x1024x1xi32>
    %reduce_sum3A_189 = arith.constant dense<0> : vector<1xi32>
    %reduce_sum3A_190 = vector.multi_reduction <add>, %reduce_sum3A_188, %reduce_sum3A_189 [1, 2] : vector<1x1024x1xi32> to vector<1xi32>
    %reduce_sum3A_191 = vector.shape_cast %reduce_sum3A_190 : vector<1xi32> to vector<1x1x1xi32>
    %reduce_sum3A_192 = vector.extract %reduce_sum3A_191[0, 0, 0] : i32 from vector<1x1x1xi32>
    %add3A_193 = arith.addi %reduce_sum3A_183, %reduce_sum3A_192 : i32
    %reshape3A = vector.broadcast %add3A_193 : i32 to vector<1x1x1xi32>
    %swap3A_194 = arith.constant 0 : index
    %swap3A_195 = arith.constant 0 : index
    %swap3A_196 = arith.constant 0 : index
    %swap3A_197 = vector.load %arg5[%swap3A_194, %swap3A_195, %swap3A_196] : memref<1x1x1xi32, #tpu.memory_space<vmem>>, vector<1x1x1xi32>
    tpu.vector_store %arg5[%swap3A_194, %swap3A_195, %swap3A_196], %reshape3A {strides = array<i32>} : memref<1x1x1xi32, #tpu.memory_space<vmem>>, vector<1x1x1xi32>,
    return
  }
  func.func @transform_0(%arg0: i32) -> (i32, i32) {
    %c0_i32 = arith.constant 0 : i32
    %c0_i32_0 = arith.constant 0 : i32
    return %arg0, %c0_i32 : i32, i32
  }
  func.func @transform_1(%arg0: i32) -> (i32, i32) {
    %c0_i32 = arith.constant 0 : i32
    %c0_i32_0 = arith.constant 0 : i32
    %c0_i32_1 = arith.constant 0 : i32
    return %c0_i32, %c0_i32_0 : i32, i32
  }
  func.func @transform_2(%arg0: i32) -> (i32, i32) {
    %c0_i32 = arith.constant 0 : i32
    %c0_i32_0 = arith.constant 0 : i32
    %c0_i32_1 = arith.constant 0 : i32
    return %c0_i32, %c0_i32_0 : i32, i32
  }
  func.func @transform_3(%arg0: i32) -> (i32, i32) {
    %c0_i32 = arith.constant 0 : i32
    %c0_i32_0 = arith.constant 0 : i32
    return %c0_i32, %arg0 : i32, i32
  }
  func.func @transform_4(%arg0: i32) -> (i32, i32, i32) {
    %c0_i32 = arith.constant 0 : i32
    %c0_i32_0 = arith.constant 0 : i32
    %c0_i32_1 = arith.constant 0 : i32
    return %arg0, %c0_i32, %c0_i32_0 : i32, i32, i32
  }
}

</mosaic_0001>

<sc_bundles>
// kernel: _moe.6.cloned.1.call-start
scs
__scs_entry_jumppad:
0x0: {  	(pc) =	sbr.rel $0x88, $3  }
0x1: {  	(tag) =	ssettag $0x0;
	lr =	simm.s32 $0x1  }
0x2: {  	[smem:$0x3F9A] =	sst lr;
	_ =	strace $0xD0000000  }
0x3: {  	_ = 	snop  }
0x4: {  	_ = 	snop  }
0x5: {  	_ = 	snop  }
0x6: {  	_ = 	snop  }
0x7: {  	_ = 	snop  }
__scs_overlays_trampoline_lowered:
0x8: {  	[smem:$0x3FA9] =	sst s0  }
0x9: {  	[smem:$0x3FAA] =	sst s1  }
0xa: {  	[smem:$0x3FAB] =	sst s2  }
0xb: {  	[smem:$0x3FAC] =	sst s3  }
0xc: {  	[smem:$0x3FAD] =	sst s4  }
0xd: {  	[smem:$0x3FAE] =	sst s5  }
0xe: {  	[smem:$0x3FAF] =	sst s6  }
0xf: {  	[smem:$0x3FB0] =	sst s7  }
0x10: {  	[smem:$0x3FB1] =	sst s8  }
0x11: {  	[smem:$0x3FB2] =	sst s9;
	s0 =	simm.s32 @!p0 $0x0  }
0x12: {  	s1 =	sld [smem:$0x3F98];
	s0 =	simm.s32 @p0 $0x1  }
0x13: {  	[smem:$0x3FB3] =	sst s0;
	s0 =	simm.s32 @!p1 $0x0  }
0x14: {  	s2 =	sld [smem:$0x3F97];
	s0 =	simm.s32 @p1 $0x1  }
0x15: {  	[smem:$0x3FB4] =	sst s0;
	s0 =	simm.s32 @!p2 $0x0  }
0x16: {  	s3 =	sld [smem:$0x3FDB];
	s0 =	simm.s32 @p2 $0x1  }
0x17: {  	s4 =	simm.s32 $0x1BF5;
	[smem:$0x3FB6] =	sst s0  }
0x18: {  	s0 =	sld [smem:$0x3F99];
	_ =	swait.ge [sflag:s4], $0x0  }
0x19: {  	s7 =	sld [smem:$0x3F9A]  }
0x1a: {  	s8 =	sadd.s32 $0xFFFFE003, lr  }
0x1b: {  	s9 =	sadd.s32 $0xFFFFFEF7, lr;
	s5 =	simm.s32 $0xFFFFFFFF;
	p2 =	slt.u32 s8, $0xFFFFF086  }
0x1c: {  	p1 =	slt.u32 s9, $0xF7A;
	s5 =	simm.s32 @!p2 $0x0  }
0x1d: {  	s5 =	simm.s32 @p1 $0x1;
	p0 =	seq.s32 s7, s2  }
0x1e: {  	s7 =	smul.u32 @!p0 $0xF7A, s2;
	p2 =	seq.s32 @!p0 s5, $0x0  }
0x1f: {  	s9 =	smul.u32 $0xF7A, s1;
	s8 =	simm.s32 @!p0 $0x1BF5;
	p2 =	por !p2, p0  }
0x20: {  	[sflag:s8] =	ssyncset.s32 @!p0 $0xFFFFF086;
	s6 =	sadd.s32 @!p0 s3, s7;
	s7 =	simm.s32 @!p0 $0x108  }
0x21: {  	s3 =	sadd.s32 s3, s9;
	s6 =	sadd.s32 @!p0 $0x88, s6;
	s7 =	simm.s32 @p2 $0x1082  }
0x22: {  	[simem:s7], [sflag:s8] =	dma.local @!p0 [hbm:s6], $0xF7A  }
0x23: {  	s9 =	sor.u32 $0xD0000000, s2;
	s6 =	simm.s32 $0x108;
	_ =	swait.ge @!p0 [sflag:s8], $0x0  }
0x24: {  	s3 =	sadd.s32 $0x88, s3;
	s6 =	simm.s32 @!p1 $0x1082;
	[sflag:s4] =	ssyncset.s32 $0xFFFFF086  }
0x25: {  	[simem:s6], [sflag:s4] =	dma.local [hbm:s3], $0xF7A  }
0x26: {  	[smem:$0x3F9A] =	sst s1;
	(tag) =	ssettag s2;
	_ =	strace s9  }
0x27: {  	s1 =	sld [smem:$0x3FAA]  }
0x28: {  	s2 =	sld [smem:$0x3FAB]  }
0x29: {  	s4 =	sld [smem:$0x3FAD]  }
0x2a: {  	p0 =	seq.s32 s5, $0x0;
	s5 =	sld [smem:$0x3FAE]  }
0x2b: {  	s6 =	sld [smem:$0x3FAF]  }
0x2c: {  	s7 =	sld [smem:$0x3FB0]  }
0x2d: {  	s3 =	simm.s32 $0x108;
	s8 =	sld [smem:$0x3FB1]  }
0x2e: {  	s3 =	simm.s32 @!p0 $0x1082;
	s9 =	sld [smem:$0x3FB2]  }
0x2f: {  	lr =	sadd.s32 s0, s3;
	s0 =	sld [smem:$0x3FA9]  }
0x30: {  	s3 =	sld [smem:$0x3FAC]  }
0x31: {  	[smem:$0x3FB5] =	sst s10  }
0x32: {  	s10 =	sld [smem:$0x3FB3];
	_ =	sdelay $0x3  }
0x33: {  	p0 =	seq.s32 s10, $0x1;
	s10 =	sld [smem:$0x3FB5];
	_ =	sdelay $0x3  }
0x34: {  	[smem:$0x3FB5] =	sst s10  }
0x35: {  	s10 =	sld [smem:$0x3FB4];
	_ =	sdelay $0x3  }
0x36: {  	p1 =	seq.s32 s10, $0x1;
	s10 =	sld [smem:$0x3FB5];
	_ =	sdelay $0x3  }
0x37: {  	[smem:$0x3FB5] =	sst s10  }
0x38: {  	s10 =	sld [smem:$0x3FB6]  }
0x39: {  	_ = 	snop;
	(pc) =	sbr.ind lr, $3  }
0x3a: {  	_ = 	snop  }
0x3b: {  	_ = 	snop  }
0x3c: {  	p2 =	seq.s32 s10, $0x1;
	s10 =	sld [smem:$0x3FB5]  }
0x3d: {  	_ =	shalt  }
0x3e: {  	_ =	shalt  }
0x3f: {  	_ =	shalt  }
0x40: {  	_ =	shalt  }
0x41: {  	_ =	shalt  }
0x42: {  	_ =	shalt  }
0x43: {  	_ =	shalt  }
0x44: {  	_ =	shalt  }
0x45: {  	_ =	shalt  }
0x46: {  	_ =	shalt  }
0x47: {  	_ =	shalt  }
0x48: {  	_ =	shalt  }
0x49: {  	_ =	shalt  }
0x4a: {  	_ =	shalt  }
0x4b: {  	_ =	shalt  }
0x4c: {  	_ =	shalt  }
0x4d: {  	_ =	shalt  }
0x4e: {  	_ =	shalt  }
0x4f: {  	_ =	shalt  }
0x50: {  	_ =	shalt  }
0x51: {  	_ =	shalt  }
0x52: {  	_ =	shalt  }
0x53: {  	_ =	shalt  }
0x54: {  	_ =	shalt  }
0x55: {  	_ =	shalt  }
0x56: {  	_ =	shalt  }
0x57: {  	_ =	shalt  }
0x58: {  	_ =	shalt  }
0x59: {  	_ =	shalt  }
0x5a: {  	_ =	shalt  }
0x5b: {  	_ =	shalt  }
0x5c: {  	_ =	shalt  }
0x5d: {  	_ =	shalt  }
0x5e: {  	_ =	shalt  }
0x5f: {  	_ =	shalt  }
0x60: {  	_ =	shalt  }
0x61: {  	_ =	shalt  }
0x62: {  	_ =	shalt  }
0x63: {  	_ =	shalt  }
0x64: {  	_ =	shalt  }
0x65: {  	_ =	shalt  }
0x66: {  	_ =	shalt  }
0x67: {  	_ =	shalt  }
0x68: {  	_ =	shalt  }
0x69: {  	_ =	shalt  }
0x6a: {  	_ =	shalt  }
0x6b: {  	_ =	shalt  }
0x6c: {  	_ =	shalt  }
0x6d: {  	_ =	shalt  }
0x6e: {  	_ =	shalt  }
0x6f: {  	_ =	shalt  }
0x70: {  	_ =	shalt  }
0x71: {  	_ =	shalt  }
0x72: {  	_ =	shalt  }
0x73: {  	_ =	shalt  }
0x74: {  	_ =	shalt  }
0x75: {  	_ =	shalt  }
0x76: {  	_ =	shalt  }
0x77: {  	_ =	shalt  }
0x78: {  	_ =	shalt  }
0x79: {  	_ =	shalt  }
0x7a: {  	_ =	shalt  }
0x7b: {  	_ =	shalt  }
0x7c: {  	_ =	shalt  }
0x7d: {  	_ =	shalt  }
0x7e: {  	_ =	shalt  }
0x7f: {  	_ =	shalt  }
0x80: {  	_ =	shalt  }
0x81: {  	_ =	shalt  }
0x82: {  	_ =	shalt  }
0x83: {  	_ =	shalt  }
0x84: {  	_ =	shalt  }
0x85: {  	_ =	shalt  }
0x86: {  	_ =	shalt  }
0x87: {  	_ =	shalt  }
.Lfunc_end0:
.L_simem_size_0:
called_computation.1_lowered:
.L_overlay_start_0:
0x88: {  	s2 =	sld [smem:$0x3FD9]  }
0x89: {  	s3 =	sld [smem:$0x3FFE];
	_ =	sdelay $0x1  }
0x8a: {  	s1 =	srdreg.scid  }
0x8b: {  	s0 =	sand.u32 $0x1, s1  }
0x8c: {  	s14 =	sshll.u32 s0, $0xA;
	s2 =	sadd.s32 s3, s2  }
0x8d: {  	s2 =	sadd.s32 s2, s14  }
0x8e: {  	[smem:$0x3FC1] =	sst s2  }
0x8f: {  	_ = 	snop  }
0x90: {  	s2 =	sld [smem:$0x3FD0];
	_ =	sdelay $0x2  }
0x91: {  	s15 =	simm.s32 $0xA;
	s4 =	simm.s32 $0x10  }
0x92: {  	[smem:s4], [sflag:s15] =	dma.local [hbm:s2], $0x1  }
0x93: {  	_ =	swait.eq [sflag:s15], $0x1  }
0x94: {  	[sflag:s15] =	ssyncset.done $0x0  }
0x95: {  	s16 =	sld [smem:$0x10];
	[sflag:s15] =	ssyncadd.s32 $0xFFFFFFFF  }
0x96: {  	s17 =	sld [smem:$0x11];
	(tm) =	ssettm $0x1  }
0x97: {  	s18 =	sld [smem:$0x3FFB];
	_ =	sdelay $0x3  }
0x98: {  	_ =	strace s18  }
0x99: {  	s4 =	sld [smem:$0x3FFC];
	_ =	sdelay $0x3  }
0x9a: {  	_ =	strace s4  }
0x9b: {  	s4 =	sld [smem:$0x3FFD];
	_ =	sdelay $0x3  }
0x9c: {  	_ =	strace s4  }
0x9d: {  	_ =	strace $0x8FFFFFFF  }
0x9e: {  	s19 =	sld [smem:$0x3FDB];
	_ =	sdelay $0x1  }
0x9f: {  	s5 =	simm.s32 $_scs_section_size  }
0xa0: {  	s6 =	simm.s32 $_size__tile_overlayer_lowered;
	s7 =	simm.s32 $_tile_overlayer_lowered  }
0xa1: {  	s22 =	simm.s32 $0x1BFF;
	s21 =	sshll.u32 s7, $0x1;
	s4 =	sadd.s32 s5, s19  }
0xa2: {  	s8 =	simm.s32 $0x0;
	s20 =	sshll.u32 s6, $0x1;
	s6 =	sadd.s32 s21, s4  }
0xa3: {  	[timem:s8], [sflag:s22] =	dma.local [hbm:s6], s20  }
0xa4: {  	_ =	swait.ge [sflag:s22], s20  }
0xa5: {  	s5 =	ssub.s32 $0x0, s20;
	[sflag:s22] =	ssyncset.done $0x0  }
0xa6: {  	[sflag:s22] =	ssyncadd.s32 s5;
	_ =	sdelay $0x1  }
0xa7: {  	s23 =	simm.s32 $0x1B8B  }
0xa8: {  	_ =	swait.ge [sflag:s23], $0x1  }
0xa9: {  	[sflag:s23] =	ssyncset.done $0x0  }
0xaa: {  	s25 =	simm.s32 $0x1B8E;
	s24 =	sld [smem:$0x3FFE];
	[sflag:s23] =	ssyncadd.s32 $0xFFFFFFFF  }
0xab: {  	s26 =	simm.s32 $execute0_lowered;
	[smem:$0x3FD2] =	sst s25  }
0xac: {  	s6 =	sshll.u32 s26, $0x1;
	_ =	strace $0x80000046;
	[dreg:$0x1] =	wrdreg $0xFFFFFFFF  }
0xad: {  	s28 =	simm.s32 $_size_execute0_lowered;
	s4 =	sadd.s32 s4, s6;
	[dreg:$0x0] =	wrdreg $0x0  }
0xae: {  	s6 =	sshll.u32 s28, $0x1;
	[dreg:$0x2] =	wrdreg s4  }
0xaf: {  	[dreg:$0x3] =	wrdreg s6  }
0xb0: {  	[dreg:$0x4] =	wrdreg $0xC0  }
0xb1: {  	_ =	task [dreg:s8], $0x5FFFF  }
0xb2: {  	[dreg:$0x1] =	wrdreg $0xFFFFFFFF  }
0xb3: {  	[dreg:$0x0] =	wrdreg $0x60  }
0xb4: {  	[dreg:$0x2] =	wrdreg s24  }
0xb5: {  	[dreg:$0x3] =	wrdreg s16  }
0xb6: {  	[dreg:$0x4] =	wrdreg s17  }
0xb7: {  	[dreg:$0x5] =	wrdreg $0x4D800  }
0xb8: {  	[dreg:$0x6] =	wrdreg $0x9  }
0xb9: {  	_ =	task.clear_ibuf [dreg:s8], $0x7FFFF;
	_ =	strace $0x90000046  }
0xba: {  	s29 =	simm.s32 $0x9;
	_ =	strace $0x80000048  }
0xbb: {  	_ =	swait.ge [sflag:s29], $0x1  }
0xbc: {  	[sflag:s29] =	ssyncadd.s32 $0xFFFFFFFF  }
0xbd: {  	_ =	strace $0x90000048  }
0xbe: {  	_ =	sfence  }
0xbf: {  	s30 =	sld [smem:$0x0];
	_ =	sdelay $0x2  }
0xc0: {  	s31 =	sshll.u32 s1, $0xD;
	s1 =	sshrl.u32 s1, $0x2  }
0xc1: {  	s3 =	sand.u32 $0x4000, s31;
	s1 =	sadd.s32 s1, s30  }
0xc2: {  	s0 =	sor.u32 s3, s0;
	s1 =	sshll.u32 s1, $0x11  }
0xc3: {  	s0 =	sor.u32 s1, s0  }
0xc4: {  	s0 =	sadd.s32 $0x8F2B, s0  }
0xc5: {  	[sflag:s0] =	ssyncadd.remote.s32 $0x1  }
0xc6: {  	_ =	sfence.sel $0xFFFF  }
0xc7: {  	[dreg:$0x0] =	wrdreg $0xFFFFFFFF;
	(pc) =	sbr.abs _section_cstart, $3  }
0xc8: {  	[dreg:$0x1] =	wrdreg $0xFFFFFFFF  }
0xc9: {  	_ =	task.clear_ibuf [dreg:s8], $0x2FFFF;
	_ =	strace $0x9FFFFFFF  }
0xca: {  	(tm) =	ssettm $0x7FFFFFFF  }
0xcb: {  	_ =	shalt  }
tec
execute0_lowered:
.L_overlay_start_1:
0x0: {  	(tag) =	ssettag $0x1  }
0x1: {  	s3 =	rddreg [dreg:$0x0]  }
0x2: {  	s1 =	rddreg [dreg:$0x1]  }
0x3: {  	s6 =	rddreg [dreg:$0x2]  }
0x4: {  	s7 =	rddreg [dreg:$0x3]  }
0x5: {  	s2 =	srdreg.scid;
	s0 =	stileid.u32  }
0x6: {  	s8 =	sand.u32 $0x1, s2;
	s2 =	simm.s32 $0x0;
	s9 =	sshll.u32 s0, $0x8  }
0x7: {  	s21 =	sshll.u32 s0, $0x7;
	s7 =	sadd.s32 $0x400, s7;
	p0 =	seq.s32 s0, $0xF  }
0x8: {  	p4 =	sne.s32 s0, $0x0;
	p1 =	seq.s32 s0, $0x0;
	s4 =	sshll.u32 s8, $0xC  }
0x9: {  	[smem:$0x7FF] =	sst s2;
	s10 =	ssub.s32 $0x2, s8;
	s8 =	sshll.u32 s8, $0x1  }
0xa: {  	s22 =	sor.u32 $0x10, s9;
	s23 =	sor.u32 $0x20, s9;
	s24 =	sor.u32 $0x30, s9  }
0xb: {  	s25 =	sor.u32 $0x40, s9;
	s13 =	sor.u32 $0x50, s9;
	s14 =	sor.u32 $0x60, s9  }
0xc: {  	s15 =	sor.u32 $0x70, s9;
	[dreg:$0x5] =	wrdreg s4;
	s4 =	sor.u32 s9, s4  }
0xd: {  	s26 =	sor.u32 $0x80, s9;
	s5 =	sshrl.u32 s4, $0x3;
	s4 =	sadd.s32 $0x3200, s3  }
0xe: {  	s11 =	sadd.s32 s5, s3;
	s5 =	sadd.s32 $0x103200, s3;
	s3 =	simm.s32 @!p0 $0x0  }
0xf: {  	s16 =	sor.u32 $0x90, s9;
	s3 =	simm.s32 @p0 $0x1;
	p0 =	sgt.u32 s0, $0xD  }
0x10: {  	_ =	strace $0x80000047;
	[smem:$0x7F1] =	sst s3;
	s3 =	simm.s32 @!p0 $0x0  }
0x11: {  	s17 =	sor.u32 $0xA0, s9;
	s3 =	simm.s32 @p0 $0x1;
	p0 =	sgt.u32 s0, $0xC  }
0x12: {  	s28 =	sor.u32 $0xB0, s9;
	[smem:$0x7F2] =	sst s3;
	s3 =	simm.s32 @!p0 $0x0  }
0x13: {  	s29 =	sor.u32 $0xC0, s9;
	s3 =	simm.s32 @p0 $0x1;
	p0 =	sgt.u32 s0, $0xB  }
0x14: {  	s18 =	sor.u32 $0xD0, s9;
	[smem:$0x7F3] =	sst s3;
	s3 =	simm.s32 @!p0 $0x0  }
0x15: {  	s30 =	sor.u32 $0xE0, s9;
	s3 =	simm.s32 @p0 $0x1;
	p0 =	sgt.u32 s0, $0xA  }
0x16: {  	s12 =	sshrl.u32 s10, $0x1;
	[smem:$0x7F4] =	sst s3;
	s3 =	simm.s32 @!p0 $0x0  }
0x17: {  	v0 =	vlaneseq.u32;
	s6 =	sadd.s32 s6, s8;
	s3 =	simm.s32 @p0 $0x1;
	p0 =	sgt.u32 s0, $0x9  }
0x18: {  	v1 =	vmov s9;
	v6 =	vor.u32 s9, v0;
	s9 =	sor.u32 $0xF0, s9;
	[smem:$0x7F5] =	sst s3;
	s3 =	simm.s32 @!p0 $0x0  }
0x19: {  	v9 =	vor.u32 s15, v0;
	s15 =	simm.s32 $0x1;
	s3 =	simm.s32 @p0 $0x1;
	p0 =	sgt.u32 s0, $0x8  }
0x1a: {  	v15 =	vor.u32 s18, v0;
	s18 =	simm.s32 $0x400;
	[smem:$0x7F6] =	sst s3;
	s3 =	simm.s32 @!p0 $0x0  }
0x1b: {  	[dreg:$0x7] =	wrdreg s7;
	s3 =	simm.s32 @p0 $0x1;
	p0 =	sgt.u32 s0, $0x7  }
0x1c: {  	s19 =	ssub.s32 s10, s12;
	[smem:$0x7F7] =	sst s3;
	s3 =	simm.s32 @!p0 $0x0  }
0x1d: {  	[dreg:$0x9] =	wrdreg s6;
	s3 =	simm.s32 @p0 $0x1;
	p0 =	sgt.u32 s0, $0x6  }
0x1e: {  	v18 =	vimm.s32 $0x0;
	s7 =	sadd.s32 s21, s7;
	[smem:$0x7F8] =	sst s3;
	s3 =	simm.s32 @!p0 $0x0  }
0x1f: {  	v19 =	vimm.f32 $0.0e+00;
	v20 =	vimm.s32 $0x1000;
	v21 =	vor.u32 $0x10, v0;
	s12 =	simm.s32 $0x2;
	s3 =	simm.s32 @p0 $0x1;
	p0 =	sgt.u32 s0, $0x5  }
0x20: {  	v22 =	vor.u32 $0x20, v0;
	v23 =	vor.u32 $0x30, v0;
	v24 =	vor.u32 $0x40, v0;
	s21 =	simm.s32 $0x0;
	[smem:$0x7F9] =	sst s3;
	s3 =	simm.s32 @!p0 $0x0  }
0x21: {  	v25 =	vor.u32 $0x50, v0;
	v26 =	vor.u32 $0x60, v0;
	v27 =	vor.u32 $0x70, v0;
	[dreg:$0x8] =	wrdreg s7;
	s3 =	simm.s32 @p0 $0x1;
	p0 =	sgt.u32 s0, $0x4  }
0x22: {  	v28 =	vor.u32 $0x80, v0;
	v29 =	vor.u32 $0x90, v0;
	v30 =	vor.u32 $0xA0, v0;
	s20 =	sadd.s32 $0x2E00, s11;
	[smem:$0x7FA] =	sst s3;
	s3 =	simm.s32 @!p0 $0x0  }
0x23: {  	v31 =	vor.u32 $0xB0, v0;
	v32 =	vor.u32 $0xC0, v0;
	v33 =	vor.u32 $0xD0, v0;
	s31 =	sadd.s32 $0x103600, s11;
	s3 =	simm.s32 @p0 $0x1;
	p0 =	sgt.u32 s0, $0x3  }
.Ltmp0:
0x24: {  	v34 =	vor.u32 $0xE0, v0;
	v35 =	vor.u32 $0xF0, v0;
	v2 =	vor.u32 s22, v0;
	[smem:$0x7FB] =	sst s3;
	s3 =	simm.s32 @!p0 $0x0;
	(pc) =	sbr.rel .LBB2_1-.Ltmp0, $4  }
0x25: {  	v3 =	vor.u32 s23, v0;
	v4 =	vor.u32 s24, v0;
	v5 =	vor.u32 s25, v0;
	[dreg:$0x6] =	wrdreg s20;
	s3 =	simm.s32 @p0 $0x1;
	p0 =	sgt.u32 s0, $0x2  }
0x26: {  	v7 =	vor.u32 s13, v0;
	v8 =	vor.u32 s14, v0;
	v10 =	vor.u32 s26, v0;
	s11 =	smax.u32 s19, $0x1;
	[smem:$0x7FC] =	sst s3;
	s3 =	simm.s32 @!p0 $0x0  }
0x27: {  	v11 =	vor.u32 s16, v0;
	v12 =	vor.u32 s17, v0;
	v13 =	vor.u32 s28, v0;
	s19 =	simm.s32 $0x10;
	[dreg:$0xa] =	wrdreg s31;
	s3 =	simm.s32 @p0 $0x1  }
0x28: {  	v14 =	vor.u32 s29, v0;
	v16 =	vor.u32 s30, v0;
	v17 =	vor.u32 s9, v0;
	s20 =	simm.s32 $0x500;
	p0 =	sgt.u32 s0, $0x1;
	[smem:$0x7FD] =	sst s3  }
.LBB2_4:
0x29: {  	[sflag:s12] =	ssyncadd.s32 $0xFFFFFFF0  }
.LBB2_5:
0x2a: {  	s21 =	sadd.s32 $0x1, s21  }
0x2b: {  	p2 =	sne.s32 s21, s11  }
.Ltmp1:
0x2c: {  	_ = 	snop;
	(pc) =	sbr.rel @!p2 .LBB2_6-.Ltmp1, $1  }
0x2d: {  	_ =	sdelay $0x3  }
.LBB2_1:
0x2e: {  	s0 =	rddreg [dreg:$0x6]  }
0x2f: {  	[tilespmem:s2], [sflag:$0x2] =	stream.linear.gather [hbm4b:s0+s2], $0x100, $0x38;
	[tilespmem:$0x4D98] =	vst v63  }
0x30: {  	_ =	swait.ge [sflag:s12], $0x100  }
0x31: {  	[sflag:s12] =	ssyncset.done $0x0  }
0x32: {  	[sflag:s12] =	ssyncadd.s32 $0xFFFFFF00  }
0x33: {  	[tilespmem:$0x100] =	vst v18  }
0x34: {  	[tilespmem:$0x280] =	vst v19  }
0x35: {  	[tilespmem:$0x110] =	vst v18  }
0x36: {  	[tilespmem:$0x290] =	vst v19  }
0x37: {  	[tilespmem:$0x120] =	vst v18  }
0x38: {  	[tilespmem:$0x2A0] =	vst v19  }
0x39: {  	[tilespmem:$0x130] =	vst v18  }
0x3a: {  	[tilespmem:$0x2B0] =	vst v19  }
0x3b: {  	[tilespmem:$0x140] =	vst v18  }
0x3c: {  	[tilespmem:$0x2C0] =	vst v19  }
0x3d: {  	[tilespmem:$0x150] =	vst v18;
	v36 =	vld [tilespmem:$0x0]  }
0x3e: {  	[tilespmem:$0x2D0] =	vst v19;
	v37 =	vld [tilespmem:$0x10]  }
0x3f: {  	[tilespmem:$0x160] =	vst v18;
	v38 =	vld [tilespmem:$0x20]  }
0x40: {  	[tilespmem:$0x2E0] =	vst v19;
	v39 =	vld [tilespmem:$0x30]  }
0x41: {  	[tilespmem:$0x170] =	vst v18;
	v40 =	vld [tilespmem:$0x40]  }
0x42: {  	[tilespmem:$0x2F0] =	vst v19;
	v41 =	vld [tilespmem:$0x50]  }
0x43: {  	[tilespmem:$0x180] =	vst v18;
	v54 =	vld [tilespmem:$0x60];
	vm0 =	vgt.f32 v36, $0.0e+00;
	vm1 =	vgt.f32 v37, $0.0e+00  }
0x44: {  	[tilespmem:$0x300] =	vst v19;
	v56 =	vld [tilespmem:$0x70];
	vm6 =	vgt.f32 v38, $0.0e+00;
	v55 =	vmpcnt.ones.xlane vm0;
	v42 =	vmpcnt.ones.xlane vm1  }
0x45: {  	[tilespmem:$0x190] =	vst v18;
	v57 =	vld [tilespmem:$0x80];
	vm7 =	vgt.f32 v39, $0.0e+00;
	v43 =	vmpcnt.ones.xlane vm6  }
0x46: {  	[tilespmem:$0x310] =	vst v19;
	v59 =	vld [tilespmem:$0x90];
	vm8 =	vgt.f32 v40, $0.0e+00;
	v58 =	vmpcnt.ones.xlane vm7;
	v37 =	vadd.s32 v55, v42  }
0x47: {  	[tilespmem:$0x1A0] =	vst v18;
	v61 =	vld [tilespmem:$0xA0];
	vm9 =	vgt.f32 v41, $0.0e+00;
	v60 =	vmpcnt.ones.xlane vm8;
	v37 =	vadd.s32 v43, v37  }
0x48: {  	[tilespmem:$0x320] =	vst v19;
	v63 =	vld [tilespmem:$0xB0];
	vm10 =	vgt.f32 v54, $0.0e+00;
	v62 =	vmpcnt.ones.xlane vm9;
	v37 =	vadd.s32 v58, v37  }
0x49: {  	[tilespmem:$0x1B0] =	vst v18;
	v46 =	vld [tilespmem:$0xC0];
	vm11 =	vgt.f32 v56, $0.0e+00;
	v45 =	vmpcnt.ones.xlane vm10;
	v37 =	vadd.s32 v60, v37  }
0x4a: {  	[tilespmem:$0x330] =	vst v19;
	v48 =	vld [tilespmem:$0xD0];
	vm12 =	vgt.f32 v57, $0.0e+00;
	v47 =	vmpcnt.ones.xlane vm11;
	v37 =	vadd.s32 v62, v37  }
0x4b: {  	[tilespmem:$0x1C0] =	vst v18;
	v50 =	vld [tilespmem:$0xE0];
	vm13 =	vgt.f32 v59, $0.0e+00;
	v49 =	vmpcnt.ones.xlane vm12;
	v37 =	vadd.s32 v45, v37  }
0x4c: {  	[tilespmem:$0x340] =	vst v19;
	v52 =	vld [tilespmem:$0xF0];
	vm14 =	vgt.f32 v61, $0.0e+00;
	v51 =	vmpcnt.ones.xlane vm13;
	v37 =	vadd.s32 v47, v37  }
0x4d: {  	[tilespmem:$0x1D0] =	vst v18;
	vm15 =	vgt.f32 v63, $0.0e+00;
	v53 =	vmpcnt.ones.xlane vm14;
	v37 =	vadd.s32 v49, v37  }
0x4e: {  	[tilespmem:$0x350] =	vst v19;
	vm4 =	vgt.f32 v46, $0.0e+00;
	v55 =	vmpcnt.ones.xlane vm15;
	v54 =	vadd.s32 v51, v37  }
0x4f: {  	[tilespmem:$0x1E0] =	vst v18;
	vm5 =	vgt.f32 v48, $0.0e+00;
	v38 =	vmpcnt.ones.xlane vm4;
	v36 =	vadd.s32 v53, v54  }
0x50: {  	[tilespmem:$0x360] =	vst v19;
	v56 =	vmpcnt.ones.xlane vm5;
	vm6 =	vgt.f32 v50, $0.0e+00;
	v36 =	vadd.s32 v55, v36  }
0x51: {  	[tilespmem:$0x1F0] =	vst v18;
	vm7 =	vgt.f32 v52, $0.0e+00;
	v57 =	vmpcnt.ones.xlane vm6;
	v36 =	vadd.s32 v38, v36  }
0x52: {  	[tilespmem:$0x370] =	vst v19;
	v58 =	vmpcnt.ones.xlane vm7;
	v36 =	vadd.s32 v56, v36  }
0x53: {  	[tilespmem:$0x200] =	vst v18;
	v36 =	vadd.s32 v57, v36  }
0x54: {  	[tilespmem:$0x380] =	vst v19;
	v36 =	vadd.s32 v58, v36  }
0x55: {  	s3 =	simm.s32 $0x4D00;
	s17 =	rddreg [dreg:$0x8];
	[tilespmem:$0x4D00] =	vst v36  }
0x56: {  	[spmem:s17] =	stream.linear.scatter [tilespmem:s3], [sflag:$0x2], $0x80, $0x38;
	[tilespmem:$0x4D98] =	vst v63  }
0x57: {  	_ =	swait.ge [sflag:s12], $0x80  }
0x58: {  	[sflag:s12] =	ssyncset.done $0x0  }
0x59: {  	[sflag:s12] =	ssyncadd.s32 $0xFFFFFF80  }
0x5a: {  	[bflag:$0x0] =	sbarrier.arrive $0xFFFF  }
0x5b: {  	s23 =	simm.s32 $0x4500;
	s22 =	rddreg [dreg:$0x7]  }
0x5c: {  	[tilespmem:s23], [sflag:$0x2] =	stream.linear.gather [spmem:s22], $0x800, $0x38;
	[tilespmem:$0x4D98] =	vst v63  }
0x5d: {  	_ =	swait.ge [sflag:s12], $0x800  }
0x5e: {  	[sflag:s12] =	ssyncset.done $0x0  }
0x5f: {  	[sflag:s12] =	ssyncadd.s32 $0xFFFFF800  }
0x60: {  	v59 =	vld [tilespmem:$0x4500]  }
0x61: {  	v60 =	vld [tilespmem:$0x4580]  }
0x62: {  	v61 =	vld [tilespmem:$0x4600]  }
0x63: {  	v62 =	vld [tilespmem:$0x4680];
	_ =	sdelay $0x1  }
0x64: {  	v63 =	vld [tilespmem:$0x4700];
	(v2sf) =	vpush v59, $0x0  }
0x65: {  	(v2sf) =	vpush v60, $0x0  }
0x66: {  	(v2sf) =	vpush v61, $0x0  }
0x67: {  	(v2sf) =	vpush v62, $0x0  }
0x68: {  	v42 =	vld [tilespmem:$0x4780]  }
0x69: {  	(v2sf) =	vpush v63, $0x0  }
0x6a: {  	v43 =	vld [tilespmem:$0x4800];
	_ =	sdelay $0x2  }
0x6b: {  	v44 =	vld [tilespmem:$0x4880];
	(v2sf) =	vpush v42, $0x0;
	_ =	sdelay $0x1  }
0x6c: {  	(v2sf) =	vpush v43, $0x0;
	_ =	sdelay $0x2  }
0x6d: {  	(v2sf) =	vpush v44, $0x0  }
0x6e: {  	s24 =	spop (v2sf)  }
0x6f: {  	s25 =	spop (v2sf);
	s6 =	sadd.s32 $0xF, s24;
	s24 =	simm.s32 $0x1  }
0x70: {  	s8 =	spop (v2sf);
	s0 =	sand.u32 $0xF, s6;
	s14 =	sshra.s32 s6, $0x1F  }
0x71: {  	p2 =	slt.s32 s6, $0x1;
	s23 =	sadd.s32 $0xF, s25;
	s9 =	spop (v2sf)  }
0x72: {  	p3 =	sne.s32 s0, $0x0;
	s14 =	sshrl.u32 s14, $0x1C;
	s0 =	simm.s32 $0x1  }
0x73: {  	v45 =	vld [tilespmem:$0x4900];
	s3 =	sand.u32 $0xF, s23;
	s16 =	sshra.s32 s23, $0x1F;
	s13 =	spop (v2sf)  }
0x74: {  	p2 =	por !p2, !p3;
	s6 =	sadd.s32 s14, s6;
	p3 =	slt.s32 s23, $0x1  }
0x75: {  	p5 =	sne.s32 s3, $0x0;
	s3 =	sadd.s32 $0xF, s8;
	s14 =	simm.s32 $0x1  }
0x76: {  	v46 =	vld [tilespmem:$0x4980];
	s29 =	sshrl.u32 s16, $0x1C;
	s16 =	simm.s32 $0x1;
	s17 =	sadd.s32 $0xF, s9  }
0x77: {  	s22 =	spop (v2sf);
	p2 =	por !p2, !p2;
	s8 =	sand.u32 $0xF, s3  }
0x78: {  	(v2sf) =	vpush v45, $0x0;
	p6 =	slt.s32 s3, $0x1;
	s9 =	sand.u32 $0xF, s17;
	s6 =	sshrl.u32 s6, $0x4  }
0x79: {  	s0 =	simm.s32 @!p2 $0x0;
	p2 =	por !p3, !p5;
	s25 =	spop (v2sf)  }
0x7a: {  	p5 =	sne.s32 s8, $0x0;
	s8 =	sadd.s32 $0xF, s13;
	s28 =	sadd.s32 $0xF, s22  }
0x7b: {  	(v2sf) =	vpush v46, $0x0;
	s22 =	sadd.s32 s29, s23;
	s29 =	simm.s32 $0x1;
	p2 =	por !p2, !p2  }
0x7c: {  	s30 =	spop (v2sf);
	p3 =	por !p6, !p5;
	p5 =	slt.s32 s17, $0x1  }
0x7d: {  	p6 =	sne.s32 s9, $0x0;
	s26 =	sand.u32 $0xF, s8;
	s13 =	sadd.s32 $0xF, s25  }
0x7e: {  	s7 =	sand.u32 $0xF, s28;
	s0 =	ssub.s32 s6, s0;
	s23 =	sshrl.u32 s22, $0x4  }
0x7f: {  	s14 =	simm.s32 @!p2 $0x0;
	p2 =	por !p3, !p3;
	s10 =	sand.u32 $0xF, s13  }
0x80: {  	s30 =	sadd.s32 $0xF, s30;
	s22 =	sshll.u32 s0, $0x4;
	s16 =	simm.s32 @!p2 $0x0  }
0x81: {  	p2 =	por !p5, !p6;
	p5 =	slt.s32 s8, $0x1;
	p6 =	sne.s32 s26, $0x0  }
0x82: {  	v47 =	vld [tilespmem:$0x4A00];
	s26 =	simm.s32 $0x1;
	s6 =	ssub.s32 s23, s14;
	p2 =	por !p2, !p2  }
0x83: {  	p3 =	por !p5, !p6;
	p5 =	slt.s32 s13, $0x1;
	p6 =	sne.s32 s10, $0x0  }
0x84: {  	s10 =	sand.u32 $0xF, s30;
	s24 =	simm.s32 @!p2 $0x0;
	p2 =	por !p3, !p3  }
0x85: {  	p3 =	sne.s32 s7, $0x0;
	p6 =	por !p5, !p6;
	s7 =	simm.s32 $0x1  }
0x86: {  	p5 =	sne.s32 s10, $0x0;
	s26 =	simm.s32 @!p2 $0x0;
	p2 =	slt.s32 s28, $0x1  }
0x87: {  	v48 =	vld [tilespmem:$0x4A80];
	p2 =	por !p2, !p3;
	p3 =	por !p6, !p6;
	s25 =	spop (v2sf);
	(v2sf) =	vpush v47, $0x0  }
0x88: {  	p2 =	por !p2, !p2;
	s29 =	simm.s32 @!p3 $0x0;
	p3 =	slt.s32 s30, $0x1  }
0x89: {  	s7 =	simm.s32 @!p2 $0x0;
	p2 =	por !p3, !p5;
	s9 =	sadd.s32 $0xF, s25  }
0x8a: {  	s25 =	spop (v2sf);
	p2 =	por !p2, !p2;
	s10 =	sand.u32 $0xF, s9  }
0x8b: {  	s31 =	sadd.s32 $0xF, s25;
	s25 =	sshra.s32 s3, $0x1F;
	p3 =	sne.s32 s10, $0x0  }
0x8c: {  	(v2sf) =	vpush v48, $0x0;
	s10 =	sand.u32 $0xF, s31;
	p6 =	slt.s32 s31, $0x1;
	s23 =	sshrl.u32 s25, $0x1C  }
0x8d: {  	s25 =	sshra.s32 s17, $0x1F;
	p5 =	sne.s32 s10, $0x0;
	s10 =	simm.s32 $0x1  }
0x8e: {  	s3 =	sadd.s32 s23, s3;
	s14 =	sshrl.u32 s25, $0x1C;
	s23 =	sshll.u32 s6, $0x4  }
0x8f: {  	s10 =	simm.s32 @!p2 $0x0;
	p2 =	slt.s32 s9, $0x1;
	p6 =	por !p6, !p5  }
0x90: {  	s0 =	sshrl.u32 s3, $0x4;
	s3 =	sadd.s32 s14, s17;
	s17 =	sshra.s32 s8, $0x1F  }
0x91: {  	v49 =	vld [tilespmem:$0x4B00];
	p3 =	por !p2, !p3;
	s0 =	ssub.s32 s0, s16;
	s3 =	sshrl.u32 s3, $0x4  }
0x92: {  	s6 =	sshrl.u32 s17, $0x1C;
	s16 =	sshra.s32 s28, $0x1F;
	s17 =	sshra.s32 s13, $0x1F  }
0x93: {  	p2 =	por !p6, !p6;
	s25 =	sshll.u32 s0, $0x4;
	s3 =	ssub.s32 s3, s24  }
0x94: {  	s14 =	sadd.s32 s6, s8;
	s8 =	sshra.s32 s9, $0x1F;
	p3 =	por !p3, !p3  }
0x95: {  	s24 =	sshll.u32 s3, $0x4;
	s0 =	sshrl.u32 s14, $0x4;
	s3 =	sshrl.u32 s16, $0x1C  }
0x96: {  	v50 =	vld [tilespmem:$0x4B80];
	s16 =	sshrl.u32 s17, $0x1C;
	s3 =	sadd.s32 s3, s28;
	s6 =	spop (v2sf);
	(v2sf) =	vpush v49, $0x0  }
0x97: {  	s17 =	sshra.s32 s30, $0x1F;
	s0 =	ssub.s32 s0, s26;
	s14 =	sshrl.u32 s3, $0x4  }
0x98: {  	s26 =	sshll.u32 s0, $0x4;
	s3 =	sadd.s32 s16, s13;
	s0 =	ssub.s32 s14, s7  }
0x99: {  	s3 =	sshrl.u32 s3, $0x4;
	s7 =	sshrl.u32 s17, $0x1C;
	s14 =	sshrl.u32 s8, $0x1C  }
0x9a: {  	s17 =	sshra.s32 s31, $0x1F;
	s8 =	simm.s32 $0x1;
	s28 =	sshll.u32 s0, $0x4  }
0x9b: {  	s0 =	ssub.s32 s3, s29;
	s3 =	sadd.s32 s7, s30;
	s7 =	spop (v2sf);
	(v2sf) =	vpush v50, $0x0  }
0x9c: {  	s8 =	simm.s32 @!p3 $0x0;
	s13 =	sshrl.u32 s3, $0x4;
	s3 =	sadd.s32 s14, s9  }
0x9d: {  	s29 =	sshll.u32 s0, $0x4;
	s16 =	sshrl.u32 s3, $0x4;
	s3 =	sshrl.u32 s17, $0x1C  }
0x9e: {  	s9 =	simm.s32 $0x1;
	s0 =	ssub.s32 s13, s10;
	s3 =	sadd.s32 s3, s31  }
0x9f: {  	s9 =	simm.s32 @!p2 $0x0;
	s30 =	sshll.u32 s0, $0x4;
	s3 =	sshrl.u32 s3, $0x4  }
0xa0: {  	v51 =	vld [tilespmem:$0x4C00];
	s0 =	ssub.s32 s16, s8;
	s6 =	sadd.s32 $0xF, s6;
	s3 =	ssub.s32 s3, s9  }
0xa1: {  	s9 =	sand.u32 $0xF, s6;
	s10 =	sshra.s32 s6, $0x1F;
	p5 =	slt.s32 s6, $0x1  }
0xa2: {  	s7 =	sadd.s32 $0xF, s7;
	s31 =	sshll.u32 s3, $0x4;
	p6 =	sne.s32 s9, $0x0  }
0xa3: {  	s13 =	sshrl.u32 s10, $0x1C;
	s16 =	sshra.s32 s7, $0x1F;
	s17 =	sand.u32 $0xF, s7  }
0xa4: {  	p2 =	por !p5, !p6;
	s3 =	sadd.s32 s13, s6;
	s6 =	simm.s32 $0x1  }
0xa5: {  	v37 =	vld @!p4 [tilespmem:$0x4C80];
	p5 =	slt.s32 s7, $0x1;
	p2 =	por !p2, !p2;
	s14 =	spop (v2sf);
	(v2sf) =	vpush v51, $0x0  }
0xa6: {  	p6 =	sne.s32 s17, $0x0;
	s3 =	sshrl.u32 s3, $0x4;
	s6 =	simm.s32 @!p2 $0x0  }
0xa7: {  	p2 =	por !p5, !p6;
	s3 =	ssub.s32 s3, s6;
	s6 =	sshrl.u32 s16, $0x1C  }
0xa8: {  	p2 =	por !p2, !p2;
	s7 =	sadd.s32 s6, s7;
	s6 =	simm.s32 $0x1  }
0xa9: {  	s13 =	sshll.u32 s3, $0x4;
	s6 =	simm.s32 @!p2 $0x0  }
0xaa: {  	s3 =	sshrl.u32 s7, $0x4;
	s9 =	sadd.s32 $0xF, s14;
	s14 =	spop (v2sf);
	(v2sf) =	vpush @!p4 v37, $0x0  }
0xab: {  	s3 =	ssub.s32 s3, s6  }
0xac: {  	s8 =	sand.u32 $0xF, s9;
	s16 =	sshra.s32 s9, $0x1F;
	p5 =	slt.s32 s9, $0x1  }
0xad: {  	p6 =	sne.s32 s8, $0x0;
	s17 =	sshrl.u32 s16, $0x1C;
	s8 =	simm.s32 $0x1  }
0xae: {  	s16 =	sshll.u32 s3, $0x4;
	p2 =	por !p5, !p6;
	s7 =	sadd.s32 s17, s9  }
0xaf: {  	s9 =	sadd.s32 $0xF, s14;
	p2 =	por !p2, !p2;
	s7 =	sshrl.u32 s7, $0x4  }
0xb0: {  	s10 =	sshra.s32 s9, $0x1F;
	s17 =	sand.u32 $0xF, s9;
	p5 =	slt.s32 s9, $0x1  }
0xb1: {  	s8 =	simm.s32 @!p2 $0x0;
	s3 =	sshrl.u32 s10, $0x1C;
	p6 =	sne.s32 s17, $0x0  }
0xb2: {  	s8 =	ssub.s32 s7, s8;
	s3 =	sadd.s32 s3, s9;
	p2 =	por !p5, !p6  }
0xb3: {  	s7 =	simm.s32 $0x1;
	s14 =	sshll.u32 s8, $0x4;
	p2 =	por !p2, !p2  }
0xb4: {  	s3 =	sshrl.u32 s3, $0x4;
	s7 =	simm.s32 @!p2 $0x0;
	s8 =	spop (v2sf)  }
0xb5: {  	s0 =	sshll.u32 s0, $0x4;
	s3 =	ssub.s32 s3, s7;
	s6 =	sadd.s32 $0xF, s8  }
0xb6: {  	s8 =	sadd.s32 @!p4 s22, s23;
	s9 =	sshra.s32 s6, $0x1F;
	s17 =	sand.u32 $0xF, s6  }
0xb7: {  	p5 =	slt.s32 s6, $0x1;
	s7 =	sadd.s32 @!p4 s25, s8;
	s8 =	simm.s32 $0x1  }
0xb8: {  	s10 =	sshrl.u32 s9, $0x1C;
	p6 =	sne.s32 s17, $0x0;
	s7 =	sadd.s32 @!p4 s24, s7  }
0xb9: {  	s9 =	spop @!p4 (v2sf);
	s17 =	sshll.u32 s3, $0x4;
	s6 =	sadd.s32 s10, s6  }
0xba: {  	p2 =	por !p5, !p6;
	s7 =	sadd.s32 @!p4 s26, s7;
	s9 =	sadd.s32 @!p4 $0xF, s9  }
0xbb: {  	s6 =	sshrl.u32 s6, $0x4;
	p2 =	por !p2, !p2;
	s7 =	sadd.s32 @!p4 s28, s7  }
0xbc: {  	p3 =	slt.s32 @!p4 s9, $0x1;
	s8 =	simm.s32 @!p2 $0x0;
	s7 =	sadd.s32 @!p4 s29, s7  }
0xbd: {  	s6 =	ssub.s32 s6, s8;
	s8 =	sand.u32 @!p4 $0xF, s9;
	s3 =	sadd.s32 @!p4 s30, s7  }
0xbe: {  	s7 =	sshra.s32 @!p4 s9, $0x1F;
	p2 =	sne.s32 @!p4 s8, $0x0;
	s3 =	sadd.s32 @!p4 s0, s3  }
0xbf: {  	s7 =	sshrl.u32 @!p4 s7, $0x1C;
	p2 =	por @!p4 !p3, !p2;
	s3 =	sadd.s32 @!p4 s31, s3  }
0xc0: {  	s8 =	simm.s32 @!p4 $0x1;
	p2 =	por @!p4 !p2, !p2;
	s3 =	sadd.s32 @!p4 s13, s3  }
0xc1: {  	s7 =	sadd.s32 @!p4 s7, s9;
	p2 =	por !p2, p4;
	s3 =	sadd.s32 @!p4 s16, s3  }
0xc2: {  	s7 =	sshrl.u32 @!p4 s7, $0x4;
	s8 =	simm.s32 @p2 $0x0;
	s9 =	sadd.s32 @!p4 s14, s3  }
0xc3: {  	s3 =	sshll.u32 s6, $0x4;
	s6 =	ssub.s32 @!p4 s7, s8;
	s7 =	sadd.s32 @!p4 s17, s9  }
0xc4: {  	s6 =	sshll.u32 @!p4 s6, $0x4;
	s7 =	sadd.s32 @!p4 s3, s7  }
0xc5: {  	s6 =	sadd.s32 @!p4 s6, s7  }
0xc6: {  	v37 =	vmov @!p4 s6  }
0xc7: {  	s8 =	rddreg [dreg:$0x9];
	s7 =	simm.s32 @!p4 $0x4D00;
	s6 =	simm.s32 @!p4 $0x0;
	[tilespmem:$0x4D00] =	vst @!p4 v37  }
0xc8: {  	[hbm4b:s8+s6] =	stream.linear.scatter @!p4 [tilespmem:s7], [sflag:$0x2], $0x10, $0x38;
	[tilespmem:$0x4D98] =	vst v63  }
0xc9: {  	s6 =	simm.s32 @!p4 $0x2  }
0xca: {  	_ =	swait.ge @!p4 [sflag:s6], $0x10  }
0xcb: {  	[sflag:s6] =	ssyncset.done @!p4 $0x0  }
0xcc: {  	[sflag:s6] =	ssyncadd.s32 @!p4 $0xFFFFFFF0  }
0xcd: {  	v52 =	vld [tilespmem:$0x0];
	_ =	sdelay $0x4  }
0xce: {  	vm8 =	vgt.f32 v52, $0.0e+00  }
0xcf: {  	v53 =	vmpcnt.ones.xlane vm8;
	_ =	sdelay $0x1  }
0xd0: {  	(v2sf) =	vpush v53, $0x0;
	_ =	sdelay $0x6  }
0xd1: {  	s9 =	simm.s32 $0x100  }
0xd2: {  	s10 =	simm.s32 $0x280;
	[tilespmem:s9+$0x0] =	vst.msk vm8, v6  }
0xd3: {  	[tilespmem:s10+$0x0] =	vst.msk vm8, v52  }
0xd4: {  	v37 =	vld [tilespmem:$0x10];
	_ =	sdelay $0x4  }
0xd5: {  	[tilespmem:$0x4D00] =	vst v53;
	vm9 =	vgt.f32 v37, $0.0e+00;
	s7 =	spop (v2sf)  }
0xd6: {  	v54 =	vmpcnt.ones.xlane vm9;
	[tilespmem:s7+$0x100] =	vst.msk vm9, v2  }
0xd7: {  	[tilespmem:s7+$0x280] =	vst.msk vm9, v37  }
0xd8: {  	(v2sf) =	vpush v54, $0x0;
	v37 =	vld [tilespmem:$0x20];
	_ =	sdelay $0x4  }
0xd9: {  	vm10 =	vgt.f32 v37, $0.0e+00  }
0xda: {  	v55 =	vmpcnt.ones.xlane vm10;
	_ =	sdelay $0x1  }
0xdb: {  	(v2sf) =	vpush v55, $0x0;
	_ =	sdelay $0x6  }
0xdc: {  	s8 =	spop (v2sf)  }
0xdd: {  	[tilespmem:$0x4D00] =	vst v54;
	s6 =	sadd.s32 s7, s8  }
0xde: {  	[tilespmem:s6+$0x100] =	vst.msk vm10, v3  }
0xdf: {  	[tilespmem:s6+$0x280] =	vst.msk vm10, v37  }
0xe0: {  	v37 =	vld [tilespmem:$0x30];
	_ =	sdelay $0x3  }
0xe1: {  	s9 =	spop (v2sf)  }
0xe2: {  	[tilespmem:$0x4D00] =	vst v55;
	vm11 =	vgt.f32 v37, $0.0e+00;
	s6 =	sadd.s32 s6, s9  }
0xe3: {  	v56 =	vmpcnt.ones.xlane vm11;
	[tilespmem:s6+$0x100] =	vst.msk vm11, v4  }
0xe4: {  	[tilespmem:s6+$0x280] =	vst.msk vm11, v37  }
0xe5: {  	(v2sf) =	vpush v56, $0x0;
	v37 =	vld [tilespmem:$0x40];
	_ =	sdelay $0x4  }
0xe6: {  	vm12 =	vgt.f32 v37, $0.0e+00  }
0xe7: {  	v57 =	vmpcnt.ones.xlane vm12;
	_ =	sdelay $0x1  }
0xe8: {  	(v2sf) =	vpush v57, $0x0;
	_ =	sdelay $0x6  }
0xe9: {  	s10 =	spop (v2sf)  }
0xea: {  	[tilespmem:$0x4D00] =	vst v56;
	s6 =	sadd.s32 s6, s10  }
0xeb: {  	[tilespmem:s6+$0x100] =	vst.msk vm12, v5  }
0xec: {  	[tilespmem:s6+$0x280] =	vst.msk vm12, v37  }
0xed: {  	v37 =	vld [tilespmem:$0x50];
	_ =	sdelay $0x3  }
0xee: {  	s8 =	spop (v2sf)  }
0xef: {  	[tilespmem:$0x4D00] =	vst v57;
	vm13 =	vgt.f32 v37, $0.0e+00;
	s6 =	sadd.s32 s6, s8  }
0xf0: {  	v58 =	vmpcnt.ones.xlane vm13;
	[tilespmem:s6+$0x100] =	vst.msk vm13, v7  }
0xf1: {  	[tilespmem:s6+$0x280] =	vst.msk vm13, v37  }
0xf2: {  	(v2sf) =	vpush v58, $0x0;
	v37 =	vld [tilespmem:$0x60];
	_ =	sdelay $0x4  }
0xf3: {  	vm14 =	vgt.f32 v37, $0.0e+00  }
0xf4: {  	v59 =	vmpcnt.ones.xlane vm14;
	_ =	sdelay $0x1  }
0xf5: {  	(v2sf) =	vpush v59, $0x0;
	_ =	sdelay $0x6  }
0xf6: {  	s9 =	spop (v2sf)  }
0xf7: {  	[tilespmem:$0x4D00] =	vst v58;
	s6 =	sadd.s32 s6, s9  }
0xf8: {  	[tilespmem:s6+$0x100] =	vst.msk vm14, v8  }
0xf9: {  	[tilespmem:s6+$0x280] =	vst.msk vm14, v37  }
0xfa: {  	v37 =	vld [tilespmem:$0x70];
	_ =	sdelay $0x3  }
0xfb: {  	s10 =	spop (v2sf)  }
0xfc: {  	[tilespmem:$0x4D00] =	vst v59;
	vm15 =	vgt.f32 v37, $0.0e+00;
	s6 =	sadd.s32 s6, s10  }
0xfd: {  	v60 =	vmpcnt.ones.xlane vm15;
	[tilespmem:s6+$0x100] =	vst.msk vm15, v9  }
0xfe: {  	[tilespmem:s6+$0x280] =	vst.msk vm15, v37  }
0xff: {  	(v2sf) =	vpush v60, $0x0;
	v37 =	vld [tilespmem:$0x80];
	_ =	sdelay $0x4  }
0x100: {  	vm4 =	vgt.f32 v37, $0.0e+00  }
0x101: {  	v61 =	vmpcnt.ones.xlane vm4;
	_ =	sdelay $0x1  }
0x102: {  	(v2sf) =	vpush v61, $0x0;
	_ =	sdelay $0x6  }
0x103: {  	s8 =	spop (v2sf)  }
0x104: {  	[tilespmem:$0x4D00] =	vst v60;
	s6 =	sadd.s32 s6, s8  }
0x105: {  	[tilespmem:s6+$0x100] =	vst.msk vm4, v10  }
0x106: {  	[tilespmem:s6+$0x280] =	vst.msk vm4, v37  }
0x107: {  	v37 =	vld [tilespmem:$0x90];
	_ =	sdelay $0x3  }
0x108: {  	s9 =	spop (v2sf)  }
0x109: {  	[tilespmem:$0x4D00] =	vst v61;
	vm5 =	vgt.f32 v37, $0.0e+00;
	s6 =	sadd.s32 s6, s9  }
0x10a: {  	v62 =	vmpcnt.ones.xlane vm5;
	[tilespmem:s6+$0x100] =	vst.msk vm5, v11  }
0x10b: {  	[tilespmem:s6+$0x280] =	vst.msk vm5, v37  }
0x10c: {  	(v2sf) =	vpush v62, $0x0;
	v37 =	vld [tilespmem:$0xA0];
	_ =	sdelay $0x4  }
0x10d: {  	vm6 =	vgt.f32 v37, $0.0e+00  }
0x10e: {  	v63 =	vmpcnt.ones.xlane vm6;
	_ =	sdelay $0x1  }
0x10f: {  	(v2sf) =	vpush v63, $0x0;
	_ =	sdelay $0x6  }
0x110: {  	s10 =	spop (v2sf)  }
0x111: {  	[tilespmem:$0x4D00] =	vst v62;
	s6 =	sadd.s32 s6, s10  }
0x112: {  	[tilespmem:s6+$0x100] =	vst.msk vm6, v12  }
0x113: {  	[tilespmem:s6+$0x280] =	vst.msk vm6, v37  }
0x114: {  	v37 =	vld [tilespmem:$0xB0];
	_ =	sdelay $0x3  }
0x115: {  	s8 =	spop (v2sf)  }
0x116: {  	[tilespmem:$0x4D00] =	vst v63;
	vm7 =	vgt.f32 v37, $0.0e+00;
	s6 =	sadd.s32 s6, s8  }
0x117: {  	v42 =	vmpcnt.ones.xlane vm7;
	[tilespmem:s6+$0x100] =	vst.msk vm7, v13  }
0x118: {  	[tilespmem:s6+$0x280] =	vst.msk vm7, v37  }
0x119: {  	(v2sf) =	vpush v42, $0x0;
	v37 =	vld [tilespmem:$0xC0];
	_ =	sdelay $0x4  }
0x11a: {  	vm8 =	vgt.f32 v37, $0.0e+00  }
0x11b: {  	v43 =	vmpcnt.ones.xlane vm8;
	_ =	sdelay $0x1  }
0x11c: {  	(v2sf) =	vpush v43, $0x0;
	_ =	sdelay $0x6  }
0x11d: {  	s9 =	spop (v2sf)  }
0x11e: {  	[tilespmem:$0x4D00] =	vst v42;
	s6 =	sadd.s32 s6, s9  }
0x11f: {  	[tilespmem:s6+$0x100] =	vst.msk vm8, v14  }
0x120: {  	[tilespmem:s6+$0x280] =	vst.msk vm8, v37  }
0x121: {  	v37 =	vld [tilespmem:$0xD0];
	_ =	sdelay $0x3  }
0x122: {  	s10 =	spop (v2sf)  }
0x123: {  	[tilespmem:$0x4D00] =	vst v43;
	vm9 =	vgt.f32 v37, $0.0e+00;
	s6 =	sadd.s32 s6, s10  }
0x124: {  	[tilespmem:s6+$0x100] =	vst.msk vm9, v15  }
0x125: {  	[tilespmem:s6+$0x280] =	vst.msk vm9, v37  }
0x126: {  	v37 =	vld [tilespmem:$0xE0];
	_ =	sdelay $0x3  }
0x127: {  	v44 =	vmpcnt.ones.xlane vm9  }
0x128: {  	vm10 =	vgt.f32 v37, $0.0e+00  }
0x129: {  	(v2sf) =	vpush v44, $0x0;
	v45 =	vmpcnt.ones.xlane vm10;
	_ =	sdelay $0x1  }
0x12a: {  	(v2sf) =	vpush v45, $0x0;
	_ =	sdelay $0xc  }
0x12b: {  	s8 =	spop (v2sf)  }
0x12c: {  	[tilespmem:$0x4D00] =	vst v44;
	s6 =	sadd.s32 s6, s8  }
0x12d: {  	[tilespmem:s6+$0x100] =	vst.msk vm10, v16;
	s9 =	spop (v2sf)  }
0x12e: {  	[tilespmem:s6+$0x280] =	vst.msk vm10, v37;
	s6 =	sadd.s32 s6, s9;
	s9 =	sld [smem:$0x7FD];
	_ =	sdelay $0x2  }
0x12f: {  	s22 =	simm.s32 @p1 $0x0;
	s23 =	simm.s32 @!p0 $0x0;
	v46 =	vld [tilespmem:$0xF0];
	p2 =	seq.s32 s9, $0x1  }
0x130: {  	s10 =	sadd.s32 s22, s23;
	s25 =	simm.s32 @!p2 $0x0  }
0x131: {  	s7 =	sadd.s32 s25, s10;
	s10 =	sld [smem:$0x7FC]  }
0x132: {  	s9 =	sld [smem:$0x7FB];
	_ =	sdelay $0x1  }
0x133: {  	[tilespmem:$0x4D00] =	vst v45;
	vm11 =	vgt.f32 v46, $0.0e+00;
	p2 =	seq.s32 s10, $0x1;
	s10 =	sld [smem:$0x7FA]  }
0x134: {  	v47 =	vmpcnt.ones.xlane vm11;
	[tilespmem:s6+$0x100] =	vst.msk vm11, v17;
	s24 =	simm.s32 @!p2 $0x0;
	p2 =	seq.s32 s9, $0x1;
	s9 =	sld [smem:$0x7F9]  }
0x135: {  	[tilespmem:s6+$0x280] =	vst.msk vm11, v46;
	s7 =	sadd.s32 s24, s7;
	s26 =	simm.s32 @!p2 $0x0  }
0x136: {  	[tilespmem:$0x4D00] =	vst v47;
	s7 =	sadd.s32 s26, s7;
	p2 =	seq.s32 s10, $0x1;
	s10 =	sld [smem:$0x7F8]  }
0x137: {  	[tilespmem:$0x400] =	vst v20;
	s28 =	simm.s32 @!p2 $0x0;
	p2 =	seq.s32 s9, $0x1;
	s9 =	sld [smem:$0x7F7]  }
0x138: {  	[tilespmem:$0x410] =	vst v20;
	s7 =	sadd.s32 s28, s7;
	s29 =	simm.s32 @!p2 $0x0  }
0x139: {  	[tilespmem:$0x420] =	vst v20;
	s7 =	sadd.s32 s29, s7;
	p2 =	seq.s32 s10, $0x1;
	s10 =	sld [smem:$0x7F6]  }
0x13a: {  	[tilespmem:$0x430] =	vst v20;
	s30 =	simm.s32 @!p2 $0x0;
	p2 =	seq.s32 s9, $0x1;
	s9 =	sld [smem:$0x7F5]  }
0x13b: {  	[tilespmem:$0x440] =	vst v20;
	s7 =	sadd.s32 s30, s7;
	s0 =	simm.s32 @!p2 $0x0  }
0x13c: {  	[tilespmem:$0x450] =	vst v20;
	v38 =	vld [tilespmem:$0x100];
	s7 =	sadd.s32 s0, s7;
	p2 =	seq.s32 s10, $0x1;
	s10 =	sld [smem:$0x7F4]  }
0x13d: {  	[tilespmem:$0x460] =	vst v20;
	s31 =	simm.s32 @!p2 $0x0;
	p2 =	seq.s32 s9, $0x1;
	s9 =	sld [smem:$0x7F3]  }
0x13e: {  	[tilespmem:$0x470] =	vst v20;
	s7 =	sadd.s32 s31, s7  }
0x13f: {  	[tilespmem:$0x480] =	vst v20;
	s13 =	simm.s32 @!p2 $0x0;
	p2 =	seq.s32 s10, $0x1;
	s10 =	sld [smem:$0x7F2]  }
0x140: {  	[tilespmem:$0x490] =	vst v20;
	s16 =	simm.s32 @!p2 $0x0;
	p2 =	seq.s32 s9, $0x1;
	s9 =	sld [smem:$0x7F1]  }
0x141: {  	vm12 =	vgt.s32 v36, v0;
	[tilespmem:$0x4A0] =	vst v20;
	v38 =	vsub.s32 v38, v1;
	s7 =	sadd.s32 s13, s7  }
0x142: {  	[tilespmem:$0x4B0] =	vst v20;
	v38 =	vnsel vm12, $0x0, v38;
	s7 =	sadd.s32 s16, s7;
	s14 =	simm.s32 @!p2 $0x0;
	p2 =	seq.s32 s10, $0x1  }
0x143: {  	[tilespmem:$0x4C0] =	vst v20;
	s7 =	sadd.s32 s14, s7;
	s17 =	simm.s32 @!p2 $0x0;
	p2 =	seq.s32 s9, $0x1  }
0x144: {  	[tilespmem:$0x4D0] =	vst v20;
	s7 =	sadd.s32 s17, s7;
	s3 =	simm.s32 @!p2 $0x0  }
0x145: {  	[tilespmem:$0x4E0] =	vst v20;
	s8 =	sadd.s32 s3, s7  }
0x146: {  	[tilespmem:$0x4F0] =	vst v20;
	v48 =	vadd.s32 s8, v0  }
0x147: {  	[tilespmem:v38+s18+$0x0] =	vst.idx.msk vm12, v48  }
0x148: {  	v38 =	vld [tilespmem:$0x110];
	_ =	sdelay $0x4  }
0x149: {  	vm13 =	vgt.s32 v36, v21;
	v38 =	vsub.s32 v38, v1  }
0x14a: {  	v38 =	vnsel vm13, $0x0, v38;
	_ =	sdelay $0x2  }
0x14b: {  	s7 =	sadd.s32 $0x10, s8  }
0x14c: {  	v49 =	vadd.s32 s7, v0  }
0x14d: {  	[tilespmem:v38+s18+$0x0] =	vst.idx.msk vm13, v49  }
0x14e: {  	v38 =	vld [tilespmem:$0x120];
	_ =	sdelay $0x4  }
0x14f: {  	vm14 =	vgt.s32 v36, v22;
	v38 =	vsub.s32 v38, v1  }
0x150: {  	v38 =	vnsel vm14, $0x0, v38;
	_ =	sdelay $0x2  }
0x151: {  	s10 =	sadd.s32 $0x20, s8  }
0x152: {  	v50 =	vadd.s32 s10, v0  }
0x153: {  	[tilespmem:v38+s18+$0x0] =	vst.idx.msk vm14, v50  }
0x154: {  	v38 =	vld [tilespmem:$0x130];
	_ =	sdelay $0x4  }
0x155: {  	vm15 =	vgt.s32 v36, v23;
	v38 =	vsub.s32 v38, v1  }
0x156: {  	v38 =	vnsel vm15, $0x0, v38;
	_ =	sdelay $0x2  }
0x157: {  	s9 =	sadd.s32 $0x30, s8  }
0x158: {  	v51 =	vadd.s32 s9, v0  }
0x159: {  	[tilespmem:v38+s18+$0x0] =	vst.idx.msk vm15, v51  }
0x15a: {  	v38 =	vld [tilespmem:$0x140];
	_ =	sdelay $0x4  }
0x15b: {  	vm4 =	vgt.s32 v36, v24;
	v38 =	vsub.s32 v38, v1  }
0x15c: {  	v38 =	vnsel vm4, $0x0, v38;
	_ =	sdelay $0x2  }
0x15d: {  	s10 =	sadd.s32 $0x40, s8  }
0x15e: {  	v52 =	vadd.s32 s10, v0  }
0x15f: {  	[tilespmem:v38+s18+$0x0] =	vst.idx.msk vm4, v52  }
0x160: {  	v38 =	vld [tilespmem:$0x150];
	_ =	sdelay $0x4  }
0x161: {  	vm5 =	vgt.s32 v36, v25;
	v38 =	vsub.s32 v38, v1  }
0x162: {  	v38 =	vnsel vm5, $0x0, v38;
	_ =	sdelay $0x2  }
0x163: {  	s9 =	sadd.s32 $0x50, s8  }
0x164: {  	v53 =	vadd.s32 s9, v0  }
0x165: {  	[tilespmem:v38+s18+$0x0] =	vst.idx.msk vm5, v53  }
0x166: {  	v38 =	vld [tilespmem:$0x160];
	_ =	sdelay $0x4  }
0x167: {  	vm6 =	vgt.s32 v36, v26;
	v38 =	vsub.s32 v38, v1  }
0x168: {  	v38 =	vnsel vm6, $0x0, v38;
	_ =	sdelay $0x2  }
0x169: {  	s10 =	sadd.s32 $0x60, s8  }
0x16a: {  	v54 =	vadd.s32 s10, v0  }
0x16b: {  	[tilespmem:v38+s18+$0x0] =	vst.idx.msk vm6, v54  }
0x16c: {  	v38 =	vld [tilespmem:$0x170];
	_ =	sdelay $0x4  }
0x16d: {  	vm7 =	vgt.s32 v36, v27;
	v38 =	vsub.s32 v38, v1  }
0x16e: {  	v38 =	vnsel vm7, $0x0, v38;
	_ =	sdelay $0x2  }
0x16f: {  	s9 =	sadd.s32 $0x70, s8  }
0x170: {  	v55 =	vadd.s32 s9, v0  }
0x171: {  	[tilespmem:v38+s18+$0x0] =	vst.idx.msk vm7, v55  }
0x172: {  	v38 =	vld [tilespmem:$0x180];
	_ =	sdelay $0x4  }
0x173: {  	vm8 =	vgt.s32 v36, v28;
	v38 =	vsub.s32 v38, v1  }
0x174: {  	v38 =	vnsel vm8, $0x0, v38;
	_ =	sdelay $0x2  }
0x175: {  	s10 =	sadd.s32 $0x80, s8  }
0x176: {  	v56 =	vadd.s32 s10, v0  }
0x177: {  	[tilespmem:v38+s18+$0x0] =	vst.idx.msk vm8, v56  }
0x178: {  	v38 =	vld [tilespmem:$0x190];
	_ =	sdelay $0x4  }
0x179: {  	vm9 =	vgt.s32 v36, v29;
	v38 =	vsub.s32 v38, v1  }
0x17a: {  	v38 =	vnsel vm9, $0x0, v38;
	_ =	sdelay $0x2  }
0x17b: {  	s9 =	sadd.s32 $0x90, s8  }
0x17c: {  	v57 =	vadd.s32 s9, v0  }
0x17d: {  	[tilespmem:v38+s18+$0x0] =	vst.idx.msk vm9, v57  }
0x17e: {  	v38 =	vld [tilespmem:$0x1A0];
	_ =	sdelay $0x4  }
0x17f: {  	vm10 =	vgt.s32 v36, v30;
	v38 =	vsub.s32 v38, v1  }
0x180: {  	v38 =	vnsel vm10, $0x0, v38;
	_ =	sdelay $0x2  }
0x181: {  	s10 =	sadd.s32 $0xA0, s8  }
0x182: {  	v58 =	vadd.s32 s10, v0  }
0x183: {  	[tilespmem:v38+s18+$0x0] =	vst.idx.msk vm10, v58  }
0x184: {  	v38 =	vld [tilespmem:$0x1B0];
	_ =	sdelay $0x4  }
0x185: {  	vm11 =	vgt.s32 v36, v31;
	v38 =	vsub.s32 v38, v1  }
0x186: {  	v38 =	vnsel vm11, $0x0, v38;
	_ =	sdelay $0x2  }
0x187: {  	s9 =	sadd.s32 $0xB0, s8  }
0x188: {  	v59 =	vadd.s32 s9, v0  }
0x189: {  	[tilespmem:v38+s18+$0x0] =	vst.idx.msk vm11, v59  }
0x18a: {  	v38 =	vld [tilespmem:$0x1C0];
	_ =	sdelay $0x4  }
0x18b: {  	vm12 =	vgt.s32 v36, v32;
	v38 =	vsub.s32 v38, v1  }
0x18c: {  	v38 =	vnsel vm12, $0x0, v38;
	_ =	sdelay $0x2  }
0x18d: {  	s10 =	sadd.s32 $0xC0, s8  }
0x18e: {  	v60 =	vadd.s32 s10, v0  }
0x18f: {  	[tilespmem:v38+s18+$0x0] =	vst.idx.msk vm12, v60  }
0x190: {  	v38 =	vld [tilespmem:$0x1D0];
	_ =	sdelay $0x4  }
0x191: {  	vm13 =	vgt.s32 v36, v33;
	v38 =	vsub.s32 v38, v1  }
0x192: {  	v38 =	vnsel vm13, $0x0, v38;
	_ =	sdelay $0x2  }
0x193: {  	s9 =	sadd.s32 $0xD0, s8  }
0x194: {  	v61 =	vadd.s32 s9, v0  }
0x195: {  	[tilespmem:v38+s18+$0x0] =	vst.idx.msk vm13, v61  }
0x196: {  	v38 =	vld [tilespmem:$0x1E0];
	_ =	sdelay $0x4  }
0x197: {  	(v2sf) =	vpush v47, $0x0;
	vm14 =	vgt.s32 v36, v34;
	v38 =	vsub.s32 v38, v1  }
0x198: {  	v38 =	vnsel vm14, $0x0, v38;
	_ =	sdelay $0x2  }
0x199: {  	s10 =	sadd.s32 $0xE0, s8  }
0x19a: {  	v62 =	vadd.s32 s10, v0  }
0x19b: {  	[tilespmem:v38+s18+$0x0] =	vst.idx.msk vm14, v62  }
0x19c: {  	v37 =	vld [tilespmem:$0x1F0];
	_ =	sdelay $0x4  }
0x19d: {  	vm15 =	vgt.s32 v36, v35;
	v37 =	vsub.s32 v37, v1  }
0x19e: {  	v36 =	vnsel vm15, $0x0, v37;
	_ =	sdelay $0x1  }
0x19f: {  	s9 =	spop (v2sf)  }
0x1a0: {  	s8 =	sadd.s32 $0xF0, s8;
	s6 =	sadd.s32 s9, s6  }
0x1a1: {  	v63 =	vadd.s32 s8, v0;
	s6 =	sadd.s32 $0xF, s6  }
0x1a2: {  	s10 =	rddreg [dreg:$0xa];
	s9 =	sand.u32 $0xF, s6;
	[tilespmem:v36+s18+$0x0] =	vst.idx.msk vm15, v63  }
0x1a3: {  	[hbm4b:s10+s2] =	stream.linear.scatter [tilespmem:s18], [sflag:$0x2], $0x100, $0x38;
	[tilespmem:$0x4D98] =	vst v63  }
0x1a4: {  	p6 =	slt.s32 s6, $0x1;
	p5 =	sne.s32 s9, $0x0;
	s10 =	sshra.s32 s6, $0x1F  }
0x1a5: {  	p2 =	por !p6, !p5;
	s7 =	sshrl.u32 s10, $0x1C  }
0x1a6: {  	p2 =	por !p2, !p2;
	s6 =	sadd.s32 s7, s6;
	s7 =	simm.s32 $0x1  }
0x1a7: {  	s6 =	sshra.s32 s6, $0x4;
	s7 =	simm.s32 @!p2 $0x0  }
0x1a8: {  	s6 =	ssub.s32 s6, s7  }
0x1a9: {  	p2 =	slt.s32 s6, $0x1  }
.Ltmp2:
0x1aa: {  	_ = 	snop;
	(pc) =	sbr.rel @p2 .LBB2_5-.Ltmp2, $4  }
0x1ab: {  	_ = 	snop  }
0x1ac: {  	_ =	swait.ge [sflag:s12], $0x100  }
0x1ad: {  	[sflag:s12] =	ssyncset.done $0x0  }
0x1ae: {  	[sflag:s12] =	ssyncadd.s32 $0xFFFFFF00  }
0x1af: {  	s7 =	rddreg [dreg:$0x5]  }
0x1b0: {  	s7 =	sadd.s32 s23, s7  }
0x1b1: {  	s7 =	sadd.s32 s25, s7  }
0x1b2: {  	s7 =	sadd.s32 s24, s7  }
0x1b3: {  	s7 =	sadd.s32 s26, s7  }
0x1b4: {  	s7 =	sadd.s32 s28, s7  }
0x1b5: {  	s7 =	sadd.s32 s29, s7  }
0x1b6: {  	s29 =	simm.s32 $0x100;
	s7 =	sadd.s32 s30, s7  }
0x1b7: {  	[tilespmem:s20], [sflag:$0x1] =	stream.indirect.gather [hbm4b:s1+s19], $0x400, s29, s19, $0xb8;
	[tilespmem:$0x4D98] =	vst v63  }
0x1b8: {  	s0 =	sadd.s32 s0, s7  }
0x1b9: {  	s0 =	sadd.s32 s31, s0  }
0x1ba: {  	s0 =	sadd.s32 s13, s0  }
0x1bb: {  	s0 =	sadd.s32 s16, s0  }
0x1bc: {  	s0 =	sadd.s32 s14, s0  }
0x1bd: {  	s0 =	sadd.s32 s17, s0  }
0x1be: {  	s0 =	sadd.s32 s3, s0  }
0x1bf: {  	s0 =	sadd.s32 s22, s0  }
0x1c0: {  	_ =	swait.ge [sflag:s15], $0x4000;
	s3 =	sshll.u32 s0, $0x7  }
0x1c1: {  	[sflag:s15] =	ssyncset.done $0x0;
	s30 =	sand.u32 $0x1FFFFF80, s3  }
0x1c2: {  	s6 =	smin.u32 s6, $0x10;
	[sflag:s15] =	ssyncadd.s32 $0xFFFFC000;
	s7 =	sadd.s32 s4, s30  }
0x1c3: {  	[hbm4b:s7+s2] =	stream.linear.scatter [tilespmem:s20], [sflag:$0x2], $0x4000, $0x38;
	[tilespmem:$0x4D98] =	vst v63  }
0x1c4: {  	p2 =	sne.s32 s6, $0x1;
	_ =	swait.ge [sflag:s12], $0x4000  }
.Ltmp3:
0x1c5: {  	s31 =	sshrl.u32 s0, $0x3;
	[sflag:s12] =	ssyncset.done $0x0;
	(pc) =	sbr.rel @!p2 .LBB2_4-.Ltmp3, $4  }
0x1c6: {  	s8 =	simm.s32 $0x280;
	s7 =	sadd.s32 s5, s31;
	[sflag:s12] =	ssyncadd.s32 $0xFFFFC000  }
0x1c7: {  	[hbm4b:s7+s2] =	stream.linear.scatter [tilespmem:s8], [sflag:$0x2], $0x10, $0x38;
	[tilespmem:$0x4D98] =	vst v63  }
0x1c8: {  	s9 =	simm.s32 $0x290;
	_ =	swait.ge [sflag:s12], $0x10  }
0x1c9: {  	s6 =	sadd.s32 $0xFFFFFFFF, s6;
	s8 =	simm.s32 $0x110;
	[sflag:s12] =	ssyncset.done $0x0  }
.LBB2_3:
0x1ca: {  	[sflag:s12] =	ssyncadd.s32 $0xFFFFFFF0;
	s3 =	sadd.s32 $0x800, s3;
	s0 =	sadd.s32 $0x10, s0  }
0x1cb: {  	[tilespmem:s20], [sflag:$0x1] =	stream.indirect.gather [hbm4b:s1+s19], $0x400, s8, s19, $0xb8;
	[tilespmem:$0x4D98] =	vst v63  }
0x1cc: {  	p2 =	sne.s32 s6, $0x1;
	s6 =	sadd.s32 $0xFFFFFFFF, s6;
	_ =	swait.ge [sflag:s15], $0x4000  }
0x1cd: {  	s7 =	sand.u32 $0x1FFFFF80, s3;
	[sflag:s15] =	ssyncset.done $0x0  }
0x1ce: {  	s7 =	sadd.s32 s4, s7;
	[sflag:s15] =	ssyncadd.s32 $0xFFFFC000  }
0x1cf: {  	[hbm4b:s7+s2] =	stream.linear.scatter [tilespmem:s20], [sflag:$0x2], $0x4000, $0x38;
	[tilespmem:$0x4D98] =	vst v63  }
0x1d0: {  	_ =	swait.ge [sflag:s12], $0x4000  }
.Ltmp4:
0x1d1: {  	s7 =	sshrl.u32 s0, $0x3;
	[sflag:s12] =	ssyncset.done $0x0;
	(pc) =	sbr.rel @p2 .LBB2_3-.Ltmp4, $4  }
0x1d2: {  	s7 =	sadd.s32 s5, s7;
	[sflag:s12] =	ssyncadd.s32 $0xFFFFC000  }
0x1d3: {  	[hbm4b:s7+s2] =	stream.linear.scatter [tilespmem:s9], [sflag:$0x2], $0x10, $0x38;
	[tilespmem:$0x4D98] =	vst v63  }
0x1d4: {  	_ =	swait.ge [sflag:s12], $0x10  }
0x1d5: {  	s8 =	sadd.s32 $0x10, s8;
	s9 =	sadd.s32 $0x10, s9;
	[sflag:s12] =	ssyncset.done $0x0  }
.Ltmp5:
0x1d6: {  	_ = 	snop;
	(pc) =	sbr.rel .LBB2_4-.Ltmp5, $1  }
0x1d7: {  	_ =	sdelay $0x3  }
.LBB2_6:
0x1d8: {  	_ =	sfence.sel $0x180000  }
0x1d9: {  	[bflag:$0x0] =	sbarrier.arrive $0xFFFF  }
0x1da: {  	_ =	strace $0x90000047  }
0x1db: {  	[bflag:$0x2] =	sbarrier.arrive $0xFFFF  }
0x1dc: {  	s0 =	rddreg [dreg:$0x4]  }
0x1dd: {  	s0 =	sadd.s32 @!p4 $0x100000, s0  }
0x1de: {  	[sflag:s0] =	ssyncadd.tile.s32 @!p4 $0x1;
	_ =	shalt  }
.Lfunc_end2:
_tile_overlayer_lowered:
.L_overlay_start_2:
0x1df: {  	(tag) =	ssettag $0x2  }
0x1e0: {  	s0 =	rddreg [dreg:$0x0];
	s2 =	stileid.u32  }
0x1e1: {  	s1 =	rddreg [dreg:$0x1];
	p0 =	sne.s32 s2, $0x0  }
0x1e2: {  	s3 =	rddreg [dreg:$0x2];
	[bflag:$0x3] =	sbarrier.arrive $0xFFFF;
	s2 =	simm.s32 @!p0 $0x1C02  }
0x1e3: {  	[timem:s3], [sflag:s2] =	dma.local @!p0 [hbm:s0], s1  }
0x1e4: {  	s0 =	simm.s32 @!p0 $0x2  }
0x1e5: {  	_ =	swait.ge @!p0 [sflag:s0], s1  }
0x1e6: {  	s1 =	ssub.s32 @!p0 $0x0, s1;
	[sflag:s0] =	ssyncset.done @!p0 $0x0  }
0x1e7: {  	[sflag:s0] =	ssyncadd.s32 @!p0 s1  }
0x1e8: {  	[bflag:$0x3] =	sbarrier.arrive $0xFFFF  }
0x1e9: {  	_ =	shalt  }

// kernel: _moe.9.cloned.1.call-start
scs
__scs_entry_jumppad:
0x0: {  	(pc) =	sbr.rel $0x88, $3  }
0x1: {  	(tag) =	ssettag $0x0;
	lr =	simm.s32 $0x1  }
0x2: {  	[smem:$0x3F9A] =	sst lr;
	_ =	strace $0xD0000000  }
0x3: {  	_ = 	snop  }
0x4: {  	_ = 	snop  }
0x5: {  	_ = 	snop  }
0x6: {  	_ = 	snop  }
0x7: {  	_ = 	snop  }
__scs_overlays_trampoline_lowered:
0x8: {  	[smem:$0x3FA9] =	sst s0  }
0x9: {  	[smem:$0x3FAA] =	sst s1  }
0xa: {  	[smem:$0x3FAB] =	sst s2  }
0xb: {  	[smem:$0x3FAC] =	sst s3  }
0xc: {  	[smem:$0x3FAD] =	sst s4  }
0xd: {  	[smem:$0x3FAE] =	sst s5  }
0xe: {  	[smem:$0x3FAF] =	sst s6  }
0xf: {  	[smem:$0x3FB0] =	sst s7  }
0x10: {  	[smem:$0x3FB1] =	sst s8  }
0x11: {  	[smem:$0x3FB2] =	sst s9;
	s0 =	simm.s32 @!p0 $0x0  }
0x12: {  	s1 =	sld [smem:$0x3F98];
	s0 =	simm.s32 @p0 $0x1  }
0x13: {  	[smem:$0x3FB3] =	sst s0;
	s0 =	simm.s32 @!p1 $0x0  }
0x14: {  	s2 =	sld [smem:$0x3F97];
	s0 =	simm.s32 @p1 $0x1  }
0x15: {  	[smem:$0x3FB4] =	sst s0;
	s0 =	simm.s32 @!p2 $0x0  }
0x16: {  	s3 =	sld [smem:$0x3FDB];
	s0 =	simm.s32 @p2 $0x1  }
0x17: {  	s4 =	simm.s32 $0x1BF5;
	[smem:$0x3FB6] =	sst s0  }
0x18: {  	s0 =	sld [smem:$0x3F99];
	_ =	swait.ge [sflag:s4], $0x0  }
0x19: {  	s7 =	sld [smem:$0x3F9A]  }
0x1a: {  	s8 =	sadd.s32 $0xFFFFE003, lr  }
0x1b: {  	s9 =	sadd.s32 $0xFFFFFEF7, lr;
	s5 =	simm.s32 $0xFFFFFFFF;
	p2 =	slt.u32 s8, $0xFFFFF086  }
0x1c: {  	p1 =	slt.u32 s9, $0xF7A;
	s5 =	simm.s32 @!p2 $0x0  }
0x1d: {  	s5 =	simm.s32 @p1 $0x1;
	p0 =	seq.s32 s7, s2  }
0x1e: {  	s7 =	smul.u32 @!p0 $0xF7A, s2;
	p2 =	seq.s32 @!p0 s5, $0x0  }
0x1f: {  	s9 =	smul.u32 $0xF7A, s1;
	s8 =	simm.s32 @!p0 $0x1BF5;
	p2 =	por !p2, p0  }
0x20: {  	[sflag:s8] =	ssyncset.s32 @!p0 $0xFFFFF086;
	s6 =	sadd.s32 @!p0 s3, s7;
	s7 =	simm.s32 @!p0 $0x108  }
0x21: {  	s3 =	sadd.s32 s3, s9;
	s6 =	sadd.s32 @!p0 $0x88, s6;
	s7 =	simm.s32 @p2 $0x1082  }
0x22: {  	[simem:s7], [sflag:s8] =	dma.local @!p0 [hbm:s6], $0xF7A  }
0x23: {  	s9 =	sor.u32 $0xD0000000, s2;
	s6 =	simm.s32 $0x108;
	_ =	swait.ge @!p0 [sflag:s8], $0x0  }
0x24: {  	s3 =	sadd.s32 $0x88, s3;
	s6 =	simm.s32 @!p1 $0x1082;
	[sflag:s4] =	ssyncset.s32 $0xFFFFF086  }
0x25: {  	[simem:s6], [sflag:s4] =	dma.local [hbm:s3], $0xF7A  }
0x26: {  	[smem:$0x3F9A] =	sst s1;
	(tag) =	ssettag s2;
	_ =	strace s9  }
0x27: {  	s1 =	sld [smem:$0x3FAA]  }
0x28: {  	s2 =	sld [smem:$0x3FAB]  }
0x29: {  	s4 =	sld [smem:$0x3FAD]  }
0x2a: {  	p0 =	seq.s32 s5, $0x0;
	s5 =	sld [smem:$0x3FAE]  }
0x2b: {  	s6 =	sld [smem:$0x3FAF]  }
0x2c: {  	s7 =	sld [smem:$0x3FB0]  }
0x2d: {  	s3 =	simm.s32 $0x108;
	s8 =	sld [smem:$0x3FB1]  }
0x2e: {  	s3 =	simm.s32 @!p0 $0x1082;
	s9 =	sld [smem:$0x3FB2]  }
0x2f: {  	lr =	sadd.s32 s0, s3;
	s0 =	sld [smem:$0x3FA9]  }
0x30: {  	s3 =	sld [smem:$0x3FAC]  }
0x31: {  	[smem:$0x3FB5] =	sst s10  }
0x32: {  	s10 =	sld [smem:$0x3FB3];
	_ =	sdelay $0x3  }
0x33: {  	p0 =	seq.s32 s10, $0x1;
	s10 =	sld [smem:$0x3FB5];
	_ =	sdelay $0x3  }
0x34: {  	[smem:$0x3FB5] =	sst s10  }
0x35: {  	s10 =	sld [smem:$0x3FB4];
	_ =	sdelay $0x3  }
0x36: {  	p1 =	seq.s32 s10, $0x1;
	s10 =	sld [smem:$0x3FB5];
	_ =	sdelay $0x3  }
0x37: {  	[smem:$0x3FB5] =	sst s10  }
0x38: {  	s10 =	sld [smem:$0x3FB6]  }
0x39: {  	_ = 	snop;
	(pc) =	sbr.ind lr, $3  }
0x3a: {  	_ = 	snop  }
0x3b: {  	_ = 	snop  }
0x3c: {  	p2 =	seq.s32 s10, $0x1;
	s10 =	sld [smem:$0x3FB5]  }
0x3d: {  	_ =	shalt  }
0x3e: {  	_ =	shalt  }
0x3f: {  	_ =	shalt  }
0x40: {  	_ =	shalt  }
0x41: {  	_ =	shalt  }
0x42: {  	_ =	shalt  }
0x43: {  	_ =	shalt  }
0x44: {  	_ =	shalt  }
0x45: {  	_ =	shalt  }
0x46: {  	_ =	shalt  }
0x47: {  	_ =	shalt  }
0x48: {  	_ =	shalt  }
0x49: {  	_ =	shalt  }
0x4a: {  	_ =	shalt  }
0x4b: {  	_ =	shalt  }
0x4c: {  	_ =	shalt  }
0x4d: {  	_ =	shalt  }
0x4e: {  	_ =	shalt  }
0x4f: {  	_ =	shalt  }
0x50: {  	_ =	shalt  }
0x51: {  	_ =	shalt  }
0x52: {  	_ =	shalt  }
0x53: {  	_ =	shalt  }
0x54: {  	_ =	shalt  }
0x55: {  	_ =	shalt  }
0x56: {  	_ =	shalt  }
0x57: {  	_ =	shalt  }
0x58: {  	_ =	shalt  }
0x59: {  	_ =	shalt  }
0x5a: {  	_ =	shalt  }
0x5b: {  	_ =	shalt  }
0x5c: {  	_ =	shalt  }
0x5d: {  	_ =	shalt  }
0x5e: {  	_ =	shalt  }
0x5f: {  	_ =	shalt  }
0x60: {  	_ =	shalt  }
0x61: {  	_ =	shalt  }
0x62: {  	_ =	shalt  }
0x63: {  	_ =	shalt  }
0x64: {  	_ =	shalt  }
0x65: {  	_ =	shalt  }
0x66: {  	_ =	shalt  }
0x67: {  	_ =	shalt  }
0x68: {  	_ =	shalt  }
0x69: {  	_ =	shalt  }
0x6a: {  	_ =	shalt  }
0x6b: {  	_ =	shalt  }
0x6c: {  	_ =	shalt  }
0x6d: {  	_ =	shalt  }
0x6e: {  	_ =	shalt  }
0x6f: {  	_ =	shalt  }
0x70: {  	_ =	shalt  }
0x71: {  	_ =	shalt  }
0x72: {  	_ =	shalt  }
0x73: {  	_ =	shalt  }
0x74: {  	_ =	shalt  }
0x75: {  	_ =	shalt  }
0x76: {  	_ =	shalt  }
0x77: {  	_ =	shalt  }
0x78: {  	_ =	shalt  }
0x79: {  	_ =	shalt  }
0x7a: {  	_ =	shalt  }
0x7b: {  	_ =	shalt  }
0x7c: {  	_ =	shalt  }
0x7d: {  	_ =	shalt  }
0x7e: {  	_ =	shalt  }
0x7f: {  	_ =	shalt  }
0x80: {  	_ =	shalt  }
0x81: {  	_ =	shalt  }
0x82: {  	_ =	shalt  }
0x83: {  	_ =	shalt  }
0x84: {  	_ =	shalt  }
0x85: {  	_ =	shalt  }
0x86: {  	_ =	shalt  }
0x87: {  	_ =	shalt  }
.Lfunc_end0:
.L_simem_size_0:
called_computation.2_lowered:
.L_overlay_start_0:
0x88: {  	s2 =	sld [smem:$0x3FD9]  }
0x89: {  	s3 =	sld [smem:$0x3FFE];
	_ =	sdelay $0x1  }
0x8a: {  	s1 =	srdreg.scid  }
0x8b: {  	s0 =	sand.u32 $0x1, s1  }
0x8c: {  	s16 =	sshll.u32 s0, $0xA;
	s2 =	sadd.s32 s3, s2  }
0x8d: {  	s2 =	sadd.s32 s2, s16  }
0x8e: {  	[smem:$0x3FC1] =	sst s2  }
0x8f: {  	_ = 	snop  }
0x90: {  	(tm) =	ssettm $0x1  }
0x91: {  	s17 =	sld [smem:$0x3FFB];
	_ =	sdelay $0x3  }
0x92: {  	_ =	strace s17  }
0x93: {  	s2 =	sld [smem:$0x3FFC];
	_ =	sdelay $0x3  }
0x94: {  	_ =	strace s2  }
0x95: {  	s2 =	sld [smem:$0x3FFD];
	_ =	sdelay $0x3  }
0x96: {  	_ =	strace s2  }
0x97: {  	_ =	strace $0x8FFFFFFF  }
0x98: {  	s18 =	sld [smem:$0x3FDB];
	_ =	sdelay $0x1  }
0x99: {  	s19 =	simm.s32 $_scs_section_size  }
0x9a: {  	s4 =	simm.s32 $_size__tile_overlayer_lowered;
	s5 =	simm.s32 $_tile_overlayer_lowered  }
0x9b: {  	s22 =	simm.s32 $0x1BFF;
	s21 =	sshll.u32 s5, $0x1;
	s2 =	sadd.s32 s19, s18  }
0x9c: {  	s6 =	simm.s32 $0x0;
	s20 =	sshll.u32 s4, $0x1;
	s4 =	sadd.s32 s21, s2  }
0x9d: {  	[timem:s6], [sflag:s22] =	dma.local [hbm:s4], s20  }
0x9e: {  	_ =	swait.ge [sflag:s22], s20  }
0x9f: {  	s3 =	ssub.s32 $0x0, s20;
	[sflag:s22] =	ssyncset.done $0x0  }
0xa0: {  	[sflag:s22] =	ssyncadd.s32 s3;
	_ =	sdelay $0x1  }
0xa1: {  	s23 =	simm.s32 $0x1B8B  }
0xa2: {  	_ =	swait.ge [sflag:s23], $0x1  }
0xa3: {  	[sflag:s23] =	ssyncset.done $0x0  }
0xa4: {  	s25 =	simm.s32 $0x1B8E;
	s24 =	sld [smem:$0x3FFE];
	[sflag:s23] =	ssyncadd.s32 $0xFFFFFFFF  }
0xa5: {  	s26 =	simm.s32 $execute0_lowered;
	[smem:$0x3FD2] =	sst s25  }
0xa6: {  	s4 =	sshll.u32 s26, $0x1;
	_ =	strace $0x8000004C;
	[dreg:$0x1] =	wrdreg $0xFFFFFFFF  }
0xa7: {  	s28 =	simm.s32 $_size_execute0_lowered;
	s2 =	sadd.s32 s2, s4;
	[dreg:$0x0] =	wrdreg $0x0  }
0xa8: {  	s4 =	sshll.u32 s28, $0x1;
	[dreg:$0x2] =	wrdreg s2  }
0xa9: {  	[dreg:$0x3] =	wrdreg s4  }
0xaa: {  	[dreg:$0x4] =	wrdreg $0xC0  }
0xab: {  	_ =	task [dreg:s6], $0x5FFFF  }
0xac: {  	[dreg:$0x1] =	wrdreg $0xFFFFFFFF  }
0xad: {  	[dreg:$0x0] =	wrdreg $0x60  }
0xae: {  	[dreg:$0x2] =	wrdreg s24  }
0xaf: {  	[dreg:$0x3] =	wrdreg $0x9  }
0xb0: {  	_ =	task.clear_ibuf [dreg:s6], $0x4FFFF;
	_ =	strace $0x9000004C  }
0xb1: {  	s29 =	simm.s32 $0x9;
	_ =	strace $0x8000004E  }
0xb2: {  	_ =	swait.ge [sflag:s29], $0x1  }
0xb3: {  	[sflag:s29] =	ssyncadd.s32 $0xFFFFFFFF  }
0xb4: {  	_ =	strace $0x9000004E  }
0xb5: {  	_ =	sfence  }
0xb6: {  	s30 =	sld [smem:$0x0];
	_ =	sdelay $0x2  }
0xb7: {  	s31 =	sshll.u32 s1, $0xD;
	s1 =	sshrl.u32 s1, $0x2  }
0xb8: {  	s3 =	sand.u32 $0x4000, s31;
	s1 =	sadd.s32 s1, s30  }
0xb9: {  	s0 =	sor.u32 s3, s0;
	s1 =	sshll.u32 s1, $0x11  }
0xba: {  	s0 =	sor.u32 s1, s0  }
0xbb: {  	s0 =	sadd.s32 $0x8F2B, s0  }
0xbc: {  	[sflag:s0] =	ssyncadd.remote.s32 $0x1  }
0xbd: {  	_ =	sfence.sel $0xFFFF  }
0xbe: {  	[dreg:$0x0] =	wrdreg $0xFFFFFFFF;
	(pc) =	sbr.abs _section_cstart, $3  }
0xbf: {  	[dreg:$0x1] =	wrdreg $0xFFFFFFFF  }
0xc0: {  	_ =	task.clear_ibuf [dreg:s6], $0x2FFFF;
	_ =	strace $0x9FFFFFFF  }
0xc1: {  	(tm) =	ssettm $0x7FFFFFFF  }
tec
execute0_lowered:
.L_overlay_start_1:
0x0: {  	(tag) =	ssettag $0x1  }
0x1: {  	s8 =	rddreg [dreg:$0x0];
	s2 =	srdreg.scid  }
0x2: {  	s0 =	rddreg [dreg:$0x1];
	s1 =	stileid.u32  }
0x3: {  	s12 =	simm.s32 $0x80;
	s13 =	simm.s32 $0x4400;
	s14 =	simm.s32 $0x100  }
0x4: {  	s15 =	simm.s32 $0x200;
	s16 =	simm.s32 $0x300;
	s17 =	simm.s32 $0x1  }
0x5: {  	s18 =	simm.s32 $0x10;
	s19 =	simm.s32 $0x400;
	s20 =	simm.s32 $0x14480  }
0x6: {  	s21 =	simm.s32 $0x0;
	s4 =	sand.u32 $0x1, s2;
	s2 =	simm.s32 $0x0  }
0x7: {  	s3 =	sshll.u32 s1, $0x8;
	s5 =	sshll.u32 s4, $0x7;
	[smem:$0x7FF] =	sst s2  }
0x8: {  	s9 =	ssub.s32 $0x2, s4;
	s4 =	sadd.s32 $0x2E00, s8;
	_ =	strace $0x8000004D  }
.Ltmp0:
0x9: {  	s10 =	sor.u32 s5, s3;
	s3 =	sadd.s32 $0x313A00, s8;
	(pc) =	sbr.rel .LBB2_1-.Ltmp0, $4  }
0xa: {  	v1 =	vimm.s32 $0x0;
	v2 =	vlaneseq.u32;
	v3 =	vimm.s32 $0x1000;
	s11 =	sshrl.u32 s9, $0x1;
	s5 =	sshrl.u32 s10, $0x3;
	s7 =	sshll.u32 s10, $0x7  }
0xb: {  	v4 =	vimm.s32 $0x2100;
	v5 =	vor.u32 $0x10, v2;
	v6 =	vor.u32 $0x20, v2;
	s11 =	ssub.s32 s9, s11;
	s6 =	sadd.s32 s5, s8;
	s7 =	sadd.s32 s4, s7  }
0xc: {  	v7 =	vor.u32 $0x30, v2;
	v8 =	vor.u32 $0x40, v2;
	v0 =	vmov s10;
	s8 =	sadd.s32 $0x393A00, s8;
	s10 =	smax.u32 s11, $0x1;
	s5 =	sadd.s32 $0x103600, s6  }
0xd: {  	v9 =	vor.u32 $0x50, v2;
	v10 =	vor.u32 $0x60, v2;
	v11 =	vor.u32 $0x70, v2;
	s11 =	simm.s32 $0x2;
	s6 =	sadd.s32 $0x103800, s6;
	s9 =	sadd.s32 $0x2000, s7  }
.LBB2_4:
0xe: {  	[sflag:s17] =	ssyncadd.s32 $0xFFFFC000  }
.LBB2_5:
0xf: {  	s21 =	sadd.s32 $0x1, s21  }
0x10: {  	p0 =	sne.s32 s21, s10  }
.Ltmp1:
0x11: {  	_ = 	snop;
	(pc) =	sbr.rel @!p0 .LBB2_6-.Ltmp1, $1  }
0x12: {  	_ =	sdelay $0x3  }
.LBB2_1:
0x13: {  	[tilespmem:s2], [sflag:$0x2] =	stream.linear.gather [hbm4b:s5+s2], $0x80, $0x38;
	[tilespmem:$0x14500] =	vst v63  }
0x14: {  	_ =	swait.ge [sflag:s11], $0x80  }
0x15: {  	[sflag:s11] =	ssyncset.done $0x0  }
0x16: {  	[sflag:s11] =	ssyncadd.s32 $0xFFFFFF80  }
0x17: {  	[tilespmem:s12], [sflag:$0x2] =	stream.linear.gather [hbm4b:s6+s2], $0x80, $0x38;
	[tilespmem:$0x14500] =	vst v63  }
0x18: {  	_ =	swait.ge [sflag:s11], $0x80  }
0x19: {  	[sflag:s11] =	ssyncset.done $0x0  }
0x1a: {  	[sflag:s11] =	ssyncadd.s32 $0xFFFFFF80  }
0x1b: {  	[tilespmem:s13], [sflag:$0x2] =	stream.linear.gather [hbm4b:s8+s2], $0x10000, $0x38;
	[tilespmem:$0x14500] =	vst v63  }
0x1c: {  	_ =	swait.ge [sflag:s11], $0x10000  }
0x1d: {  	[sflag:s11] =	ssyncset.done $0x0  }
0x1e: {  	[sflag:s11] =	ssyncadd.s32 $0xFFFF0000  }
0x1f: {  	[hbm4b:s7+s2] =	stream.linear.scatter [tilespmem:s13], [sflag:$0x2], $0x10000, $0x38;
	[tilespmem:$0x14500] =	vst v63  }
0x20: {  	_ =	swait.ge [sflag:s11], $0x10000  }
0x21: {  	[sflag:s11] =	ssyncset.done $0x0  }
0x22: {  	[sflag:s11] =	ssyncadd.s32 $0xFFFF0000  }
0x23: {  	[hbm4b:s9+s2] =	stream.linear.scatter [tilespmem:s13], [sflag:$0x2], $0x10000, $0x38;
	[tilespmem:$0x14500] =	vst v63  }
0x24: {  	_ =	swait.ge [sflag:s11], $0x10000  }
0x25: {  	[sflag:s11] =	ssyncset.done $0x0  }
0x26: {  	[sflag:s11] =	ssyncadd.s32 $0xFFFF0000  }
0x27: {  	[tilespmem:$0x100] =	vst v1  }
0x28: {  	[tilespmem:$0x200] =	vst v3  }
0x29: {  	[tilespmem:$0x300] =	vst v4  }
0x2a: {  	[tilespmem:$0x110] =	vst v1  }
0x2b: {  	[tilespmem:$0x210] =	vst v3  }
0x2c: {  	[tilespmem:$0x310] =	vst v4  }
0x2d: {  	[tilespmem:$0x120] =	vst v1  }
0x2e: {  	[tilespmem:$0x220] =	vst v3  }
0x2f: {  	[tilespmem:$0x320] =	vst v4  }
0x30: {  	[tilespmem:$0x130] =	vst v1  }
0x31: {  	[tilespmem:$0x230] =	vst v3  }
0x32: {  	[tilespmem:$0x330] =	vst v4  }
0x33: {  	[tilespmem:$0x140] =	vst v1  }
0x34: {  	[tilespmem:$0x240] =	vst v3  }
0x35: {  	[tilespmem:$0x340] =	vst v4  }
0x36: {  	[tilespmem:$0x150] =	vst v1  }
0x37: {  	[tilespmem:$0x250] =	vst v3  }
0x38: {  	[tilespmem:$0x350] =	vst v4  }
0x39: {  	[tilespmem:$0x160] =	vst v1  }
0x3a: {  	[tilespmem:$0x260] =	vst v3;
	v12 =	vld [tilespmem:$0x0]  }
0x3b: {  	[tilespmem:$0x360] =	vst v4;
	v13 =	vld [tilespmem:$0x80]  }
0x3c: {  	[tilespmem:$0x170] =	vst v1  }
0x3d: {  	[tilespmem:$0x270] =	vst v3  }
0x3e: {  	[tilespmem:$0x370] =	vst v4  }
0x3f: {  	[tilespmem:$0x180] =	vst v1  }
0x40: {  	[tilespmem:$0x280] =	vst v3;
	vm0 =	vlt.s32 v12, $0x1000;
	vm1 =	vlt.s32 v13, $0x1000  }
0x41: {  	[tilespmem:$0x380] =	vst v4;
	vm0 =	vmor vm0, vm1  }
0x42: {  	[tilespmem:s14+$0x0] =	vst.msk vm0, v2  }
0x43: {  	v13 =	vadd.s32 $0x1100, v13;
	[tilespmem:s15+$0x0] =	vst.msk vm0, v12;
	v12 =	vmpcnt.ones.xlane vm0  }
0x44: {  	[tilespmem:s16+$0x0] =	vst.msk vm0, v13  }
0x45: {  	(v2sf) =	vpush v12, $0x0;
	v14 =	vld [tilespmem:$0x10]  }
0x46: {  	v15 =	vld [tilespmem:$0x90];
	_ =	sdelay $0x4  }
0x47: {  	vm14 =	vlt.s32 v14, $0x1000;
	vm15 =	vlt.s32 v15, $0x1000  }
0x48: {  	vm0 =	vmor vm14, vm15  }
0x49: {  	v13 =	vmpcnt.ones.xlane vm0;
	_ =	sdelay $0x1  }
0x4a: {  	(v2sf) =	vpush v13, $0x0;
	_ =	sdelay $0x4  }
0x4b: {  	[tilespmem:$0x14400] =	vst v12;
	s22 =	spop (v2sf)  }
0x4c: {  	[tilespmem:s22+$0x100] =	vst.msk vm0, v5  }
0x4d: {  	[tilespmem:s22+$0x200] =	vst.msk vm0, v14;
	v14 =	vadd.s32 $0x1100, v15  }
0x4e: {  	[tilespmem:s22+$0x300] =	vst.msk vm0, v14  }
0x4f: {  	v15 =	vld [tilespmem:$0x20]  }
0x50: {  	v16 =	vld [tilespmem:$0xA0];
	_ =	sdelay $0x4  }
0x51: {  	s23 =	spop (v2sf);
	vm4 =	vlt.s32 v15, $0x1000;
	vm5 =	vlt.s32 v16, $0x1000  }
0x52: {  	[tilespmem:$0x14400] =	vst v13;
	s22 =	sadd.s32 s22, s23;
	vm0 =	vmor vm4, vm5  }
0x53: {  	[tilespmem:s22+$0x100] =	vst.msk vm0, v6;
	v14 =	vmpcnt.ones.xlane vm0  }
0x54: {  	[tilespmem:s22+$0x200] =	vst.msk vm0, v15;
	v15 =	vadd.s32 $0x1100, v16  }
0x55: {  	[tilespmem:s22+$0x300] =	vst.msk vm0, v15;
	(v2sf) =	vpush v14, $0x0  }
0x56: {  	v16 =	vld [tilespmem:$0x30]  }
0x57: {  	v17 =	vld [tilespmem:$0xB0];
	_ =	sdelay $0x4  }
0x58: {  	vm6 =	vlt.s32 v16, $0x1000;
	vm7 =	vlt.s32 v17, $0x1000  }
0x59: {  	vm0 =	vmor vm6, vm7  }
0x5a: {  	v15 =	vmpcnt.ones.xlane vm0;
	_ =	sdelay $0x1  }
0x5b: {  	(v2sf) =	vpush v15, $0x0;
	_ =	sdelay $0x3  }
0x5c: {  	s24 =	spop (v2sf)  }
0x5d: {  	[tilespmem:$0x14400] =	vst v14;
	s22 =	sadd.s32 s22, s24  }
0x5e: {  	[tilespmem:s22+$0x100] =	vst.msk vm0, v7  }
0x5f: {  	[tilespmem:s22+$0x200] =	vst.msk vm0, v16;
	v16 =	vadd.s32 $0x1100, v17  }
0x60: {  	[tilespmem:s22+$0x300] =	vst.msk vm0, v16  }
0x61: {  	v17 =	vld [tilespmem:$0x40]  }
0x62: {  	v18 =	vld [tilespmem:$0xC0];
	_ =	sdelay $0x4  }
0x63: {  	s25 =	spop (v2sf);
	vm8 =	vlt.s32 v17, $0x1000;
	vm9 =	vlt.s32 v18, $0x1000  }
0x64: {  	[tilespmem:$0x14400] =	vst v15;
	s22 =	sadd.s32 s22, s25;
	vm0 =	vmor vm8, vm9  }
0x65: {  	[tilespmem:s22+$0x100] =	vst.msk vm0, v8;
	v16 =	vmpcnt.ones.xlane vm0  }
0x66: {  	[tilespmem:s22+$0x200] =	vst.msk vm0, v17;
	v17 =	vadd.s32 $0x1100, v18  }
0x67: {  	[tilespmem:s22+$0x300] =	vst.msk vm0, v17;
	(v2sf) =	vpush v16, $0x0  }
0x68: {  	v18 =	vld [tilespmem:$0x50]  }
0x69: {  	v19 =	vld [tilespmem:$0xD0];
	_ =	sdelay $0x4  }
0x6a: {  	vm10 =	vlt.s32 v18, $0x1000;
	vm11 =	vlt.s32 v19, $0x1000  }
0x6b: {  	vm0 =	vmor vm10, vm11  }
0x6c: {  	v17 =	vmpcnt.ones.xlane vm0;
	_ =	sdelay $0x1  }
0x6d: {  	(v2sf) =	vpush v17, $0x0;
	_ =	sdelay $0x3  }
0x6e: {  	s26 =	spop (v2sf)  }
0x6f: {  	[tilespmem:$0x14400] =	vst v16;
	s22 =	sadd.s32 s22, s26  }
0x70: {  	[tilespmem:s22+$0x100] =	vst.msk vm0, v9  }
0x71: {  	[tilespmem:s22+$0x200] =	vst.msk vm0, v18;
	v18 =	vadd.s32 $0x1100, v19  }
0x72: {  	[tilespmem:s22+$0x300] =	vst.msk vm0, v18  }
0x73: {  	v18 =	vld [tilespmem:$0x60]  }
0x74: {  	v19 =	vld [tilespmem:$0xE0];
	_ =	sdelay $0x4  }
0x75: {  	s28 =	spop (v2sf);
	vm12 =	vlt.s32 v18, $0x1000;
	vm13 =	vlt.s32 v19, $0x1000  }
0x76: {  	[tilespmem:$0x14400] =	vst v17;
	s22 =	sadd.s32 s22, s28;
	vm0 =	vmor vm12, vm13  }
0x77: {  	[tilespmem:s22+$0x100] =	vst.msk vm0, v10  }
0x78: {  	[tilespmem:s22+$0x200] =	vst.msk vm0, v18;
	v18 =	vadd.s32 $0x1100, v19  }
0x79: {  	[tilespmem:s22+$0x300] =	vst.msk vm0, v18  }
0x7a: {  	v20 =	vld [tilespmem:$0x70]  }
0x7b: {  	v21 =	vld [tilespmem:$0xF0];
	_ =	sdelay $0x4  }
0x7c: {  	vm14 =	vlt.s32 v20, $0x1000;
	vm2 =	vlt.s32 v21, $0x1000  }
0x7d: {  	v18 =	vmpcnt.ones.xlane vm0;
	vm15 =	vmor vm14, vm2  }
0x7e: {  	v19 =	vmpcnt.ones.xlane vm15  }
0x7f: {  	(v2sf) =	vpush v18, $0x0  }
0x80: {  	(v2sf) =	vpush v19, $0x0;
	_ =	sdelay $0xd  }
0x81: {  	s29 =	spop (v2sf)  }
0x82: {  	s22 =	sadd.s32 s22, s29;
	s30 =	spop (v2sf)  }
0x83: {  	s23 =	sadd.s32 s30, s22  }
0x84: {  	s23 =	sadd.s32 $0xF, s23  }
0x85: {  	s24 =	sand.u32 $0xF, s23  }
0x86: {  	s31 =	sshra.s32 s23, $0x1F;
	p1 =	slt.s32 s23, $0x1;
	p0 =	sne.s32 s24, $0x0  }
0x87: {  	s24 =	sshrl.u32 s31, $0x1C;
	p0 =	por !p1, !p0  }
0x88: {  	s23 =	sadd.s32 s24, s23;
	s24 =	simm.s32 $0x1;
	p0 =	por !p0, !p0  }
0x89: {  	s23 =	sshra.s32 s23, $0x4;
	s24 =	simm.s32 @!p0 $0x0  }
0x8a: {  	s24 =	ssub.s32 s23, s24  }
0x8b: {  	p0 =	slt.s32 s24, $0x1  }
.Ltmp2:
0x8c: {  	[tilespmem:$0x14400] =	vst v18;
	(pc) =	sbr.rel @p0 .LBB2_5-.Ltmp2, $4  }
0x8d: {  	[tilespmem:s22+$0x100] =	vst.msk vm15, v11  }
0x8e: {  	[tilespmem:s22+$0x200] =	vst.msk vm15, v20;
	v20 =	vadd.s32 $0x1100, v21  }
0x8f: {  	[tilespmem:s22+$0x300] =	vst.msk vm15, v20  }
0x90: {  	[tilespmem:$0x14400] =	vst v19  }
0x91: {  	s22 =	simm.s32 $0x200  }
0x92: {  	[tilespmem:s19], [sflag:$0x1] =	stream.indirect.gather [hbm4b:s3+s18], $0x400, s22, s18, $0xb8;
	[tilespmem:$0x14500] =	vst v63  }
0x93: {  	_ =	swait.ge [sflag:s17], $0x4000  }
0x94: {  	[sflag:s17] =	ssyncset.done $0x0  }
0x95: {  	s31 =	simm.s32 $0x300;
	[sflag:s17] =	ssyncadd.s32 $0xFFFFC000  }
0x96: {  	[tilespmem:s19], [sflag:$0x1] =	stream.indirect.gather.add.f32 [hbm:s3], $0x400, s31, s18, $0xb8;
	[tilespmem:$0x14500] =	vst v63  }
0x97: {  	_ =	swait.ge [sflag:s17], $0x4000  }
0x98: {  	v12 =	vadd.s32 v12, v13;
	[sflag:s17] =	ssyncset.done $0x0  }
0x99: {  	v12 =	vadd.s32 v14, v12;
	s22 =	simm.s32 $0x100;
	[sflag:s17] =	ssyncadd.s32 $0xFFFFC000  }
0x9a: {  	v12 =	vadd.s32 v15, v12;
	v13 =	vld [tilespmem:s22+$0x0]  }
0x9b: {  	v12 =	vadd.s32 v16, v12  }
0x9c: {  	v12 =	vadd.s32 v17, v12  }
0x9d: {  	s23 =	simm.s32 $0x0;
	v12 =	vadd.s32 v18, v12  }
0x9e: {  	s24 =	smin.u32 s24, $0x8;
	v14 =	vor.u32 s23, v2;
	v12 =	vadd.s32 v19, v12  }
0x9f: {  	p0 =	sne.s32 s24, $0x1;
	vm0 =	vlt.s32 v14, v12;
	v13 =	vadd.s32 v0, v13  }
.Ltmp3:
0xa0: {  	v13 =	vnsel vm0, $0x1000, v13;
	(pc) =	sbr.rel @!p0 .LBB2_4-.Ltmp3, $4  }
0xa1: {  	[tilespmem:$0x14480] =	vst v13  }
0xa2: {  	[hbm4b:s4+s18] =	stream.indirect.scatter [tilespmem:s19], [sflag:$0x1], $0x400, s20, s18, $0xb8;
	[tilespmem:$0x14500] =	vst v63  }
0xa3: {  	s25 =	simm.s32 $0x210;
	_ =	swait.ge [sflag:s17], $0x4000  }
0xa4: {  	s26 =	simm.s32 $0x310;
	s24 =	sadd.s32 $0xFFFFFFFF, s24;
	[sflag:s17] =	ssyncset.done $0x0  }
.LBB2_3:
0xa5: {  	[sflag:s17] =	ssyncadd.s32 $0xFFFFC000;
	s22 =	sadd.s32 $0x10, s22;
	s23 =	sadd.s32 $0x10, s23  }
0xa6: {  	[tilespmem:s19], [sflag:$0x1] =	stream.indirect.gather [hbm4b:s3+s18], $0x400, s25, s18, $0xb8;
	[tilespmem:$0x14500] =	vst v63  }
0xa7: {  	p0 =	sne.s32 s24, $0x1;
	s24 =	sadd.s32 $0xFFFFFFFF, s24;
	_ =	swait.ge [sflag:s17], $0x4000  }
0xa8: {  	[sflag:s17] =	ssyncset.done $0x0  }
0xa9: {  	[sflag:s17] =	ssyncadd.s32 $0xFFFFC000  }
0xaa: {  	[tilespmem:s19], [sflag:$0x1] =	stream.indirect.gather.add.f32 [hbm:s3], $0x400, s26, s18, $0xb8;
	[tilespmem:$0x14500] =	vst v63  }
0xab: {  	_ =	swait.ge [sflag:s17], $0x4000  }
0xac: {  	[sflag:s17] =	ssyncset.done $0x0  }
0xad: {  	[sflag:s17] =	ssyncadd.s32 $0xFFFFC000  }
0xae: {  	v13 =	vld [tilespmem:s22+$0x0];
	_ =	sdelay $0x3  }
0xaf: {  	v14 =	vor.u32 s23, v2  }
0xb0: {  	vm0 =	vlt.s32 v14, v12;
	v13 =	vadd.s32 v0, v13  }
.Ltmp4:
0xb1: {  	v13 =	vnsel vm0, $0x1000, v13;
	(pc) =	sbr.rel @p0 .LBB2_3-.Ltmp4, $4  }
0xb2: {  	[tilespmem:$0x14480] =	vst v13  }
0xb3: {  	[hbm4b:s4+s18] =	stream.indirect.scatter [tilespmem:s19], [sflag:$0x1], $0x400, s20, s18, $0xb8;
	[tilespmem:$0x14500] =	vst v63  }
0xb4: {  	_ =	swait.ge [sflag:s17], $0x4000  }
0xb5: {  	s25 =	sadd.s32 $0x10, s25;
	s26 =	sadd.s32 $0x10, s26;
	[sflag:s17] =	ssyncset.done $0x0  }
.Ltmp5:
0xb6: {  	_ = 	snop;
	(pc) =	sbr.rel .LBB2_4-.Ltmp5, $1  }
0xb7: {  	_ =	sdelay $0x3  }
.LBB2_6:
0xb8: {  	_ =	sfence.sel $0x180000  }
0xb9: {  	[bflag:$0x0] =	sbarrier.arrive $0xFFFF  }
0xba: {  	p0 =	sne.s32 s1, $0x0;
	_ =	strace $0x9000004D  }
0xbb: {  	s0 =	sadd.s32 @!p0 $0x100000, s0;
	[bflag:$0x2] =	sbarrier.arrive $0xFFFF  }
0xbc: {  	[sflag:s0] =	ssyncadd.tile.s32 @!p0 $0x1;
	_ =	shalt  }
.Lfunc_end2:
_tile_overlayer_lowered:
.L_overlay_start_2:
0xbd: {  	(tag) =	ssettag $0x2  }
0xbe: {  	s0 =	rddreg [dreg:$0x0];
	s2 =	stileid.u32  }
0xbf: {  	s1 =	rddreg [dreg:$0x1];
	p0 =	sne.s32 s2, $0x0  }
0xc0: {  	s3 =	rddreg [dreg:$0x2];
	[bflag:$0x3] =	sbarrier.arrive $0xFFFF;
	s2 =	simm.s32 @!p0 $0x1C02  }
0xc1: {  	[timem:s3], [sflag:s2] =	dma.local @!p0 [hbm:s0], s1  }
0xc2: {  	s0 =	simm.s32 @!p0 $0x2  }
0xc3: {  	_ =	swait.ge @!p0 [sflag:s0], s1  }
0xc4: {  	s1 =	ssub.s32 @!p0 $0x0, s1;
	[sflag:s0] =	ssyncset.done @!p0 $0x0  }
0xc5: {  	[sflag:s0] =	ssyncadd.s32 @!p0 s1  }
0xc6: {  	[bflag:$0x3] =	sbarrier.arrive $0xFFFF  }
0xc7: {  	_ =	shalt  }

// kernel: sparse-core-data-format-call.cloned.1.call-start
scs
called_computation_lowered:
.L_overlay_start_0:
0x0: {  	s1 =	sld [smem:$0x3FD9]  }
0x1: {  	s2 =	sld [smem:$0x3FFE];
	_ =	sdelay $0x1  }
0x2: {  	s3 =	srdreg.scid  }
0x3: {  	s0 =	sand.u32 $0x1, s3  }
0x4: {  	s17 =	sshll.u32 s0, $0xA;
	s1 =	sadd.s32 s2, s1  }
0x5: {  	s1 =	sadd.s32 s1, s17  }
0x6: {  	[smem:$0x3FC1] =	sst s1  }
0x7: {  	_ = 	snop  }
0x8: {  	(tm) =	ssettm $0x1  }
0x9: {  	s18 =	sld [smem:$0x3FFB];
	_ =	sdelay $0x3  }
0xa: {  	_ =	strace s18  }
0xb: {  	s1 =	sld [smem:$0x3FFC];
	_ =	sdelay $0x3  }
0xc: {  	_ =	strace s1  }
0xd: {  	s1 =	sld [smem:$0x3FFD];
	_ =	sdelay $0x3  }
0xe: {  	_ =	strace s1  }
0xf: {  	_ =	strace $0x8FFFFFFF  }
0x10: {  	s19 =	sld [smem:$0x3FDB];
	_ =	sdelay $0x1  }
0x11: {  	s20 =	simm.s32 $_scs_section_size  }
0x12: {  	s4 =	simm.s32 $_size__tile_overlayer_lowered;
	s5 =	simm.s32 $_tile_overlayer_lowered  }
0x13: {  	s23 =	simm.s32 $0x1BFF;
	s22 =	sshll.u32 s5, $0x1;
	s1 =	sadd.s32 s20, s19  }
0x14: {  	s6 =	simm.s32 $0x0;
	s21 =	sshll.u32 s4, $0x1;
	s4 =	sadd.s32 s22, s1  }
0x15: {  	[timem:s6], [sflag:s23] =	dma.local [hbm:s4], s21  }
0x16: {  	_ =	swait.ge [sflag:s23], s21  }
0x17: {  	s2 =	ssub.s32 $0x0, s21;
	[sflag:s23] =	ssyncset.done $0x0  }
0x18: {  	[sflag:s23] =	ssyncadd.s32 s2;
	_ =	sdelay $0x1  }
0x19: {  	s24 =	simm.s32 $0x1B8B  }
0x1a: {  	_ =	swait.ge [sflag:s24], $0x1  }
0x1b: {  	[sflag:s24] =	ssyncset.done $0x0  }
0x1c: {  	s26 =	simm.s32 $0x1B8E;
	s25 =	sld [smem:$0x3FFE];
	[sflag:s24] =	ssyncadd.s32 $0xFFFFFFFF  }
0x1d: {  	s27 =	simm.s32 $execute0_lowered;
	[smem:$0x3FD2] =	sst s26  }
0x1e: {  	s4 =	sshll.u32 s27, $0x1;
	_ =	strace $0x80000049;
	[dreg:$0x1] =	wrdreg $0xFFFFFFFF  }
0x1f: {  	s28 =	simm.s32 $_size_execute0_lowered;
	s1 =	sadd.s32 s1, s4;
	[dreg:$0x0] =	wrdreg $0x0  }
0x20: {  	s4 =	sshll.u32 s28, $0x1;
	[dreg:$0x2] =	wrdreg s1  }
0x21: {  	[dreg:$0x3] =	wrdreg s4  }
0x22: {  	[dreg:$0x4] =	wrdreg $0xC0  }
0x23: {  	_ =	task [dreg:s6], $0x5FFFF  }
0x24: {  	[dreg:$0x1] =	wrdreg $0xFFFFFFFF  }
0x25: {  	[dreg:$0x0] =	wrdreg $0x60  }
0x26: {  	[dreg:$0x2] =	wrdreg s25  }
0x27: {  	[dreg:$0x3] =	wrdreg $0x9  }
0x28: {  	_ =	task.clear_ibuf [dreg:s6], $0x4FFFF;
	_ =	strace $0x90000049  }
0x29: {  	s29 =	simm.s32 $0x9;
	_ =	strace $0x8000004B  }
0x2a: {  	_ =	swait.ge [sflag:s29], $0x1  }
0x2b: {  	[sflag:s29] =	ssyncadd.s32 $0xFFFFFFFF  }
0x2c: {  	_ =	strace $0x9000004B  }
0x2d: {  	_ =	sfence  }
0x2e: {  	s30 =	sld [smem:$0x0];
	_ =	sdelay $0x2  }
0x2f: {  	s31 =	sshll.u32 s3, $0xD;
	s3 =	sshrl.u32 s3, $0x2  }
0x30: {  	s2 =	sand.u32 $0x4000, s31;
	s1 =	sadd.s32 s3, s30  }
0x31: {  	s0 =	sor.u32 s2, s0;
	s1 =	sshll.u32 s1, $0x11  }
0x32: {  	s0 =	sor.u32 s1, s0  }
0x33: {  	s0 =	sadd.s32 $0x8F2B, s0  }
0x34: {  	[sflag:s0] =	ssyncadd.remote.s32 $0x1  }
0x35: {  	_ =	sfence.sel $0xFFFF  }
0x36: {  	[dreg:$0x0] =	wrdreg $0xFFFFFFFF;
	(pc) =	sbr.abs _section_cstart, $3  }
0x37: {  	[dreg:$0x1] =	wrdreg $0xFFFFFFFF  }
0x38: {  	_ =	task.clear_ibuf [dreg:s6], $0x2FFFF;
	_ =	strace $0x9FFFFFFF  }
0x39: {  	(tm) =	ssettm $0x7FFFFFFF  }
tec
execute0_lowered:
.L_overlay_start_1:
0x0: {  	(tag) =	ssettag $0x1  }
0x1: {  	s0 =	srdreg.scid  }
0x2: {  	s1 =	sshll.u32 s0, $0x4  }
0x3: {  	s4 =	rddreg [dreg:$0x0];
	s0 =	stileid.u32;
	s1 =	sand.u32 $0x10, s1  }
0x4: {  	s7 =	simm.s32 $0x1;
	s8 =	simm.s32 $0x2;
	s2 =	sor.u32 s0, s1  }
0x5: {  	s9 =	simm.s32 $0x0;
	s12 =	simm.s32 $0x0;
	s2 =	sshll.u32 s2, $0x1  }
0x6: {  	s11 =	simm.s32 $0x0;
	s3 =	sadd.s32 $0x203A00, s4;
	s6 =	ssub.s32 $0x440, s2  }
.Ltmp0:
0x7: {  	s4 =	sadd.s32 $0x313A00, s4;
	s5 =	sand.u32 $0x3E, s6;
	(pc) =	sbr.rel .LBB1_1-.Ltmp0, $4  }
0x8: {  	s1 =	rddreg [dreg:$0x1];
	_ =	strace $0x8000004A;
	p0 =	sne.s32 s5, $0x0  }
0x9: {  	s6 =	sshrl.u32 s6, $0x6;
	s5 =	simm.s32 $0x1;
	s7 =	simm.s32 @!p0 $0x0  }
0xa: {  	s10 =	smov.u32 s2;
	[sflag:s5] =	ssyncpa.u1 $0x0;
	s6 =	sadd.s32 s7, s6  }
0xb: {  	[sflag:s8] =	ssyncpa.u1 $0x0;
	s8 =	simm.s32 $0x0;
	s7 =	sadd.s32 $0x1, s6  }
.LBB1_9:
0xc: {  	s14 =	sadd.s32 $0x40, s10  }
0xd: {  	p1 =	sgt.s32 s14, $0x43F  }
0xe: {  	s14 =	smov.u32 @p1 s2;
	p1 =	sne.s32 s11, s7  }
.Ltmp1:
0xf: {  	p0 =	slt.u32 s11, $0x2;
	(pc) =	sbr.rel @!p1 .LBB1_10-.Ltmp1, $4  }
0x10: {  	s13 =	simm.s32 @!p0 $0x2  }
0x11: {  	s15 =	sadd.s32 $0x1, s11;
	_ =	swait.ge @!p0 [sflag:s13], $0x4000  }
0x12: {  	s12 =	smov.u32 s10;
	s9 =	sadd.s32 $0x4000, s9;
	[sflag:s13] =	ssyncset.done @!p0 $0x0  }
0x13: {  	s11 =	smov.u32 s15;
	s10 =	smov.u32 s14;
	[sflag:s13] =	ssyncadd.s32 @!p0 $0xFFFFC000  }
.LBB1_1:
0x14: {  	p0 =	sge.u32 s11, s6  }
0x15: {  	s13 =	sxor.u32 @!p0 $0xFFFFFFFF, s11  }
0x16: {  	s31 =	sadd.s32 $0xFFFFFFFF, s11;
	s14 =	sshll.u32 @!p0 s10, $0xA;
	s13 =	sshll.u32 @!p0 s13, $0xE  }
0x17: {  	s15 =	simm.s32 @!p0 $0x0;
	s14 =	sadd.s32 @!p0 s3, s14;
	s13 =	sand.u32 @!p0 $0x4000, s13  }
0x18: {  	[tilespmem:s13], [sflag:$0x1] =	stream.linear.gather @!p0 [hbm4b:s14+s15], $0x4000, $0x38;
	[tilespmem:$0x10000] =	vst v63  }
0x19: {  	p0 =	sge.u32 s31, s6  }
.Ltmp2:
0x1a: {  	_ = 	snop;
	(pc) =	sbr.rel @p0 .LBB1_9-.Ltmp2, $1  }
0x1b: {  	_ =	sdelay $0x3  }
0x1c: {  	s13 =	sshll.u32 s9, $0x2  }
0x1d: {  	_ =	swait.ge [sflag:s5], $0x4000;
	s14 =	sshll.u32 s11, $0xE;
	s16 =	simm.s32 $0x0  }
0x1e: {  	p1 =	por $0x1, $0x1;
	s13 =	sand.u32 $0x10000, s13;
	[sflag:s5] =	ssyncset.done $0x0  }
0x1f: {  	s14 =	sand.u32 $0x4000, s14;
	s15 =	sshrl.u32 s13, $0x2;
	[sflag:s5] =	ssyncadd.s32 $0xFFFFC000  }
0x20: {  	s13 =	sor.u32 $0x8000, s14;
	s14 =	sadd.s32 $0x8040, s15;
	s15 =	sadd.s32 $0x40, s15  }
.LBB1_3:
0x21: {  	s16 =	sshll.u32 s16, $0x2  }
0x22: {  	p0 =	por p1, p1;
	s17 =	sshra.s32 s16, $0x2  }
0x23: {  	s18 =	simm.s32 $0x0;
	s16 =	sadd.s32 s17, s14;
	s17 =	sadd.s32 s17, s15  }
.LBB1_4:
0x24: {  	v0 =	vmov s17;
	_ =	sdelay $0x3  }
0x25: {  	s20 =	simm.s32 $0x0  }
0x26: {  	v6 =	vld.idx.msk [tilespmem:v0+s20+$0x30 ss:$0x1], $0xffff  }
0x27: {  	v7 =	vld.idx.msk [tilespmem:v0+s20+$0xFFFFFFC0 ss:$0x1], $0xffff  }
0x28: {  	v5 =	vld.idx.msk [tilespmem:v0+s20+$0xFFFFFFD0 ss:$0x1], $0xffff  }
0x29: {  	v4 =	vld.idx.msk [tilespmem:v0+s20+$0xFFFFFFE0 ss:$0x1], $0xffff  }
0x2a: {  	v3 =	vld.idx.msk [tilespmem:v0+s20+$0xFFFFFFF0 ss:$0x1], $0xffff  }
0x2b: {  	v1 =	vld.idx.msk [tilespmem:v0+s20+$0x0 ss:$0x1], $0xffff  }
0x2c: {  	v2 =	vld.idx.msk [tilespmem:v0+s20+$0x10 ss:$0x1], $0xffff;
	[tilespmem:s16+$0x30] =	vst v6  }
0x2d: {  	s19 =	simm.s32 $0x80;
	s21 =	simm.s32 $0x400;
	[tilespmem:s16+$0xFFFFFFC0] =	vst v7;
	v6 =	vld.idx.msk [tilespmem:v0+s20+$0x20 ss:$0x1], $0xffff;
	s20 =	smov.u32 s16  }
.LBB1_5:
0x2e: {  	p1 =	sne.s32 s21, $0xE00;
	v7 =	vld.idx.msk [tilespmem:v0+s19+$0x30 ss:$0x1], $0xffff;
	[tilespmem:s20+$0xFFFFFFD0] =	vst v5  }
0x2f: {  	v8 =	vld.idx.msk [tilespmem:v0+s19+$0xFFFFFFC0 ss:$0x1], $0xffff;
	[tilespmem:s20+$0xFFFFFFE0] =	vst v4  }
0x30: {  	v5 =	vld.idx.msk [tilespmem:v0+s19+$0xFFFFFFD0 ss:$0x1], $0xffff;
	[tilespmem:s20+$0xFFFFFFF0] =	vst v3  }
.Ltmp3:
0x31: {  	v4 =	vld.idx.msk [tilespmem:v0+s19+$0xFFFFFFE0 ss:$0x1], $0xffff;
	[tilespmem:s20+$0x0] =	vst v1;
	(pc) =	sbr.rel @p1 .LBB1_5-.Ltmp3, $4  }
0x32: {  	v3 =	vld.idx.msk [tilespmem:v0+s19+$0xFFFFFFF0 ss:$0x1], $0xffff;
	[tilespmem:s20+$0x10] =	vst v2  }
0x33: {  	v1 =	vld.idx.msk [tilespmem:v0+s19+$0x0 ss:$0x1], $0xffff;
	[tilespmem:s20+$0x20] =	vst v6;
	s20 =	sadd.s32 $0x400, s20  }
0x34: {  	v2 =	vld.idx.msk [tilespmem:v0+s19+$0x10 ss:$0x1], $0xffff;
	[tilespmem:s20+$0x30] =	vst v7  }
0x35: {  	[tilespmem:s20+$0xFFFFFFC0] =	vst v8;
	v6 =	vld.idx.msk [tilespmem:v0+s19+$0x20 ss:$0x1], $0xffff;
	s19 =	sshra.s32 s21, $0x2;
	s21 =	sadd.s32 $0x200, s21  }
0x36: {  	_ =	sdelay $0x2  }
0x37: {  	[tilespmem:s20+$0xFFFFFFD0] =	vst v5  }
0x38: {  	v56 =	vld.idx.msk [tilespmem:v0+s19+$0x30 ss:$0x1], $0xffff;
	[tilespmem:s20+$0xFFFFFFE0] =	vst v4  }
0x39: {  	v57 =	vld.idx.msk [tilespmem:v0+s19+$0xFFFFFFC0 ss:$0x1], $0xffff;
	[tilespmem:s20+$0xFFFFFFF0] =	vst v3  }
0x3a: {  	v58 =	vld.idx.msk [tilespmem:v0+s19+$0xFFFFFFD0 ss:$0x1], $0xffff;
	[tilespmem:s20+$0x0] =	vst v1  }
0x3b: {  	v59 =	vld.idx.msk [tilespmem:v0+s19+$0xFFFFFFE0 ss:$0x1], $0xffff;
	[tilespmem:s20+$0x10] =	vst v2  }
0x3c: {  	v60 =	vld.idx.msk [tilespmem:v0+s19+$0xFFFFFFF0 ss:$0x1], $0xffff;
	s31 =	sadd.s32 $0x400, s20;
	[tilespmem:s20+$0x20] =	vst v6  }
0x3d: {  	v61 =	vld.idx.msk [tilespmem:v0+s19+$0x0 ss:$0x1], $0xffff;
	[tilespmem:s31+$0x30] =	vst v56  }
0x3e: {  	v62 =	vld.idx.msk [tilespmem:v0+s19+$0x10 ss:$0x1], $0xffff;
	s18 =	sadd.s32 $0x1, s18;
	[tilespmem:s31+$0xFFFFFFC0] =	vst v57  }
0x3f: {  	v63 =	vld.idx.msk [tilespmem:v0+s19+$0x20 ss:$0x1], $0xffff;
	p1 =	sne.s32 s18, $0x8;
	[tilespmem:s31+$0xFFFFFFD0] =	vst v58  }
.Ltmp4:
0x40: {  	[tilespmem:s31+$0xFFFFFFE0] =	vst v59;
	(pc) =	sbr.rel @p1 .LBB1_4-.Ltmp4, $4  }
0x41: {  	[tilespmem:s31+$0xFFFFFFF0] =	vst v60  }
0x42: {  	[tilespmem:s31+$0x0] =	vst v61  }
0x43: {  	[tilespmem:s31+$0x10] =	vst v62  }
0x44: {  	s16 =	sadd.s32 $0x80, s16;
	s17 =	sadd.s32 $0x400, s17;
	[tilespmem:s31+$0x20] =	vst v63  }
.Ltmp5:
0x45: {  	(pc) =	sbr.rel @p0 .LBB1_3-.Ltmp5, $2  }
0x46: {  	_ =	sdelay $0x2  }
0x47: {  	s16 =	simm.s32 $0x2000;
	p1 =	por $0x0, $0x0  }
.Ltmp6:
0x48: {  	(pc) =	sbr.rel .LBB1_9-.Ltmp6, $4  }
0x49: {  	_ = 	snop  }
0x4a: {  	s12 =	sshll.u32 s12, $0xA  }
0x4b: {  	s12 =	sadd.s32 s4, s12  }
0x4c: {  	[hbm4b:s12+s8] =	stream.linear.scatter [tilespmem:s13], [sflag:$0x2], $0x4000, $0x38;
	[tilespmem:$0x10000] =	vst v63  }
.LBB1_10:
0x4d: {  	_ =	sfence.sel $0x180000  }
0x4e: {  	s2 =	simm.s32 $0x1;
	[bflag:$0x0] =	sbarrier.arrive $0xFFFF  }
0x4f: {  	s31 =	simm.s32 $0x2;
	[sflag:s2] =	ssyncpa.u1 $0x1  }
0x50: {  	[sflag:s31] =	ssyncpa.u1 $0x1  }
0x51: {  	p0 =	sne.s32 s0, $0x0;
	_ =	strace $0x9000004A  }
0x52: {  	s0 =	sadd.s32 @!p0 $0x100000, s1;
	[bflag:$0x2] =	sbarrier.arrive $0xFFFF  }
0x53: {  	[sflag:s0] =	ssyncadd.tile.s32 @!p0 $0x1;
	_ =	shalt  }
.Lfunc_end1:
_tile_overlayer_lowered:
.L_overlay_start_2:
0x54: {  	(tag) =	ssettag $0x2  }
0x55: {  	s0 =	rddreg [dreg:$0x0];
	s2 =	stileid.u32  }
0x56: {  	s1 =	rddreg [dreg:$0x1];
	p0 =	sne.s32 s2, $0x0  }
0x57: {  	s3 =	rddreg [dreg:$0x2];
	[bflag:$0x3] =	sbarrier.arrive $0xFFFF;
	s2 =	simm.s32 @!p0 $0x1C01  }
0x58: {  	[timem:s3], [sflag:s2] =	dma.local @!p0 [hbm:s0], s1  }
0x59: {  	s0 =	simm.s32 @!p0 $0x1  }
0x5a: {  	_ =	swait.ge @!p0 [sflag:s0], s1  }
0x5b: {  	s1 =	ssub.s32 @!p0 $0x0, s1;
	[sflag:s0] =	ssyncset.done @!p0 $0x0  }
0x5c: {  	[sflag:s0] =	ssyncadd.s32 @!p0 s1  }
0x5d: {  	[bflag:$0x3] =	sbarrier.arrive $0xFFFF  }
0x5e: {  	_ =	shalt  }

</sc_bundles>
